<compile_context>
chip_gen: v7x
topology: tpu7x:2x2x1
jax: 0.10.2.dev20260603
libtpu: 0.0.44.dev20260713+nightly
codegen_flags: <defaults>
</compile_context>

<pallas_src>
import functools

import jax
import jax.numpy as jnp
from jax import lax
from jax.experimental import pallas as pl
from jax.experimental.pallas import tpu as pltpu
from jax.experimental.pallas import tpu_sc as plsc

N = 100000
K = 20
D = 32
CHUNK = 32
E = CHUNK * K
NCHUNKS = N // CHUNK
NW = 32
GCALL = 640
NGC = E // GCALL
MAXT = (NCHUNKS + NW - 1) // NW
HALFT = MAXT // 2


def _body(nei_hbm, wei_hbm, emb_hbm, out_hbm,
          idx_v, wvec_v, rows_v, out_v,
          sem_i0, sem_i1, sem_g0, sem_g1, sem_w0, sem_w1, sem_o0, sem_o1):
    cid = lax.axis_index("c")
    sid = lax.axis_index("s")
    wid = sid * 2 + cid
    sem_i = (sem_i0, sem_i1)
    sem_g = (sem_g0, sem_g1)
    sem_w = (sem_w0, sem_w1)
    sem_o = (sem_o0, sem_o1)

    def chunk_of(t):
        return wid + t * NW

    def start_idx(t, b):
        @pl.when(chunk_of(t) < NCHUNKS)
        def _():
            pltpu.async_copy(nei_hbm.at[pl.ds(chunk_of(t) * E, E)],
                             idx_v.at[b], sem_i[b])

    def wait_idx(t, b):
        @pl.when(chunk_of(t) < NCHUNKS)
        def _():
            pltpu.make_async_copy(nei_hbm.at[pl.ds(chunk_of(t) * E, E)],
                                  idx_v.at[b], sem_i[b]).wait()

    def start_gather(t, b):
        @pl.when(chunk_of(t) < NCHUNKS)
        def _():
            for j in range(NGC):
                pltpu.async_copy(
                    emb_hbm.at[idx_v.at[b, pl.ds(j * GCALL, GCALL)]],
                    rows_v.at[b, pl.ds(j * GCALL, GCALL)],
                    sem_g[b],
                )
            pltpu.async_copy(
                wei_hbm.at[pl.ds(chunk_of(t) * CHUNK * 32, CHUNK * 32)],
                wvec_v.at[b], sem_w[b])

    def wait_gather(t, b):
        @pl.when(chunk_of(t) < NCHUNKS)
        def _():
            for j in range(NGC):
                pltpu.make_async_copy(
                    emb_hbm.at[idx_v.at[b, pl.ds(j * GCALL, GCALL)]],
                    rows_v.at[b, pl.ds(j * GCALL, GCALL)],
                    sem_g[b],
                ).wait()
            pltpu.make_async_copy(
                wei_hbm.at[pl.ds(chunk_of(t) * CHUNK * 32, CHUNK * 32)],
                wvec_v.at[b], sem_w[b])\
                .wait()

    def wait_out(t, b):
        c = chunk_of(t)

        @pl.when(jnp.logical_and(t >= 0, c < NCHUNKS))
        def _():
            pltpu.make_async_copy(
                out_v.at[b], out_hbm.at[pl.ds(chunk_of(t) * CHUNK, CHUNK)],
                sem_o[b]).wait()

    def compute(t, b):
        @pl.when(chunk_of(t) < NCHUNKS)
        def _():
            def row_body(r, carry2):
                e0 = r * K
                wa = wvec_v[b, pl.ds(r * 32, 16)]
                wb = wvec_v[b, pl.ds(r * 32 + 16, 16)]
                w0 = wa[0]
                acc0 = w0 * rows_v[b, e0, pl.ds(0, 16)]
                acc1 = w0 * rows_v[b, e0, pl.ds(16, 16)]
                for k in range(1, K):
                    w = wa[k] if k < 16 else wb[k - 16]
                    acc0 = acc0 + w * rows_v[b, e0 + k, pl.ds(0, 16)]
                    acc1 = acc1 + w * rows_v[b, e0 + k, pl.ds(16, 16)]
                out_v[b, r, pl.ds(0, 16)] = acc0
                out_v[b, r, pl.ds(16, 16)] = acc1
                return carry2

            lax.fori_loop(0, CHUNK, row_body, 0, unroll=4)
            pltpu.async_copy(
                out_v.at[b], out_hbm.at[pl.ds(chunk_of(t) * CHUNK, CHUNK)],
                sem_o[b])

    start_idx(0, 0)
    start_idx(1, 1)
    wait_idx(0, 0)
    start_gather(0, 0)

    def step(u, carry):
        t0 = 2 * u
        wait_idx(t0 + 1, 1)
        start_gather(t0 + 1, 1)
        wait_gather(t0, 0)
        start_idx(t0 + 2, 0)
        wait_out(t0 - 2, 0)
        compute(t0, 0)
        wait_idx(t0 + 2, 0)
        start_gather(t0 + 2, 0)
        wait_gather(t0 + 1, 1)
        start_idx(t0 + 3, 1)
        wait_out(t0 - 1, 1)
        compute(t0 + 1, 1)
        return carry

    lax.fori_loop(0, HALFT, step, 0)
    wait_out(MAXT - 2, 0)
    wait_out(MAXT - 1, 1)


@jax.jit
def _pprgo(nei_flat, wei_flat, emb_table):
    mesh = plsc.VectorSubcoreMesh(core_axis_name="c", subcore_axis_name="s")
    out = pl.kernel(
        _body,
        out_type=jax.ShapeDtypeStruct((N, D), jnp.float32),
        mesh=mesh,
        scratch_types=[
            pltpu.VMEM((2, E), jnp.int32),
            pltpu.VMEM((2, CHUNK * 32), jnp.float32),
            pltpu.VMEM((2, E, D), jnp.float32),
            pltpu.VMEM((2, CHUNK, D), jnp.float32),
        ] + [pltpu.SemaphoreType.DMA] * 8,
        compiler_params=pltpu.CompilerParams(use_tc_tiling_on_sc=False),
    )(nei_flat, wei_flat, emb_table)
    return out


def kernel(nei, wei, emb_table):
    nei_flat = nei.reshape(-1).astype(jnp.int32)
    wei_pad = jnp.pad(wei, ((0, 0), (0, 32 - K))).reshape(-1)
    out = _pprgo(nei_flat, wei_pad, emb_table)
    return out[:, None, :]

# --- scband reference (transcript-rebuilt; emitter-appended) ---
"""Pipeline reference for scband-pprgo-54674933678408 (READ-ONLY COPY).

The authoritative reference and input builder live on the scoring server;
editing this copy changes nothing except your own understanding.
"""

import jax, jax.numpy as jnp
import numpy as np

NUM_NODES = 100000
TOPK = 20
EMB_DIM = 32

def setup_inputs(seed: int = 0) -> dict:
    key = jax.random.key(seed)
    k1, k2, k3 = jax.random.split(key, 3)
    nei = jax.random.randint(k1, (NUM_NODES, TOPK), 0, NUM_NODES, dtype=jnp.int64) if jax.config.jax_enable_x64 else jax.random.randint(k1, (NUM_NODES, TOPK), 0, NUM_NODES, dtype=jnp.int32)
    w = jax.random.uniform(k2, (NUM_NODES, TOPK), dtype=jnp.float32)
    # PPRGo normalizes weights row-wise in __init__ (uniform over nonzero entries)
    wei = w / (w.sum(axis=-1, keepdims=True) + 1e-12)
    emb_table = jax.random.normal(k3, (NUM_NODES, EMB_DIM), dtype=jnp.float32)
    return {"nei": nei, "wei": wei, "emb_table": emb_table}

def reference(nei, wei, emb_table):
    # Embedding gather: top_embs[N, topk, emb_dim]
    top_embs = jnp.take(emb_table, nei, axis=0)
    # out_emb = matmul(wei.unsqueeze(-2), top_embs) -> [N, 1, emb_dim]
    out_emb = jnp.matmul(wei[:, None, :], top_embs)
    return out_emb

if __name__ == "__main__":
    import jax
    _d = setup_inputs()
    print(jax.jit(kernel)(*tuple(_d.values())))

</pallas_src>

<mosaic_0001>
#map = affine_map<(d0, d1) -> (0)>
#map1 = affine_map<(d0, d1) -> (0, 0)>
module attributes {stable_mosaic.version = 14 : i64} {
  func.func @_body(%arg0: i32, %arg1: i32, %arg2: memref<2000000xi32, #tpu.memory_space<hbm>>, %arg3: memref<3200000xf32, #tpu.memory_space<hbm>>, %arg4: memref<100000x32xf32, #tpu.memory_space<hbm>>, %arg5: memref<100000x32xf32, #tpu.memory_space<hbm>>, %arg6: memref<2x640xi32, #tpu.memory_space<vmem>>, %arg7: memref<2x1024xf32, #tpu.memory_space<vmem>>, %arg8: memref<2x640x32xf32, #tpu.memory_space<vmem>>, %arg9: memref<2x32x32xf32, #tpu.memory_space<vmem>>, %arg10: memref<!tpu.dma_semaphore, #tpu.memory_space<semaphore_mem>>, %arg11: memref<!tpu.dma_semaphore, #tpu.memory_space<semaphore_mem>>, %arg12: memref<!tpu.dma_semaphore, #tpu.memory_space<semaphore_mem>>, %arg13: memref<!tpu.dma_semaphore, #tpu.memory_space<semaphore_mem>>, %arg14: memref<!tpu.dma_semaphore, #tpu.memory_space<semaphore_mem>>, %arg15: memref<!tpu.dma_semaphore, #tpu.memory_space<semaphore_mem>>, %arg16: memref<!tpu.dma_semaphore, #tpu.memory_space<semaphore_mem>>, %arg17: memref<!tpu.dma_semaphore, #tpu.memory_space<semaphore_mem>>) attributes {dimension_semantics = [#tpu.dimension_semantics<core_parallel>, #tpu.dimension_semantics<subcore_parallel>], iteration_bounds = array<i64: 2, 16>, scalar_prefetch = 0 : i64, scratch_operands = 12 : i64, tpu.core_type = #tpu.core_type<sc_vector_subcore>, window_params = [{transform_indices = #map}, {transform_indices = #map}, {transform_indices = #map1}, {transform_indices = #map1}]} {
    %mul3A = arith.constant 2 : i32
    %mul3A_0 = arith.muli %arg1, %mul3A : i32
    %add3A = arith.addi %mul3A_0, %arg0 : i32
    %add3A_1 = arith.constant 0 : i32
    %add3A_2 = arith.addi %add3A, %add3A_1 : i32
    %lt3A = arith.constant 3125 : i32
    %lt3A_3 = arith.cmpi slt, %add3A_2, %lt3A : i32
    %convert_element_type3A = arith.extui %lt3A_3 : i1 to i32
    %cond3A = arith.constant 0 : i32
    %cond3A_4 = arith.cmpi ne, %convert_element_type3A, %cond3A : i32
    scf.if %cond3A_4 {
      %add3A_48 = arith.constant 0 : i32
      %add3A_49 = arith.addi %add3A, %add3A_48 : i32
      %mul3A_50 = arith.constant 640 : i32
      %mul3A_51 = arith.muli %add3A_49, %mul3A_50 : i32
      %dma_start3A = arith.constant 0 : i32
      %dma_start3A_52 = arith.constant 0 : i32
      %dma_start3A_53 = tpu.memref_slice %arg6[%dma_start3A, %dma_start3A_52] : memref<2x640xi32, #tpu.memory_space<vmem>> -> memref<1x640xi32, #tpu.memory_space<vmem>>
      %dma_start3A_54 = tpu.memref_squeeze %dma_start3A_53 : memref<1x640xi32, #tpu.memory_space<vmem>> -> memref<640xi32, #tpu.memory_space<vmem>>
      %dma_start3A_55 = tpu.memref_slice %arg2[%mul3A_51] : memref<2000000xi32, #tpu.memory_space<hbm>> -> memref<640xi32, #tpu.memory_space<hbm>>
      %dma_start3A_56 = arith.constant 0 : i32
      %dma_start3A_57 = tpu.memref_slice %arg6[%dma_start3A, %dma_start3A_56] : memref<2x640xi32, #tpu.memory_space<vmem>> -> memref<1x640xi32, #tpu.memory_space<vmem>>
      %dma_start3A_58 = tpu.memref_squeeze %dma_start3A_57 : memref<1x640xi32, #tpu.memory_space<vmem>> -> memref<640xi32, #tpu.memory_space<vmem>>
      %dma_start3A_59 = tpu.memref_slice %arg2[%mul3A_51] : memref<2000000xi32, #tpu.memory_space<hbm>> -> memref<640xi32, #tpu.memory_space<hbm>>
      tpu.enqueue_dma source(%dma_start3A_59 : memref<640xi32, #tpu.memory_space<hbm>>) target(%dma_start3A_58 : memref<640xi32, #tpu.memory_space<vmem>>) target_semaphore(%arg10 : memref<!tpu.dma_semaphore, #tpu.memory_space<semaphore_mem>>)
    } else {
    }
    %add3A_5 = arith.constant 32 : i32
    %add3A_6 = arith.addi %add3A, %add3A_5 : i32
    %lt3A_7 = arith.constant 3125 : i32
    %lt3A_8 = arith.cmpi slt, %add3A_6, %lt3A_7 : i32
    %convert_element_type3A_9 = arith.extui %lt3A_8 : i1 to i32
    %cond3A_10 = arith.constant 0 : i32
    %cond3A_11 = arith.cmpi ne, %convert_element_type3A_9, %cond3A_10 : i32
    scf.if %cond3A_11 {
      %add3A_48 = arith.constant 32 : i32
      %add3A_49 = arith.addi %add3A, %add3A_48 : i32
      %mul3A_50 = arith.constant 640 : i32
      %mul3A_51 = arith.muli %add3A_49, %mul3A_50 : i32
      %dma_start3A = arith.constant 1 : i32
      %dma_start3A_52 = arith.constant 0 : i32
      %dma_start3A_53 = tpu.memref_slice %arg6[%dma_start3A, %dma_start3A_52] : memref<2x640xi32, #tpu.memory_space<vmem>> -> memref<1x640xi32, #tpu.memory_space<vmem>>
      %dma_start3A_54 = tpu.memref_squeeze %dma_start3A_53 : memref<1x640xi32, #tpu.memory_space<vmem>> -> memref<640xi32, #tpu.memory_space<vmem>>
      %dma_start3A_55 = tpu.memref_slice %arg2[%mul3A_51] : memref<2000000xi32, #tpu.memory_space<hbm>> -> memref<640xi32, #tpu.memory_space<hbm>>
      %dma_start3A_56 = arith.constant 0 : i32
      %dma_start3A_57 = tpu.memref_slice %arg6[%dma_start3A, %dma_start3A_56] : memref<2x640xi32, #tpu.memory_space<vmem>> -> memref<1x640xi32, #tpu.memory_space<vmem>>
      %dma_start3A_58 = tpu.memref_squeeze %dma_start3A_57 : memref<1x640xi32, #tpu.memory_space<vmem>> -> memref<640xi32, #tpu.memory_space<vmem>>
      %dma_start3A_59 = tpu.memref_slice %arg2[%mul3A_51] : memref<2000000xi32, #tpu.memory_space<hbm>> -> memref<640xi32, #tpu.memory_space<hbm>>
      tpu.enqueue_dma source(%dma_start3A_59 : memref<640xi32, #tpu.memory_space<hbm>>) target(%dma_start3A_58 : memref<640xi32, #tpu.memory_space<vmem>>) target_semaphore(%arg11 : memref<!tpu.dma_semaphore, #tpu.memory_space<semaphore_mem>>)
    } else {
    }
    %add3A_12 = arith.constant 0 : i32
    %add3A_13 = arith.addi %add3A, %add3A_12 : i32
    %lt3A_14 = arith.constant 3125 : i32
    %lt3A_15 = arith.cmpi slt, %add3A_13, %lt3A_14 : i32
    %convert_element_type3A_16 = arith.extui %lt3A_15 : i1 to i32
    %cond3A_17 = arith.constant 0 : i32
    %cond3A_18 = arith.cmpi ne, %convert_element_type3A_16, %cond3A_17 : i32
    scf.if %cond3A_18 {
      %add3A_48 = arith.constant 0 : i32
      %add3A_49 = arith.addi %add3A, %add3A_48 : i32
      %mul3A_50 = arith.constant 640 : i32
      %mul3A_51 = arith.muli %add3A_49, %mul3A_50 : i32
      %dma_wait3A = arith.constant 0 : i32
      %dma_wait3A_52 = arith.constant 0 : i32
      %dma_wait3A_53 = tpu.memref_slice %arg6[%dma_wait3A, %dma_wait3A_52] : memref<2x640xi32, #tpu.memory_space<vmem>> -> memref<1x640xi32, #tpu.memory_space<vmem>>
      %dma_wait3A_54 = tpu.memref_squeeze %dma_wait3A_53 : memref<1x640xi32, #tpu.memory_space<vmem>> -> memref<640xi32, #tpu.memory_space<vmem>>
      %dma_wait3A_55 = tpu.memref_slice %arg2[%mul3A_51] : memref<2000000xi32, #tpu.memory_space<hbm>> -> memref<640xi32, #tpu.memory_space<hbm>>
      %dma_wait3A_56 = arith.constant 0 : i32
      %dma_wait3A_57 = tpu.memref_slice %arg6[%dma_wait3A, %dma_wait3A_56] : memref<2x640xi32, #tpu.memory_space<vmem>> -> memref<1x640xi32, #tpu.memory_space<vmem>>
      %dma_wait3A_58 = tpu.memref_squeeze %dma_wait3A_57 : memref<1x640xi32, #tpu.memory_space<vmem>> -> memref<640xi32, #tpu.memory_space<vmem>>
      %dma_wait3A_59 = tpu.memref_slice %arg2[%mul3A_51] : memref<2000000xi32, #tpu.memory_space<hbm>> -> memref<640xi32, #tpu.memory_space<hbm>>
      tpu.wait_dma2 semaphore(%arg10 : memref<!tpu.dma_semaphore, #tpu.memory_space<semaphore_mem>>) src(%dma_wait3A_59 : memref<640xi32, #tpu.memory_space<hbm>>) dst(%dma_wait3A_58 : memref<640xi32, #tpu.memory_space<vmem>>)
    } else {
    }
    %add3A_19 = arith.constant 0 : i32
    %add3A_20 = arith.addi %add3A, %add3A_19 : i32
    %lt3A_21 = arith.constant 3125 : i32
    %lt3A_22 = arith.cmpi slt, %add3A_20, %lt3A_21 : i32
    %convert_element_type3A_23 = arith.extui %lt3A_22 : i1 to i32
    %cond3A_24 = arith.constant 0 : i32
    %cond3A_25 = arith.cmpi ne, %convert_element_type3A_23, %cond3A_24 : i32
    scf.if %cond3A_25 {
      %dma_start3A = arith.constant 0 : i32
      %dma_start3A_48 = arith.constant 0 : i32
      %dma_start3A_49 = arith.constant 0 : i32
      %dma_start3A_50 = arith.constant 0 : i32
      %dma_start3A_51 = tpu.memref_slice %arg8[%dma_start3A_48, %dma_start3A_49, %dma_start3A_50] : memref<2x640x32xf32, #tpu.memory_space<vmem>> -> memref<1x640x32xf32, #tpu.memory_space<vmem>>
      %dma_start3A_52 = tpu.memref_squeeze %dma_start3A_51 : memref<1x640x32xf32, #tpu.memory_space<vmem>> -> memref<640x32xf32, #tpu.memory_space<vmem>>
      %dma_start3A_53 = arith.constant 0 : i32
      %dma_start3A_54 = tpu.memref_slice %arg6[%dma_start3A, %dma_start3A_53] : memref<2x640xi32, #tpu.memory_space<vmem>> -> memref<1x640xi32, #tpu.memory_space<vmem>>
      %dma_start3A_55 = tpu.memref_squeeze %dma_start3A_54 : memref<1x640xi32, #tpu.memory_space<vmem>> -> memref<640xi32, #tpu.memory_space<vmem>>
      %dma_start3A_56 = arith.constant 0 : i32
      %dma_start3A_57 = arith.constant 0 : i32
      %dma_start3A_58 = tpu.memref_slice %arg4[%dma_start3A_56, %dma_start3A_57] : memref<100000x32xf32, #tpu.memory_space<hbm>> -> memref<100000x32xf32, #tpu.memory_space<hbm>>
      tpu.enqueue_indirect_dma source(%dma_start3A_58 : memref<100000x32xf32, #tpu.memory_space<hbm>>) target(%dma_start3A_52 : memref<640x32xf32, #tpu.memory_space<vmem>>) offsets(%dma_start3A_55 : memref<640xi32, #tpu.memory_space<vmem>>) semaphore(%arg12 : memref<!tpu.dma_semaphore, #tpu.memory_space<semaphore_mem>>)
      %add3A_59 = arith.constant 0 : i32
      %add3A_60 = arith.addi %add3A, %add3A_59 : i32
      %mul3A_61 = arith.constant 32 : i32
      %mul3A_62 = arith.muli %add3A_60, %mul3A_61 : i32
      %mul3A_63 = arith.constant 32 : i32
      %mul3A_64 = arith.muli %mul3A_62, %mul3A_63 : i32
      %dma_start3A_65 = arith.constant 0 : i32
      %dma_start3A_66 = arith.constant 0 : i32
      %dma_start3A_67 = tpu.memref_slice %arg7[%dma_start3A_65, %dma_start3A_66] : memref<2x1024xf32, #tpu.memory_space<vmem>> -> memref<1x1024xf32, #tpu.memory_space<vmem>>
      %dma_start3A_68 = tpu.memref_squeeze %dma_start3A_67 : memref<1x1024xf32, #tpu.memory_space<vmem>> -> memref<1024xf32, #tpu.memory_space<vmem>>
      %dma_start3A_69 = tpu.memref_slice %arg3[%mul3A_64] : memref<3200000xf32, #tpu.memory_space<hbm>> -> memref<1024xf32, #tpu.memory_space<hbm>>
      %dma_start3A_70 = arith.constant 0 : i32
      %dma_start3A_71 = tpu.memref_slice %arg7[%dma_start3A_65, %dma_start3A_70] : memref<2x1024xf32, #tpu.memory_space<vmem>> -> memref<1x1024xf32, #tpu.memory_space<vmem>>
      %dma_start3A_72 = tpu.memref_squeeze %dma_start3A_71 : memref<1x1024xf32, #tpu.memory_space<vmem>> -> memref<1024xf32, #tpu.memory_space<vmem>>
      %dma_start3A_73 = tpu.memref_slice %arg3[%mul3A_64] : memref<3200000xf32, #tpu.memory_space<hbm>> -> memref<1024xf32, #tpu.memory_space<hbm>>
      tpu.enqueue_dma source(%dma_start3A_73 : memref<1024xf32, #tpu.memory_space<hbm>>) target(%dma_start3A_72 : memref<1024xf32, #tpu.memory_space<vmem>>) target_semaphore(%arg14 : memref<!tpu.dma_semaphore, #tpu.memory_space<semaphore_mem>>)
    } else {
    }
    %scan3A = arith.constant 0 : i32
    %scan3A_26 = arith.constant 0 : i32
    %scan3A_27 = arith.constant 49 : i32
    %scan3A_28 = arith.addi %scan3A_26, %scan3A_27 : i32
    %scan3A_29 = arith.constant 1 : i32
    scf.for %scan3A_48 = %scan3A_26 to %scan3A_28 step %scan3A_29  : i32 {
      %mul3A_49 = arith.constant 2 : i32
      %mul3A_50 = arith.muli %mul3A_49, %scan3A_48 : i32
      %add3A_51 = arith.constant 1 : i32
      %add3A_52 = arith.addi %mul3A_50, %add3A_51 : i32
      %mul3A_53 = arith.constant 32 : i32
      %mul3A_54 = arith.muli %add3A_52, %mul3A_53 : i32
      %add3A_55 = arith.addi %add3A, %mul3A_54 : i32
      %lt3A_56 = arith.constant 3125 : i32
      %lt3A_57 = arith.cmpi slt, %add3A_55, %lt3A_56 : i32
      %convert_element_type3A_58 = arith.extui %lt3A_57 : i1 to i32
      %cond3A_59 = arith.constant 0 : i32
      %cond3A_60 = arith.cmpi ne, %convert_element_type3A_58, %cond3A_59 : i32
      scf.if %cond3A_60 {
        %mul3A_171 = arith.constant 32 : i32
        %mul3A_172 = arith.muli %add3A_52, %mul3A_171 : i32
        %add3A_173 = arith.addi %add3A, %mul3A_172 : i32
        %mul3A_174 = arith.constant 640 : i32
        %mul3A_175 = arith.muli %add3A_173, %mul3A_174 : i32
        %dma_wait3A = arith.constant 1 : i32
        %dma_wait3A_176 = arith.constant 0 : i32
        %dma_wait3A_177 = tpu.memref_slice %arg6[%dma_wait3A, %dma_wait3A_176] : memref<2x640xi32, #tpu.memory_space<vmem>> -> memref<1x640xi32, #tpu.memory_space<vmem>>
        %dma_wait3A_178 = tpu.memref_squeeze %dma_wait3A_177 : memref<1x640xi32, #tpu.memory_space<vmem>> -> memref<640xi32, #tpu.memory_space<vmem>>
        %dma_wait3A_179 = tpu.memref_slice %arg2[%mul3A_175] : memref<2000000xi32, #tpu.memory_space<hbm>> -> memref<640xi32, #tpu.memory_space<hbm>>
        %dma_wait3A_180 = arith.constant 0 : i32
        %dma_wait3A_181 = tpu.memref_slice %arg6[%dma_wait3A, %dma_wait3A_180] : memref<2x640xi32, #tpu.memory_space<vmem>> -> memref<1x640xi32, #tpu.memory_space<vmem>>
        %dma_wait3A_182 = tpu.memref_squeeze %dma_wait3A_181 : memref<1x640xi32, #tpu.memory_space<vmem>> -> memref<640xi32, #tpu.memory_space<vmem>>
        %dma_wait3A_183 = tpu.memref_slice %arg2[%mul3A_175] : memref<2000000xi32, #tpu.memory_space<hbm>> -> memref<640xi32, #tpu.memory_space<hbm>>
        tpu.wait_dma2 semaphore(%arg11 : memref<!tpu.dma_semaphore, #tpu.memory_space<semaphore_mem>>) src(%dma_wait3A_183 : memref<640xi32, #tpu.memory_space<hbm>>) dst(%dma_wait3A_182 : memref<640xi32, #tpu.memory_space<vmem>>)
      } else {
      }
      %add3A_61 = arith.constant 1 : i32
      %add3A_62 = arith.addi %mul3A_50, %add3A_61 : i32
      %mul3A_63 = arith.constant 32 : i32
      %mul3A_64 = arith.muli %add3A_62, %mul3A_63 : i32
      %add3A_65 = arith.addi %add3A, %mul3A_64 : i32
      %lt3A_66 = arith.constant 3125 : i32
      %lt3A_67 = arith.cmpi slt, %add3A_65, %lt3A_66 : i32
      %convert_element_type3A_68 = arith.extui %lt3A_67 : i1 to i32
      %cond3A_69 = arith.constant 0 : i32
      %cond3A_70 = arith.cmpi ne, %convert_element_type3A_68, %cond3A_69 : i32
      scf.if %cond3A_70 {
        %dma_start3A = arith.constant 1 : i32
        %dma_start3A_171 = arith.constant 1 : i32
        %dma_start3A_172 = arith.constant 0 : i32
        %dma_start3A_173 = arith.constant 0 : i32
        %dma_start3A_174 = tpu.memref_slice %arg8[%dma_start3A_171, %dma_start3A_172, %dma_start3A_173] : memref<2x640x32xf32, #tpu.memory_space<vmem>> -> memref<1x640x32xf32, #tpu.memory_space<vmem>>
        %dma_start3A_175 = tpu.memref_squeeze %dma_start3A_174 : memref<1x640x32xf32, #tpu.memory_space<vmem>> -> memref<640x32xf32, #tpu.memory_space<vmem>>
        %dma_start3A_176 = arith.constant 0 : i32
        %dma_start3A_177 = tpu.memref_slice %arg6[%dma_start3A, %dma_start3A_176] : memref<2x640xi32, #tpu.memory_space<vmem>> -> memref<1x640xi32, #tpu.memory_space<vmem>>
        %dma_start3A_178 = tpu.memref_squeeze %dma_start3A_177 : memref<1x640xi32, #tpu.memory_space<vmem>> -> memref<640xi32, #tpu.memory_space<vmem>>
        %dma_start3A_179 = arith.constant 0 : i32
        %dma_start3A_180 = arith.constant 0 : i32
        %dma_start3A_181 = tpu.memref_slice %arg4[%dma_start3A_179, %dma_start3A_180] : memref<100000x32xf32, #tpu.memory_space<hbm>> -> memref<100000x32xf32, #tpu.memory_space<hbm>>
        tpu.enqueue_indirect_dma source(%dma_start3A_181 : memref<100000x32xf32, #tpu.memory_space<hbm>>) target(%dma_start3A_175 : memref<640x32xf32, #tpu.memory_space<vmem>>) offsets(%dma_start3A_178 : memref<640xi32, #tpu.memory_space<vmem>>) semaphore(%arg13 : memref<!tpu.dma_semaphore, #tpu.memory_space<semaphore_mem>>)
        %mul3A_182 = arith.constant 32 : i32
        %mul3A_183 = arith.muli %add3A_62, %mul3A_182 : i32
        %add3A_184 = arith.addi %add3A, %mul3A_183 : i32
        %mul3A_185 = arith.constant 32 : i32
        %mul3A_186 = arith.muli %add3A_184, %mul3A_185 : i32
        %mul3A_187 = arith.constant 32 : i32
        %mul3A_188 = arith.muli %mul3A_186, %mul3A_187 : i32
        %dma_start3A_189 = arith.constant 1 : i32
        %dma_start3A_190 = arith.constant 0 : i32
        %dma_start3A_191 = tpu.memref_slice %arg7[%dma_start3A_189, %dma_start3A_190] : memref<2x1024xf32, #tpu.memory_space<vmem>> -> memref<1x1024xf32, #tpu.memory_space<vmem>>
        %dma_start3A_192 = tpu.memref_squeeze %dma_start3A_191 : memref<1x1024xf32, #tpu.memory_space<vmem>> -> memref<1024xf32, #tpu.memory_space<vmem>>
        %dma_start3A_193 = tpu.memref_slice %arg3[%mul3A_188] : memref<3200000xf32, #tpu.memory_space<hbm>> -> memref<1024xf32, #tpu.memory_space<hbm>>
        %dma_start3A_194 = arith.constant 0 : i32
        %dma_start3A_195 = tpu.memref_slice %arg7[%dma_start3A_189, %dma_start3A_194] : memref<2x1024xf32, #tpu.memory_space<vmem>> -> memref<1x1024xf32, #tpu.memory_space<vmem>>
        %dma_start3A_196 = tpu.memref_squeeze %dma_start3A_195 : memref<1x1024xf32, #tpu.memory_space<vmem>> -> memref<1024xf32, #tpu.memory_space<vmem>>
        %dma_start3A_197 = tpu.memref_slice %arg3[%mul3A_188] : memref<3200000xf32, #tpu.memory_space<hbm>> -> memref<1024xf32, #tpu.memory_space<hbm>>
        tpu.enqueue_dma source(%dma_start3A_197 : memref<1024xf32, #tpu.memory_space<hbm>>) target(%dma_start3A_196 : memref<1024xf32, #tpu.memory_space<vmem>>) target_semaphore(%arg15 : memref<!tpu.dma_semaphore, #tpu.memory_space<semaphore_mem>>)
      } else {
      }
      %mul3A_71 = arith.constant 32 : i32
      %mul3A_72 = arith.muli %mul3A_50, %mul3A_71 : i32
      %add3A_73 = arith.addi %add3A, %mul3A_72 : i32
      %lt3A_74 = arith.constant 3125 : i32
      %lt3A_75 = arith.cmpi slt, %add3A_73, %lt3A_74 : i32
      %convert_element_type3A_76 = arith.extui %lt3A_75 : i1 to i32
      %cond3A_77 = arith.constant 0 : i32
      %cond3A_78 = arith.cmpi ne, %convert_element_type3A_76, %cond3A_77 : i32
      scf.if %cond3A_78 {
        %dma_wait3A = arith.constant 0 : i32
        %dma_wait3A_171 = arith.constant 0 : i32
        %dma_wait3A_172 = arith.constant 0 : i32
        %dma_wait3A_173 = arith.constant 0 : i32
        %dma_wait3A_174 = tpu.memref_slice %arg8[%dma_wait3A_171, %dma_wait3A_172, %dma_wait3A_173] : memref<2x640x32xf32, #tpu.memory_space<vmem>> -> memref<1x640x32xf32, #tpu.memory_space<vmem>>
        %dma_wait3A_175 = tpu.memref_squeeze %dma_wait3A_174 : memref<1x640x32xf32, #tpu.memory_space<vmem>> -> memref<640x32xf32, #tpu.memory_space<vmem>>
        %dma_wait3A_176 = arith.constant 0 : i32
        %dma_wait3A_177 = tpu.memref_slice %arg6[%dma_wait3A, %dma_wait3A_176] : memref<2x640xi32, #tpu.memory_space<vmem>> -> memref<1x640xi32, #tpu.memory_space<vmem>>
        %dma_wait3A_178 = tpu.memref_squeeze %dma_wait3A_177 : memref<1x640xi32, #tpu.memory_space<vmem>> -> memref<640xi32, #tpu.memory_space<vmem>>
        %dma_wait3A_179 = arith.constant 0 : i32
        %dma_wait3A_180 = arith.constant 0 : i32
        %dma_wait3A_181 = tpu.memref_slice %arg4[%dma_wait3A_179, %dma_wait3A_180] : memref<100000x32xf32, #tpu.memory_space<hbm>> -> memref<100000x32xf32, #tpu.memory_space<hbm>>
        tpu.wait_indirect_dma semaphore(%arg12 : memref<!tpu.dma_semaphore, #tpu.memory_space<semaphore_mem>>) src(%dma_wait3A_181 : memref<100000x32xf32, #tpu.memory_space<hbm>>) dst(%dma_wait3A_175 : memref<640x32xf32, #tpu.memory_space<vmem>>)
        %mul3A_182 = arith.constant 32 : i32
        %mul3A_183 = arith.muli %mul3A_50, %mul3A_182 : i32
        %add3A_184 = arith.addi %add3A, %mul3A_183 : i32
        %mul3A_185 = arith.constant 32 : i32
        %mul3A_186 = arith.muli %add3A_184, %mul3A_185 : i32
        %mul3A_187 = arith.constant 32 : i32
        %mul3A_188 = arith.muli %mul3A_186, %mul3A_187 : i32
        %dma_wait3A_189 = arith.constant 0 : i32
        %dma_wait3A_190 = arith.constant 0 : i32
        %dma_wait3A_191 = tpu.memref_slice %arg7[%dma_wait3A_189, %dma_wait3A_190] : memref<2x1024xf32, #tpu.memory_space<vmem>> -> memref<1x1024xf32, #tpu.memory_space<vmem>>
        %dma_wait3A_192 = tpu.memref_squeeze %dma_wait3A_191 : memref<1x1024xf32, #tpu.memory_space<vmem>> -> memref<1024xf32, #tpu.memory_space<vmem>>
        %dma_wait3A_193 = tpu.memref_slice %arg3[%mul3A_188] : memref<3200000xf32, #tpu.memory_space<hbm>> -> memref<1024xf32, #tpu.memory_space<hbm>>
        %dma_wait3A_194 = arith.constant 0 : i32
        %dma_wait3A_195 = tpu.memref_slice %arg7[%dma_wait3A_189, %dma_wait3A_194] : memref<2x1024xf32, #tpu.memory_space<vmem>> -> memref<1x1024xf32, #tpu.memory_space<vmem>>
        %dma_wait3A_196 = tpu.memref_squeeze %dma_wait3A_195 : memref<1x1024xf32, #tpu.memory_space<vmem>> -> memref<1024xf32, #tpu.memory_space<vmem>>
        %dma_wait3A_197 = tpu.memref_slice %arg3[%mul3A_188] : memref<3200000xf32, #tpu.memory_space<hbm>> -> memref<1024xf32, #tpu.memory_space<hbm>>
        tpu.wait_dma2 semaphore(%arg14 : memref<!tpu.dma_semaphore, #tpu.memory_space<semaphore_mem>>) src(%dma_wait3A_197 : memref<1024xf32, #tpu.memory_space<hbm>>) dst(%dma_wait3A_196 : memref<1024xf32, #tpu.memory_space<vmem>>)
      } else {
      }
      %add3A_79 = arith.constant 2 : i32
      %add3A_80 = arith.addi %mul3A_50, %add3A_79 : i32
      %mul3A_81 = arith.constant 32 : i32
      %mul3A_82 = arith.muli %add3A_80, %mul3A_81 : i32
      %add3A_83 = arith.addi %add3A, %mul3A_82 : i32
      %lt3A_84 = arith.constant 3125 : i32
      %lt3A_85 = arith.cmpi slt, %add3A_83, %lt3A_84 : i32
      %convert_element_type3A_86 = arith.extui %lt3A_85 : i1 to i32
      %cond3A_87 = arith.constant 0 : i32
      %cond3A_88 = arith.cmpi ne, %convert_element_type3A_86, %cond3A_87 : i32
      scf.if %cond3A_88 {
        %mul3A_171 = arith.constant 32 : i32
        %mul3A_172 = arith.muli %add3A_80, %mul3A_171 : i32
        %add3A_173 = arith.addi %add3A, %mul3A_172 : i32
        %mul3A_174 = arith.constant 640 : i32
        %mul3A_175 = arith.muli %add3A_173, %mul3A_174 : i32
        %dma_start3A = arith.constant 0 : i32
        %dma_start3A_176 = arith.constant 0 : i32
        %dma_start3A_177 = tpu.memref_slice %arg6[%dma_start3A, %dma_start3A_176] : memref<2x640xi32, #tpu.memory_space<vmem>> -> memref<1x640xi32, #tpu.memory_space<vmem>>
        %dma_start3A_178 = tpu.memref_squeeze %dma_start3A_177 : memref<1x640xi32, #tpu.memory_space<vmem>> -> memref<640xi32, #tpu.memory_space<vmem>>
        %dma_start3A_179 = tpu.memref_slice %arg2[%mul3A_175] : memref<2000000xi32, #tpu.memory_space<hbm>> -> memref<640xi32, #tpu.memory_space<hbm>>
        %dma_start3A_180 = arith.constant 0 : i32
        %dma_start3A_181 = tpu.memref_slice %arg6[%dma_start3A, %dma_start3A_180] : memref<2x640xi32, #tpu.memory_space<vmem>> -> memref<1x640xi32, #tpu.memory_space<vmem>>
        %dma_start3A_182 = tpu.memref_squeeze %dma_start3A_181 : memref<1x640xi32, #tpu.memory_space<vmem>> -> memref<640xi32, #tpu.memory_space<vmem>>
        %dma_start3A_183 = tpu.memref_slice %arg2[%mul3A_175] : memref<2000000xi32, #tpu.memory_space<hbm>> -> memref<640xi32, #tpu.memory_space<hbm>>
        tpu.enqueue_dma source(%dma_start3A_183 : memref<640xi32, #tpu.memory_space<hbm>>) target(%dma_start3A_182 : memref<640xi32, #tpu.memory_space<vmem>>) target_semaphore(%arg10 : memref<!tpu.dma_semaphore, #tpu.memory_space<semaphore_mem>>)
      } else {
      }
      %sub3A = arith.constant 2 : i32
      %sub3A_89 = arith.subi %mul3A_50, %sub3A : i32
      %mul3A_90 = arith.constant 32 : i32
      %mul3A_91 = arith.muli %sub3A_89, %mul3A_90 : i32
      %add3A_92 = arith.addi %add3A, %mul3A_91 : i32
      %ge3A = arith.constant 0 : i32
      %ge3A_93 = arith.cmpi sge, %sub3A_89, %ge3A : i32
      %lt3A_94 = arith.constant 3125 : i32
      %lt3A_95 = arith.cmpi slt, %add3A_92, %lt3A_94 : i32
      %and3A_96 = arith.andi %ge3A_93, %lt3A_95 : i1
      %convert_element_type3A_97 = arith.extui %and3A_96 : i1 to i32
      %cond3A_98 = arith.constant 0 : i32
      %cond3A_99 = arith.cmpi ne, %convert_element_type3A_97, %cond3A_98 : i32
      scf.if %cond3A_99 {
        %mul3A_171 = arith.constant 32 : i32
        %mul3A_172 = arith.muli %sub3A_89, %mul3A_171 : i32
        %add3A_173 = arith.addi %add3A, %mul3A_172 : i32
        %mul3A_174 = arith.constant 32 : i32
        %mul3A_175 = arith.muli %add3A_173, %mul3A_174 : i32
        %dma_wait3A = arith.constant 0 : i32
        %dma_wait3A_176 = arith.constant 0 : i32
        %dma_wait3A_177 = arith.constant 0 : i32
        %dma_wait3A_178 = tpu.memref_slice %arg9[%dma_wait3A, %dma_wait3A_176, %dma_wait3A_177] : memref<2x32x32xf32, #tpu.memory_space<vmem>> -> memref<1x32x32xf32, #tpu.memory_space<vmem>>
        %dma_wait3A_179 = tpu.memref_squeeze %dma_wait3A_178 : memref<1x32x32xf32, #tpu.memory_space<vmem>> -> memref<32x32xf32, #tpu.memory_space<vmem>>
        %dma_wait3A_180 = arith.constant 0 : i32
        %dma_wait3A_181 = tpu.memref_slice %arg5[%mul3A_175, %dma_wait3A_180] : memref<100000x32xf32, #tpu.memory_space<hbm>> -> memref<32x32xf32, #tpu.memory_space<hbm>>
        %dma_wait3A_182 = arith.constant 0 : i32
        %dma_wait3A_183 = tpu.memref_slice %arg5[%mul3A_175, %dma_wait3A_182] : memref<100000x32xf32, #tpu.memory_space<hbm>> -> memref<32x32xf32, #tpu.memory_space<hbm>>
        %dma_wait3A_184 = arith.constant 0 : i32
        %dma_wait3A_185 = arith.constant 0 : i32
        %dma_wait3A_186 = tpu.memref_slice %arg9[%dma_wait3A, %dma_wait3A_184, %dma_wait3A_185] : memref<2x32x32xf32, #tpu.memory_space<vmem>> -> memref<1x32x32xf32, #tpu.memory_space<vmem>>
        %dma_wait3A_187 = tpu.memref_squeeze %dma_wait3A_186 : memref<1x32x32xf32, #tpu.memory_space<vmem>> -> memref<32x32xf32, #tpu.memory_space<vmem>>
        tpu.wait_dma2 semaphore(%arg16 : memref<!tpu.dma_semaphore, #tpu.memory_space<semaphore_mem>>) src(%dma_wait3A_187 : memref<32x32xf32, #tpu.memory_space<vmem>>) dst(%dma_wait3A_183 : memref<32x32xf32, #tpu.memory_space<hbm>>)
      } else {
      }
      %mul3A_100 = arith.constant 32 : i32
      %mul3A_101 = arith.muli %mul3A_50, %mul3A_100 : i32
      %add3A_102 = arith.addi %add3A, %mul3A_101 : i32
      %lt3A_103 = arith.constant 3125 : i32
      %lt3A_104 = arith.cmpi slt, %add3A_102, %lt3A_103 : i32
      %convert_element_type3A_105 = arith.extui %lt3A_104 : i1 to i32
      %cond3A_106 = arith.constant 0 : i32
      %cond3A_107 = arith.cmpi ne, %convert_element_type3A_105, %cond3A_106 : i32
      scf.if %cond3A_107 {
        %scan3A_171 = arith.constant 0 : i32
        %scan3A_172 = arith.constant 0 : i32
        %scan3A_173 = arith.constant 32 : i32
        %scan3A_174 = arith.addi %scan3A_172, %scan3A_173 : i32
        %scan3A_175 = arith.constant 4 : i32
        scf.for %scan3A_194 = %scan3A_172 to %scan3A_174 step %scan3A_175  : i32 {
          %mul3A_195 = arith.constant 20 : i32
          %mul3A_196 = arith.muli %scan3A_194, %mul3A_195 : i32
          %mul3A_197 = arith.constant 32 : i32
          %mul3A_198 = arith.muli %scan3A_194, %mul3A_197 : i32
          %get3A = arith.constant 0 : i32
          %get3A_199 = arith.index_cast %get3A : i32 to index
          %get3A_200 = arith.index_cast %mul3A_198 : i32 to index
          %get3A_201 = tpu.vector_load %arg7[%get3A_199, %get3A_200] {strides = array<i32>} : memref<2x1024xf32, #tpu.memory_space<vmem>>, vector<1x16xf32>,
          %get3A_202 = vector.shape_cast %get3A_201 : vector<1x16xf32> to vector<16xf32>
          %mul3A_203 = arith.constant 32 : i32
          %mul3A_204 = arith.muli %scan3A_194, %mul3A_203 : i32
          %add3A_205 = arith.constant 16 : i32
          %add3A_206 = arith.addi %mul3A_204, %add3A_205 : i32
          %get3A_207 = arith.constant 0 : i32
          %get3A_208 = arith.index_cast %get3A_207 : i32 to index
          %get3A_209 = arith.index_cast %add3A_206 : i32 to index
          %get3A_210 = tpu.vector_load %arg7[%get3A_208, %get3A_209] {strides = array<i32>} : memref<2x1024xf32, #tpu.memory_space<vmem>>, vector<1x16xf32>,
          %get3A_211 = vector.shape_cast %get3A_210 : vector<1x16xf32> to vector<16xf32>
          %slice3A = vector.extract_strided_slice %get3A_202 {offsets = [0], sizes = [1], strides = [1]} : vector<16xf32> to vector<1xf32>
          %squeeze3A = vector.extract %slice3A[0] : f32 from vector<1xf32>
          %get3A_212 = arith.constant 0 : i32
          %get3A_213 = arith.index_cast %get3A_212 : i32 to index
          %get3A_214 = arith.index_cast %mul3A_196 : i32 to index
          %get3A_215 = arith.constant 0 : index
          %get3A_216 = tpu.vector_load %arg8[%get3A_213, %get3A_214, %get3A_215] {strides = array<i32>} : memref<2x640x32xf32, #tpu.memory_space<vmem>>, vector<1x1x16xf32>,
          %get3A_217 = vector.shape_cast %get3A_216 : vector<1x1x16xf32> to vector<16xf32>
          %mul3A_218 = vector.broadcast %squeeze3A : f32 to vector<16xf32>
          %mul3A_219 = arith.mulf %mul3A_218, %get3A_217 : vector<16xf32>
          %get3A_220 = arith.constant 0 : i32
          %get3A_221 = arith.index_cast %get3A_220 : i32 to index
          %get3A_222 = arith.index_cast %mul3A_196 : i32 to index
          %get3A_223 = arith.constant 16 : index
          %get3A_224 = tpu.vector_load %arg8[%get3A_221, %get3A_222, %get3A_223] {strides = array<i32>} : memref<2x640x32xf32, #tpu.memory_space<vmem>>, vector<1x1x16xf32>,
          %get3A_225 = vector.shape_cast %get3A_224 : vector<1x1x16xf32> to vector<16xf32>
          %mul3A_226 = vector.broadcast %squeeze3A : f32 to vector<16xf32>
          %mul3A_227 = arith.mulf %mul3A_226, %get3A_225 : vector<16xf32>
          %slice3A_228 = vector.extract_strided_slice %get3A_202 {offsets = [1], sizes = [1], strides = [1]} : vector<16xf32> to vector<1xf32>
          %squeeze3A_229 = vector.extract %slice3A_228[0] : f32 from vector<1xf32>
          %add3A_230 = arith.constant 1 : i32
          %add3A_231 = arith.addi %mul3A_196, %add3A_230 : i32
          %get3A_232 = arith.constant 0 : i32
          %get3A_233 = arith.index_cast %get3A_232 : i32 to index
          %get3A_234 = arith.index_cast %add3A_231 : i32 to index
          %get3A_235 = arith.constant 0 : index
          %get3A_236 = tpu.vector_load %arg8[%get3A_233, %get3A_234, %get3A_235] {strides = array<i32>} : memref<2x640x32xf32, #tpu.memory_space<vmem>>, vector<1x1x16xf32>,
          %get3A_237 = vector.shape_cast %get3A_236 : vector<1x1x16xf32> to vector<16xf32>
          %mul3A_238 = vector.broadcast %squeeze3A_229 : f32 to vector<16xf32>
          %mul3A_239 = arith.mulf %mul3A_238, %get3A_237 : vector<16xf32>
          %add3A_240 = arith.addf %mul3A_219, %mul3A_239 : vector<16xf32>
          %add3A_241 = arith.constant 1 : i32
          %add3A_242 = arith.addi %mul3A_196, %add3A_241 : i32
          %get3A_243 = arith.constant 0 : i32
          %get3A_244 = arith.index_cast %get3A_243 : i32 to index
          %get3A_245 = arith.index_cast %add3A_242 : i32 to index
          %get3A_246 = arith.constant 16 : index
          %get3A_247 = tpu.vector_load %arg8[%get3A_244, %get3A_245, %get3A_246] {strides = array<i32>} : memref<2x640x32xf32, #tpu.memory_space<vmem>>, vector<1x1x16xf32>,
          %get3A_248 = vector.shape_cast %get3A_247 : vector<1x1x16xf32> to vector<16xf32>
          %mul3A_249 = vector.broadcast %squeeze3A_229 : f32 to vector<16xf32>
          %mul3A_250 = arith.mulf %mul3A_249, %get3A_248 : vector<16xf32>
          %add3A_251 = arith.addf %mul3A_227, %mul3A_250 : vector<16xf32>
          %slice3A_252 = vector.extract_strided_slice %get3A_202 {offsets = [2], sizes = [1], strides = [1]} : vector<16xf32> to vector<1xf32>
          %squeeze3A_253 = vector.extract %slice3A_252[0] : f32 from vector<1xf32>
          %add3A_254 = arith.constant 2 : i32
          %add3A_255 = arith.addi %mul3A_196, %add3A_254 : i32
          %get3A_256 = arith.constant 0 : i32
          %get3A_257 = arith.index_cast %get3A_256 : i32 to index
          %get3A_258 = arith.index_cast %add3A_255 : i32 to index
          %get3A_259 = arith.constant 0 : index
          %get3A_260 = tpu.vector_load %arg8[%get3A_257, %get3A_258, %get3A_259] {strides = array<i32>} : memref<2x640x32xf32, #tpu.memory_space<vmem>>, vector<1x1x16xf32>,
          %get3A_261 = vector.shape_cast %get3A_260 : vector<1x1x16xf32> to vector<16xf32>
          %mul3A_262 = vector.broadcast %squeeze3A_253 : f32 to vector<16xf32>
          %mul3A_263 = arith.mulf %mul3A_262, %get3A_261 : vector<16xf32>
          %add3A_264 = arith.addf %add3A_240, %mul3A_263 : vector<16xf32>
          %add3A_265 = arith.constant 2 : i32
          %add3A_266 = arith.addi %mul3A_196, %add3A_265 : i32
          %get3A_267 = arith.constant 0 : i32
          %get3A_268 = arith.index_cast %get3A_267 : i32 to index
          %get3A_269 = arith.index_cast %add3A_266 : i32 to index
          %get3A_270 = arith.constant 16 : index
          %get3A_271 = tpu.vector_load %arg8[%get3A_268, %get3A_269, %get3A_270] {strides = array<i32>} : memref<2x640x32xf32, #tpu.memory_space<vmem>>, vector<1x1x16xf32>,
          %get3A_272 = vector.shape_cast %get3A_271 : vector<1x1x16xf32> to vector<16xf32>
          %mul3A_273 = vector.broadcast %squeeze3A_253 : f32 to vector<16xf32>
          %mul3A_274 = arith.mulf %mul3A_273, %get3A_272 : vector<16xf32>
          %add3A_275 = arith.addf %add3A_251, %mul3A_274 : vector<16xf32>
          %slice3A_276 = vector.extract_strided_slice %get3A_202 {offsets = [3], sizes = [1], strides = [1]} : vector<16xf32> to vector<1xf32>
          %squeeze3A_277 = vector.extract %slice3A_276[0] : f32 from vector<1xf32>
          %add3A_278 = arith.constant 3 : i32
          %add3A_279 = arith.addi %mul3A_196, %add3A_278 : i32
          %get3A_280 = arith.constant 0 : i32
          %get3A_281 = arith.index_cast %get3A_280 : i32 to index
          %get3A_282 = arith.index_cast %add3A_279 : i32 to index
          %get3A_283 = arith.constant 0 : index
          %get3A_284 = tpu.vector_load %arg8[%get3A_281, %get3A_282, %get3A_283] {strides = array<i32>} : memref<2x640x32xf32, #tpu.memory_space<vmem>>, vector<1x1x16xf32>,
          %get3A_285 = vector.shape_cast %get3A_284 : vector<1x1x16xf32> to vector<16xf32>
          %mul3A_286 = vector.broadcast %squeeze3A_277 : f32 to vector<16xf32>
          %mul3A_287 = arith.mulf %mul3A_286, %get3A_285 : vector<16xf32>
          %add3A_288 = arith.addf %add3A_264, %mul3A_287 : vector<16xf32>
          %add3A_289 = arith.constant 3 : i32
          %add3A_290 = arith.addi %mul3A_196, %add3A_289 : i32
          %get3A_291 = arith.constant 0 : i32
          %get3A_292 = arith.index_cast %get3A_291 : i32 to index
          %get3A_293 = arith.index_cast %add3A_290 : i32 to index
          %get3A_294 = arith.constant 16 : index
          %get3A_295 = tpu.vector_load %arg8[%get3A_292, %get3A_293, %get3A_294] {strides = array<i32>} : memref<2x640x32xf32, #tpu.memory_space<vmem>>, vector<1x1x16xf32>,
          %get3A_296 = vector.shape_cast %get3A_295 : vector<1x1x16xf32> to vector<16xf32>
          %mul3A_297 = vector.broadcast %squeeze3A_277 : f32 to vector<16xf32>
          %mul3A_298 = arith.mulf %mul3A_297, %get3A_296 : vector<16xf32>
          %add3A_299 = arith.addf %add3A_275, %mul3A_298 : vector<16xf32>
          %slice3A_300 = vector.extract_strided_slice %get3A_202 {offsets = [4], sizes = [1], strides = [1]} : vector<16xf32> to vector<1xf32>
          %squeeze3A_301 = vector.extract %slice3A_300[0] : f32 from vector<1xf32>
          %add3A_302 = arith.constant 4 : i32
          %add3A_303 = arith.addi %mul3A_196, %add3A_302 : i32
          %get3A_304 = arith.constant 0 : i32
          %get3A_305 = arith.index_cast %get3A_304 : i32 to index
          %get3A_306 = arith.index_cast %add3A_303 : i32 to index
          %get3A_307 = arith.constant 0 : index
          %get3A_308 = tpu.vector_load %arg8[%get3A_305, %get3A_306, %get3A_307] {strides = array<i32>} : memref<2x640x32xf32, #tpu.memory_space<vmem>>, vector<1x1x16xf32>,
          %get3A_309 = vector.shape_cast %get3A_308 : vector<1x1x16xf32> to vector<16xf32>
          %mul3A_310 = vector.broadcast %squeeze3A_301 : f32 to vector<16xf32>
          %mul3A_311 = arith.mulf %mul3A_310, %get3A_309 : vector<16xf32>
          %add3A_312 = arith.addf %add3A_288, %mul3A_311 : vector<16xf32>
          %add3A_313 = arith.constant 4 : i32
          %add3A_314 = arith.addi %mul3A_196, %add3A_313 : i32
          %get3A_315 = arith.constant 0 : i32
          %get3A_316 = arith.index_cast %get3A_315 : i32 to index
          %get3A_317 = arith.index_cast %add3A_314 : i32 to index
          %get3A_318 = arith.constant 16 : index
          %get3A_319 = tpu.vector_load %arg8[%get3A_316, %get3A_317, %get3A_318] {strides = array<i32>} : memref<2x640x32xf32, #tpu.memory_space<vmem>>, vector<1x1x16xf32>,
          %get3A_320 = vector.shape_cast %get3A_319 : vector<1x1x16xf32> to vector<16xf32>
          %mul3A_321 = vector.broadcast %squeeze3A_301 : f32 to vector<16xf32>
          %mul3A_322 = arith.mulf %mul3A_321, %get3A_320 : vector<16xf32>
          %add3A_323 = arith.addf %add3A_299, %mul3A_322 : vector<16xf32>
          %slice3A_324 = vector.extract_strided_slice %get3A_202 {offsets = [5], sizes = [1], strides = [1]} : vector<16xf32> to vector<1xf32>
          %squeeze3A_325 = vector.extract %slice3A_324[0] : f32 from vector<1xf32>
          %add3A_326 = arith.constant 5 : i32
          %add3A_327 = arith.addi %mul3A_196, %add3A_326 : i32
          %get3A_328 = arith.constant 0 : i32
          %get3A_329 = arith.index_cast %get3A_328 : i32 to index
          %get3A_330 = arith.index_cast %add3A_327 : i32 to index
          %get3A_331 = arith.constant 0 : index
          %get3A_332 = tpu.vector_load %arg8[%get3A_329, %get3A_330, %get3A_331] {strides = array<i32>} : memref<2x640x32xf32, #tpu.memory_space<vmem>>, vector<1x1x16xf32>,
          %get3A_333 = vector.shape_cast %get3A_332 : vector<1x1x16xf32> to vector<16xf32>
          %mul3A_334 = vector.broadcast %squeeze3A_325 : f32 to vector<16xf32>
          %mul3A_335 = arith.mulf %mul3A_334, %get3A_333 : vector<16xf32>
          %add3A_336 = arith.addf %add3A_312, %mul3A_335 : vector<16xf32>
          %add3A_337 = arith.constant 5 : i32
          %add3A_338 = arith.addi %mul3A_196, %add3A_337 : i32
          %get3A_339 = arith.constant 0 : i32
          %get3A_340 = arith.index_cast %get3A_339 : i32 to index
          %get3A_341 = arith.index_cast %add3A_338 : i32 to index
          %get3A_342 = arith.constant 16 : index
          %get3A_343 = tpu.vector_load %arg8[%get3A_340, %get3A_341, %get3A_342] {strides = array<i32>} : memref<2x640x32xf32, #tpu.memory_space<vmem>>, vector<1x1x16xf32>,
          %get3A_344 = vector.shape_cast %get3A_343 : vector<1x1x16xf32> to vector<16xf32>
          %mul3A_345 = vector.broadcast %squeeze3A_325 : f32 to vector<16xf32>
          %mul3A_346 = arith.mulf %mul3A_345, %get3A_344 : vector<16xf32>
          %add3A_347 = arith.addf %add3A_323, %mul3A_346 : vector<16xf32>
          %slice3A_348 = vector.extract_strided_slice %get3A_202 {offsets = [6], sizes = [1], strides = [1]} : vector<16xf32> to vector<1xf32>
          %squeeze3A_349 = vector.extract %slice3A_348[0] : f32 from vector<1xf32>
          %add3A_350 = arith.constant 6 : i32
          %add3A_351 = arith.addi %mul3A_196, %add3A_350 : i32
          %get3A_352 = arith.constant 0 : i32
          %get3A_353 = arith.index_cast %get3A_352 : i32 to index
          %get3A_354 = arith.index_cast %add3A_351 : i32 to index
          %get3A_355 = arith.constant 0 : index
          %get3A_356 = tpu.vector_load %arg8[%get3A_353, %get3A_354, %get3A_355] {strides = array<i32>} : memref<2x640x32xf32, #tpu.memory_space<vmem>>, vector<1x1x16xf32>,
          %get3A_357 = vector.shape_cast %get3A_356 : vector<1x1x16xf32> to vector<16xf32>
          %mul3A_358 = vector.broadcast %squeeze3A_349 : f32 to vector<16xf32>
          %mul3A_359 = arith.mulf %mul3A_358, %get3A_357 : vector<16xf32>
          %add3A_360 = arith.addf %add3A_336, %mul3A_359 : vector<16xf32>
          %add3A_361 = arith.constant 6 : i32
          %add3A_362 = arith.addi %mul3A_196, %add3A_361 : i32
          %get3A_363 = arith.constant 0 : i32
          %get3A_364 = arith.index_cast %get3A_363 : i32 to index
          %get3A_365 = arith.index_cast %add3A_362 : i32 to index
          %get3A_366 = arith.constant 16 : index
          %get3A_367 = tpu.vector_load %arg8[%get3A_364, %get3A_365, %get3A_366] {strides = array<i32>} : memref<2x640x32xf32, #tpu.memory_space<vmem>>, vector<1x1x16xf32>,
          %get3A_368 = vector.shape_cast %get3A_367 : vector<1x1x16xf32> to vector<16xf32>
          %mul3A_369 = vector.broadcast %squeeze3A_349 : f32 to vector<16xf32>
          %mul3A_370 = arith.mulf %mul3A_369, %get3A_368 : vector<16xf32>
          %add3A_371 = arith.addf %add3A_347, %mul3A_370 : vector<16xf32>
          %slice3A_372 = vector.extract_strided_slice %get3A_202 {offsets = [7], sizes = [1], strides = [1]} : vector<16xf32> to vector<1xf32>
          %squeeze3A_373 = vector.extract %slice3A_372[0] : f32 from vector<1xf32>
          %add3A_374 = arith.constant 7 : i32
          %add3A_375 = arith.addi %mul3A_196, %add3A_374 : i32
          %get3A_376 = arith.constant 0 : i32
          %get3A_377 = arith.index_cast %get3A_376 : i32 to index
          %get3A_378 = arith.index_cast %add3A_375 : i32 to index
          %get3A_379 = arith.constant 0 : index
          %get3A_380 = tpu.vector_load %arg8[%get3A_377, %get3A_378, %get3A_379] {strides = array<i32>} : memref<2x640x32xf32, #tpu.memory_space<vmem>>, vector<1x1x16xf32>,
          %get3A_381 = vector.shape_cast %get3A_380 : vector<1x1x16xf32> to vector<16xf32>
          %mul3A_382 = vector.broadcast %squeeze3A_373 : f32 to vector<16xf32>
          %mul3A_383 = arith.mulf %mul3A_382, %get3A_381 : vector<16xf32>
          %add3A_384 = arith.addf %add3A_360, %mul3A_383 : vector<16xf32>
          %add3A_385 = arith.constant 7 : i32
          %add3A_386 = arith.addi %mul3A_196, %add3A_385 : i32
          %get3A_387 = arith.constant 0 : i32
          %get3A_388 = arith.index_cast %get3A_387 : i32 to index
          %get3A_389 = arith.index_cast %add3A_386 : i32 to index
          %get3A_390 = arith.constant 16 : index
          %get3A_391 = tpu.vector_load %arg8[%get3A_388, %get3A_389, %get3A_390] {strides = array<i32>} : memref<2x640x32xf32, #tpu.memory_space<vmem>>, vector<1x1x16xf32>,
          %get3A_392 = vector.shape_cast %get3A_391 : vector<1x1x16xf32> to vector<16xf32>
          %mul3A_393 = vector.broadcast %squeeze3A_373 : f32 to vector<16xf32>
          %mul3A_394 = arith.mulf %mul3A_393, %get3A_392 : vector<16xf32>
          %add3A_395 = arith.addf %add3A_371, %mul3A_394 : vector<16xf32>
          %slice3A_396 = vector.extract_strided_slice %get3A_202 {offsets = [8], sizes = [1], strides = [1]} : vector<16xf32> to vector<1xf32>
          %squeeze3A_397 = vector.extract %slice3A_396[0] : f32 from vector<1xf32>
          %add3A_398 = arith.constant 8 : i32
          %add3A_399 = arith.addi %mul3A_196, %add3A_398 : i32
          %get3A_400 = arith.constant 0 : i32
          %get3A_401 = arith.index_cast %get3A_400 : i32 to index
          %get3A_402 = arith.index_cast %add3A_399 : i32 to index
          %get3A_403 = arith.constant 0 : index
          %get3A_404 = tpu.vector_load %arg8[%get3A_401, %get3A_402, %get3A_403] {strides = array<i32>} : memref<2x640x32xf32, #tpu.memory_space<vmem>>, vector<1x1x16xf32>,
          %get3A_405 = vector.shape_cast %get3A_404 : vector<1x1x16xf32> to vector<16xf32>
          %mul3A_406 = vector.broadcast %squeeze3A_397 : f32 to vector<16xf32>
          %mul3A_407 = arith.mulf %mul3A_406, %get3A_405 : vector<16xf32>
          %add3A_408 = arith.addf %add3A_384, %mul3A_407 : vector<16xf32>
          %add3A_409 = arith.constant 8 : i32
          %add3A_410 = arith.addi %mul3A_196, %add3A_409 : i32
          %get3A_411 = arith.constant 0 : i32
          %get3A_412 = arith.index_cast %get3A_411 : i32 to index
          %get3A_413 = arith.index_cast %add3A_410 : i32 to index
          %get3A_414 = arith.constant 16 : index
          %get3A_415 = tpu.vector_load %arg8[%get3A_412, %get3A_413, %get3A_414] {strides = array<i32>} : memref<2x640x32xf32, #tpu.memory_space<vmem>>, vector<1x1x16xf32>,
          %get3A_416 = vector.shape_cast %get3A_415 : vector<1x1x16xf32> to vector<16xf32>
          %mul3A_417 = vector.broadcast %squeeze3A_397 : f32 to vector<16xf32>
          %mul3A_418 = arith.mulf %mul3A_417, %get3A_416 : vector<16xf32>
          %add3A_419 = arith.addf %add3A_395, %mul3A_418 : vector<16xf32>
          %slice3A_420 = vector.extract_strided_slice %get3A_202 {offsets = [9], sizes = [1], strides = [1]} : vector<16xf32> to vector<1xf32>
          %squeeze3A_421 = vector.extract %slice3A_420[0] : f32 from vector<1xf32>
          %add3A_422 = arith.constant 9 : i32
          %add3A_423 = arith.addi %mul3A_196, %add3A_422 : i32
          %get3A_424 = arith.constant 0 : i32
          %get3A_425 = arith.index_cast %get3A_424 : i32 to index
          %get3A_426 = arith.index_cast %add3A_423 : i32 to index
          %get3A_427 = arith.constant 0 : index
          %get3A_428 = tpu.vector_load %arg8[%get3A_425, %get3A_426, %get3A_427] {strides = array<i32>} : memref<2x640x32xf32, #tpu.memory_space<vmem>>, vector<1x1x16xf32>,
          %get3A_429 = vector.shape_cast %get3A_428 : vector<1x1x16xf32> to vector<16xf32>
          %mul3A_430 = vector.broadcast %squeeze3A_421 : f32 to vector<16xf32>
          %mul3A_431 = arith.mulf %mul3A_430, %get3A_429 : vector<16xf32>
          %add3A_432 = arith.addf %add3A_408, %mul3A_431 : vector<16xf32>
          %add3A_433 = arith.constant 9 : i32
          %add3A_434 = arith.addi %mul3A_196, %add3A_433 : i32
          %get3A_435 = arith.constant 0 : i32
          %get3A_436 = arith.index_cast %get3A_435 : i32 to index
          %get3A_437 = arith.index_cast %add3A_434 : i32 to index
          %get3A_438 = arith.constant 16 : index
          %get3A_439 = tpu.vector_load %arg8[%get3A_436, %get3A_437, %get3A_438] {strides = array<i32>} : memref<2x640x32xf32, #tpu.memory_space<vmem>>, vector<1x1x16xf32>,
          %get3A_440 = vector.shape_cast %get3A_439 : vector<1x1x16xf32> to vector<16xf32>
          %mul3A_441 = vector.broadcast %squeeze3A_421 : f32 to vector<16xf32>
          %mul3A_442 = arith.mulf %mul3A_441, %get3A_440 : vector<16xf32>
          %add3A_443 = arith.addf %add3A_419, %mul3A_442 : vector<16xf32>
          %slice3A_444 = vector.extract_strided_slice %get3A_202 {offsets = [10], sizes = [1], strides = [1]} : vector<16xf32> to vector<1xf32>
          %squeeze3A_445 = vector.extract %slice3A_444[0] : f32 from vector<1xf32>
          %add3A_446 = arith.constant 10 : i32
          %add3A_447 = arith.addi %mul3A_196, %add3A_446 : i32
          %get3A_448 = arith.constant 0 : i32
          %get3A_449 = arith.index_cast %get3A_448 : i32 to index
          %get3A_450 = arith.index_cast %add3A_447 : i32 to index
          %get3A_451 = arith.constant 0 : index
          %get3A_452 = tpu.vector_load %arg8[%get3A_449, %get3A_450, %get3A_451] {strides = array<i32>} : memref<2x640x32xf32, #tpu.memory_space<vmem>>, vector<1x1x16xf32>,
          %get3A_453 = vector.shape_cast %get3A_452 : vector<1x1x16xf32> to vector<16xf32>
          %mul3A_454 = vector.broadcast %squeeze3A_445 : f32 to vector<16xf32>
          %mul3A_455 = arith.mulf %mul3A_454, %get3A_453 : vector<16xf32>
          %add3A_456 = arith.addf %add3A_432, %mul3A_455 : vector<16xf32>
          %add3A_457 = arith.constant 10 : i32
          %add3A_458 = arith.addi %mul3A_196, %add3A_457 : i32
          %get3A_459 = arith.constant 0 : i32
          %get3A_460 = arith.index_cast %get3A_459 : i32 to index
          %get3A_461 = arith.index_cast %add3A_458 : i32 to index
          %get3A_462 = arith.constant 16 : index
          %get3A_463 = tpu.vector_load %arg8[%get3A_460, %get3A_461, %get3A_462] {strides = array<i32>} : memref<2x640x32xf32, #tpu.memory_space<vmem>>, vector<1x1x16xf32>,
          %get3A_464 = vector.shape_cast %get3A_463 : vector<1x1x16xf32> to vector<16xf32>
          %mul3A_465 = vector.broadcast %squeeze3A_445 : f32 to vector<16xf32>
          %mul3A_466 = arith.mulf %mul3A_465, %get3A_464 : vector<16xf32>
          %add3A_467 = arith.addf %add3A_443, %mul3A_466 : vector<16xf32>
          %slice3A_468 = vector.extract_strided_slice %get3A_202 {offsets = [11], sizes = [1], strides = [1]} : vector<16xf32> to vector<1xf32>
          %squeeze3A_469 = vector.extract %slice3A_468[0] : f32 from vector<1xf32>
          %add3A_470 = arith.constant 11 : i32
          %add3A_471 = arith.addi %mul3A_196, %add3A_470 : i32
          %get3A_472 = arith.constant 0 : i32
          %get3A_473 = arith.index_cast %get3A_472 : i32 to index
          %get3A_474 = arith.index_cast %add3A_471 : i32 to index
          %get3A_475 = arith.constant 0 : index
          %get3A_476 = tpu.vector_load %arg8[%get3A_473, %get3A_474, %get3A_475] {strides = array<i32>} : memref<2x640x32xf32, #tpu.memory_space<vmem>>, vector<1x1x16xf32>,
          %get3A_477 = vector.shape_cast %get3A_476 : vector<1x1x16xf32> to vector<16xf32>
          %mul3A_478 = vector.broadcast %squeeze3A_469 : f32 to vector<16xf32>
          %mul3A_479 = arith.mulf %mul3A_478, %get3A_477 : vector<16xf32>
          %add3A_480 = arith.addf %add3A_456, %mul3A_479 : vector<16xf32>
          %add3A_481 = arith.constant 11 : i32
          %add3A_482 = arith.addi %mul3A_196, %add3A_481 : i32
          %get3A_483 = arith.constant 0 : i32
          %get3A_484 = arith.index_cast %get3A_483 : i32 to index
          %get3A_485 = arith.index_cast %add3A_482 : i32 to index
          %get3A_486 = arith.constant 16 : index
          %get3A_487 = tpu.vector_load %arg8[%get3A_484, %get3A_485, %get3A_486] {strides = array<i32>} : memref<2x640x32xf32, #tpu.memory_space<vmem>>, vector<1x1x16xf32>,
          %get3A_488 = vector.shape_cast %get3A_487 : vector<1x1x16xf32> to vector<16xf32>
          %mul3A_489 = vector.broadcast %squeeze3A_469 : f32 to vector<16xf32>
          %mul3A_490 = arith.mulf %mul3A_489, %get3A_488 : vector<16xf32>
          %add3A_491 = arith.addf %add3A_467, %mul3A_490 : vector<16xf32>
          %slice3A_492 = vector.extract_strided_slice %get3A_202 {offsets = [12], sizes = [1], strides = [1]} : vector<16xf32> to vector<1xf32>
          %squeeze3A_493 = vector.extract %slice3A_492[0] : f32 from vector<1xf32>
          %add3A_494 = arith.constant 12 : i32
          %add3A_495 = arith.addi %mul3A_196, %add3A_494 : i32
          %get3A_496 = arith.constant 0 : i32
          %get3A_497 = arith.index_cast %get3A_496 : i32 to index
          %get3A_498 = arith.index_cast %add3A_495 : i32 to index
          %get3A_499 = arith.constant 0 : index
          %get3A_500 = tpu.vector_load %arg8[%get3A_497, %get3A_498, %get3A_499] {strides = array<i32>} : memref<2x640x32xf32, #tpu.memory_space<vmem>>, vector<1x1x16xf32>,
          %get3A_501 = vector.shape_cast %get3A_500 : vector<1x1x16xf32> to vector<16xf32>
          %mul3A_502 = vector.broadcast %squeeze3A_493 : f32 to vector<16xf32>
          %mul3A_503 = arith.mulf %mul3A_502, %get3A_501 : vector<16xf32>
          %add3A_504 = arith.addf %add3A_480, %mul3A_503 : vector<16xf32>
          %add3A_505 = arith.constant 12 : i32
          %add3A_506 = arith.addi %mul3A_196, %add3A_505 : i32
          %get3A_507 = arith.constant 0 : i32
          %get3A_508 = arith.index_cast %get3A_507 : i32 to index
          %get3A_509 = arith.index_cast %add3A_506 : i32 to index
          %get3A_510 = arith.constant 16 : index
          %get3A_511 = tpu.vector_load %arg8[%get3A_508, %get3A_509, %get3A_510] {strides = array<i32>} : memref<2x640x32xf32, #tpu.memory_space<vmem>>, vector<1x1x16xf32>,
          %get3A_512 = vector.shape_cast %get3A_511 : vector<1x1x16xf32> to vector<16xf32>
          %mul3A_513 = vector.broadcast %squeeze3A_493 : f32 to vector<16xf32>
          %mul3A_514 = arith.mulf %mul3A_513, %get3A_512 : vector<16xf32>
          %add3A_515 = arith.addf %add3A_491, %mul3A_514 : vector<16xf32>
          %slice3A_516 = vector.extract_strided_slice %get3A_202 {offsets = [13], sizes = [1], strides = [1]} : vector<16xf32> to vector<1xf32>
          %squeeze3A_517 = vector.extract %slice3A_516[0] : f32 from vector<1xf32>
          %add3A_518 = arith.constant 13 : i32
          %add3A_519 = arith.addi %mul3A_196, %add3A_518 : i32
          %get3A_520 = arith.constant 0 : i32
          %get3A_521 = arith.index_cast %get3A_520 : i32 to index
          %get3A_522 = arith.index_cast %add3A_519 : i32 to index
          %get3A_523 = arith.constant 0 : index
          %get3A_524 = tpu.vector_load %arg8[%get3A_521, %get3A_522, %get3A_523] {strides = array<i32>} : memref<2x640x32xf32, #tpu.memory_space<vmem>>, vector<1x1x16xf32>,
          %get3A_525 = vector.shape_cast %get3A_524 : vector<1x1x16xf32> to vector<16xf32>
          %mul3A_526 = vector.broadcast %squeeze3A_517 : f32 to vector<16xf32>
          %mul3A_527 = arith.mulf %mul3A_526, %get3A_525 : vector<16xf32>
          %add3A_528 = arith.addf %add3A_504, %mul3A_527 : vector<16xf32>
          %add3A_529 = arith.constant 13 : i32
          %add3A_530 = arith.addi %mul3A_196, %add3A_529 : i32
          %get3A_531 = arith.constant 0 : i32
          %get3A_532 = arith.index_cast %get3A_531 : i32 to index
          %get3A_533 = arith.index_cast %add3A_530 : i32 to index
          %get3A_534 = arith.constant 16 : index
          %get3A_535 = tpu.vector_load %arg8[%get3A_532, %get3A_533, %get3A_534] {strides = array<i32>} : memref<2x640x32xf32, #tpu.memory_space<vmem>>, vector<1x1x16xf32>,
          %get3A_536 = vector.shape_cast %get3A_535 : vector<1x1x16xf32> to vector<16xf32>
          %mul3A_537 = vector.broadcast %squeeze3A_517 : f32 to vector<16xf32>
          %mul3A_538 = arith.mulf %mul3A_537, %get3A_536 : vector<16xf32>
          %add3A_539 = arith.addf %add3A_515, %mul3A_538 : vector<16xf32>
          %slice3A_540 = vector.extract_strided_slice %get3A_202 {offsets = [14], sizes = [1], strides = [1]} : vector<16xf32> to vector<1xf32>
          %squeeze3A_541 = vector.extract %slice3A_540[0] : f32 from vector<1xf32>
          %add3A_542 = arith.constant 14 : i32
          %add3A_543 = arith.addi %mul3A_196, %add3A_542 : i32
          %get3A_544 = arith.constant 0 : i32
          %get3A_545 = arith.index_cast %get3A_544 : i32 to index
          %get3A_546 = arith.index_cast %add3A_543 : i32 to index
          %get3A_547 = arith.constant 0 : index
          %get3A_548 = tpu.vector_load %arg8[%get3A_545, %get3A_546, %get3A_547] {strides = array<i32>} : memref<2x640x32xf32, #tpu.memory_space<vmem>>, vector<1x1x16xf32>,
          %get3A_549 = vector.shape_cast %get3A_548 : vector<1x1x16xf32> to vector<16xf32>
          %mul3A_550 = vector.broadcast %squeeze3A_541 : f32 to vector<16xf32>
          %mul3A_551 = arith.mulf %mul3A_550, %get3A_549 : vector<16xf32>
          %add3A_552 = arith.addf %add3A_528, %mul3A_551 : vector<16xf32>
          %add3A_553 = arith.constant 14 : i32
          %add3A_554 = arith.addi %mul3A_196, %add3A_553 : i32
          %get3A_555 = arith.constant 0 : i32
          %get3A_556 = arith.index_cast %get3A_555 : i32 to index
          %get3A_557 = arith.index_cast %add3A_554 : i32 to index
          %get3A_558 = arith.constant 16 : index
          %get3A_559 = tpu.vector_load %arg8[%get3A_556, %get3A_557, %get3A_558] {strides = array<i32>} : memref<2x640x32xf32, #tpu.memory_space<vmem>>, vector<1x1x16xf32>,
          %get3A_560 = vector.shape_cast %get3A_559 : vector<1x1x16xf32> to vector<16xf32>
          %mul3A_561 = vector.broadcast %squeeze3A_541 : f32 to vector<16xf32>
          %mul3A_562 = arith.mulf %mul3A_561, %get3A_560 : vector<16xf32>
          %add3A_563 = arith.addf %add3A_539, %mul3A_562 : vector<16xf32>
          %slice3A_564 = vector.extract_strided_slice %get3A_202 {offsets = [15], sizes = [1], strides = [1]} : vector<16xf32> to vector<1xf32>
          %squeeze3A_565 = vector.extract %slice3A_564[0] : f32 from vector<1xf32>
          %add3A_566 = arith.constant 15 : i32
          %add3A_567 = arith.addi %mul3A_196, %add3A_566 : i32
          %get3A_568 = arith.constant 0 : i32
          %get3A_569 = arith.index_cast %get3A_568 : i32 to index
          %get3A_570 = arith.index_cast %add3A_567 : i32 to index
          %get3A_571 = arith.constant 0 : index
          %get3A_572 = tpu.vector_load %arg8[%get3A_569, %get3A_570, %get3A_571] {strides = array<i32>} : memref<2x640x32xf32, #tpu.memory_space<vmem>>, vector<1x1x16xf32>,
          %get3A_573 = vector.shape_cast %get3A_572 : vector<1x1x16xf32> to vector<16xf32>
          %mul3A_574 = vector.broadcast %squeeze3A_565 : f32 to vector<16xf32>
          %mul3A_575 = arith.mulf %mul3A_574, %get3A_573 : vector<16xf32>
          %add3A_576 = arith.addf %add3A_552, %mul3A_575 : vector<16xf32>
          %add3A_577 = arith.constant 15 : i32
          %add3A_578 = arith.addi %mul3A_196, %add3A_577 : i32
          %get3A_579 = arith.constant 0 : i32
          %get3A_580 = arith.index_cast %get3A_579 : i32 to index
          %get3A_581 = arith.index_cast %add3A_578 : i32 to index
          %get3A_582 = arith.constant 16 : index
          %get3A_583 = tpu.vector_load %arg8[%get3A_580, %get3A_581, %get3A_582] {strides = array<i32>} : memref<2x640x32xf32, #tpu.memory_space<vmem>>, vector<1x1x16xf32>,
          %get3A_584 = vector.shape_cast %get3A_583 : vector<1x1x16xf32> to vector<16xf32>
          %mul3A_585 = vector.broadcast %squeeze3A_565 : f32 to vector<16xf32>
          %mul3A_586 = arith.mulf %mul3A_585, %get3A_584 : vector<16xf32>
          %add3A_587 = arith.addf %add3A_563, %mul3A_586 : vector<16xf32>
          %slice3A_588 = vector.extract_strided_slice %get3A_211 {offsets = [0], sizes = [1], strides = [1]} : vector<16xf32> to vector<1xf32>
          %squeeze3A_589 = vector.extract %slice3A_588[0] : f32 from vector<1xf32>
          %add3A_590 = arith.constant 16 : i32
          %add3A_591 = arith.addi %mul3A_196, %add3A_590 : i32
          %get3A_592 = arith.constant 0 : i32
          %get3A_593 = arith.index_cast %get3A_592 : i32 to index
          %get3A_594 = arith.index_cast %add3A_591 : i32 to index
          %get3A_595 = arith.constant 0 : index
          %get3A_596 = tpu.vector_load %arg8[%get3A_593, %get3A_594, %get3A_595] {strides = array<i32>} : memref<2x640x32xf32, #tpu.memory_space<vmem>>, vector<1x1x16xf32>,
          %get3A_597 = vector.shape_cast %get3A_596 : vector<1x1x16xf32> to vector<16xf32>
          %mul3A_598 = vector.broadcast %squeeze3A_589 : f32 to vector<16xf32>
          %mul3A_599 = arith.mulf %mul3A_598, %get3A_597 : vector<16xf32>
          %add3A_600 = arith.addf %add3A_576, %mul3A_599 : vector<16xf32>
          %add3A_601 = arith.constant 16 : i32
          %add3A_602 = arith.addi %mul3A_196, %add3A_601 : i32
          %get3A_603 = arith.constant 0 : i32
          %get3A_604 = arith.index_cast %get3A_603 : i32 to index
          %get3A_605 = arith.index_cast %add3A_602 : i32 to index
          %get3A_606 = arith.constant 16 : index
          %get3A_607 = tpu.vector_load %arg8[%get3A_604, %get3A_605, %get3A_606] {strides = array<i32>} : memref<2x640x32xf32, #tpu.memory_space<vmem>>, vector<1x1x16xf32>,
          %get3A_608 = vector.shape_cast %get3A_607 : vector<1x1x16xf32> to vector<16xf32>
          %mul3A_609 = vector.broadcast %squeeze3A_589 : f32 to vector<16xf32>
          %mul3A_610 = arith.mulf %mul3A_609, %get3A_608 : vector<16xf32>
          %add3A_611 = arith.addf %add3A_587, %mul3A_610 : vector<16xf32>
          %slice3A_612 = vector.extract_strided_slice %get3A_211 {offsets = [1], sizes = [1], strides = [1]} : vector<16xf32> to vector<1xf32>
          %squeeze3A_613 = vector.extract %slice3A_612[0] : f32 from vector<1xf32>
          %add3A_614 = arith.constant 17 : i32
          %add3A_615 = arith.addi %mul3A_196, %add3A_614 : i32
          %get3A_616 = arith.constant 0 : i32
          %get3A_617 = arith.index_cast %get3A_616 : i32 to index
          %get3A_618 = arith.index_cast %add3A_615 : i32 to index
          %get3A_619 = arith.constant 0 : index
          %get3A_620 = tpu.vector_load %arg8[%get3A_617, %get3A_618, %get3A_619] {strides = array<i32>} : memref<2x640x32xf32, #tpu.memory_space<vmem>>, vector<1x1x16xf32>,
          %get3A_621 = vector.shape_cast %get3A_620 : vector<1x1x16xf32> to vector<16xf32>
          %mul3A_622 = vector.broadcast %squeeze3A_613 : f32 to vector<16xf32>
          %mul3A_623 = arith.mulf %mul3A_622, %get3A_621 : vector<16xf32>
          %add3A_624 = arith.addf %add3A_600, %mul3A_623 : vector<16xf32>
          %add3A_625 = arith.constant 17 : i32
          %add3A_626 = arith.addi %mul3A_196, %add3A_625 : i32
          %get3A_627 = arith.constant 0 : i32
          %get3A_628 = arith.index_cast %get3A_627 : i32 to index
          %get3A_629 = arith.index_cast %add3A_626 : i32 to index
          %get3A_630 = arith.constant 16 : index
          %get3A_631 = tpu.vector_load %arg8[%get3A_628, %get3A_629, %get3A_630] {strides = array<i32>} : memref<2x640x32xf32, #tpu.memory_space<vmem>>, vector<1x1x16xf32>,
          %get3A_632 = vector.shape_cast %get3A_631 : vector<1x1x16xf32> to vector<16xf32>
          %mul3A_633 = vector.broadcast %squeeze3A_613 : f32 to vector<16xf32>
          %mul3A_634 = arith.mulf %mul3A_633, %get3A_632 : vector<16xf32>
          %add3A_635 = arith.addf %add3A_611, %mul3A_634 : vector<16xf32>
          %slice3A_636 = vector.extract_strided_slice %get3A_211 {offsets = [2], sizes = [1], strides = [1]} : vector<16xf32> to vector<1xf32>
          %squeeze3A_637 = vector.extract %slice3A_636[0] : f32 from vector<1xf32>
          %add3A_638 = arith.constant 18 : i32
          %add3A_639 = arith.addi %mul3A_196, %add3A_638 : i32
          %get3A_640 = arith.constant 0 : i32
          %get3A_641 = arith.index_cast %get3A_640 : i32 to index
          %get3A_642 = arith.index_cast %add3A_639 : i32 to index
          %get3A_643 = arith.constant 0 : index
          %get3A_644 = tpu.vector_load %arg8[%get3A_641, %get3A_642, %get3A_643] {strides = array<i32>} : memref<2x640x32xf32, #tpu.memory_space<vmem>>, vector<1x1x16xf32>,
          %get3A_645 = vector.shape_cast %get3A_644 : vector<1x1x16xf32> to vector<16xf32>
          %mul3A_646 = vector.broadcast %squeeze3A_637 : f32 to vector<16xf32>
          %mul3A_647 = arith.mulf %mul3A_646, %get3A_645 : vector<16xf32>
          %add3A_648 = arith.addf %add3A_624, %mul3A_647 : vector<16xf32>
          %add3A_649 = arith.constant 18 : i32
          %add3A_650 = arith.addi %mul3A_196, %add3A_649 : i32
          %get3A_651 = arith.constant 0 : i32
          %get3A_652 = arith.index_cast %get3A_651 : i32 to index
          %get3A_653 = arith.index_cast %add3A_650 : i32 to index
          %get3A_654 = arith.constant 16 : index
          %get3A_655 = tpu.vector_load %arg8[%get3A_652, %get3A_653, %get3A_654] {strides = array<i32>} : memref<2x640x32xf32, #tpu.memory_space<vmem>>, vector<1x1x16xf32>,
          %get3A_656 = vector.shape_cast %get3A_655 : vector<1x1x16xf32> to vector<16xf32>
          %mul3A_657 = vector.broadcast %squeeze3A_637 : f32 to vector<16xf32>
          %mul3A_658 = arith.mulf %mul3A_657, %get3A_656 : vector<16xf32>
          %add3A_659 = arith.addf %add3A_635, %mul3A_658 : vector<16xf32>
          %slice3A_660 = vector.extract_strided_slice %get3A_211 {offsets = [3], sizes = [1], strides = [1]} : vector<16xf32> to vector<1xf32>
          %squeeze3A_661 = vector.extract %slice3A_660[0] : f32 from vector<1xf32>
          %add3A_662 = arith.constant 19 : i32
          %add3A_663 = arith.addi %mul3A_196, %add3A_662 : i32
          %get3A_664 = arith.constant 0 : i32
          %get3A_665 = arith.index_cast %get3A_664 : i32 to index
          %get3A_666 = arith.index_cast %add3A_663 : i32 to index
          %get3A_667 = arith.constant 0 : index
          %get3A_668 = tpu.vector_load %arg8[%get3A_665, %get3A_666, %get3A_667] {strides = array<i32>} : memref<2x640x32xf32, #tpu.memory_space<vmem>>, vector<1x1x16xf32>,
          %get3A_669 = vector.shape_cast %get3A_668 : vector<1x1x16xf32> to vector<16xf32>
          %mul3A_670 = vector.broadcast %squeeze3A_661 : f32 to vector<16xf32>
          %mul3A_671 = arith.mulf %mul3A_670, %get3A_669 : vector<16xf32>
          %add3A_672 = arith.addf %add3A_648, %mul3A_671 : vector<16xf32>
          %add3A_673 = arith.constant 19 : i32
          %add3A_674 = arith.addi %mul3A_196, %add3A_673 : i32
          %get3A_675 = arith.constant 0 : i32
          %get3A_676 = arith.index_cast %get3A_675 : i32 to index
          %get3A_677 = arith.index_cast %add3A_674 : i32 to index
          %get3A_678 = arith.constant 16 : index
          %get3A_679 = tpu.vector_load %arg8[%get3A_676, %get3A_677, %get3A_678] {strides = array<i32>} : memref<2x640x32xf32, #tpu.memory_space<vmem>>, vector<1x1x16xf32>,
          %get3A_680 = vector.shape_cast %get3A_679 : vector<1x1x16xf32> to vector<16xf32>
          %mul3A_681 = vector.broadcast %squeeze3A_661 : f32 to vector<16xf32>
          %mul3A_682 = arith.mulf %mul3A_681, %get3A_680 : vector<16xf32>
          %add3A_683 = arith.addf %add3A_659, %mul3A_682 : vector<16xf32>
          %swap3A = arith.constant 0 : i32
          %swap3A_684 = arith.index_cast %swap3A : i32 to index
          %swap3A_685 = arith.index_cast %scan3A_194 : i32 to index
          %swap3A_686 = arith.constant 0 : index
          %swap3A_687 = tpu.vector_load %arg9[%swap3A_684, %swap3A_685, %swap3A_686] {strides = array<i32>} : memref<2x32x32xf32, #tpu.memory_space<vmem>>, vector<1x1x16xf32>,
          %swap3A_688 = vector.shape_cast %swap3A_687 : vector<1x1x16xf32> to vector<16xf32>
          %swap3A_689 = vector.shape_cast %add3A_672 : vector<16xf32> to vector<1x1x16xf32>
          tpu.vector_store %arg9[%swap3A_684, %swap3A_685, %swap3A_686], %swap3A_689 {strides = array<i32>} : memref<2x32x32xf32, #tpu.memory_space<vmem>>, vector<1x1x16xf32>,
          %swap3A_690 = arith.constant 0 : i32
          %swap3A_691 = arith.index_cast %swap3A_690 : i32 to index
          %swap3A_692 = arith.index_cast %scan3A_194 : i32 to index
          %swap3A_693 = arith.constant 16 : index
          %swap3A_694 = tpu.vector_load %arg9[%swap3A_691, %swap3A_692, %swap3A_693] {strides = array<i32>} : memref<2x32x32xf32, #tpu.memory_space<vmem>>, vector<1x1x16xf32>,
          %swap3A_695 = vector.shape_cast %swap3A_694 : vector<1x1x16xf32> to vector<16xf32>
          %swap3A_696 = vector.shape_cast %add3A_683 : vector<16xf32> to vector<1x1x16xf32>
          tpu.vector_store %arg9[%swap3A_691, %swap3A_692, %swap3A_693], %swap3A_696 {strides = array<i32>} : memref<2x32x32xf32, #tpu.memory_space<vmem>>, vector<1x1x16xf32>,
          %scan3A_697 = arith.constant 1 : i32
          %scan3A_698 = arith.addi %scan3A_194, %scan3A_697 : i32
          %mul3A_699 = arith.constant 20 : i32
          %mul3A_700 = arith.muli %scan3A_698, %mul3A_699 : i32
          %mul3A_701 = arith.constant 32 : i32
          %mul3A_702 = arith.muli %scan3A_698, %mul3A_701 : i32
          %get3A_703 = arith.constant 0 : i32
          %get3A_704 = arith.index_cast %get3A_703 : i32 to index
          %get3A_705 = arith.index_cast %mul3A_702 : i32 to index
          %get3A_706 = tpu.vector_load %arg7[%get3A_704, %get3A_705] {strides = array<i32>} : memref<2x1024xf32, #tpu.memory_space<vmem>>, vector<1x16xf32>,
          %get3A_707 = vector.shape_cast %get3A_706 : vector<1x16xf32> to vector<16xf32>
          %mul3A_708 = arith.constant 32 : i32
          %mul3A_709 = arith.muli %scan3A_698, %mul3A_708 : i32
          %add3A_710 = arith.constant 16 : i32
          %add3A_711 = arith.addi %mul3A_709, %add3A_710 : i32
          %get3A_712 = arith.constant 0 : i32
          %get3A_713 = arith.index_cast %get3A_712 : i32 to index
          %get3A_714 = arith.index_cast %add3A_711 : i32 to index
          %get3A_715 = tpu.vector_load %arg7[%get3A_713, %get3A_714] {strides = array<i32>} : memref<2x1024xf32, #tpu.memory_space<vmem>>, vector<1x16xf32>,
          %get3A_716 = vector.shape_cast %get3A_715 : vector<1x16xf32> to vector<16xf32>
          %slice3A_717 = vector.extract_strided_slice %get3A_707 {offsets = [0], sizes = [1], strides = [1]} : vector<16xf32> to vector<1xf32>
          %squeeze3A_718 = vector.extract %slice3A_717[0] : f32 from vector<1xf32>
          %get3A_719 = arith.constant 0 : i32
          %get3A_720 = arith.index_cast %get3A_719 : i32 to index
          %get3A_721 = arith.index_cast %mul3A_700 : i32 to index
          %get3A_722 = arith.constant 0 : index
          %get3A_723 = tpu.vector_load %arg8[%get3A_720, %get3A_721, %get3A_722] {strides = array<i32>} : memref<2x640x32xf32, #tpu.memory_space<vmem>>, vector<1x1x16xf32>,
          %get3A_724 = vector.shape_cast %get3A_723 : vector<1x1x16xf32> to vector<16xf32>
          %mul3A_725 = vector.broadcast %squeeze3A_718 : f32 to vector<16xf32>
          %mul3A_726 = arith.mulf %mul3A_725, %get3A_724 : vector<16xf32>
          %get3A_727 = arith.constant 0 : i32
          %get3A_728 = arith.index_cast %get3A_727 : i32 to index
          %get3A_729 = arith.index_cast %mul3A_700 : i32 to index
          %get3A_730 = arith.constant 16 : index
          %get3A_731 = tpu.vector_load %arg8[%get3A_728, %get3A_729, %get3A_730] {strides = array<i32>} : memref<2x640x32xf32, #tpu.memory_space<vmem>>, vector<1x1x16xf32>,
          %get3A_732 = vector.shape_cast %get3A_731 : vector<1x1x16xf32> to vector<16xf32>
          %mul3A_733 = vector.broadcast %squeeze3A_718 : f32 to vector<16xf32>
          %mul3A_734 = arith.mulf %mul3A_733, %get3A_732 : vector<16xf32>
          %slice3A_735 = vector.extract_strided_slice %get3A_707 {offsets = [1], sizes = [1], strides = [1]} : vector<16xf32> to vector<1xf32>
          %squeeze3A_736 = vector.extract %slice3A_735[0] : f32 from vector<1xf32>
          %add3A_737 = arith.constant 1 : i32
          %add3A_738 = arith.addi %mul3A_700, %add3A_737 : i32
          %get3A_739 = arith.constant 0 : i32
          %get3A_740 = arith.index_cast %get3A_739 : i32 to index
          %get3A_741 = arith.index_cast %add3A_738 : i32 to index
          %get3A_742 = arith.constant 0 : index
          %get3A_743 = tpu.vector_load %arg8[%get3A_740, %get3A_741, %get3A_742] {strides = array<i32>} : memref<2x640x32xf32, #tpu.memory_space<vmem>>, vector<1x1x16xf32>,
          %get3A_744 = vector.shape_cast %get3A_743 : vector<1x1x16xf32> to vector<16xf32>
          %mul3A_745 = vector.broadcast %squeeze3A_736 : f32 to vector<16xf32>
          %mul3A_746 = arith.mulf %mul3A_745, %get3A_744 : vector<16xf32>
          %add3A_747 = arith.addf %mul3A_726, %mul3A_746 : vector<16xf32>
          %add3A_748 = arith.constant 1 : i32
          %add3A_749 = arith.addi %mul3A_700, %add3A_748 : i32
          %get3A_750 = arith.constant 0 : i32
          %get3A_751 = arith.index_cast %get3A_750 : i32 to index
          %get3A_752 = arith.index_cast %add3A_749 : i32 to index
          %get3A_753 = arith.constant 16 : index
          %get3A_754 = tpu.vector_load %arg8[%get3A_751, %get3A_752, %get3A_753] {strides = array<i32>} : memref<2x640x32xf32, #tpu.memory_space<vmem>>, vector<1x1x16xf32>,
          %get3A_755 = vector.shape_cast %get3A_754 : vector<1x1x16xf32> to vector<16xf32>
          %mul3A_756 = vector.broadcast %squeeze3A_736 : f32 to vector<16xf32>
          %mul3A_757 = arith.mulf %mul3A_756, %get3A_755 : vector<16xf32>
          %add3A_758 = arith.addf %mul3A_734, %mul3A_757 : vector<16xf32>
          %slice3A_759 = vector.extract_strided_slice %get3A_707 {offsets = [2], sizes = [1], strides = [1]} : vector<16xf32> to vector<1xf32>
          %squeeze3A_760 = vector.extract %slice3A_759[0] : f32 from vector<1xf32>
          %add3A_761 = arith.constant 2 : i32
          %add3A_762 = arith.addi %mul3A_700, %add3A_761 : i32
          %get3A_763 = arith.constant 0 : i32
          %get3A_764 = arith.index_cast %get3A_763 : i32 to index
          %get3A_765 = arith.index_cast %add3A_762 : i32 to index
          %get3A_766 = arith.constant 0 : index
          %get3A_767 = tpu.vector_load %arg8[%get3A_764, %get3A_765, %get3A_766] {strides = array<i32>} : memref<2x640x32xf32, #tpu.memory_space<vmem>>, vector<1x1x16xf32>,
          %get3A_768 = vector.shape_cast %get3A_767 : vector<1x1x16xf32> to vector<16xf32>
          %mul3A_769 = vector.broadcast %squeeze3A_760 : f32 to vector<16xf32>
          %mul3A_770 = arith.mulf %mul3A_769, %get3A_768 : vector<16xf32>
          %add3A_771 = arith.addf %add3A_747, %mul3A_770 : vector<16xf32>
          %add3A_772 = arith.constant 2 : i32
          %add3A_773 = arith.addi %mul3A_700, %add3A_772 : i32
          %get3A_774 = arith.constant 0 : i32
          %get3A_775 = arith.index_cast %get3A_774 : i32 to index
          %get3A_776 = arith.index_cast %add3A_773 : i32 to index
          %get3A_777 = arith.constant 16 : index
          %get3A_778 = tpu.vector_load %arg8[%get3A_775, %get3A_776, %get3A_777] {strides = array<i32>} : memref<2x640x32xf32, #tpu.memory_space<vmem>>, vector<1x1x16xf32>,
          %get3A_779 = vector.shape_cast %get3A_778 : vector<1x1x16xf32> to vector<16xf32>
          %mul3A_780 = vector.broadcast %squeeze3A_760 : f32 to vector<16xf32>
          %mul3A_781 = arith.mulf %mul3A_780, %get3A_779 : vector<16xf32>
          %add3A_782 = arith.addf %add3A_758, %mul3A_781 : vector<16xf32>
          %slice3A_783 = vector.extract_strided_slice %get3A_707 {offsets = [3], sizes = [1], strides = [1]} : vector<16xf32> to vector<1xf32>
          %squeeze3A_784 = vector.extract %slice3A_783[0] : f32 from vector<1xf32>
          %add3A_785 = arith.constant 3 : i32
          %add3A_786 = arith.addi %mul3A_700, %add3A_785 : i32
          %get3A_787 = arith.constant 0 : i32
          %get3A_788 = arith.index_cast %get3A_787 : i32 to index
          %get3A_789 = arith.index_cast %add3A_786 : i32 to index
          %get3A_790 = arith.constant 0 : index
          %get3A_791 = tpu.vector_load %arg8[%get3A_788, %get3A_789, %get3A_790] {strides = array<i32>} : memref<2x640x32xf32, #tpu.memory_space<vmem>>, vector<1x1x16xf32>,
          %get3A_792 = vector.shape_cast %get3A_791 : vector<1x1x16xf32> to vector<16xf32>
          %mul3A_793 = vector.broadcast %squeeze3A_784 : f32 to vector<16xf32>
          %mul3A_794 = arith.mulf %mul3A_793, %get3A_792 : vector<16xf32>
          %add3A_795 = arith.addf %add3A_771, %mul3A_794 : vector<16xf32>
          %add3A_796 = arith.constant 3 : i32
          %add3A_797 = arith.addi %mul3A_700, %add3A_796 : i32
          %get3A_798 = arith.constant 0 : i32
          %get3A_799 = arith.index_cast %get3A_798 : i32 to index
          %get3A_800 = arith.index_cast %add3A_797 : i32 to index
          %get3A_801 = arith.constant 16 : index
          %get3A_802 = tpu.vector_load %arg8[%get3A_799, %get3A_800, %get3A_801] {strides = array<i32>} : memref<2x640x32xf32, #tpu.memory_space<vmem>>, vector<1x1x16xf32>,
          %get3A_803 = vector.shape_cast %get3A_802 : vector<1x1x16xf32> to vector<16xf32>
          %mul3A_804 = vector.broadcast %squeeze3A_784 : f32 to vector<16xf32>
          %mul3A_805 = arith.mulf %mul3A_804, %get3A_803 : vector<16xf32>
          %add3A_806 = arith.addf %add3A_782, %mul3A_805 : vector<16xf32>
          %slice3A_807 = vector.extract_strided_slice %get3A_707 {offsets = [4], sizes = [1], strides = [1]} : vector<16xf32> to vector<1xf32>
          %squeeze3A_808 = vector.extract %slice3A_807[0] : f32 from vector<1xf32>
          %add3A_809 = arith.constant 4 : i32
          %add3A_810 = arith.addi %mul3A_700, %add3A_809 : i32
          %get3A_811 = arith.constant 0 : i32
          %get3A_812 = arith.index_cast %get3A_811 : i32 to index
          %get3A_813 = arith.index_cast %add3A_810 : i32 to index
          %get3A_814 = arith.constant 0 : index
          %get3A_815 = tpu.vector_load %arg8[%get3A_812, %get3A_813, %get3A_814] {strides = array<i32>} : memref<2x640x32xf32, #tpu.memory_space<vmem>>, vector<1x1x16xf32>,
          %get3A_816 = vector.shape_cast %get3A_815 : vector<1x1x16xf32> to vector<16xf32>
          %mul3A_817 = vector.broadcast %squeeze3A_808 : f32 to vector<16xf32>
          %mul3A_818 = arith.mulf %mul3A_817, %get3A_816 : vector<16xf32>
          %add3A_819 = arith.addf %add3A_795, %mul3A_818 : vector<16xf32>
          %add3A_820 = arith.constant 4 : i32
          %add3A_821 = arith.addi %mul3A_700, %add3A_820 : i32
          %get3A_822 = arith.constant 0 : i32
          %get3A_823 = arith.index_cast %get3A_822 : i32 to index
          %get3A_824 = arith.index_cast %add3A_821 : i32 to index
          %get3A_825 = arith.constant 16 : index
          %get3A_826 = tpu.vector_load %arg8[%get3A_823, %get3A_824, %get3A_825] {strides = array<i32>} : memref<2x640x32xf32, #tpu.memory_space<vmem>>, vector<1x1x16xf32>,
          %get3A_827 = vector.shape_cast %get3A_826 : vector<1x1x16xf32> to vector<16xf32>
          %mul3A_828 = vector.broadcast %squeeze3A_808 : f32 to vector<16xf32>
          %mul3A_829 = arith.mulf %mul3A_828, %get3A_827 : vector<16xf32>
          %add3A_830 = arith.addf %add3A_806, %mul3A_829 : vector<16xf32>
          %slice3A_831 = vector.extract_strided_slice %get3A_707 {offsets = [5], sizes = [1], strides = [1]} : vector<16xf32> to vector<1xf32>
          %squeeze3A_832 = vector.extract %slice3A_831[0] : f32 from vector<1xf32>
          %add3A_833 = arith.constant 5 : i32
          %add3A_834 = arith.addi %mul3A_700, %add3A_833 : i32
          %get3A_835 = arith.constant 0 : i32
          %get3A_836 = arith.index_cast %get3A_835 : i32 to index
          %get3A_837 = arith.index_cast %add3A_834 : i32 to index
          %get3A_838 = arith.constant 0 : index
          %get3A_839 = tpu.vector_load %arg8[%get3A_836, %get3A_837, %get3A_838] {strides = array<i32>} : memref<2x640x32xf32, #tpu.memory_space<vmem>>, vector<1x1x16xf32>,
          %get3A_840 = vector.shape_cast %get3A_839 : vector<1x1x16xf32> to vector<16xf32>
          %mul3A_841 = vector.broadcast %squeeze3A_832 : f32 to vector<16xf32>
          %mul3A_842 = arith.mulf %mul3A_841, %get3A_840 : vector<16xf32>
          %add3A_843 = arith.addf %add3A_819, %mul3A_842 : vector<16xf32>
          %add3A_844 = arith.constant 5 : i32
          %add3A_845 = arith.addi %mul3A_700, %add3A_844 : i32
          %get3A_846 = arith.constant 0 : i32
          %get3A_847 = arith.index_cast %get3A_846 : i32 to index
          %get3A_848 = arith.index_cast %add3A_845 : i32 to index
          %get3A_849 = arith.constant 16 : index
          %get3A_850 = tpu.vector_load %arg8[%get3A_847, %get3A_848, %get3A_849] {strides = array<i32>} : memref<2x640x32xf32, #tpu.memory_space<vmem>>, vector<1x1x16xf32>,
          %get3A_851 = vector.shape_cast %get3A_850 : vector<1x1x16xf32> to vector<16xf32>
          %mul3A_852 = vector.broadcast %squeeze3A_832 : f32 to vector<16xf32>
          %mul3A_853 = arith.mulf %mul3A_852, %get3A_851 : vector<16xf32>
          %add3A_854 = arith.addf %add3A_830, %mul3A_853 : vector<16xf32>
          %slice3A_855 = vector.extract_strided_slice %get3A_707 {offsets = [6], sizes = [1], strides = [1]} : vector<16xf32> to vector<1xf32>
          %squeeze3A_856 = vector.extract %slice3A_855[0] : f32 from vector<1xf32>
          %add3A_857 = arith.constant 6 : i32
          %add3A_858 = arith.addi %mul3A_700, %add3A_857 : i32
          %get3A_859 = arith.constant 0 : i32
          %get3A_860 = arith.index_cast %get3A_859 : i32 to index
          %get3A_861 = arith.index_cast %add3A_858 : i32 to index
          %get3A_862 = arith.constant 0 : index
          %get3A_863 = tpu.vector_load %arg8[%get3A_860, %get3A_861, %get3A_862] {strides = array<i32>} : memref<2x640x32xf32, #tpu.memory_space<vmem>>, vector<1x1x16xf32>,
          %get3A_864 = vector.shape_cast %get3A_863 : vector<1x1x16xf32> to vector<16xf32>
          %mul3A_865 = vector.broadcast %squeeze3A_856 : f32 to vector<16xf32>
          %mul3A_866 = arith.mulf %mul3A_865, %get3A_864 : vector<16xf32>
          %add3A_867 = arith.addf %add3A_843, %mul3A_866 : vector<16xf32>
          %add3A_868 = arith.constant 6 : i32
          %add3A_869 = arith.addi %mul3A_700, %add3A_868 : i32
          %get3A_870 = arith.constant 0 : i32
          %get3A_871 = arith.index_cast %get3A_870 : i32 to index
          %get3A_872 = arith.index_cast %add3A_869 : i32 to index
          %get3A_873 = arith.constant 16 : index
          %get3A_874 = tpu.vector_load %arg8[%get3A_871, %get3A_872, %get3A_873] {strides = array<i32>} : memref<2x640x32xf32, #tpu.memory_space<vmem>>, vector<1x1x16xf32>,
          %get3A_875 = vector.shape_cast %get3A_874 : vector<1x1x16xf32> to vector<16xf32>
          %mul3A_876 = vector.broadcast %squeeze3A_856 : f32 to vector<16xf32>
          %mul3A_877 = arith.mulf %mul3A_876, %get3A_875 : vector<16xf32>
          %add3A_878 = arith.addf %add3A_854, %mul3A_877 : vector<16xf32>
          %slice3A_879 = vector.extract_strided_slice %get3A_707 {offsets = [7], sizes = [1], strides = [1]} : vector<16xf32> to vector<1xf32>
          %squeeze3A_880 = vector.extract %slice3A_879[0] : f32 from vector<1xf32>
          %add3A_881 = arith.constant 7 : i32
          %add3A_882 = arith.addi %mul3A_700, %add3A_881 : i32
          %get3A_883 = arith.constant 0 : i32
          %get3A_884 = arith.index_cast %get3A_883 : i32 to index
          %get3A_885 = arith.index_cast %add3A_882 : i32 to index
          %get3A_886 = arith.constant 0 : index
          %get3A_887 = tpu.vector_load %arg8[%get3A_884, %get3A_885, %get3A_886] {strides = array<i32>} : memref<2x640x32xf32, #tpu.memory_space<vmem>>, vector<1x1x16xf32>,
          %get3A_888 = vector.shape_cast %get3A_887 : vector<1x1x16xf32> to vector<16xf32>
          %mul3A_889 = vector.broadcast %squeeze3A_880 : f32 to vector<16xf32>
          %mul3A_890 = arith.mulf %mul3A_889, %get3A_888 : vector<16xf32>
          %add3A_891 = arith.addf %add3A_867, %mul3A_890 : vector<16xf32>
          %add3A_892 = arith.constant 7 : i32
          %add3A_893 = arith.addi %mul3A_700, %add3A_892 : i32
          %get3A_894 = arith.constant 0 : i32
          %get3A_895 = arith.index_cast %get3A_894 : i32 to index
          %get3A_896 = arith.index_cast %add3A_893 : i32 to index
          %get3A_897 = arith.constant 16 : index
          %get3A_898 = tpu.vector_load %arg8[%get3A_895, %get3A_896, %get3A_897] {strides = array<i32>} : memref<2x640x32xf32, #tpu.memory_space<vmem>>, vector<1x1x16xf32>,
          %get3A_899 = vector.shape_cast %get3A_898 : vector<1x1x16xf32> to vector<16xf32>
          %mul3A_900 = vector.broadcast %squeeze3A_880 : f32 to vector<16xf32>
          %mul3A_901 = arith.mulf %mul3A_900, %get3A_899 : vector<16xf32>
          %add3A_902 = arith.addf %add3A_878, %mul3A_901 : vector<16xf32>
          %slice3A_903 = vector.extract_strided_slice %get3A_707 {offsets = [8], sizes = [1], strides = [1]} : vector<16xf32> to vector<1xf32>
          %squeeze3A_904 = vector.extract %slice3A_903[0] : f32 from vector<1xf32>
          %add3A_905 = arith.constant 8 : i32
          %add3A_906 = arith.addi %mul3A_700, %add3A_905 : i32
          %get3A_907 = arith.constant 0 : i32
          %get3A_908 = arith.index_cast %get3A_907 : i32 to index
          %get3A_909 = arith.index_cast %add3A_906 : i32 to index
          %get3A_910 = arith.constant 0 : index
          %get3A_911 = tpu.vector_load %arg8[%get3A_908, %get3A_909, %get3A_910] {strides = array<i32>} : memref<2x640x32xf32, #tpu.memory_space<vmem>>, vector<1x1x16xf32>,
          %get3A_912 = vector.shape_cast %get3A_911 : vector<1x1x16xf32> to vector<16xf32>
          %mul3A_913 = vector.broadcast %squeeze3A_904 : f32 to vector<16xf32>
          %mul3A_914 = arith.mulf %mul3A_913, %get3A_912 : vector<16xf32>
          %add3A_915 = arith.addf %add3A_891, %mul3A_914 : vector<16xf32>
          %add3A_916 = arith.constant 8 : i32
          %add3A_917 = arith.addi %mul3A_700, %add3A_916 : i32
          %get3A_918 = arith.constant 0 : i32
          %get3A_919 = arith.index_cast %get3A_918 : i32 to index
          %get3A_920 = arith.index_cast %add3A_917 : i32 to index
          %get3A_921 = arith.constant 16 : index
          %get3A_922 = tpu.vector_load %arg8[%get3A_919, %get3A_920, %get3A_921] {strides = array<i32>} : memref<2x640x32xf32, #tpu.memory_space<vmem>>, vector<1x1x16xf32>,
          %get3A_923 = vector.shape_cast %get3A_922 : vector<1x1x16xf32> to vector<16xf32>
          %mul3A_924 = vector.broadcast %squeeze3A_904 : f32 to vector<16xf32>
          %mul3A_925 = arith.mulf %mul3A_924, %get3A_923 : vector<16xf32>
          %add3A_926 = arith.addf %add3A_902, %mul3A_925 : vector<16xf32>
          %slice3A_927 = vector.extract_strided_slice %get3A_707 {offsets = [9], sizes = [1], strides = [1]} : vector<16xf32> to vector<1xf32>
          %squeeze3A_928 = vector.extract %slice3A_927[0] : f32 from vector<1xf32>
          %add3A_929 = arith.constant 9 : i32
          %add3A_930 = arith.addi %mul3A_700, %add3A_929 : i32
          %get3A_931 = arith.constant 0 : i32
          %get3A_932 = arith.index_cast %get3A_931 : i32 to index
          %get3A_933 = arith.index_cast %add3A_930 : i32 to index
          %get3A_934 = arith.constant 0 : index
          %get3A_935 = tpu.vector_load %arg8[%get3A_932, %get3A_933, %get3A_934] {strides = array<i32>} : memref<2x640x32xf32, #tpu.memory_space<vmem>>, vector<1x1x16xf32>,
          %get3A_936 = vector.shape_cast %get3A_935 : vector<1x1x16xf32> to vector<16xf32>
          %mul3A_937 = vector.broadcast %squeeze3A_928 : f32 to vector<16xf32>
          %mul3A_938 = arith.mulf %mul3A_937, %get3A_936 : vector<16xf32>
          %add3A_939 = arith.addf %add3A_915, %mul3A_938 : vector<16xf32>
          %add3A_940 = arith.constant 9 : i32
          %add3A_941 = arith.addi %mul3A_700, %add3A_940 : i32
          %get3A_942 = arith.constant 0 : i32
          %get3A_943 = arith.index_cast %get3A_942 : i32 to index
          %get3A_944 = arith.index_cast %add3A_941 : i32 to index
          %get3A_945 = arith.constant 16 : index
          %get3A_946 = tpu.vector_load %arg8[%get3A_943, %get3A_944, %get3A_945] {strides = array<i32>} : memref<2x640x32xf32, #tpu.memory_space<vmem>>, vector<1x1x16xf32>,
          %get3A_947 = vector.shape_cast %get3A_946 : vector<1x1x16xf32> to vector<16xf32>
          %mul3A_948 = vector.broadcast %squeeze3A_928 : f32 to vector<16xf32>
          %mul3A_949 = arith.mulf %mul3A_948, %get3A_947 : vector<16xf32>
          %add3A_950 = arith.addf %add3A_926, %mul3A_949 : vector<16xf32>
          %slice3A_951 = vector.extract_strided_slice %get3A_707 {offsets = [10], sizes = [1], strides = [1]} : vector<16xf32> to vector<1xf32>
          %squeeze3A_952 = vector.extract %slice3A_951[0] : f32 from vector<1xf32>
          %add3A_953 = arith.constant 10 : i32
          %add3A_954 = arith.addi %mul3A_700, %add3A_953 : i32
          %get3A_955 = arith.constant 0 : i32
          %get3A_956 = arith.index_cast %get3A_955 : i32 to index
          %get3A_957 = arith.index_cast %add3A_954 : i32 to index
          %get3A_958 = arith.constant 0 : index
          %get3A_959 = tpu.vector_load %arg8[%get3A_956, %get3A_957, %get3A_958] {strides = array<i32>} : memref<2x640x32xf32, #tpu.memory_space<vmem>>, vector<1x1x16xf32>,
          %get3A_960 = vector.shape_cast %get3A_959 : vector<1x1x16xf32> to vector<16xf32>
          %mul3A_961 = vector.broadcast %squeeze3A_952 : f32 to vector<16xf32>
          %mul3A_962 = arith.mulf %mul3A_961, %get3A_960 : vector<16xf32>
          %add3A_963 = arith.addf %add3A_939, %mul3A_962 : vector<16xf32>
          %add3A_964 = arith.constant 10 : i32
          %add3A_965 = arith.addi %mul3A_700, %add3A_964 : i32
          %get3A_966 = arith.constant 0 : i32
          %get3A_967 = arith.index_cast %get3A_966 : i32 to index
          %get3A_968 = arith.index_cast %add3A_965 : i32 to index
          %get3A_969 = arith.constant 16 : index
          %get3A_970 = tpu.vector_load %arg8[%get3A_967, %get3A_968, %get3A_969] {strides = array<i32>} : memref<2x640x32xf32, #tpu.memory_space<vmem>>, vector<1x1x16xf32>,
          %get3A_971 = vector.shape_cast %get3A_970 : vector<1x1x16xf32> to vector<16xf32>
          %mul3A_972 = vector.broadcast %squeeze3A_952 : f32 to vector<16xf32>
          %mul3A_973 = arith.mulf %mul3A_972, %get3A_971 : vector<16xf32>
          %add3A_974 = arith.addf %add3A_950, %mul3A_973 : vector<16xf32>
          %slice3A_975 = vector.extract_strided_slice %get3A_707 {offsets = [11], sizes = [1], strides = [1]} : vector<16xf32> to vector<1xf32>
          %squeeze3A_976 = vector.extract %slice3A_975[0] : f32 from vector<1xf32>
          %add3A_977 = arith.constant 11 : i32
          %add3A_978 = arith.addi %mul3A_700, %add3A_977 : i32
          %get3A_979 = arith.constant 0 : i32
          %get3A_980 = arith.index_cast %get3A_979 : i32 to index
          %get3A_981 = arith.index_cast %add3A_978 : i32 to index
          %get3A_982 = arith.constant 0 : index
          %get3A_983 = tpu.vector_load %arg8[%get3A_980, %get3A_981, %get3A_982] {strides = array<i32>} : memref<2x640x32xf32, #tpu.memory_space<vmem>>, vector<1x1x16xf32>,
          %get3A_984 = vector.shape_cast %get3A_983 : vector<1x1x16xf32> to vector<16xf32>
          %mul3A_985 = vector.broadcast %squeeze3A_976 : f32 to vector<16xf32>
          %mul3A_986 = arith.mulf %mul3A_985, %get3A_984 : vector<16xf32>
          %add3A_987 = arith.addf %add3A_963, %mul3A_986 : vector<16xf32>
          %add3A_988 = arith.constant 11 : i32
          %add3A_989 = arith.addi %mul3A_700, %add3A_988 : i32
          %get3A_990 = arith.constant 0 : i32
          %get3A_991 = arith.index_cast %get3A_990 : i32 to index
          %get3A_992 = arith.index_cast %add3A_989 : i32 to index
          %get3A_993 = arith.constant 16 : index
          %get3A_994 = tpu.vector_load %arg8[%get3A_991, %get3A_992, %get3A_993] {strides = array<i32>} : memref<2x640x32xf32, #tpu.memory_space<vmem>>, vector<1x1x16xf32>,
          %get3A_995 = vector.shape_cast %get3A_994 : vector<1x1x16xf32> to vector<16xf32>
          %mul3A_996 = vector.broadcast %squeeze3A_976 : f32 to vector<16xf32>
          %mul3A_997 = arith.mulf %mul3A_996, %get3A_995 : vector<16xf32>
          %add3A_998 = arith.addf %add3A_974, %mul3A_997 : vector<16xf32>
          %slice3A_999 = vector.extract_strided_slice %get3A_707 {offsets = [12], sizes = [1], strides = [1]} : vector<16xf32> to vector<1xf32>
          %squeeze3A_1000 = vector.extract %slice3A_999[0] : f32 from vector<1xf32>
          %add3A_1001 = arith.constant 12 : i32
          %add3A_1002 = arith.addi %mul3A_700, %add3A_1001 : i32
          %get3A_1003 = arith.constant 0 : i32
          %get3A_1004 = arith.index_cast %get3A_1003 : i32 to index
          %get3A_1005 = arith.index_cast %add3A_1002 : i32 to index
          %get3A_1006 = arith.constant 0 : index
          %get3A_1007 = tpu.vector_load %arg8[%get3A_1004, %get3A_1005, %get3A_1006] {strides = array<i32>} : memref<2x640x32xf32, #tpu.memory_space<vmem>>, vector<1x1x16xf32>,
          %get3A_1008 = vector.shape_cast %get3A_1007 : vector<1x1x16xf32> to vector<16xf32>
          %mul3A_1009 = vector.broadcast %squeeze3A_1000 : f32 to vector<16xf32>
          %mul3A_1010 = arith.mulf %mul3A_1009, %get3A_1008 : vector<16xf32>
          %add3A_1011 = arith.addf %add3A_987, %mul3A_1010 : vector<16xf32>
          %add3A_1012 = arith.constant 12 : i32
          %add3A_1013 = arith.addi %mul3A_700, %add3A_1012 : i32
          %get3A_1014 = arith.constant 0 : i32
          %get3A_1015 = arith.index_cast %get3A_1014 : i32 to index
          %get3A_1016 = arith.index_cast %add3A_1013 : i32 to index
          %get3A_1017 = arith.constant 16 : index
          %get3A_1018 = tpu.vector_load %arg8[%get3A_1015, %get3A_1016, %get3A_1017] {strides = array<i32>} : memref<2x640x32xf32, #tpu.memory_space<vmem>>, vector<1x1x16xf32>,
          %get3A_1019 = vector.shape_cast %get3A_1018 : vector<1x1x16xf32> to vector<16xf32>
          %mul3A_1020 = vector.broadcast %squeeze3A_1000 : f32 to vector<16xf32>
          %mul3A_1021 = arith.mulf %mul3A_1020, %get3A_1019 : vector<16xf32>
          %add3A_1022 = arith.addf %add3A_998, %mul3A_1021 : vector<16xf32>
          %slice3A_1023 = vector.extract_strided_slice %get3A_707 {offsets = [13], sizes = [1], strides = [1]} : vector<16xf32> to vector<1xf32>
          %squeeze3A_1024 = vector.extract %slice3A_1023[0] : f32 from vector<1xf32>
          %add3A_1025 = arith.constant 13 : i32
          %add3A_1026 = arith.addi %mul3A_700, %add3A_1025 : i32
          %get3A_1027 = arith.constant 0 : i32
          %get3A_1028 = arith.index_cast %get3A_1027 : i32 to index
          %get3A_1029 = arith.index_cast %add3A_1026 : i32 to index
          %get3A_1030 = arith.constant 0 : index
          %get3A_1031 = tpu.vector_load %arg8[%get3A_1028, %get3A_1029, %get3A_1030] {strides = array<i32>} : memref<2x640x32xf32, #tpu.memory_space<vmem>>, vector<1x1x16xf32>,
          %get3A_1032 = vector.shape_cast %get3A_1031 : vector<1x1x16xf32> to vector<16xf32>
          %mul3A_1033 = vector.broadcast %squeeze3A_1024 : f32 to vector<16xf32>
          %mul3A_1034 = arith.mulf %mul3A_1033, %get3A_1032 : vector<16xf32>
          %add3A_1035 = arith.addf %add3A_1011, %mul3A_1034 : vector<16xf32>
          %add3A_1036 = arith.constant 13 : i32
          %add3A_1037 = arith.addi %mul3A_700, %add3A_1036 : i32
          %get3A_1038 = arith.constant 0 : i32
          %get3A_1039 = arith.index_cast %get3A_1038 : i32 to index
          %get3A_1040 = arith.index_cast %add3A_1037 : i32 to index
          %get3A_1041 = arith.constant 16 : index
          %get3A_1042 = tpu.vector_load %arg8[%get3A_1039, %get3A_1040, %get3A_1041] {strides = array<i32>} : memref<2x640x32xf32, #tpu.memory_space<vmem>>, vector<1x1x16xf32>,
          %get3A_1043 = vector.shape_cast %get3A_1042 : vector<1x1x16xf32> to vector<16xf32>
          %mul3A_1044 = vector.broadcast %squeeze3A_1024 : f32 to vector<16xf32>
          %mul3A_1045 = arith.mulf %mul3A_1044, %get3A_1043 : vector<16xf32>
          %add3A_1046 = arith.addf %add3A_1022, %mul3A_1045 : vector<16xf32>
          %slice3A_1047 = vector.extract_strided_slice %get3A_707 {offsets = [14], sizes = [1], strides = [1]} : vector<16xf32> to vector<1xf32>
          %squeeze3A_1048 = vector.extract %slice3A_1047[0] : f32 from vector<1xf32>
          %add3A_1049 = arith.constant 14 : i32
          %add3A_1050 = arith.addi %mul3A_700, %add3A_1049 : i32
          %get3A_1051 = arith.constant 0 : i32
          %get3A_1052 = arith.index_cast %get3A_1051 : i32 to index
          %get3A_1053 = arith.index_cast %add3A_1050 : i32 to index
          %get3A_1054 = arith.constant 0 : index
          %get3A_1055 = tpu.vector_load %arg8[%get3A_1052, %get3A_1053, %get3A_1054] {strides = array<i32>} : memref<2x640x32xf32, #tpu.memory_space<vmem>>, vector<1x1x16xf32>,
          %get3A_1056 = vector.shape_cast %get3A_1055 : vector<1x1x16xf32> to vector<16xf32>
          %mul3A_1057 = vector.broadcast %squeeze3A_1048 : f32 to vector<16xf32>
          %mul3A_1058 = arith.mulf %mul3A_1057, %get3A_1056 : vector<16xf32>
          %add3A_1059 = arith.addf %add3A_1035, %mul3A_1058 : vector<16xf32>
          %add3A_1060 = arith.constant 14 : i32
          %add3A_1061 = arith.addi %mul3A_700, %add3A_1060 : i32
          %get3A_1062 = arith.constant 0 : i32
          %get3A_1063 = arith.index_cast %get3A_1062 : i32 to index
          %get3A_1064 = arith.index_cast %add3A_1061 : i32 to index
          %get3A_1065 = arith.constant 16 : index
          %get3A_1066 = tpu.vector_load %arg8[%get3A_1063, %get3A_1064, %get3A_1065] {strides = array<i32>} : memref<2x640x32xf32, #tpu.memory_space<vmem>>, vector<1x1x16xf32>,
          %get3A_1067 = vector.shape_cast %get3A_1066 : vector<1x1x16xf32> to vector<16xf32>
          %mul3A_1068 = vector.broadcast %squeeze3A_1048 : f32 to vector<16xf32>
          %mul3A_1069 = arith.mulf %mul3A_1068, %get3A_1067 : vector<16xf32>
          %add3A_1070 = arith.addf %add3A_1046, %mul3A_1069 : vector<16xf32>
          %slice3A_1071 = vector.extract_strided_slice %get3A_707 {offsets = [15], sizes = [1], strides = [1]} : vector<16xf32> to vector<1xf32>
          %squeeze3A_1072 = vector.extract %slice3A_1071[0] : f32 from vector<1xf32>
          %add3A_1073 = arith.constant 15 : i32
          %add3A_1074 = arith.addi %mul3A_700, %add3A_1073 : i32
          %get3A_1075 = arith.constant 0 : i32
          %get3A_1076 = arith.index_cast %get3A_1075 : i32 to index
          %get3A_1077 = arith.index_cast %add3A_1074 : i32 to index
          %get3A_1078 = arith.constant 0 : index
          %get3A_1079 = tpu.vector_load %arg8[%get3A_1076, %get3A_1077, %get3A_1078] {strides = array<i32>} : memref<2x640x32xf32, #tpu.memory_space<vmem>>, vector<1x1x16xf32>,
          %get3A_1080 = vector.shape_cast %get3A_1079 : vector<1x1x16xf32> to vector<16xf32>
          %mul3A_1081 = vector.broadcast %squeeze3A_1072 : f32 to vector<16xf32>
          %mul3A_1082 = arith.mulf %mul3A_1081, %get3A_1080 : vector<16xf32>
          %add3A_1083 = arith.addf %add3A_1059, %mul3A_1082 : vector<16xf32>
          %add3A_1084 = arith.constant 15 : i32
          %add3A_1085 = arith.addi %mul3A_700, %add3A_1084 : i32
          %get3A_1086 = arith.constant 0 : i32
          %get3A_1087 = arith.index_cast %get3A_1086 : i32 to index
          %get3A_1088 = arith.index_cast %add3A_1085 : i32 to index
          %get3A_1089 = arith.constant 16 : index
          %get3A_1090 = tpu.vector_load %arg8[%get3A_1087, %get3A_1088, %get3A_1089] {strides = array<i32>} : memref<2x640x32xf32, #tpu.memory_space<vmem>>, vector<1x1x16xf32>,
          %get3A_1091 = vector.shape_cast %get3A_1090 : vector<1x1x16xf32> to vector<16xf32>
          %mul3A_1092 = vector.broadcast %squeeze3A_1072 : f32 to vector<16xf32>
          %mul3A_1093 = arith.mulf %mul3A_1092, %get3A_1091 : vector<16xf32>
          %add3A_1094 = arith.addf %add3A_1070, %mul3A_1093 : vector<16xf32>
          %slice3A_1095 = vector.extract_strided_slice %get3A_716 {offsets = [0], sizes = [1], strides = [1]} : vector<16xf32> to vector<1xf32>
          %squeeze3A_1096 = vector.extract %slice3A_1095[0] : f32 from vector<1xf32>
          %add3A_1097 = arith.constant 16 : i32
          %add3A_1098 = arith.addi %mul3A_700, %add3A_1097 : i32
          %get3A_1099 = arith.constant 0 : i32
          %get3A_1100 = arith.index_cast %get3A_1099 : i32 to index
          %get3A_1101 = arith.index_cast %add3A_1098 : i32 to index
          %get3A_1102 = arith.constant 0 : index
          %get3A_1103 = tpu.vector_load %arg8[%get3A_1100, %get3A_1101, %get3A_1102] {strides = array<i32>} : memref<2x640x32xf32, #tpu.memory_space<vmem>>, vector<1x1x16xf32>,
          %get3A_1104 = vector.shape_cast %get3A_1103 : vector<1x1x16xf32> to vector<16xf32>
          %mul3A_1105 = vector.broadcast %squeeze3A_1096 : f32 to vector<16xf32>
          %mul3A_1106 = arith.mulf %mul3A_1105, %get3A_1104 : vector<16xf32>
          %add3A_1107 = arith.addf %add3A_1083, %mul3A_1106 : vector<16xf32>
          %add3A_1108 = arith.constant 16 : i32
          %add3A_1109 = arith.addi %mul3A_700, %add3A_1108 : i32
          %get3A_1110 = arith.constant 0 : i32
          %get3A_1111 = arith.index_cast %get3A_1110 : i32 to index
          %get3A_1112 = arith.index_cast %add3A_1109 : i32 to index
          %get3A_1113 = arith.constant 16 : index
          %get3A_1114 = tpu.vector_load %arg8[%get3A_1111, %get3A_1112, %get3A_1113] {strides = array<i32>} : memref<2x640x32xf32, #tpu.memory_space<vmem>>, vector<1x1x16xf32>,
          %get3A_1115 = vector.shape_cast %get3A_1114 : vector<1x1x16xf32> to vector<16xf32>
          %mul3A_1116 = vector.broadcast %squeeze3A_1096 : f32 to vector<16xf32>
          %mul3A_1117 = arith.mulf %mul3A_1116, %get3A_1115 : vector<16xf32>
          %add3A_1118 = arith.addf %add3A_1094, %mul3A_1117 : vector<16xf32>
          %slice3A_1119 = vector.extract_strided_slice %get3A_716 {offsets = [1], sizes = [1], strides = [1]} : vector<16xf32> to vector<1xf32>
          %squeeze3A_1120 = vector.extract %slice3A_1119[0] : f32 from vector<1xf32>
          %add3A_1121 = arith.constant 17 : i32
          %add3A_1122 = arith.addi %mul3A_700, %add3A_1121 : i32
          %get3A_1123 = arith.constant 0 : i32
          %get3A_1124 = arith.index_cast %get3A_1123 : i32 to index
          %get3A_1125 = arith.index_cast %add3A_1122 : i32 to index
          %get3A_1126 = arith.constant 0 : index
          %get3A_1127 = tpu.vector_load %arg8[%get3A_1124, %get3A_1125, %get3A_1126] {strides = array<i32>} : memref<2x640x32xf32, #tpu.memory_space<vmem>>, vector<1x1x16xf32>,
          %get3A_1128 = vector.shape_cast %get3A_1127 : vector<1x1x16xf32> to vector<16xf32>
          %mul3A_1129 = vector.broadcast %squeeze3A_1120 : f32 to vector<16xf32>
          %mul3A_1130 = arith.mulf %mul3A_1129, %get3A_1128 : vector<16xf32>
          %add3A_1131 = arith.addf %add3A_1107, %mul3A_1130 : vector<16xf32>
          %add3A_1132 = arith.constant 17 : i32
          %add3A_1133 = arith.addi %mul3A_700, %add3A_1132 : i32
          %get3A_1134 = arith.constant 0 : i32
          %get3A_1135 = arith.index_cast %get3A_1134 : i32 to index
          %get3A_1136 = arith.index_cast %add3A_1133 : i32 to index
          %get3A_1137 = arith.constant 16 : index
          %get3A_1138 = tpu.vector_load %arg8[%get3A_1135, %get3A_1136, %get3A_1137] {strides = array<i32>} : memref<2x640x32xf32, #tpu.memory_space<vmem>>, vector<1x1x16xf32>,
          %get3A_1139 = vector.shape_cast %get3A_1138 : vector<1x1x16xf32> to vector<16xf32>
          %mul3A_1140 = vector.broadcast %squeeze3A_1120 : f32 to vector<16xf32>
          %mul3A_1141 = arith.mulf %mul3A_1140, %get3A_1139 : vector<16xf32>
          %add3A_1142 = arith.addf %add3A_1118, %mul3A_1141 : vector<16xf32>
          %slice3A_1143 = vector.extract_strided_slice %get3A_716 {offsets = [2], sizes = [1], strides = [1]} : vector<16xf32> to vector<1xf32>
          %squeeze3A_1144 = vector.extract %slice3A_1143[0] : f32 from vector<1xf32>
          %add3A_1145 = arith.constant 18 : i32
          %add3A_1146 = arith.addi %mul3A_700, %add3A_1145 : i32
          %get3A_1147 = arith.constant 0 : i32
          %get3A_1148 = arith.index_cast %get3A_1147 : i32 to index
          %get3A_1149 = arith.index_cast %add3A_1146 : i32 to index
          %get3A_1150 = arith.constant 0 : index
          %get3A_1151 = tpu.vector_load %arg8[%get3A_1148, %get3A_1149, %get3A_1150] {strides = array<i32>} : memref<2x640x32xf32, #tpu.memory_space<vmem>>, vector<1x1x16xf32>,
          %get3A_1152 = vector.shape_cast %get3A_1151 : vector<1x1x16xf32> to vector<16xf32>
          %mul3A_1153 = vector.broadcast %squeeze3A_1144 : f32 to vector<16xf32>
          %mul3A_1154 = arith.mulf %mul3A_1153, %get3A_1152 : vector<16xf32>
          %add3A_1155 = arith.addf %add3A_1131, %mul3A_1154 : vector<16xf32>
          %add3A_1156 = arith.constant 18 : i32
          %add3A_1157 = arith.addi %mul3A_700, %add3A_1156 : i32
          %get3A_1158 = arith.constant 0 : i32
          %get3A_1159 = arith.index_cast %get3A_1158 : i32 to index
          %get3A_1160 = arith.index_cast %add3A_1157 : i32 to index
          %get3A_1161 = arith.constant 16 : index
          %get3A_1162 = tpu.vector_load %arg8[%get3A_1159, %get3A_1160, %get3A_1161] {strides = array<i32>} : memref<2x640x32xf32, #tpu.memory_space<vmem>>, vector<1x1x16xf32>,
          %get3A_1163 = vector.shape_cast %get3A_1162 : vector<1x1x16xf32> to vector<16xf32>
          %mul3A_1164 = vector.broadcast %squeeze3A_1144 : f32 to vector<16xf32>
          %mul3A_1165 = arith.mulf %mul3A_1164, %get3A_1163 : vector<16xf32>
          %add3A_1166 = arith.addf %add3A_1142, %mul3A_1165 : vector<16xf32>
          %slice3A_1167 = vector.extract_strided_slice %get3A_716 {offsets = [3], sizes = [1], strides = [1]} : vector<16xf32> to vector<1xf32>
          %squeeze3A_1168 = vector.extract %slice3A_1167[0] : f32 from vector<1xf32>
          %add3A_1169 = arith.constant 19 : i32
          %add3A_1170 = arith.addi %mul3A_700, %add3A_1169 : i32
          %get3A_1171 = arith.constant 0 : i32
          %get3A_1172 = arith.index_cast %get3A_1171 : i32 to index
          %get3A_1173 = arith.index_cast %add3A_1170 : i32 to index
          %get3A_1174 = arith.constant 0 : index
          %get3A_1175 = tpu.vector_load %arg8[%get3A_1172, %get3A_1173, %get3A_1174] {strides = array<i32>} : memref<2x640x32xf32, #tpu.memory_space<vmem>>, vector<1x1x16xf32>,
          %get3A_1176 = vector.shape_cast %get3A_1175 : vector<1x1x16xf32> to vector<16xf32>
          %mul3A_1177 = vector.broadcast %squeeze3A_1168 : f32 to vector<16xf32>
          %mul3A_1178 = arith.mulf %mul3A_1177, %get3A_1176 : vector<16xf32>
          %add3A_1179 = arith.addf %add3A_1155, %mul3A_1178 : vector<16xf32>
          %add3A_1180 = arith.constant 19 : i32
          %add3A_1181 = arith.addi %mul3A_700, %add3A_1180 : i32
          %get3A_1182 = arith.constant 0 : i32
          %get3A_1183 = arith.index_cast %get3A_1182 : i32 to index
          %get3A_1184 = arith.index_cast %add3A_1181 : i32 to index
          %get3A_1185 = arith.constant 16 : index
          %get3A_1186 = tpu.vector_load %arg8[%get3A_1183, %get3A_1184, %get3A_1185] {strides = array<i32>} : memref<2x640x32xf32, #tpu.memory_space<vmem>>, vector<1x1x16xf32>,
          %get3A_1187 = vector.shape_cast %get3A_1186 : vector<1x1x16xf32> to vector<16xf32>
          %mul3A_1188 = vector.broadcast %squeeze3A_1168 : f32 to vector<16xf32>
          %mul3A_1189 = arith.mulf %mul3A_1188, %get3A_1187 : vector<16xf32>
          %add3A_1190 = arith.addf %add3A_1166, %mul3A_1189 : vector<16xf32>
          %swap3A_1191 = arith.constant 0 : i32
          %swap3A_1192 = arith.index_cast %swap3A_1191 : i32 to index
          %swap3A_1193 = arith.index_cast %scan3A_698 : i32 to index
          %swap3A_1194 = arith.constant 0 : index
          %swap3A_1195 = tpu.vector_load %arg9[%swap3A_1192, %swap3A_1193, %swap3A_1194] {strides = array<i32>} : memref<2x32x32xf32, #tpu.memory_space<vmem>>, vector<1x1x16xf32>,
          %swap3A_1196 = vector.shape_cast %swap3A_1195 : vector<1x1x16xf32> to vector<16xf32>
          %swap3A_1197 = vector.shape_cast %add3A_1179 : vector<16xf32> to vector<1x1x16xf32>
          tpu.vector_store %arg9[%swap3A_1192, %swap3A_1193, %swap3A_1194], %swap3A_1197 {strides = array<i32>} : memref<2x32x32xf32, #tpu.memory_space<vmem>>, vector<1x1x16xf32>,
          %swap3A_1198 = arith.constant 0 : i32
          %swap3A_1199 = arith.index_cast %swap3A_1198 : i32 to index
          %swap3A_1200 = arith.index_cast %scan3A_698 : i32 to index
          %swap3A_1201 = arith.constant 16 : index
          %swap3A_1202 = tpu.vector_load %arg9[%swap3A_1199, %swap3A_1200, %swap3A_1201] {strides = array<i32>} : memref<2x32x32xf32, #tpu.memory_space<vmem>>, vector<1x1x16xf32>,
          %swap3A_1203 = vector.shape_cast %swap3A_1202 : vector<1x1x16xf32> to vector<16xf32>
          %swap3A_1204 = vector.shape_cast %add3A_1190 : vector<16xf32> to vector<1x1x16xf32>
          tpu.vector_store %arg9[%swap3A_1199, %swap3A_1200, %swap3A_1201], %swap3A_1204 {strides = array<i32>} : memref<2x32x32xf32, #tpu.memory_space<vmem>>, vector<1x1x16xf32>,
          %scan3A_1205 = arith.constant 2 : i32
          %scan3A_1206 = arith.addi %scan3A_194, %scan3A_1205 : i32
          %mul3A_1207 = arith.constant 20 : i32
          %mul3A_1208 = arith.muli %scan3A_1206, %mul3A_1207 : i32
          %mul3A_1209 = arith.constant 32 : i32
          %mul3A_1210 = arith.muli %scan3A_1206, %mul3A_1209 : i32
          %get3A_1211 = arith.constant 0 : i32
          %get3A_1212 = arith.index_cast %get3A_1211 : i32 to index
          %get3A_1213 = arith.index_cast %mul3A_1210 : i32 to index
          %get3A_1214 = tpu.vector_load %arg7[%get3A_1212, %get3A_1213] {strides = array<i32>} : memref<2x1024xf32, #tpu.memory_space<vmem>>, vector<1x16xf32>,
          %get3A_1215 = vector.shape_cast %get3A_1214 : vector<1x16xf32> to vector<16xf32>
          %mul3A_1216 = arith.constant 32 : i32
          %mul3A_1217 = arith.muli %scan3A_1206, %mul3A_1216 : i32
          %add3A_1218 = arith.constant 16 : i32
          %add3A_1219 = arith.addi %mul3A_1217, %add3A_1218 : i32
          %get3A_1220 = arith.constant 0 : i32
          %get3A_1221 = arith.index_cast %get3A_1220 : i32 to index
          %get3A_1222 = arith.index_cast %add3A_1219 : i32 to index
          %get3A_1223 = tpu.vector_load %arg7[%get3A_1221, %get3A_1222] {strides = array<i32>} : memref<2x1024xf32, #tpu.memory_space<vmem>>, vector<1x16xf32>,
          %get3A_1224 = vector.shape_cast %get3A_1223 : vector<1x16xf32> to vector<16xf32>
          %slice3A_1225 = vector.extract_strided_slice %get3A_1215 {offsets = [0], sizes = [1], strides = [1]} : vector<16xf32> to vector<1xf32>
          %squeeze3A_1226 = vector.extract %slice3A_1225[0] : f32 from vector<1xf32>
          %get3A_1227 = arith.constant 0 : i32
          %get3A_1228 = arith.index_cast %get3A_1227 : i32 to index
          %get3A_1229 = arith.index_cast %mul3A_1208 : i32 to index
          %get3A_1230 = arith.constant 0 : index
          %get3A_1231 = tpu.vector_load %arg8[%get3A_1228, %get3A_1229, %get3A_1230] {strides = array<i32>} : memref<2x640x32xf32, #tpu.memory_space<vmem>>, vector<1x1x16xf32>,
          %get3A_1232 = vector.shape_cast %get3A_1231 : vector<1x1x16xf32> to vector<16xf32>
          %mul3A_1233 = vector.broadcast %squeeze3A_1226 : f32 to vector<16xf32>
          %mul3A_1234 = arith.mulf %mul3A_1233, %get3A_1232 : vector<16xf32>
          %get3A_1235 = arith.constant 0 : i32
          %get3A_1236 = arith.index_cast %get3A_1235 : i32 to index
          %get3A_1237 = arith.index_cast %mul3A_1208 : i32 to index
          %get3A_1238 = arith.constant 16 : index
          %get3A_1239 = tpu.vector_load %arg8[%get3A_1236, %get3A_1237, %get3A_1238] {strides = array<i32>} : memref<2x640x32xf32, #tpu.memory_space<vmem>>, vector<1x1x16xf32>,
          %get3A_1240 = vector.shape_cast %get3A_1239 : vector<1x1x16xf32> to vector<16xf32>
          %mul3A_1241 = vector.broadcast %squeeze3A_1226 : f32 to vector<16xf32>
          %mul3A_1242 = arith.mulf %mul3A_1241, %get3A_1240 : vector<16xf32>
          %slice3A_1243 = vector.extract_strided_slice %get3A_1215 {offsets = [1], sizes = [1], strides = [1]} : vector<16xf32> to vector<1xf32>
          %squeeze3A_1244 = vector.extract %slice3A_1243[0] : f32 from vector<1xf32>
          %add3A_1245 = arith.constant 1 : i32
          %add3A_1246 = arith.addi %mul3A_1208, %add3A_1245 : i32
          %get3A_1247 = arith.constant 0 : i32
          %get3A_1248 = arith.index_cast %get3A_1247 : i32 to index
          %get3A_1249 = arith.index_cast %add3A_1246 : i32 to index
          %get3A_1250 = arith.constant 0 : index
          %get3A_1251 = tpu.vector_load %arg8[%get3A_1248, %get3A_1249, %get3A_1250] {strides = array<i32>} : memref<2x640x32xf32, #tpu.memory_space<vmem>>, vector<1x1x16xf32>,
          %get3A_1252 = vector.shape_cast %get3A_1251 : vector<1x1x16xf32> to vector<16xf32>
          %mul3A_1253 = vector.broadcast %squeeze3A_1244 : f32 to vector<16xf32>
          %mul3A_1254 = arith.mulf %mul3A_1253, %get3A_1252 : vector<16xf32>
          %add3A_1255 = arith.addf %mul3A_1234, %mul3A_1254 : vector<16xf32>
          %add3A_1256 = arith.constant 1 : i32
          %add3A_1257 = arith.addi %mul3A_1208, %add3A_1256 : i32
          %get3A_1258 = arith.constant 0 : i32
          %get3A_1259 = arith.index_cast %get3A_1258 : i32 to index
          %get3A_1260 = arith.index_cast %add3A_1257 : i32 to index
          %get3A_1261 = arith.constant 16 : index
          %get3A_1262 = tpu.vector_load %arg8[%get3A_1259, %get3A_1260, %get3A_1261] {strides = array<i32>} : memref<2x640x32xf32, #tpu.memory_space<vmem>>, vector<1x1x16xf32>,
          %get3A_1263 = vector.shape_cast %get3A_1262 : vector<1x1x16xf32> to vector<16xf32>
          %mul3A_1264 = vector.broadcast %squeeze3A_1244 : f32 to vector<16xf32>
          %mul3A_1265 = arith.mulf %mul3A_1264, %get3A_1263 : vector<16xf32>
          %add3A_1266 = arith.addf %mul3A_1242, %mul3A_1265 : vector<16xf32>
          %slice3A_1267 = vector.extract_strided_slice %get3A_1215 {offsets = [2], sizes = [1], strides = [1]} : vector<16xf32> to vector<1xf32>
          %squeeze3A_1268 = vector.extract %slice3A_1267[0] : f32 from vector<1xf32>
          %add3A_1269 = arith.constant 2 : i32
          %add3A_1270 = arith.addi %mul3A_1208, %add3A_1269 : i32
          %get3A_1271 = arith.constant 0 : i32
          %get3A_1272 = arith.index_cast %get3A_1271 : i32 to index
          %get3A_1273 = arith.index_cast %add3A_1270 : i32 to index
          %get3A_1274 = arith.constant 0 : index
          %get3A_1275 = tpu.vector_load %arg8[%get3A_1272, %get3A_1273, %get3A_1274] {strides = array<i32>} : memref<2x640x32xf32, #tpu.memory_space<vmem>>, vector<1x1x16xf32>,
          %get3A_1276 = vector.shape_cast %get3A_1275 : vector<1x1x16xf32> to vector<16xf32>
          %mul3A_1277 = vector.broadcast %squeeze3A_1268 : f32 to vector<16xf32>
          %mul3A_1278 = arith.mulf %mul3A_1277, %get3A_1276 : vector<16xf32>
          %add3A_1279 = arith.addf %add3A_1255, %mul3A_1278 : vector<16xf32>
          %add3A_1280 = arith.constant 2 : i32
          %add3A_1281 = arith.addi %mul3A_1208, %add3A_1280 : i32
          %get3A_1282 = arith.constant 0 : i32
          %get3A_1283 = arith.index_cast %get3A_1282 : i32 to index
          %get3A_1284 = arith.index_cast %add3A_1281 : i32 to index
          %get3A_1285 = arith.constant 16 : index
          %get3A_1286 = tpu.vector_load %arg8[%get3A_1283, %get3A_1284, %get3A_1285] {strides = array<i32>} : memref<2x640x32xf32, #tpu.memory_space<vmem>>, vector<1x1x16xf32>,
          %get3A_1287 = vector.shape_cast %get3A_1286 : vector<1x1x16xf32> to vector<16xf32>
          %mul3A_1288 = vector.broadcast %squeeze3A_1268 : f32 to vector<16xf32>
          %mul3A_1289 = arith.mulf %mul3A_1288, %get3A_1287 : vector<16xf32>
          %add3A_1290 = arith.addf %add3A_1266, %mul3A_1289 : vector<16xf32>
          %slice3A_1291 = vector.extract_strided_slice %get3A_1215 {offsets = [3], sizes = [1], strides = [1]} : vector<16xf32> to vector<1xf32>
          %squeeze3A_1292 = vector.extract %slice3A_1291[0] : f32 from vector<1xf32>
          %add3A_1293 = arith.constant 3 : i32
          %add3A_1294 = arith.addi %mul3A_1208, %add3A_1293 : i32
          %get3A_1295 = arith.constant 0 : i32
          %get3A_1296 = arith.index_cast %get3A_1295 : i32 to index
          %get3A_1297 = arith.index_cast %add3A_1294 : i32 to index
          %get3A_1298 = arith.constant 0 : index
          %get3A_1299 = tpu.vector_load %arg8[%get3A_1296, %get3A_1297, %get3A_1298] {strides = array<i32>} : memref<2x640x32xf32, #tpu.memory_space<vmem>>, vector<1x1x16xf32>,
          %get3A_1300 = vector.shape_cast %get3A_1299 : vector<1x1x16xf32> to vector<16xf32>
          %mul3A_1301 = vector.broadcast %squeeze3A_1292 : f32 to vector<16xf32>
          %mul3A_1302 = arith.mulf %mul3A_1301, %get3A_1300 : vector<16xf32>
          %add3A_1303 = arith.addf %add3A_1279, %mul3A_1302 : vector<16xf32>
          %add3A_1304 = arith.constant 3 : i32
          %add3A_1305 = arith.addi %mul3A_1208, %add3A_1304 : i32
          %get3A_1306 = arith.constant 0 : i32
          %get3A_1307 = arith.index_cast %get3A_1306 : i32 to index
          %get3A_1308 = arith.index_cast %add3A_1305 : i32 to index
          %get3A_1309 = arith.constant 16 : index
          %get3A_1310 = tpu.vector_load %arg8[%get3A_1307, %get3A_1308, %get3A_1309] {strides = array<i32>} : memref<2x640x32xf32, #tpu.memory_space<vmem>>, vector<1x1x16xf32>,
          %get3A_1311 = vector.shape_cast %get3A_1310 : vector<1x1x16xf32> to vector<16xf32>
          %mul3A_1312 = vector.broadcast %squeeze3A_1292 : f32 to vector<16xf32>
          %mul3A_1313 = arith.mulf %mul3A_1312, %get3A_1311 : vector<16xf32>
          %add3A_1314 = arith.addf %add3A_1290, %mul3A_1313 : vector<16xf32>
          %slice3A_1315 = vector.extract_strided_slice %get3A_1215 {offsets = [4], sizes = [1], strides = [1]} : vector<16xf32> to vector<1xf32>
          %squeeze3A_1316 = vector.extract %slice3A_1315[0] : f32 from vector<1xf32>
          %add3A_1317 = arith.constant 4 : i32
          %add3A_1318 = arith.addi %mul3A_1208, %add3A_1317 : i32
          %get3A_1319 = arith.constant 0 : i32
          %get3A_1320 = arith.index_cast %get3A_1319 : i32 to index
          %get3A_1321 = arith.index_cast %add3A_1318 : i32 to index
          %get3A_1322 = arith.constant 0 : index
          %get3A_1323 = tpu.vector_load %arg8[%get3A_1320, %get3A_1321, %get3A_1322] {strides = array<i32>} : memref<2x640x32xf32, #tpu.memory_space<vmem>>, vector<1x1x16xf32>,
          %get3A_1324 = vector.shape_cast %get3A_1323 : vector<1x1x16xf32> to vector<16xf32>
          %mul3A_1325 = vector.broadcast %squeeze3A_1316 : f32 to vector<16xf32>
          %mul3A_1326 = arith.mulf %mul3A_1325, %get3A_1324 : vector<16xf32>
          %add3A_1327 = arith.addf %add3A_1303, %mul3A_1326 : vector<16xf32>
          %add3A_1328 = arith.constant 4 : i32
          %add3A_1329 = arith.addi %mul3A_1208, %add3A_1328 : i32
          %get3A_1330 = arith.constant 0 : i32
          %get3A_1331 = arith.index_cast %get3A_1330 : i32 to index
          %get3A_1332 = arith.index_cast %add3A_1329 : i32 to index
          %get3A_1333 = arith.constant 16 : index
          %get3A_1334 = tpu.vector_load %arg8[%get3A_1331, %get3A_1332, %get3A_1333] {strides = array<i32>} : memref<2x640x32xf32, #tpu.memory_space<vmem>>, vector<1x1x16xf32>,
          %get3A_1335 = vector.shape_cast %get3A_1334 : vector<1x1x16xf32> to vector<16xf32>
          %mul3A_1336 = vector.broadcast %squeeze3A_1316 : f32 to vector<16xf32>
          %mul3A_1337 = arith.mulf %mul3A_1336, %get3A_1335 : vector<16xf32>
          %add3A_1338 = arith.addf %add3A_1314, %mul3A_1337 : vector<16xf32>
          %slice3A_1339 = vector.extract_strided_slice %get3A_1215 {offsets = [5], sizes = [1], strides = [1]} : vector<16xf32> to vector<1xf32>
          %squeeze3A_1340 = vector.extract %slice3A_1339[0] : f32 from vector<1xf32>
          %add3A_1341 = arith.constant 5 : i32
          %add3A_1342 = arith.addi %mul3A_1208, %add3A_1341 : i32
          %get3A_1343 = arith.constant 0 : i32
          %get3A_1344 = arith.index_cast %get3A_1343 : i32 to index
          %get3A_1345 = arith.index_cast %add3A_1342 : i32 to index
          %get3A_1346 = arith.constant 0 : index
          %get3A_1347 = tpu.vector_load %arg8[%get3A_1344, %get3A_1345, %get3A_1346] {strides = array<i32>} : memref<2x640x32xf32, #tpu.memory_space<vmem>>, vector<1x1x16xf32>,
          %get3A_1348 = vector.shape_cast %get3A_1347 : vector<1x1x16xf32> to vector<16xf32>
          %mul3A_1349 = vector.broadcast %squeeze3A_1340 : f32 to vector<16xf32>
          %mul3A_1350 = arith.mulf %mul3A_1349, %get3A_1348 : vector<16xf32>
          %add3A_1351 = arith.addf %add3A_1327, %mul3A_1350 : vector<16xf32>
          %add3A_1352 = arith.constant 5 : i32
          %add3A_1353 = arith.addi %mul3A_1208, %add3A_1352 : i32
          %get3A_1354 = arith.constant 0 : i32
          %get3A_1355 = arith.index_cast %get3A_1354 : i32 to index
          %get3A_1356 = arith.index_cast %add3A_1353 : i32 to index
          %get3A_1357 = arith.constant 16 : index
          %get3A_1358 = tpu.vector_load %arg8[%get3A_1355, %get3A_1356, %get3A_1357] {strides = array<i32>} : memref<2x640x32xf32, #tpu.memory_space<vmem>>, vector<1x1x16xf32>,
          %get3A_1359 = vector.shape_cast %get3A_1358 : vector<1x1x16xf32> to vector<16xf32>
          %mul3A_1360 = vector.broadcast %squeeze3A_1340 : f32 to vector<16xf32>
          %mul3A_1361 = arith.mulf %mul3A_1360, %get3A_1359 : vector<16xf32>
          %add3A_1362 = arith.addf %add3A_1338, %mul3A_1361 : vector<16xf32>
          %slice3A_1363 = vector.extract_strided_slice %get3A_1215 {offsets = [6], sizes = [1], strides = [1]} : vector<16xf32> to vector<1xf32>
          %squeeze3A_1364 = vector.extract %slice3A_1363[0] : f32 from vector<1xf32>
          %add3A_1365 = arith.constant 6 : i32
          %add3A_1366 = arith.addi %mul3A_1208, %add3A_1365 : i32
          %get3A_1367 = arith.constant 0 : i32
          %get3A_1368 = arith.index_cast %get3A_1367 : i32 to index
          %get3A_1369 = arith.index_cast %add3A_1366 : i32 to index
          %get3A_1370 = arith.constant 0 : index
          %get3A_1371 = tpu.vector_load %arg8[%get3A_1368, %get3A_1369, %get3A_1370] {strides = array<i32>} : memref<2x640x32xf32, #tpu.memory_space<vmem>>, vector<1x1x16xf32>,
          %get3A_1372 = vector.shape_cast %get3A_1371 : vector<1x1x16xf32> to vector<16xf32>
          %mul3A_1373 = vector.broadcast %squeeze3A_1364 : f32 to vector<16xf32>
          %mul3A_1374 = arith.mulf %mul3A_1373, %get3A_1372 : vector<16xf32>
          %add3A_1375 = arith.addf %add3A_1351, %mul3A_1374 : vector<16xf32>
          %add3A_1376 = arith.constant 6 : i32
          %add3A_1377 = arith.addi %mul3A_1208, %add3A_1376 : i32
          %get3A_1378 = arith.constant 0 : i32
          %get3A_1379 = arith.index_cast %get3A_1378 : i32 to index
          %get3A_1380 = arith.index_cast %add3A_1377 : i32 to index
          %get3A_1381 = arith.constant 16 : index
          %get3A_1382 = tpu.vector_load %arg8[%get3A_1379, %get3A_1380, %get3A_1381] {strides = array<i32>} : memref<2x640x32xf32, #tpu.memory_space<vmem>>, vector<1x1x16xf32>,
          %get3A_1383 = vector.shape_cast %get3A_1382 : vector<1x1x16xf32> to vector<16xf32>
          %mul3A_1384 = vector.broadcast %squeeze3A_1364 : f32 to vector<16xf32>
          %mul3A_1385 = arith.mulf %mul3A_1384, %get3A_1383 : vector<16xf32>
          %add3A_1386 = arith.addf %add3A_1362, %mul3A_1385 : vector<16xf32>
          %slice3A_1387 = vector.extract_strided_slice %get3A_1215 {offsets = [7], sizes = [1], strides = [1]} : vector<16xf32> to vector<1xf32>
          %squeeze3A_1388 = vector.extract %slice3A_1387[0] : f32 from vector<1xf32>
          %add3A_1389 = arith.constant 7 : i32
          %add3A_1390 = arith.addi %mul3A_1208, %add3A_1389 : i32
          %get3A_1391 = arith.constant 0 : i32
          %get3A_1392 = arith.index_cast %get3A_1391 : i32 to index
          %get3A_1393 = arith.index_cast %add3A_1390 : i32 to index
          %get3A_1394 = arith.constant 0 : index
          %get3A_1395 = tpu.vector_load %arg8[%get3A_1392, %get3A_1393, %get3A_1394] {strides = array<i32>} : memref<2x640x32xf32, #tpu.memory_space<vmem>>, vector<1x1x16xf32>,
          %get3A_1396 = vector.shape_cast %get3A_1395 : vector<1x1x16xf32> to vector<16xf32>
          %mul3A_1397 = vector.broadcast %squeeze3A_1388 : f32 to vector<16xf32>
          %mul3A_1398 = arith.mulf %mul3A_1397, %get3A_1396 : vector<16xf32>
          %add3A_1399 = arith.addf %add3A_1375, %mul3A_1398 : vector<16xf32>
          %add3A_1400 = arith.constant 7 : i32
          %add3A_1401 = arith.addi %mul3A_1208, %add3A_1400 : i32
          %get3A_1402 = arith.constant 0 : i32
          %get3A_1403 = arith.index_cast %get3A_1402 : i32 to index
          %get3A_1404 = arith.index_cast %add3A_1401 : i32 to index
          %get3A_1405 = arith.constant 16 : index
          %get3A_1406 = tpu.vector_load %arg8[%get3A_1403, %get3A_1404, %get3A_1405] {strides = array<i32>} : memref<2x640x32xf32, #tpu.memory_space<vmem>>, vector<1x1x16xf32>,
          %get3A_1407 = vector.shape_cast %get3A_1406 : vector<1x1x16xf32> to vector<16xf32>
          %mul3A_1408 = vector.broadcast %squeeze3A_1388 : f32 to vector<16xf32>
          %mul3A_1409 = arith.mulf %mul3A_1408, %get3A_1407 : vector<16xf32>
          %add3A_1410 = arith.addf %add3A_1386, %mul3A_1409 : vector<16xf32>
          %slice3A_1411 = vector.extract_strided_slice %get3A_1215 {offsets = [8], sizes = [1], strides = [1]} : vector<16xf32> to vector<1xf32>
          %squeeze3A_1412 = vector.extract %slice3A_1411[0] : f32 from vector<1xf32>
          %add3A_1413 = arith.constant 8 : i32
          %add3A_1414 = arith.addi %mul3A_1208, %add3A_1413 : i32
          %get3A_1415 = arith.constant 0 : i32
          %get3A_1416 = arith.index_cast %get3A_1415 : i32 to index
          %get3A_1417 = arith.index_cast %add3A_1414 : i32 to index
          %get3A_1418 = arith.constant 0 : index
          %get3A_1419 = tpu.vector_load %arg8[%get3A_1416, %get3A_1417, %get3A_1418] {strides = array<i32>} : memref<2x640x32xf32, #tpu.memory_space<vmem>>, vector<1x1x16xf32>,
          %get3A_1420 = vector.shape_cast %get3A_1419 : vector<1x1x16xf32> to vector<16xf32>
          %mul3A_1421 = vector.broadcast %squeeze3A_1412 : f32 to vector<16xf32>
          %mul3A_1422 = arith.mulf %mul3A_1421, %get3A_1420 : vector<16xf32>
          %add3A_1423 = arith.addf %add3A_1399, %mul3A_1422 : vector<16xf32>
          %add3A_1424 = arith.constant 8 : i32
          %add3A_1425 = arith.addi %mul3A_1208, %add3A_1424 : i32
          %get3A_1426 = arith.constant 0 : i32
          %get3A_1427 = arith.index_cast %get3A_1426 : i32 to index
          %get3A_1428 = arith.index_cast %add3A_1425 : i32 to index
          %get3A_1429 = arith.constant 16 : index
          %get3A_1430 = tpu.vector_load %arg8[%get3A_1427, %get3A_1428, %get3A_1429] {strides = array<i32>} : memref<2x640x32xf32, #tpu.memory_space<vmem>>, vector<1x1x16xf32>,
          %get3A_1431 = vector.shape_cast %get3A_1430 : vector<1x1x16xf32> to vector<16xf32>
          %mul3A_1432 = vector.broadcast %squeeze3A_1412 : f32 to vector<16xf32>
          %mul3A_1433 = arith.mulf %mul3A_1432, %get3A_1431 : vector<16xf32>
          %add3A_1434 = arith.addf %add3A_1410, %mul3A_1433 : vector<16xf32>
          %slice3A_1435 = vector.extract_strided_slice %get3A_1215 {offsets = [9], sizes = [1], strides = [1]} : vector<16xf32> to vector<1xf32>
          %squeeze3A_1436 = vector.extract %slice3A_1435[0] : f32 from vector<1xf32>
          %add3A_1437 = arith.constant 9 : i32
          %add3A_1438 = arith.addi %mul3A_1208, %add3A_1437 : i32
          %get3A_1439 = arith.constant 0 : i32
          %get3A_1440 = arith.index_cast %get3A_1439 : i32 to index
          %get3A_1441 = arith.index_cast %add3A_1438 : i32 to index
          %get3A_1442 = arith.constant 0 : index
          %get3A_1443 = tpu.vector_load %arg8[%get3A_1440, %get3A_1441, %get3A_1442] {strides = array<i32>} : memref<2x640x32xf32, #tpu.memory_space<vmem>>, vector<1x1x16xf32>,
          %get3A_1444 = vector.shape_cast %get3A_1443 : vector<1x1x16xf32> to vector<16xf32>
          %mul3A_1445 = vector.broadcast %squeeze3A_1436 : f32 to vector<16xf32>
          %mul3A_1446 = arith.mulf %mul3A_1445, %get3A_1444 : vector<16xf32>
          %add3A_1447 = arith.addf %add3A_1423, %mul3A_1446 : vector<16xf32>
          %add3A_1448 = arith.constant 9 : i32
          %add3A_1449 = arith.addi %mul3A_1208, %add3A_1448 : i32
          %get3A_1450 = arith.constant 0 : i32
          %get3A_1451 = arith.index_cast %get3A_1450 : i32 to index
          %get3A_1452 = arith.index_cast %add3A_1449 : i32 to index
          %get3A_1453 = arith.constant 16 : index
          %get3A_1454 = tpu.vector_load %arg8[%get3A_1451, %get3A_1452, %get3A_1453] {strides = array<i32>} : memref<2x640x32xf32, #tpu.memory_space<vmem>>, vector<1x1x16xf32>,
          %get3A_1455 = vector.shape_cast %get3A_1454 : vector<1x1x16xf32> to vector<16xf32>
          %mul3A_1456 = vector.broadcast %squeeze3A_1436 : f32 to vector<16xf32>
          %mul3A_1457 = arith.mulf %mul3A_1456, %get3A_1455 : vector<16xf32>
          %add3A_1458 = arith.addf %add3A_1434, %mul3A_1457 : vector<16xf32>
          %slice3A_1459 = vector.extract_strided_slice %get3A_1215 {offsets = [10], sizes = [1], strides = [1]} : vector<16xf32> to vector<1xf32>
          %squeeze3A_1460 = vector.extract %slice3A_1459[0] : f32 from vector<1xf32>
          %add3A_1461 = arith.constant 10 : i32
          %add3A_1462 = arith.addi %mul3A_1208, %add3A_1461 : i32
          %get3A_1463 = arith.constant 0 : i32
          %get3A_1464 = arith.index_cast %get3A_1463 : i32 to index
          %get3A_1465 = arith.index_cast %add3A_1462 : i32 to index
          %get3A_1466 = arith.constant 0 : index
          %get3A_1467 = tpu.vector_load %arg8[%get3A_1464, %get3A_1465, %get3A_1466] {strides = array<i32>} : memref<2x640x32xf32, #tpu.memory_space<vmem>>, vector<1x1x16xf32>,
          %get3A_1468 = vector.shape_cast %get3A_1467 : vector<1x1x16xf32> to vector<16xf32>
          %mul3A_1469 = vector.broadcast %squeeze3A_1460 : f32 to vector<16xf32>
          %mul3A_1470 = arith.mulf %mul3A_1469, %get3A_1468 : vector<16xf32>
          %add3A_1471 = arith.addf %add3A_1447, %mul3A_1470 : vector<16xf32>
          %add3A_1472 = arith.constant 10 : i32
          %add3A_1473 = arith.addi %mul3A_1208, %add3A_1472 : i32
          %get3A_1474 = arith.constant 0 : i32
          %get3A_1475 = arith.index_cast %get3A_1474 : i32 to index
          %get3A_1476 = arith.index_cast %add3A_1473 : i32 to index
          %get3A_1477 = arith.constant 16 : index
          %get3A_1478 = tpu.vector_load %arg8[%get3A_1475, %get3A_1476, %get3A_1477] {strides = array<i32>} : memref<2x640x32xf32, #tpu.memory_space<vmem>>, vector<1x1x16xf32>,
          %get3A_1479 = vector.shape_cast %get3A_1478 : vector<1x1x16xf32> to vector<16xf32>
          %mul3A_1480 = vector.broadcast %squeeze3A_1460 : f32 to vector<16xf32>
          %mul3A_1481 = arith.mulf %mul3A_1480, %get3A_1479 : vector<16xf32>
          %add3A_1482 = arith.addf %add3A_1458, %mul3A_1481 : vector<16xf32>
          %slice3A_1483 = vector.extract_strided_slice %get3A_1215 {offsets = [11], sizes = [1], strides = [1]} : vector<16xf32> to vector<1xf32>
          %squeeze3A_1484 = vector.extract %slice3A_1483[0] : f32 from vector<1xf32>
          %add3A_1485 = arith.constant 11 : i32
          %add3A_1486 = arith.addi %mul3A_1208, %add3A_1485 : i32
          %get3A_1487 = arith.constant 0 : i32
          %get3A_1488 = arith.index_cast %get3A_1487 : i32 to index
          %get3A_1489 = arith.index_cast %add3A_1486 : i32 to index
          %get3A_1490 = arith.constant 0 : index
          %get3A_1491 = tpu.vector_load %arg8[%get3A_1488, %get3A_1489, %get3A_1490] {strides = array<i32>} : memref<2x640x32xf32, #tpu.memory_space<vmem>>, vector<1x1x16xf32>,
          %get3A_1492 = vector.shape_cast %get3A_1491 : vector<1x1x16xf32> to vector<16xf32>
          %mul3A_1493 = vector.broadcast %squeeze3A_1484 : f32 to vector<16xf32>
          %mul3A_1494 = arith.mulf %mul3A_1493, %get3A_1492 : vector<16xf32>
          %add3A_1495 = arith.addf %add3A_1471, %mul3A_1494 : vector<16xf32>
          %add3A_1496 = arith.constant 11 : i32
          %add3A_1497 = arith.addi %mul3A_1208, %add3A_1496 : i32
          %get3A_1498 = arith.constant 0 : i32
          %get3A_1499 = arith.index_cast %get3A_1498 : i32 to index
          %get3A_1500 = arith.index_cast %add3A_1497 : i32 to index
          %get3A_1501 = arith.constant 16 : index
          %get3A_1502 = tpu.vector_load %arg8[%get3A_1499, %get3A_1500, %get3A_1501] {strides = array<i32>} : memref<2x640x32xf32, #tpu.memory_space<vmem>>, vector<1x1x16xf32>,
          %get3A_1503 = vector.shape_cast %get3A_1502 : vector<1x1x16xf32> to vector<16xf32>
          %mul3A_1504 = vector.broadcast %squeeze3A_1484 : f32 to vector<16xf32>
          %mul3A_1505 = arith.mulf %mul3A_1504, %get3A_1503 : vector<16xf32>
          %add3A_1506 = arith.addf %add3A_1482, %mul3A_1505 : vector<16xf32>
          %slice3A_1507 = vector.extract_strided_slice %get3A_1215 {offsets = [12], sizes = [1], strides = [1]} : vector<16xf32> to vector<1xf32>
          %squeeze3A_1508 = vector.extract %slice3A_1507[0] : f32 from vector<1xf32>
          %add3A_1509 = arith.constant 12 : i32
          %add3A_1510 = arith.addi %mul3A_1208, %add3A_1509 : i32
          %get3A_1511 = arith.constant 0 : i32
          %get3A_1512 = arith.index_cast %get3A_1511 : i32 to index
          %get3A_1513 = arith.index_cast %add3A_1510 : i32 to index
          %get3A_1514 = arith.constant 0 : index
          %get3A_1515 = tpu.vector_load %arg8[%get3A_1512, %get3A_1513, %get3A_1514] {strides = array<i32>} : memref<2x640x32xf32, #tpu.memory_space<vmem>>, vector<1x1x16xf32>,
          %get3A_1516 = vector.shape_cast %get3A_1515 : vector<1x1x16xf32> to vector<16xf32>
          %mul3A_1517 = vector.broadcast %squeeze3A_1508 : f32 to vector<16xf32>
          %mul3A_1518 = arith.mulf %mul3A_1517, %get3A_1516 : vector<16xf32>
          %add3A_1519 = arith.addf %add3A_1495, %mul3A_1518 : vector<16xf32>
          %add3A_1520 = arith.constant 12 : i32
          %add3A_1521 = arith.addi %mul3A_1208, %add3A_1520 : i32
          %get3A_1522 = arith.constant 0 : i32
          %get3A_1523 = arith.index_cast %get3A_1522 : i32 to index
          %get3A_1524 = arith.index_cast %add3A_1521 : i32 to index
          %get3A_1525 = arith.constant 16 : index
          %get3A_1526 = tpu.vector_load %arg8[%get3A_1523, %get3A_1524, %get3A_1525] {strides = array<i32>} : memref<2x640x32xf32, #tpu.memory_space<vmem>>, vector<1x1x16xf32>,
          %get3A_1527 = vector.shape_cast %get3A_1526 : vector<1x1x16xf32> to vector<16xf32>
          %mul3A_1528 = vector.broadcast %squeeze3A_1508 : f32 to vector<16xf32>
          %mul3A_1529 = arith.mulf %mul3A_1528, %get3A_1527 : vector<16xf32>
          %add3A_1530 = arith.addf %add3A_1506, %mul3A_1529 : vector<16xf32>
          %slice3A_1531 = vector.extract_strided_slice %get3A_1215 {offsets = [13], sizes = [1], strides = [1]} : vector<16xf32> to vector<1xf32>
          %squeeze3A_1532 = vector.extract %slice3A_1531[0] : f32 from vector<1xf32>
          %add3A_1533 = arith.constant 13 : i32
          %add3A_1534 = arith.addi %mul3A_1208, %add3A_1533 : i32
          %get3A_1535 = arith.constant 0 : i32
          %get3A_1536 = arith.index_cast %get3A_1535 : i32 to index
          %get3A_1537 = arith.index_cast %add3A_1534 : i32 to index
          %get3A_1538 = arith.constant 0 : index
          %get3A_1539 = tpu.vector_load %arg8[%get3A_1536, %get3A_1537, %get3A_1538] {strides = array<i32>} : memref<2x640x32xf32, #tpu.memory_space<vmem>>, vector<1x1x16xf32>,
          %get3A_1540 = vector.shape_cast %get3A_1539 : vector<1x1x16xf32> to vector<16xf32>
          %mul3A_1541 = vector.broadcast %squeeze3A_1532 : f32 to vector<16xf32>
          %mul3A_1542 = arith.mulf %mul3A_1541, %get3A_1540 : vector<16xf32>
          %add3A_1543 = arith.addf %add3A_1519, %mul3A_1542 : vector<16xf32>
          %add3A_1544 = arith.constant 13 : i32
          %add3A_1545 = arith.addi %mul3A_1208, %add3A_1544 : i32
          %get3A_1546 = arith.constant 0 : i32
          %get3A_1547 = arith.index_cast %get3A_1546 : i32 to index
          %get3A_1548 = arith.index_cast %add3A_1545 : i32 to index
          %get3A_1549 = arith.constant 16 : index
          %get3A_1550 = tpu.vector_load %arg8[%get3A_1547, %get3A_1548, %get3A_1549] {strides = array<i32>} : memref<2x640x32xf32, #tpu.memory_space<vmem>>, vector<1x1x16xf32>,
          %get3A_1551 = vector.shape_cast %get3A_1550 : vector<1x1x16xf32> to vector<16xf32>
          %mul3A_1552 = vector.broadcast %squeeze3A_1532 : f32 to vector<16xf32>
          %mul3A_1553 = arith.mulf %mul3A_1552, %get3A_1551 : vector<16xf32>
          %add3A_1554 = arith.addf %add3A_1530, %mul3A_1553 : vector<16xf32>
          %slice3A_1555 = vector.extract_strided_slice %get3A_1215 {offsets = [14], sizes = [1], strides = [1]} : vector<16xf32> to vector<1xf32>
          %squeeze3A_1556 = vector.extract %slice3A_1555[0] : f32 from vector<1xf32>
          %add3A_1557 = arith.constant 14 : i32
          %add3A_1558 = arith.addi %mul3A_1208, %add3A_1557 : i32
          %get3A_1559 = arith.constant 0 : i32
          %get3A_1560 = arith.index_cast %get3A_1559 : i32 to index
          %get3A_1561 = arith.index_cast %add3A_1558 : i32 to index
          %get3A_1562 = arith.constant 0 : index
          %get3A_1563 = tpu.vector_load %arg8[%get3A_1560, %get3A_1561, %get3A_1562] {strides = array<i32>} : memref<2x640x32xf32, #tpu.memory_space<vmem>>, vector<1x1x16xf32>,
          %get3A_1564 = vector.shape_cast %get3A_1563 : vector<1x1x16xf32> to vector<16xf32>
          %mul3A_1565 = vector.broadcast %squeeze3A_1556 : f32 to vector<16xf32>
          %mul3A_1566 = arith.mulf %mul3A_1565, %get3A_1564 : vector<16xf32>
          %add3A_1567 = arith.addf %add3A_1543, %mul3A_1566 : vector<16xf32>
          %add3A_1568 = arith.constant 14 : i32
          %add3A_1569 = arith.addi %mul3A_1208, %add3A_1568 : i32
          %get3A_1570 = arith.constant 0 : i32
          %get3A_1571 = arith.index_cast %get3A_1570 : i32 to index
          %get3A_1572 = arith.index_cast %add3A_1569 : i32 to index
          %get3A_1573 = arith.constant 16 : index
          %get3A_1574 = tpu.vector_load %arg8[%get3A_1571, %get3A_1572, %get3A_1573] {strides = array<i32>} : memref<2x640x32xf32, #tpu.memory_space<vmem>>, vector<1x1x16xf32>,
          %get3A_1575 = vector.shape_cast %get3A_1574 : vector<1x1x16xf32> to vector<16xf32>
          %mul3A_1576 = vector.broadcast %squeeze3A_1556 : f32 to vector<16xf32>
          %mul3A_1577 = arith.mulf %mul3A_1576, %get3A_1575 : vector<16xf32>
          %add3A_1578 = arith.addf %add3A_1554, %mul3A_1577 : vector<16xf32>
          %slice3A_1579 = vector.extract_strided_slice %get3A_1215 {offsets = [15], sizes = [1], strides = [1]} : vector<16xf32> to vector<1xf32>
          %squeeze3A_1580 = vector.extract %slice3A_1579[0] : f32 from vector<1xf32>
          %add3A_1581 = arith.constant 15 : i32
          %add3A_1582 = arith.addi %mul3A_1208, %add3A_1581 : i32
          %get3A_1583 = arith.constant 0 : i32
          %get3A_1584 = arith.index_cast %get3A_1583 : i32 to index
          %get3A_1585 = arith.index_cast %add3A_1582 : i32 to index
          %get3A_1586 = arith.constant 0 : index
          %get3A_1587 = tpu.vector_load %arg8[%get3A_1584, %get3A_1585, %get3A_1586] {strides = array<i32>} : memref<2x640x32xf32, #tpu.memory_space<vmem>>, vector<1x1x16xf32>,
          %get3A_1588 = vector.shape_cast %get3A_1587 : vector<1x1x16xf32> to vector<16xf32>
          %mul3A_1589 = vector.broadcast %squeeze3A_1580 : f32 to vector<16xf32>
          %mul3A_1590 = arith.mulf %mul3A_1589, %get3A_1588 : vector<16xf32>
          %add3A_1591 = arith.addf %add3A_1567, %mul3A_1590 : vector<16xf32>
          %add3A_1592 = arith.constant 15 : i32
          %add3A_1593 = arith.addi %mul3A_1208, %add3A_1592 : i32
          %get3A_1594 = arith.constant 0 : i32
          %get3A_1595 = arith.index_cast %get3A_1594 : i32 to index
          %get3A_1596 = arith.index_cast %add3A_1593 : i32 to index
          %get3A_1597 = arith.constant 16 : index
          %get3A_1598 = tpu.vector_load %arg8[%get3A_1595, %get3A_1596, %get3A_1597] {strides = array<i32>} : memref<2x640x32xf32, #tpu.memory_space<vmem>>, vector<1x1x16xf32>,
          %get3A_1599 = vector.shape_cast %get3A_1598 : vector<1x1x16xf32> to vector<16xf32>
          %mul3A_1600 = vector.broadcast %squeeze3A_1580 : f32 to vector<16xf32>
          %mul3A_1601 = arith.mulf %mul3A_1600, %get3A_1599 : vector<16xf32>
          %add3A_1602 = arith.addf %add3A_1578, %mul3A_1601 : vector<16xf32>
          %slice3A_1603 = vector.extract_strided_slice %get3A_1224 {offsets = [0], sizes = [1], strides = [1]} : vector<16xf32> to vector<1xf32>
          %squeeze3A_1604 = vector.extract %slice3A_1603[0] : f32 from vector<1xf32>
          %add3A_1605 = arith.constant 16 : i32
          %add3A_1606 = arith.addi %mul3A_1208, %add3A_1605 : i32
          %get3A_1607 = arith.constant 0 : i32
          %get3A_1608 = arith.index_cast %get3A_1607 : i32 to index
          %get3A_1609 = arith.index_cast %add3A_1606 : i32 to index
          %get3A_1610 = arith.constant 0 : index
          %get3A_1611 = tpu.vector_load %arg8[%get3A_1608, %get3A_1609, %get3A_1610] {strides = array<i32>} : memref<2x640x32xf32, #tpu.memory_space<vmem>>, vector<1x1x16xf32>,
          %get3A_1612 = vector.shape_cast %get3A_1611 : vector<1x1x16xf32> to vector<16xf32>
          %mul3A_1613 = vector.broadcast %squeeze3A_1604 : f32 to vector<16xf32>
          %mul3A_1614 = arith.mulf %mul3A_1613, %get3A_1612 : vector<16xf32>
          %add3A_1615 = arith.addf %add3A_1591, %mul3A_1614 : vector<16xf32>
          %add3A_1616 = arith.constant 16 : i32
          %add3A_1617 = arith.addi %mul3A_1208, %add3A_1616 : i32
          %get3A_1618 = arith.constant 0 : i32
          %get3A_1619 = arith.index_cast %get3A_1618 : i32 to index
          %get3A_1620 = arith.index_cast %add3A_1617 : i32 to index
          %get3A_1621 = arith.constant 16 : index
          %get3A_1622 = tpu.vector_load %arg8[%get3A_1619, %get3A_1620, %get3A_1621] {strides = array<i32>} : memref<2x640x32xf32, #tpu.memory_space<vmem>>, vector<1x1x16xf32>,
          %get3A_1623 = vector.shape_cast %get3A_1622 : vector<1x1x16xf32> to vector<16xf32>
          %mul3A_1624 = vector.broadcast %squeeze3A_1604 : f32 to vector<16xf32>
          %mul3A_1625 = arith.mulf %mul3A_1624, %get3A_1623 : vector<16xf32>
          %add3A_1626 = arith.addf %add3A_1602, %mul3A_1625 : vector<16xf32>
          %slice3A_1627 = vector.extract_strided_slice %get3A_1224 {offsets = [1], sizes = [1], strides = [1]} : vector<16xf32> to vector<1xf32>
          %squeeze3A_1628 = vector.extract %slice3A_1627[0] : f32 from vector<1xf32>
          %add3A_1629 = arith.constant 17 : i32
          %add3A_1630 = arith.addi %mul3A_1208, %add3A_1629 : i32
          %get3A_1631 = arith.constant 0 : i32
          %get3A_1632 = arith.index_cast %get3A_1631 : i32 to index
          %get3A_1633 = arith.index_cast %add3A_1630 : i32 to index
          %get3A_1634 = arith.constant 0 : index
          %get3A_1635 = tpu.vector_load %arg8[%get3A_1632, %get3A_1633, %get3A_1634] {strides = array<i32>} : memref<2x640x32xf32, #tpu.memory_space<vmem>>, vector<1x1x16xf32>,
          %get3A_1636 = vector.shape_cast %get3A_1635 : vector<1x1x16xf32> to vector<16xf32>
          %mul3A_1637 = vector.broadcast %squeeze3A_1628 : f32 to vector<16xf32>
          %mul3A_1638 = arith.mulf %mul3A_1637, %get3A_1636 : vector<16xf32>
          %add3A_1639 = arith.addf %add3A_1615, %mul3A_1638 : vector<16xf32>
          %add3A_1640 = arith.constant 17 : i32
          %add3A_1641 = arith.addi %mul3A_1208, %add3A_1640 : i32
          %get3A_1642 = arith.constant 0 : i32
          %get3A_1643 = arith.index_cast %get3A_1642 : i32 to index
          %get3A_1644 = arith.index_cast %add3A_1641 : i32 to index
          %get3A_1645 = arith.constant 16 : index
          %get3A_1646 = tpu.vector_load %arg8[%get3A_1643, %get3A_1644, %get3A_1645] {strides = array<i32>} : memref<2x640x32xf32, #tpu.memory_space<vmem>>, vector<1x1x16xf32>,
          %get3A_1647 = vector.shape_cast %get3A_1646 : vector<1x1x16xf32> to vector<16xf32>
          %mul3A_1648 = vector.broadcast %squeeze3A_1628 : f32 to vector<16xf32>
          %mul3A_1649 = arith.mulf %mul3A_1648, %get3A_1647 : vector<16xf32>
          %add3A_1650 = arith.addf %add3A_1626, %mul3A_1649 : vector<16xf32>
          %slice3A_1651 = vector.extract_strided_slice %get3A_1224 {offsets = [2], sizes = [1], strides = [1]} : vector<16xf32> to vector<1xf32>
          %squeeze3A_1652 = vector.extract %slice3A_1651[0] : f32 from vector<1xf32>
          %add3A_1653 = arith.constant 18 : i32
          %add3A_1654 = arith.addi %mul3A_1208, %add3A_1653 : i32
          %get3A_1655 = arith.constant 0 : i32
          %get3A_1656 = arith.index_cast %get3A_1655 : i32 to index
          %get3A_1657 = arith.index_cast %add3A_1654 : i32 to index
          %get3A_1658 = arith.constant 0 : index
          %get3A_1659 = tpu.vector_load %arg8[%get3A_1656, %get3A_1657, %get3A_1658] {strides = array<i32>} : memref<2x640x32xf32, #tpu.memory_space<vmem>>, vector<1x1x16xf32>,
          %get3A_1660 = vector.shape_cast %get3A_1659 : vector<1x1x16xf32> to vector<16xf32>
          %mul3A_1661 = vector.broadcast %squeeze3A_1652 : f32 to vector<16xf32>
          %mul3A_1662 = arith.mulf %mul3A_1661, %get3A_1660 : vector<16xf32>
          %add3A_1663 = arith.addf %add3A_1639, %mul3A_1662 : vector<16xf32>
          %add3A_1664 = arith.constant 18 : i32
          %add3A_1665 = arith.addi %mul3A_1208, %add3A_1664 : i32
          %get3A_1666 = arith.constant 0 : i32
          %get3A_1667 = arith.index_cast %get3A_1666 : i32 to index
          %get3A_1668 = arith.index_cast %add3A_1665 : i32 to index
          %get3A_1669 = arith.constant 16 : index
          %get3A_1670 = tpu.vector_load %arg8[%get3A_1667, %get3A_1668, %get3A_1669] {strides = array<i32>} : memref<2x640x32xf32, #tpu.memory_space<vmem>>, vector<1x1x16xf32>,
          %get3A_1671 = vector.shape_cast %get3A_1670 : vector<1x1x16xf32> to vector<16xf32>
          %mul3A_1672 = vector.broadcast %squeeze3A_1652 : f32 to vector<16xf32>
          %mul3A_1673 = arith.mulf %mul3A_1672, %get3A_1671 : vector<16xf32>
          %add3A_1674 = arith.addf %add3A_1650, %mul3A_1673 : vector<16xf32>
          %slice3A_1675 = vector.extract_strided_slice %get3A_1224 {offsets = [3], sizes = [1], strides = [1]} : vector<16xf32> to vector<1xf32>
          %squeeze3A_1676 = vector.extract %slice3A_1675[0] : f32 from vector<1xf32>
          %add3A_1677 = arith.constant 19 : i32
          %add3A_1678 = arith.addi %mul3A_1208, %add3A_1677 : i32
          %get3A_1679 = arith.constant 0 : i32
          %get3A_1680 = arith.index_cast %get3A_1679 : i32 to index
          %get3A_1681 = arith.index_cast %add3A_1678 : i32 to index
          %get3A_1682 = arith.constant 0 : index
          %get3A_1683 = tpu.vector_load %arg8[%get3A_1680, %get3A_1681, %get3A_1682] {strides = array<i32>} : memref<2x640x32xf32, #tpu.memory_space<vmem>>, vector<1x1x16xf32>,
          %get3A_1684 = vector.shape_cast %get3A_1683 : vector<1x1x16xf32> to vector<16xf32>
          %mul3A_1685 = vector.broadcast %squeeze3A_1676 : f32 to vector<16xf32>
          %mul3A_1686 = arith.mulf %mul3A_1685, %get3A_1684 : vector<16xf32>
          %add3A_1687 = arith.addf %add3A_1663, %mul3A_1686 : vector<16xf32>
          %add3A_1688 = arith.constant 19 : i32
          %add3A_1689 = arith.addi %mul3A_1208, %add3A_1688 : i32
          %get3A_1690 = arith.constant 0 : i32
          %get3A_1691 = arith.index_cast %get3A_1690 : i32 to index
          %get3A_1692 = arith.index_cast %add3A_1689 : i32 to index
          %get3A_1693 = arith.constant 16 : index
          %get3A_1694 = tpu.vector_load %arg8[%get3A_1691, %get3A_1692, %get3A_1693] {strides = array<i32>} : memref<2x640x32xf32, #tpu.memory_space<vmem>>, vector<1x1x16xf32>,
          %get3A_1695 = vector.shape_cast %get3A_1694 : vector<1x1x16xf32> to vector<16xf32>
          %mul3A_1696 = vector.broadcast %squeeze3A_1676 : f32 to vector<16xf32>
          %mul3A_1697 = arith.mulf %mul3A_1696, %get3A_1695 : vector<16xf32>
          %add3A_1698 = arith.addf %add3A_1674, %mul3A_1697 : vector<16xf32>
          %swap3A_1699 = arith.constant 0 : i32
          %swap3A_1700 = arith.index_cast %swap3A_1699 : i32 to index
          %swap3A_1701 = arith.index_cast %scan3A_1206 : i32 to index
          %swap3A_1702 = arith.constant 0 : index
          %swap3A_1703 = tpu.vector_load %arg9[%swap3A_1700, %swap3A_1701, %swap3A_1702] {strides = array<i32>} : memref<2x32x32xf32, #tpu.memory_space<vmem>>, vector<1x1x16xf32>,
          %swap3A_1704 = vector.shape_cast %swap3A_1703 : vector<1x1x16xf32> to vector<16xf32>
          %swap3A_1705 = vector.shape_cast %add3A_1687 : vector<16xf32> to vector<1x1x16xf32>
          tpu.vector_store %arg9[%swap3A_1700, %swap3A_1701, %swap3A_1702], %swap3A_1705 {strides = array<i32>} : memref<2x32x32xf32, #tpu.memory_space<vmem>>, vector<1x1x16xf32>,
          %swap3A_1706 = arith.constant 0 : i32
          %swap3A_1707 = arith.index_cast %swap3A_1706 : i32 to index
          %swap3A_1708 = arith.index_cast %scan3A_1206 : i32 to index
          %swap3A_1709 = arith.constant 16 : index
          %swap3A_1710 = tpu.vector_load %arg9[%swap3A_1707, %swap3A_1708, %swap3A_1709] {strides = array<i32>} : memref<2x32x32xf32, #tpu.memory_space<vmem>>, vector<1x1x16xf32>,
          %swap3A_1711 = vector.shape_cast %swap3A_1710 : vector<1x1x16xf32> to vector<16xf32>
          %swap3A_1712 = vector.shape_cast %add3A_1698 : vector<16xf32> to vector<1x1x16xf32>
          tpu.vector_store %arg9[%swap3A_1707, %swap3A_1708, %swap3A_1709], %swap3A_1712 {strides = array<i32>} : memref<2x32x32xf32, #tpu.memory_space<vmem>>, vector<1x1x16xf32>,
          %scan3A_1713 = arith.constant 3 : i32
          %scan3A_1714 = arith.addi %scan3A_194, %scan3A_1713 : i32
          %mul3A_1715 = arith.constant 20 : i32
          %mul3A_1716 = arith.muli %scan3A_1714, %mul3A_1715 : i32
          %mul3A_1717 = arith.constant 32 : i32
          %mul3A_1718 = arith.muli %scan3A_1714, %mul3A_1717 : i32
          %get3A_1719 = arith.constant 0 : i32
          %get3A_1720 = arith.index_cast %get3A_1719 : i32 to index
          %get3A_1721 = arith.index_cast %mul3A_1718 : i32 to index
          %get3A_1722 = tpu.vector_load %arg7[%get3A_1720, %get3A_1721] {strides = array<i32>} : memref<2x1024xf32, #tpu.memory_space<vmem>>, vector<1x16xf32>,
          %get3A_1723 = vector.shape_cast %get3A_1722 : vector<1x16xf32> to vector<16xf32>
          %mul3A_1724 = arith.constant 32 : i32
          %mul3A_1725 = arith.muli %scan3A_1714, %mul3A_1724 : i32
          %add3A_1726 = arith.constant 16 : i32
          %add3A_1727 = arith.addi %mul3A_1725, %add3A_1726 : i32
          %get3A_1728 = arith.constant 0 : i32
          %get3A_1729 = arith.index_cast %get3A_1728 : i32 to index
          %get3A_1730 = arith.index_cast %add3A_1727 : i32 to index
          %get3A_1731 = tpu.vector_load %arg7[%get3A_1729, %get3A_1730] {strides = array<i32>} : memref<2x1024xf32, #tpu.memory_space<vmem>>, vector<1x16xf32>,
          %get3A_1732 = vector.shape_cast %get3A_1731 : vector<1x16xf32> to vector<16xf32>
          %slice3A_1733 = vector.extract_strided_slice %get3A_1723 {offsets = [0], sizes = [1], strides = [1]} : vector<16xf32> to vector<1xf32>
          %squeeze3A_1734 = vector.extract %slice3A_1733[0] : f32 from vector<1xf32>
          %get3A_1735 = arith.constant 0 : i32
          %get3A_1736 = arith.index_cast %get3A_1735 : i32 to index
          %get3A_1737 = arith.index_cast %mul3A_1716 : i32 to index
          %get3A_1738 = arith.constant 0 : index
          %get3A_1739 = tpu.vector_load %arg8[%get3A_1736, %get3A_1737, %get3A_1738] {strides = array<i32>} : memref<2x640x32xf32, #tpu.memory_space<vmem>>, vector<1x1x16xf32>,
          %get3A_1740 = vector.shape_cast %get3A_1739 : vector<1x1x16xf32> to vector<16xf32>
          %mul3A_1741 = vector.broadcast %squeeze3A_1734 : f32 to vector<16xf32>
          %mul3A_1742 = arith.mulf %mul3A_1741, %get3A_1740 : vector<16xf32>
          %get3A_1743 = arith.constant 0 : i32
          %get3A_1744 = arith.index_cast %get3A_1743 : i32 to index
          %get3A_1745 = arith.index_cast %mul3A_1716 : i32 to index
          %get3A_1746 = arith.constant 16 : index
          %get3A_1747 = tpu.vector_load %arg8[%get3A_1744, %get3A_1745, %get3A_1746] {strides = array<i32>} : memref<2x640x32xf32, #tpu.memory_space<vmem>>, vector<1x1x16xf32>,
          %get3A_1748 = vector.shape_cast %get3A_1747 : vector<1x1x16xf32> to vector<16xf32>
          %mul3A_1749 = vector.broadcast %squeeze3A_1734 : f32 to vector<16xf32>
          %mul3A_1750 = arith.mulf %mul3A_1749, %get3A_1748 : vector<16xf32>
          %slice3A_1751 = vector.extract_strided_slice %get3A_1723 {offsets = [1], sizes = [1], strides = [1]} : vector<16xf32> to vector<1xf32>
          %squeeze3A_1752 = vector.extract %slice3A_1751[0] : f32 from vector<1xf32>
          %add3A_1753 = arith.constant 1 : i32
          %add3A_1754 = arith.addi %mul3A_1716, %add3A_1753 : i32
          %get3A_1755 = arith.constant 0 : i32
          %get3A_1756 = arith.index_cast %get3A_1755 : i32 to index
          %get3A_1757 = arith.index_cast %add3A_1754 : i32 to index
          %get3A_1758 = arith.constant 0 : index
          %get3A_1759 = tpu.vector_load %arg8[%get3A_1756, %get3A_1757, %get3A_1758] {strides = array<i32>} : memref<2x640x32xf32, #tpu.memory_space<vmem>>, vector<1x1x16xf32>,
          %get3A_1760 = vector.shape_cast %get3A_1759 : vector<1x1x16xf32> to vector<16xf32>
          %mul3A_1761 = vector.broadcast %squeeze3A_1752 : f32 to vector<16xf32>
          %mul3A_1762 = arith.mulf %mul3A_1761, %get3A_1760 : vector<16xf32>
          %add3A_1763 = arith.addf %mul3A_1742, %mul3A_1762 : vector<16xf32>
          %add3A_1764 = arith.constant 1 : i32
          %add3A_1765 = arith.addi %mul3A_1716, %add3A_1764 : i32
          %get3A_1766 = arith.constant 0 : i32
          %get3A_1767 = arith.index_cast %get3A_1766 : i32 to index
          %get3A_1768 = arith.index_cast %add3A_1765 : i32 to index
          %get3A_1769 = arith.constant 16 : index
          %get3A_1770 = tpu.vector_load %arg8[%get3A_1767, %get3A_1768, %get3A_1769] {strides = array<i32>} : memref<2x640x32xf32, #tpu.memory_space<vmem>>, vector<1x1x16xf32>,
          %get3A_1771 = vector.shape_cast %get3A_1770 : vector<1x1x16xf32> to vector<16xf32>
          %mul3A_1772 = vector.broadcast %squeeze3A_1752 : f32 to vector<16xf32>
          %mul3A_1773 = arith.mulf %mul3A_1772, %get3A_1771 : vector<16xf32>
          %add3A_1774 = arith.addf %mul3A_1750, %mul3A_1773 : vector<16xf32>
          %slice3A_1775 = vector.extract_strided_slice %get3A_1723 {offsets = [2], sizes = [1], strides = [1]} : vector<16xf32> to vector<1xf32>
          %squeeze3A_1776 = vector.extract %slice3A_1775[0] : f32 from vector<1xf32>
          %add3A_1777 = arith.constant 2 : i32
          %add3A_1778 = arith.addi %mul3A_1716, %add3A_1777 : i32
          %get3A_1779 = arith.constant 0 : i32
          %get3A_1780 = arith.index_cast %get3A_1779 : i32 to index
          %get3A_1781 = arith.index_cast %add3A_1778 : i32 to index
          %get3A_1782 = arith.constant 0 : index
          %get3A_1783 = tpu.vector_load %arg8[%get3A_1780, %get3A_1781, %get3A_1782] {strides = array<i32>} : memref<2x640x32xf32, #tpu.memory_space<vmem>>, vector<1x1x16xf32>,
          %get3A_1784 = vector.shape_cast %get3A_1783 : vector<1x1x16xf32> to vector<16xf32>
          %mul3A_1785 = vector.broadcast %squeeze3A_1776 : f32 to vector<16xf32>
          %mul3A_1786 = arith.mulf %mul3A_1785, %get3A_1784 : vector<16xf32>
          %add3A_1787 = arith.addf %add3A_1763, %mul3A_1786 : vector<16xf32>
          %add3A_1788 = arith.constant 2 : i32
          %add3A_1789 = arith.addi %mul3A_1716, %add3A_1788 : i32
          %get3A_1790 = arith.constant 0 : i32
          %get3A_1791 = arith.index_cast %get3A_1790 : i32 to index
          %get3A_1792 = arith.index_cast %add3A_1789 : i32 to index
          %get3A_1793 = arith.constant 16 : index
          %get3A_1794 = tpu.vector_load %arg8[%get3A_1791, %get3A_1792, %get3A_1793] {strides = array<i32>} : memref<2x640x32xf32, #tpu.memory_space<vmem>>, vector<1x1x16xf32>,
          %get3A_1795 = vector.shape_cast %get3A_1794 : vector<1x1x16xf32> to vector<16xf32>
          %mul3A_1796 = vector.broadcast %squeeze3A_1776 : f32 to vector<16xf32>
          %mul3A_1797 = arith.mulf %mul3A_1796, %get3A_1795 : vector<16xf32>
          %add3A_1798 = arith.addf %add3A_1774, %mul3A_1797 : vector<16xf32>
          %slice3A_1799 = vector.extract_strided_slice %get3A_1723 {offsets = [3], sizes = [1], strides = [1]} : vector<16xf32> to vector<1xf32>
          %squeeze3A_1800 = vector.extract %slice3A_1799[0] : f32 from vector<1xf32>
          %add3A_1801 = arith.constant 3 : i32
          %add3A_1802 = arith.addi %mul3A_1716, %add3A_1801 : i32
          %get3A_1803 = arith.constant 0 : i32
          %get3A_1804 = arith.index_cast %get3A_1803 : i32 to index
          %get3A_1805 = arith.index_cast %add3A_1802 : i32 to index
          %get3A_1806 = arith.constant 0 : index
          %get3A_1807 = tpu.vector_load %arg8[%get3A_1804, %get3A_1805, %get3A_1806] {strides = array<i32>} : memref<2x640x32xf32, #tpu.memory_space<vmem>>, vector<1x1x16xf32>,
          %get3A_1808 = vector.shape_cast %get3A_1807 : vector<1x1x16xf32> to vector<16xf32>
          %mul3A_1809 = vector.broadcast %squeeze3A_1800 : f32 to vector<16xf32>
          %mul3A_1810 = arith.mulf %mul3A_1809, %get3A_1808 : vector<16xf32>
          %add3A_1811 = arith.addf %add3A_1787, %mul3A_1810 : vector<16xf32>
          %add3A_1812 = arith.constant 3 : i32
          %add3A_1813 = arith.addi %mul3A_1716, %add3A_1812 : i32
          %get3A_1814 = arith.constant 0 : i32
          %get3A_1815 = arith.index_cast %get3A_1814 : i32 to index
          %get3A_1816 = arith.index_cast %add3A_1813 : i32 to index
          %get3A_1817 = arith.constant 16 : index
          %get3A_1818 = tpu.vector_load %arg8[%get3A_1815, %get3A_1816, %get3A_1817] {strides = array<i32>} : memref<2x640x32xf32, #tpu.memory_space<vmem>>, vector<1x1x16xf32>,
          %get3A_1819 = vector.shape_cast %get3A_1818 : vector<1x1x16xf32> to vector<16xf32>
          %mul3A_1820 = vector.broadcast %squeeze3A_1800 : f32 to vector<16xf32>
          %mul3A_1821 = arith.mulf %mul3A_1820, %get3A_1819 : vector<16xf32>
          %add3A_1822 = arith.addf %add3A_1798, %mul3A_1821 : vector<16xf32>
          %slice3A_1823 = vector.extract_strided_slice %get3A_1723 {offsets = [4], sizes = [1], strides = [1]} : vector<16xf32> to vector<1xf32>
          %squeeze3A_1824 = vector.extract %slice3A_1823[0] : f32 from vector<1xf32>
          %add3A_1825 = arith.constant 4 : i32
          %add3A_1826 = arith.addi %mul3A_1716, %add3A_1825 : i32
          %get3A_1827 = arith.constant 0 : i32
          %get3A_1828 = arith.index_cast %get3A_1827 : i32 to index
          %get3A_1829 = arith.index_cast %add3A_1826 : i32 to index
          %get3A_1830 = arith.constant 0 : index
          %get3A_1831 = tpu.vector_load %arg8[%get3A_1828, %get3A_1829, %get3A_1830] {strides = array<i32>} : memref<2x640x32xf32, #tpu.memory_space<vmem>>, vector<1x1x16xf32>,
          %get3A_1832 = vector.shape_cast %get3A_1831 : vector<1x1x16xf32> to vector<16xf32>
          %mul3A_1833 = vector.broadcast %squeeze3A_1824 : f32 to vector<16xf32>
          %mul3A_1834 = arith.mulf %mul3A_1833, %get3A_1832 : vector<16xf32>
          %add3A_1835 = arith.addf %add3A_1811, %mul3A_1834 : vector<16xf32>
          %add3A_1836 = arith.constant 4 : i32
          %add3A_1837 = arith.addi %mul3A_1716, %add3A_1836 : i32
          %get3A_1838 = arith.constant 0 : i32
          %get3A_1839 = arith.index_cast %get3A_1838 : i32 to index
          %get3A_1840 = arith.index_cast %add3A_1837 : i32 to index
          %get3A_1841 = arith.constant 16 : index
          %get3A_1842 = tpu.vector_load %arg8[%get3A_1839, %get3A_1840, %get3A_1841] {strides = array<i32>} : memref<2x640x32xf32, #tpu.memory_space<vmem>>, vector<1x1x16xf32>,
          %get3A_1843 = vector.shape_cast %get3A_1842 : vector<1x1x16xf32> to vector<16xf32>
          %mul3A_1844 = vector.broadcast %squeeze3A_1824 : f32 to vector<16xf32>
          %mul3A_1845 = arith.mulf %mul3A_1844, %get3A_1843 : vector<16xf32>
          %add3A_1846 = arith.addf %add3A_1822, %mul3A_1845 : vector<16xf32>
          %slice3A_1847 = vector.extract_strided_slice %get3A_1723 {offsets = [5], sizes = [1], strides = [1]} : vector<16xf32> to vector<1xf32>
          %squeeze3A_1848 = vector.extract %slice3A_1847[0] : f32 from vector<1xf32>
          %add3A_1849 = arith.constant 5 : i32
          %add3A_1850 = arith.addi %mul3A_1716, %add3A_1849 : i32
          %get3A_1851 = arith.constant 0 : i32
          %get3A_1852 = arith.index_cast %get3A_1851 : i32 to index
          %get3A_1853 = arith.index_cast %add3A_1850 : i32 to index
          %get3A_1854 = arith.constant 0 : index
          %get3A_1855 = tpu.vector_load %arg8[%get3A_1852, %get3A_1853, %get3A_1854] {strides = array<i32>} : memref<2x640x32xf32, #tpu.memory_space<vmem>>, vector<1x1x16xf32>,
          %get3A_1856 = vector.shape_cast %get3A_1855 : vector<1x1x16xf32> to vector<16xf32>
          %mul3A_1857 = vector.broadcast %squeeze3A_1848 : f32 to vector<16xf32>
          %mul3A_1858 = arith.mulf %mul3A_1857, %get3A_1856 : vector<16xf32>
          %add3A_1859 = arith.addf %add3A_1835, %mul3A_1858 : vector<16xf32>
          %add3A_1860 = arith.constant 5 : i32
          %add3A_1861 = arith.addi %mul3A_1716, %add3A_1860 : i32
          %get3A_1862 = arith.constant 0 : i32
          %get3A_1863 = arith.index_cast %get3A_1862 : i32 to index
          %get3A_1864 = arith.index_cast %add3A_1861 : i32 to index
          %get3A_1865 = arith.constant 16 : index
          %get3A_1866 = tpu.vector_load %arg8[%get3A_1863, %get3A_1864, %get3A_1865] {strides = array<i32>} : memref<2x640x32xf32, #tpu.memory_space<vmem>>, vector<1x1x16xf32>,
          %get3A_1867 = vector.shape_cast %get3A_1866 : vector<1x1x16xf32> to vector<16xf32>
          %mul3A_1868 = vector.broadcast %squeeze3A_1848 : f32 to vector<16xf32>
          %mul3A_1869 = arith.mulf %mul3A_1868, %get3A_1867 : vector<16xf32>
          %add3A_1870 = arith.addf %add3A_1846, %mul3A_1869 : vector<16xf32>
          %slice3A_1871 = vector.extract_strided_slice %get3A_1723 {offsets = [6], sizes = [1], strides = [1]} : vector<16xf32> to vector<1xf32>
          %squeeze3A_1872 = vector.extract %slice3A_1871[0] : f32 from vector<1xf32>
          %add3A_1873 = arith.constant 6 : i32
          %add3A_1874 = arith.addi %mul3A_1716, %add3A_1873 : i32
          %get3A_1875 = arith.constant 0 : i32
          %get3A_1876 = arith.index_cast %get3A_1875 : i32 to index
          %get3A_1877 = arith.index_cast %add3A_1874 : i32 to index
          %get3A_1878 = arith.constant 0 : index
          %get3A_1879 = tpu.vector_load %arg8[%get3A_1876, %get3A_1877, %get3A_1878] {strides = array<i32>} : memref<2x640x32xf32, #tpu.memory_space<vmem>>, vector<1x1x16xf32>,
          %get3A_1880 = vector.shape_cast %get3A_1879 : vector<1x1x16xf32> to vector<16xf32>
          %mul3A_1881 = vector.broadcast %squeeze3A_1872 : f32 to vector<16xf32>
          %mul3A_1882 = arith.mulf %mul3A_1881, %get3A_1880 : vector<16xf32>
          %add3A_1883 = arith.addf %add3A_1859, %mul3A_1882 : vector<16xf32>
          %add3A_1884 = arith.constant 6 : i32
          %add3A_1885 = arith.addi %mul3A_1716, %add3A_1884 : i32
          %get3A_1886 = arith.constant 0 : i32
          %get3A_1887 = arith.index_cast %get3A_1886 : i32 to index
          %get3A_1888 = arith.index_cast %add3A_1885 : i32 to index
          %get3A_1889 = arith.constant 16 : index
          %get3A_1890 = tpu.vector_load %arg8[%get3A_1887, %get3A_1888, %get3A_1889] {strides = array<i32>} : memref<2x640x32xf32, #tpu.memory_space<vmem>>, vector<1x1x16xf32>,
          %get3A_1891 = vector.shape_cast %get3A_1890 : vector<1x1x16xf32> to vector<16xf32>
          %mul3A_1892 = vector.broadcast %squeeze3A_1872 : f32 to vector<16xf32>
          %mul3A_1893 = arith.mulf %mul3A_1892, %get3A_1891 : vector<16xf32>
          %add3A_1894 = arith.addf %add3A_1870, %mul3A_1893 : vector<16xf32>
          %slice3A_1895 = vector.extract_strided_slice %get3A_1723 {offsets = [7], sizes = [1], strides = [1]} : vector<16xf32> to vector<1xf32>
          %squeeze3A_1896 = vector.extract %slice3A_1895[0] : f32 from vector<1xf32>
          %add3A_1897 = arith.constant 7 : i32
          %add3A_1898 = arith.addi %mul3A_1716, %add3A_1897 : i32
          %get3A_1899 = arith.constant 0 : i32
          %get3A_1900 = arith.index_cast %get3A_1899 : i32 to index
          %get3A_1901 = arith.index_cast %add3A_1898 : i32 to index
          %get3A_1902 = arith.constant 0 : index
          %get3A_1903 = tpu.vector_load %arg8[%get3A_1900, %get3A_1901, %get3A_1902] {strides = array<i32>} : memref<2x640x32xf32, #tpu.memory_space<vmem>>, vector<1x1x16xf32>,
          %get3A_1904 = vector.shape_cast %get3A_1903 : vector<1x1x16xf32> to vector<16xf32>
          %mul3A_1905 = vector.broadcast %squeeze3A_1896 : f32 to vector<16xf32>
          %mul3A_1906 = arith.mulf %mul3A_1905, %get3A_1904 : vector<16xf32>
          %add3A_1907 = arith.addf %add3A_1883, %mul3A_1906 : vector<16xf32>
          %add3A_1908 = arith.constant 7 : i32
          %add3A_1909 = arith.addi %mul3A_1716, %add3A_1908 : i32
          %get3A_1910 = arith.constant 0 : i32
          %get3A_1911 = arith.index_cast %get3A_1910 : i32 to index
          %get3A_1912 = arith.index_cast %add3A_1909 : i32 to index
          %get3A_1913 = arith.constant 16 : index
          %get3A_1914 = tpu.vector_load %arg8[%get3A_1911, %get3A_1912, %get3A_1913] {strides = array<i32>} : memref<2x640x32xf32, #tpu.memory_space<vmem>>, vector<1x1x16xf32>,
          %get3A_1915 = vector.shape_cast %get3A_1914 : vector<1x1x16xf32> to vector<16xf32>
          %mul3A_1916 = vector.broadcast %squeeze3A_1896 : f32 to vector<16xf32>
          %mul3A_1917 = arith.mulf %mul3A_1916, %get3A_1915 : vector<16xf32>
          %add3A_1918 = arith.addf %add3A_1894, %mul3A_1917 : vector<16xf32>
          %slice3A_1919 = vector.extract_strided_slice %get3A_1723 {offsets = [8], sizes = [1], strides = [1]} : vector<16xf32> to vector<1xf32>
          %squeeze3A_1920 = vector.extract %slice3A_1919[0] : f32 from vector<1xf32>
          %add3A_1921 = arith.constant 8 : i32
          %add3A_1922 = arith.addi %mul3A_1716, %add3A_1921 : i32
          %get3A_1923 = arith.constant 0 : i32
          %get3A_1924 = arith.index_cast %get3A_1923 : i32 to index
          %get3A_1925 = arith.index_cast %add3A_1922 : i32 to index
          %get3A_1926 = arith.constant 0 : index
          %get3A_1927 = tpu.vector_load %arg8[%get3A_1924, %get3A_1925, %get3A_1926] {strides = array<i32>} : memref<2x640x32xf32, #tpu.memory_space<vmem>>, vector<1x1x16xf32>,
          %get3A_1928 = vector.shape_cast %get3A_1927 : vector<1x1x16xf32> to vector<16xf32>
          %mul3A_1929 = vector.broadcast %squeeze3A_1920 : f32 to vector<16xf32>
          %mul3A_1930 = arith.mulf %mul3A_1929, %get3A_1928 : vector<16xf32>
          %add3A_1931 = arith.addf %add3A_1907, %mul3A_1930 : vector<16xf32>
          %add3A_1932 = arith.constant 8 : i32
          %add3A_1933 = arith.addi %mul3A_1716, %add3A_1932 : i32
          %get3A_1934 = arith.constant 0 : i32
          %get3A_1935 = arith.index_cast %get3A_1934 : i32 to index
          %get3A_1936 = arith.index_cast %add3A_1933 : i32 to index
          %get3A_1937 = arith.constant 16 : index
          %get3A_1938 = tpu.vector_load %arg8[%get3A_1935, %get3A_1936, %get3A_1937] {strides = array<i32>} : memref<2x640x32xf32, #tpu.memory_space<vmem>>, vector<1x1x16xf32>,
          %get3A_1939 = vector.shape_cast %get3A_1938 : vector<1x1x16xf32> to vector<16xf32>
          %mul3A_1940 = vector.broadcast %squeeze3A_1920 : f32 to vector<16xf32>
          %mul3A_1941 = arith.mulf %mul3A_1940, %get3A_1939 : vector<16xf32>
          %add3A_1942 = arith.addf %add3A_1918, %mul3A_1941 : vector<16xf32>
          %slice3A_1943 = vector.extract_strided_slice %get3A_1723 {offsets = [9], sizes = [1], strides = [1]} : vector<16xf32> to vector<1xf32>
          %squeeze3A_1944 = vector.extract %slice3A_1943[0] : f32 from vector<1xf32>
          %add3A_1945 = arith.constant 9 : i32
          %add3A_1946 = arith.addi %mul3A_1716, %add3A_1945 : i32
          %get3A_1947 = arith.constant 0 : i32
          %get3A_1948 = arith.index_cast %get3A_1947 : i32 to index
          %get3A_1949 = arith.index_cast %add3A_1946 : i32 to index
          %get3A_1950 = arith.constant 0 : index
          %get3A_1951 = tpu.vector_load %arg8[%get3A_1948, %get3A_1949, %get3A_1950] {strides = array<i32>} : memref<2x640x32xf32, #tpu.memory_space<vmem>>, vector<1x1x16xf32>,
          %get3A_1952 = vector.shape_cast %get3A_1951 : vector<1x1x16xf32> to vector<16xf32>
          %mul3A_1953 = vector.broadcast %squeeze3A_1944 : f32 to vector<16xf32>
          %mul3A_1954 = arith.mulf %mul3A_1953, %get3A_1952 : vector<16xf32>
          %add3A_1955 = arith.addf %add3A_1931, %mul3A_1954 : vector<16xf32>
          %add3A_1956 = arith.constant 9 : i32
          %add3A_1957 = arith.addi %mul3A_1716, %add3A_1956 : i32
          %get3A_1958 = arith.constant 0 : i32
          %get3A_1959 = arith.index_cast %get3A_1958 : i32 to index
          %get3A_1960 = arith.index_cast %add3A_1957 : i32 to index
          %get3A_1961 = arith.constant 16 : index
          %get3A_1962 = tpu.vector_load %arg8[%get3A_1959, %get3A_1960, %get3A_1961] {strides = array<i32>} : memref<2x640x32xf32, #tpu.memory_space<vmem>>, vector<1x1x16xf32>,
          %get3A_1963 = vector.shape_cast %get3A_1962 : vector<1x1x16xf32> to vector<16xf32>
          %mul3A_1964 = vector.broadcast %squeeze3A_1944 : f32 to vector<16xf32>
          %mul3A_1965 = arith.mulf %mul3A_1964, %get3A_1963 : vector<16xf32>
          %add3A_1966 = arith.addf %add3A_1942, %mul3A_1965 : vector<16xf32>
          %slice3A_1967 = vector.extract_strided_slice %get3A_1723 {offsets = [10], sizes = [1], strides = [1]} : vector<16xf32> to vector<1xf32>
          %squeeze3A_1968 = vector.extract %slice3A_1967[0] : f32 from vector<1xf32>
          %add3A_1969 = arith.constant 10 : i32
          %add3A_1970 = arith.addi %mul3A_1716, %add3A_1969 : i32
          %get3A_1971 = arith.constant 0 : i32
          %get3A_1972 = arith.index_cast %get3A_1971 : i32 to index
          %get3A_1973 = arith.index_cast %add3A_1970 : i32 to index
          %get3A_1974 = arith.constant 0 : index
          %get3A_1975 = tpu.vector_load %arg8[%get3A_1972, %get3A_1973, %get3A_1974] {strides = array<i32>} : memref<2x640x32xf32, #tpu.memory_space<vmem>>, vector<1x1x16xf32>,
          %get3A_1976 = vector.shape_cast %get3A_1975 : vector<1x1x16xf32> to vector<16xf32>
          %mul3A_1977 = vector.broadcast %squeeze3A_1968 : f32 to vector<16xf32>
          %mul3A_1978 = arith.mulf %mul3A_1977, %get3A_1976 : vector<16xf32>
          %add3A_1979 = arith.addf %add3A_1955, %mul3A_1978 : vector<16xf32>
          %add3A_1980 = arith.constant 10 : i32
          %add3A_1981 = arith.addi %mul3A_1716, %add3A_1980 : i32
          %get3A_1982 = arith.constant 0 : i32
          %get3A_1983 = arith.index_cast %get3A_1982 : i32 to index
          %get3A_1984 = arith.index_cast %add3A_1981 : i32 to index
          %get3A_1985 = arith.constant 16 : index
          %get3A_1986 = tpu.vector_load %arg8[%get3A_1983, %get3A_1984, %get3A_1985] {strides = array<i32>} : memref<2x640x32xf32, #tpu.memory_space<vmem>>, vector<1x1x16xf32>,
          %get3A_1987 = vector.shape_cast %get3A_1986 : vector<1x1x16xf32> to vector<16xf32>
          %mul3A_1988 = vector.broadcast %squeeze3A_1968 : f32 to vector<16xf32>
          %mul3A_1989 = arith.mulf %mul3A_1988, %get3A_1987 : vector<16xf32>
          %add3A_1990 = arith.addf %add3A_1966, %mul3A_1989 : vector<16xf32>
          %slice3A_1991 = vector.extract_strided_slice %get3A_1723 {offsets = [11], sizes = [1], strides = [1]} : vector<16xf32> to vector<1xf32>
          %squeeze3A_1992 = vector.extract %slice3A_1991[0] : f32 from vector<1xf32>
          %add3A_1993 = arith.constant 11 : i32
          %add3A_1994 = arith.addi %mul3A_1716, %add3A_1993 : i32
          %get3A_1995 = arith.constant 0 : i32
          %get3A_1996 = arith.index_cast %get3A_1995 : i32 to index
          %get3A_1997 = arith.index_cast %add3A_1994 : i32 to index
          %get3A_1998 = arith.constant 0 : index
          %get3A_1999 = tpu.vector_load %arg8[%get3A_1996, %get3A_1997, %get3A_1998] {strides = array<i32>} : memref<2x640x32xf32, #tpu.memory_space<vmem>>, vector<1x1x16xf32>,
          %get3A_2000 = vector.shape_cast %get3A_1999 : vector<1x1x16xf32> to vector<16xf32>
          %mul3A_2001 = vector.broadcast %squeeze3A_1992 : f32 to vector<16xf32>
          %mul3A_2002 = arith.mulf %mul3A_2001, %get3A_2000 : vector<16xf32>
          %add3A_2003 = arith.addf %add3A_1979, %mul3A_2002 : vector<16xf32>
          %add3A_2004 = arith.constant 11 : i32
          %add3A_2005 = arith.addi %mul3A_1716, %add3A_2004 : i32
          %get3A_2006 = arith.constant 0 : i32
          %get3A_2007 = arith.index_cast %get3A_2006 : i32 to index
          %get3A_2008 = arith.index_cast %add3A_2005 : i32 to index
          %get3A_2009 = arith.constant 16 : index
          %get3A_2010 = tpu.vector_load %arg8[%get3A_2007, %get3A_2008, %get3A_2009] {strides = array<i32>} : memref<2x640x32xf32, #tpu.memory_space<vmem>>, vector<1x1x16xf32>,
          %get3A_2011 = vector.shape_cast %get3A_2010 : vector<1x1x16xf32> to vector<16xf32>
          %mul3A_2012 = vector.broadcast %squeeze3A_1992 : f32 to vector<16xf32>
          %mul3A_2013 = arith.mulf %mul3A_2012, %get3A_2011 : vector<16xf32>
          %add3A_2014 = arith.addf %add3A_1990, %mul3A_2013 : vector<16xf32>
          %slice3A_2015 = vector.extract_strided_slice %get3A_1723 {offsets = [12], sizes = [1], strides = [1]} : vector<16xf32> to vector<1xf32>
          %squeeze3A_2016 = vector.extract %slice3A_2015[0] : f32 from vector<1xf32>
          %add3A_2017 = arith.constant 12 : i32
          %add3A_2018 = arith.addi %mul3A_1716, %add3A_2017 : i32
          %get3A_2019 = arith.constant 0 : i32
          %get3A_2020 = arith.index_cast %get3A_2019 : i32 to index
          %get3A_2021 = arith.index_cast %add3A_2018 : i32 to index
          %get3A_2022 = arith.constant 0 : index
          %get3A_2023 = tpu.vector_load %arg8[%get3A_2020, %get3A_2021, %get3A_2022] {strides = array<i32>} : memref<2x640x32xf32, #tpu.memory_space<vmem>>, vector<1x1x16xf32>,
          %get3A_2024 = vector.shape_cast %get3A_2023 : vector<1x1x16xf32> to vector<16xf32>
          %mul3A_2025 = vector.broadcast %squeeze3A_2016 : f32 to vector<16xf32>
          %mul3A_2026 = arith.mulf %mul3A_2025, %get3A_2024 : vector<16xf32>
          %add3A_2027 = arith.addf %add3A_2003, %mul3A_2026 : vector<16xf32>
          %add3A_2028 = arith.constant 12 : i32
          %add3A_2029 = arith.addi %mul3A_1716, %add3A_2028 : i32
          %get3A_2030 = arith.constant 0 : i32
          %get3A_2031 = arith.index_cast %get3A_2030 : i32 to index
          %get3A_2032 = arith.index_cast %add3A_2029 : i32 to index
          %get3A_2033 = arith.constant 16 : index
          %get3A_2034 = tpu.vector_load %arg8[%get3A_2031, %get3A_2032, %get3A_2033] {strides = array<i32>} : memref<2x640x32xf32, #tpu.memory_space<vmem>>, vector<1x1x16xf32>,
          %get3A_2035 = vector.shape_cast %get3A_2034 : vector<1x1x16xf32> to vector<16xf32>
          %mul3A_2036 = vector.broadcast %squeeze3A_2016 : f32 to vector<16xf32>
          %mul3A_2037 = arith.mulf %mul3A_2036, %get3A_2035 : vector<16xf32>
          %add3A_2038 = arith.addf %add3A_2014, %mul3A_2037 : vector<16xf32>
          %slice3A_2039 = vector.extract_strided_slice %get3A_1723 {offsets = [13], sizes = [1], strides = [1]} : vector<16xf32> to vector<1xf32>
          %squeeze3A_2040 = vector.extract %slice3A_2039[0] : f32 from vector<1xf32>
          %add3A_2041 = arith.constant 13 : i32
          %add3A_2042 = arith.addi %mul3A_1716, %add3A_2041 : i32
          %get3A_2043 = arith.constant 0 : i32
          %get3A_2044 = arith.index_cast %get3A_2043 : i32 to index
          %get3A_2045 = arith.index_cast %add3A_2042 : i32 to index
          %get3A_2046 = arith.constant 0 : index
          %get3A_2047 = tpu.vector_load %arg8[%get3A_2044, %get3A_2045, %get3A_2046] {strides = array<i32>} : memref<2x640x32xf32, #tpu.memory_space<vmem>>, vector<1x1x16xf32>,
          %get3A_2048 = vector.shape_cast %get3A_2047 : vector<1x1x16xf32> to vector<16xf32>
          %mul3A_2049 = vector.broadcast %squeeze3A_2040 : f32 to vector<16xf32>
          %mul3A_2050 = arith.mulf %mul3A_2049, %get3A_2048 : vector<16xf32>
          %add3A_2051 = arith.addf %add3A_2027, %mul3A_2050 : vector<16xf32>
          %add3A_2052 = arith.constant 13 : i32
          %add3A_2053 = arith.addi %mul3A_1716, %add3A_2052 : i32
          %get3A_2054 = arith.constant 0 : i32
          %get3A_2055 = arith.index_cast %get3A_2054 : i32 to index
          %get3A_2056 = arith.index_cast %add3A_2053 : i32 to index
          %get3A_2057 = arith.constant 16 : index
          %get3A_2058 = tpu.vector_load %arg8[%get3A_2055, %get3A_2056, %get3A_2057] {strides = array<i32>} : memref<2x640x32xf32, #tpu.memory_space<vmem>>, vector<1x1x16xf32>,
          %get3A_2059 = vector.shape_cast %get3A_2058 : vector<1x1x16xf32> to vector<16xf32>
          %mul3A_2060 = vector.broadcast %squeeze3A_2040 : f32 to vector<16xf32>
          %mul3A_2061 = arith.mulf %mul3A_2060, %get3A_2059 : vector<16xf32>
          %add3A_2062 = arith.addf %add3A_2038, %mul3A_2061 : vector<16xf32>
          %slice3A_2063 = vector.extract_strided_slice %get3A_1723 {offsets = [14], sizes = [1], strides = [1]} : vector<16xf32> to vector<1xf32>
          %squeeze3A_2064 = vector.extract %slice3A_2063[0] : f32 from vector<1xf32>
          %add3A_2065 = arith.constant 14 : i32
          %add3A_2066 = arith.addi %mul3A_1716, %add3A_2065 : i32
          %get3A_2067 = arith.constant 0 : i32
          %get3A_2068 = arith.index_cast %get3A_2067 : i32 to index
          %get3A_2069 = arith.index_cast %add3A_2066 : i32 to index
          %get3A_2070 = arith.constant 0 : index
          %get3A_2071 = tpu.vector_load %arg8[%get3A_2068, %get3A_2069, %get3A_2070] {strides = array<i32>} : memref<2x640x32xf32, #tpu.memory_space<vmem>>, vector<1x1x16xf32>,
          %get3A_2072 = vector.shape_cast %get3A_2071 : vector<1x1x16xf32> to vector<16xf32>
          %mul3A_2073 = vector.broadcast %squeeze3A_2064 : f32 to vector<16xf32>
          %mul3A_2074 = arith.mulf %mul3A_2073, %get3A_2072 : vector<16xf32>
          %add3A_2075 = arith.addf %add3A_2051, %mul3A_2074 : vector<16xf32>
          %add3A_2076 = arith.constant 14 : i32
          %add3A_2077 = arith.addi %mul3A_1716, %add3A_2076 : i32
          %get3A_2078 = arith.constant 0 : i32
          %get3A_2079 = arith.index_cast %get3A_2078 : i32 to index
          %get3A_2080 = arith.index_cast %add3A_2077 : i32 to index
          %get3A_2081 = arith.constant 16 : index
          %get3A_2082 = tpu.vector_load %arg8[%get3A_2079, %get3A_2080, %get3A_2081] {strides = array<i32>} : memref<2x640x32xf32, #tpu.memory_space<vmem>>, vector<1x1x16xf32>,
          %get3A_2083 = vector.shape_cast %get3A_2082 : vector<1x1x16xf32> to vector<16xf32>
          %mul3A_2084 = vector.broadcast %squeeze3A_2064 : f32 to vector<16xf32>
          %mul3A_2085 = arith.mulf %mul3A_2084, %get3A_2083 : vector<16xf32>
          %add3A_2086 = arith.addf %add3A_2062, %mul3A_2085 : vector<16xf32>
          %slice3A_2087 = vector.extract_strided_slice %get3A_1723 {offsets = [15], sizes = [1], strides = [1]} : vector<16xf32> to vector<1xf32>
          %squeeze3A_2088 = vector.extract %slice3A_2087[0] : f32 from vector<1xf32>
          %add3A_2089 = arith.constant 15 : i32
          %add3A_2090 = arith.addi %mul3A_1716, %add3A_2089 : i32
          %get3A_2091 = arith.constant 0 : i32
          %get3A_2092 = arith.index_cast %get3A_2091 : i32 to index
          %get3A_2093 = arith.index_cast %add3A_2090 : i32 to index
          %get3A_2094 = arith.constant 0 : index
          %get3A_2095 = tpu.vector_load %arg8[%get3A_2092, %get3A_2093, %get3A_2094] {strides = array<i32>} : memref<2x640x32xf32, #tpu.memory_space<vmem>>, vector<1x1x16xf32>,
          %get3A_2096 = vector.shape_cast %get3A_2095 : vector<1x1x16xf32> to vector<16xf32>
          %mul3A_2097 = vector.broadcast %squeeze3A_2088 : f32 to vector<16xf32>
          %mul3A_2098 = arith.mulf %mul3A_2097, %get3A_2096 : vector<16xf32>
          %add3A_2099 = arith.addf %add3A_2075, %mul3A_2098 : vector<16xf32>
          %add3A_2100 = arith.constant 15 : i32
          %add3A_2101 = arith.addi %mul3A_1716, %add3A_2100 : i32
          %get3A_2102 = arith.constant 0 : i32
          %get3A_2103 = arith.index_cast %get3A_2102 : i32 to index
          %get3A_2104 = arith.index_cast %add3A_2101 : i32 to index
          %get3A_2105 = arith.constant 16 : index
          %get3A_2106 = tpu.vector_load %arg8[%get3A_2103, %get3A_2104, %get3A_2105] {strides = array<i32>} : memref<2x640x32xf32, #tpu.memory_space<vmem>>, vector<1x1x16xf32>,
          %get3A_2107 = vector.shape_cast %get3A_2106 : vector<1x1x16xf32> to vector<16xf32>
          %mul3A_2108 = vector.broadcast %squeeze3A_2088 : f32 to vector<16xf32>
          %mul3A_2109 = arith.mulf %mul3A_2108, %get3A_2107 : vector<16xf32>
          %add3A_2110 = arith.addf %add3A_2086, %mul3A_2109 : vector<16xf32>
          %slice3A_2111 = vector.extract_strided_slice %get3A_1732 {offsets = [0], sizes = [1], strides = [1]} : vector<16xf32> to vector<1xf32>
          %squeeze3A_2112 = vector.extract %slice3A_2111[0] : f32 from vector<1xf32>
          %add3A_2113 = arith.constant 16 : i32
          %add3A_2114 = arith.addi %mul3A_1716, %add3A_2113 : i32
          %get3A_2115 = arith.constant 0 : i32
          %get3A_2116 = arith.index_cast %get3A_2115 : i32 to index
          %get3A_2117 = arith.index_cast %add3A_2114 : i32 to index
          %get3A_2118 = arith.constant 0 : index
          %get3A_2119 = tpu.vector_load %arg8[%get3A_2116, %get3A_2117, %get3A_2118] {strides = array<i32>} : memref<2x640x32xf32, #tpu.memory_space<vmem>>, vector<1x1x16xf32>,
          %get3A_2120 = vector.shape_cast %get3A_2119 : vector<1x1x16xf32> to vector<16xf32>
          %mul3A_2121 = vector.broadcast %squeeze3A_2112 : f32 to vector<16xf32>
          %mul3A_2122 = arith.mulf %mul3A_2121, %get3A_2120 : vector<16xf32>
          %add3A_2123 = arith.addf %add3A_2099, %mul3A_2122 : vector<16xf32>
          %add3A_2124 = arith.constant 16 : i32
          %add3A_2125 = arith.addi %mul3A_1716, %add3A_2124 : i32
          %get3A_2126 = arith.constant 0 : i32
          %get3A_2127 = arith.index_cast %get3A_2126 : i32 to index
          %get3A_2128 = arith.index_cast %add3A_2125 : i32 to index
          %get3A_2129 = arith.constant 16 : index
          %get3A_2130 = tpu.vector_load %arg8[%get3A_2127, %get3A_2128, %get3A_2129] {strides = array<i32>} : memref<2x640x32xf32, #tpu.memory_space<vmem>>, vector<1x1x16xf32>,
          %get3A_2131 = vector.shape_cast %get3A_2130 : vector<1x1x16xf32> to vector<16xf32>
          %mul3A_2132 = vector.broadcast %squeeze3A_2112 : f32 to vector<16xf32>
          %mul3A_2133 = arith.mulf %mul3A_2132, %get3A_2131 : vector<16xf32>
          %add3A_2134 = arith.addf %add3A_2110, %mul3A_2133 : vector<16xf32>
          %slice3A_2135 = vector.extract_strided_slice %get3A_1732 {offsets = [1], sizes = [1], strides = [1]} : vector<16xf32> to vector<1xf32>
          %squeeze3A_2136 = vector.extract %slice3A_2135[0] : f32 from vector<1xf32>
          %add3A_2137 = arith.constant 17 : i32
          %add3A_2138 = arith.addi %mul3A_1716, %add3A_2137 : i32
          %get3A_2139 = arith.constant 0 : i32
          %get3A_2140 = arith.index_cast %get3A_2139 : i32 to index
          %get3A_2141 = arith.index_cast %add3A_2138 : i32 to index
          %get3A_2142 = arith.constant 0 : index
          %get3A_2143 = tpu.vector_load %arg8[%get3A_2140, %get3A_2141, %get3A_2142] {strides = array<i32>} : memref<2x640x32xf32, #tpu.memory_space<vmem>>, vector<1x1x16xf32>,
          %get3A_2144 = vector.shape_cast %get3A_2143 : vector<1x1x16xf32> to vector<16xf32>
          %mul3A_2145 = vector.broadcast %squeeze3A_2136 : f32 to vector<16xf32>
          %mul3A_2146 = arith.mulf %mul3A_2145, %get3A_2144 : vector<16xf32>
          %add3A_2147 = arith.addf %add3A_2123, %mul3A_2146 : vector<16xf32>
          %add3A_2148 = arith.constant 17 : i32
          %add3A_2149 = arith.addi %mul3A_1716, %add3A_2148 : i32
          %get3A_2150 = arith.constant 0 : i32
          %get3A_2151 = arith.index_cast %get3A_2150 : i32 to index
          %get3A_2152 = arith.index_cast %add3A_2149 : i32 to index
          %get3A_2153 = arith.constant 16 : index
          %get3A_2154 = tpu.vector_load %arg8[%get3A_2151, %get3A_2152, %get3A_2153] {strides = array<i32>} : memref<2x640x32xf32, #tpu.memory_space<vmem>>, vector<1x1x16xf32>,
          %get3A_2155 = vector.shape_cast %get3A_2154 : vector<1x1x16xf32> to vector<16xf32>
          %mul3A_2156 = vector.broadcast %squeeze3A_2136 : f32 to vector<16xf32>
          %mul3A_2157 = arith.mulf %mul3A_2156, %get3A_2155 : vector<16xf32>
          %add3A_2158 = arith.addf %add3A_2134, %mul3A_2157 : vector<16xf32>
          %slice3A_2159 = vector.extract_strided_slice %get3A_1732 {offsets = [2], sizes = [1], strides = [1]} : vector<16xf32> to vector<1xf32>
          %squeeze3A_2160 = vector.extract %slice3A_2159[0] : f32 from vector<1xf32>
          %add3A_2161 = arith.constant 18 : i32
          %add3A_2162 = arith.addi %mul3A_1716, %add3A_2161 : i32
          %get3A_2163 = arith.constant 0 : i32
          %get3A_2164 = arith.index_cast %get3A_2163 : i32 to index
          %get3A_2165 = arith.index_cast %add3A_2162 : i32 to index
          %get3A_2166 = arith.constant 0 : index
          %get3A_2167 = tpu.vector_load %arg8[%get3A_2164, %get3A_2165, %get3A_2166] {strides = array<i32>} : memref<2x640x32xf32, #tpu.memory_space<vmem>>, vector<1x1x16xf32>,
          %get3A_2168 = vector.shape_cast %get3A_2167 : vector<1x1x16xf32> to vector<16xf32>
          %mul3A_2169 = vector.broadcast %squeeze3A_2160 : f32 to vector<16xf32>
          %mul3A_2170 = arith.mulf %mul3A_2169, %get3A_2168 : vector<16xf32>
          %add3A_2171 = arith.addf %add3A_2147, %mul3A_2170 : vector<16xf32>
          %add3A_2172 = arith.constant 18 : i32
          %add3A_2173 = arith.addi %mul3A_1716, %add3A_2172 : i32
          %get3A_2174 = arith.constant 0 : i32
          %get3A_2175 = arith.index_cast %get3A_2174 : i32 to index
          %get3A_2176 = arith.index_cast %add3A_2173 : i32 to index
          %get3A_2177 = arith.constant 16 : index
          %get3A_2178 = tpu.vector_load %arg8[%get3A_2175, %get3A_2176, %get3A_2177] {strides = array<i32>} : memref<2x640x32xf32, #tpu.memory_space<vmem>>, vector<1x1x16xf32>,
          %get3A_2179 = vector.shape_cast %get3A_2178 : vector<1x1x16xf32> to vector<16xf32>
          %mul3A_2180 = vector.broadcast %squeeze3A_2160 : f32 to vector<16xf32>
          %mul3A_2181 = arith.mulf %mul3A_2180, %get3A_2179 : vector<16xf32>
          %add3A_2182 = arith.addf %add3A_2158, %mul3A_2181 : vector<16xf32>
          %slice3A_2183 = vector.extract_strided_slice %get3A_1732 {offsets = [3], sizes = [1], strides = [1]} : vector<16xf32> to vector<1xf32>
          %squeeze3A_2184 = vector.extract %slice3A_2183[0] : f32 from vector<1xf32>
          %add3A_2185 = arith.constant 19 : i32
          %add3A_2186 = arith.addi %mul3A_1716, %add3A_2185 : i32
          %get3A_2187 = arith.constant 0 : i32
          %get3A_2188 = arith.index_cast %get3A_2187 : i32 to index
          %get3A_2189 = arith.index_cast %add3A_2186 : i32 to index
          %get3A_2190 = arith.constant 0 : index
          %get3A_2191 = tpu.vector_load %arg8[%get3A_2188, %get3A_2189, %get3A_2190] {strides = array<i32>} : memref<2x640x32xf32, #tpu.memory_space<vmem>>, vector<1x1x16xf32>,
          %get3A_2192 = vector.shape_cast %get3A_2191 : vector<1x1x16xf32> to vector<16xf32>
          %mul3A_2193 = vector.broadcast %squeeze3A_2184 : f32 to vector<16xf32>
          %mul3A_2194 = arith.mulf %mul3A_2193, %get3A_2192 : vector<16xf32>
          %add3A_2195 = arith.addf %add3A_2171, %mul3A_2194 : vector<16xf32>
          %add3A_2196 = arith.constant 19 : i32
          %add3A_2197 = arith.addi %mul3A_1716, %add3A_2196 : i32
          %get3A_2198 = arith.constant 0 : i32
          %get3A_2199 = arith.index_cast %get3A_2198 : i32 to index
          %get3A_2200 = arith.index_cast %add3A_2197 : i32 to index
          %get3A_2201 = arith.constant 16 : index
          %get3A_2202 = tpu.vector_load %arg8[%get3A_2199, %get3A_2200, %get3A_2201] {strides = array<i32>} : memref<2x640x32xf32, #tpu.memory_space<vmem>>, vector<1x1x16xf32>,
          %get3A_2203 = vector.shape_cast %get3A_2202 : vector<1x1x16xf32> to vector<16xf32>
          %mul3A_2204 = vector.broadcast %squeeze3A_2184 : f32 to vector<16xf32>
          %mul3A_2205 = arith.mulf %mul3A_2204, %get3A_2203 : vector<16xf32>
          %add3A_2206 = arith.addf %add3A_2182, %mul3A_2205 : vector<16xf32>
          %swap3A_2207 = arith.constant 0 : i32
          %swap3A_2208 = arith.index_cast %swap3A_2207 : i32 to index
          %swap3A_2209 = arith.index_cast %scan3A_1714 : i32 to index
          %swap3A_2210 = arith.constant 0 : index
          %swap3A_2211 = tpu.vector_load %arg9[%swap3A_2208, %swap3A_2209, %swap3A_2210] {strides = array<i32>} : memref<2x32x32xf32, #tpu.memory_space<vmem>>, vector<1x1x16xf32>,
          %swap3A_2212 = vector.shape_cast %swap3A_2211 : vector<1x1x16xf32> to vector<16xf32>
          %swap3A_2213 = vector.shape_cast %add3A_2195 : vector<16xf32> to vector<1x1x16xf32>
          tpu.vector_store %arg9[%swap3A_2208, %swap3A_2209, %swap3A_2210], %swap3A_2213 {strides = array<i32>} : memref<2x32x32xf32, #tpu.memory_space<vmem>>, vector<1x1x16xf32>,
          %swap3A_2214 = arith.constant 0 : i32
          %swap3A_2215 = arith.index_cast %swap3A_2214 : i32 to index
          %swap3A_2216 = arith.index_cast %scan3A_1714 : i32 to index
          %swap3A_2217 = arith.constant 16 : index
          %swap3A_2218 = tpu.vector_load %arg9[%swap3A_2215, %swap3A_2216, %swap3A_2217] {strides = array<i32>} : memref<2x32x32xf32, #tpu.memory_space<vmem>>, vector<1x1x16xf32>,
          %swap3A_2219 = vector.shape_cast %swap3A_2218 : vector<1x1x16xf32> to vector<16xf32>
          %swap3A_2220 = vector.shape_cast %add3A_2206 : vector<16xf32> to vector<1x1x16xf32>
          tpu.vector_store %arg9[%swap3A_2215, %swap3A_2216, %swap3A_2217], %swap3A_2220 {strides = array<i32>} : memref<2x32x32xf32, #tpu.memory_space<vmem>>, vector<1x1x16xf32>,
        }
        %scan3A_176 = arith.constant 32 : i32
        %mul3A_177 = arith.constant 32 : i32
        %mul3A_178 = arith.muli %mul3A_50, %mul3A_177 : i32
        %add3A_179 = arith.addi %add3A, %mul3A_178 : i32
        %mul3A_180 = arith.constant 32 : i32
        %mul3A_181 = arith.muli %add3A_179, %mul3A_180 : i32
        %dma_start3A = arith.constant 0 : i32
        %dma_start3A_182 = arith.constant 0 : i32
        %dma_start3A_183 = arith.constant 0 : i32
        %dma_start3A_184 = tpu.memref_slice %arg9[%dma_start3A, %dma_start3A_182, %dma_start3A_183] : memref<2x32x32xf32, #tpu.memory_space<vmem>> -> memref<1x32x32xf32, #tpu.memory_space<vmem>>
        %dma_start3A_185 = tpu.memref_squeeze %dma_start3A_184 : memref<1x32x32xf32, #tpu.memory_space<vmem>> -> memref<32x32xf32, #tpu.memory_space<vmem>>
        %dma_start3A_186 = arith.constant 0 : i32
        %dma_start3A_187 = tpu.memref_slice %arg5[%mul3A_181, %dma_start3A_186] : memref<100000x32xf32, #tpu.memory_space<hbm>> -> memref<32x32xf32, #tpu.memory_space<hbm>>
        %dma_start3A_188 = arith.constant 0 : i32
        %dma_start3A_189 = tpu.memref_slice %arg5[%mul3A_181, %dma_start3A_188] : memref<100000x32xf32, #tpu.memory_space<hbm>> -> memref<32x32xf32, #tpu.memory_space<hbm>>
        %dma_start3A_190 = arith.constant 0 : i32
        %dma_start3A_191 = arith.constant 0 : i32
        %dma_start3A_192 = tpu.memref_slice %arg9[%dma_start3A, %dma_start3A_190, %dma_start3A_191] : memref<2x32x32xf32, #tpu.memory_space<vmem>> -> memref<1x32x32xf32, #tpu.memory_space<vmem>>
        %dma_start3A_193 = tpu.memref_squeeze %dma_start3A_192 : memref<1x32x32xf32, #tpu.memory_space<vmem>> -> memref<32x32xf32, #tpu.memory_space<vmem>>
        tpu.enqueue_dma source(%dma_start3A_193 : memref<32x32xf32, #tpu.memory_space<vmem>>) target(%dma_start3A_189 : memref<32x32xf32, #tpu.memory_space<hbm>>) target_semaphore(%arg16 : memref<!tpu.dma_semaphore, #tpu.memory_space<semaphore_mem>>)
      } else {
      }
      %add3A_108 = arith.constant 2 : i32
      %add3A_109 = arith.addi %mul3A_50, %add3A_108 : i32
      %mul3A_110 = arith.constant 32 : i32
      %mul3A_111 = arith.muli %add3A_109, %mul3A_110 : i32
      %add3A_112 = arith.addi %add3A, %mul3A_111 : i32
      %lt3A_113 = arith.constant 3125 : i32
      %lt3A_114 = arith.cmpi slt, %add3A_112, %lt3A_113 : i32
      %convert_element_type3A_115 = arith.extui %lt3A_114 : i1 to i32
      %cond3A_116 = arith.constant 0 : i32
      %cond3A_117 = arith.cmpi ne, %convert_element_type3A_115, %cond3A_116 : i32
      scf.if %cond3A_117 {
        %mul3A_171 = arith.constant 32 : i32
        %mul3A_172 = arith.muli %add3A_109, %mul3A_171 : i32
        %add3A_173 = arith.addi %add3A, %mul3A_172 : i32
        %mul3A_174 = arith.constant 640 : i32
        %mul3A_175 = arith.muli %add3A_173, %mul3A_174 : i32
        %dma_wait3A = arith.constant 0 : i32
        %dma_wait3A_176 = arith.constant 0 : i32
        %dma_wait3A_177 = tpu.memref_slice %arg6[%dma_wait3A, %dma_wait3A_176] : memref<2x640xi32, #tpu.memory_space<vmem>> -> memref<1x640xi32, #tpu.memory_space<vmem>>
        %dma_wait3A_178 = tpu.memref_squeeze %dma_wait3A_177 : memref<1x640xi32, #tpu.memory_space<vmem>> -> memref<640xi32, #tpu.memory_space<vmem>>
        %dma_wait3A_179 = tpu.memref_slice %arg2[%mul3A_175] : memref<2000000xi32, #tpu.memory_space<hbm>> -> memref<640xi32, #tpu.memory_space<hbm>>
        %dma_wait3A_180 = arith.constant 0 : i32
        %dma_wait3A_181 = tpu.memref_slice %arg6[%dma_wait3A, %dma_wait3A_180] : memref<2x640xi32, #tpu.memory_space<vmem>> -> memref<1x640xi32, #tpu.memory_space<vmem>>
        %dma_wait3A_182 = tpu.memref_squeeze %dma_wait3A_181 : memref<1x640xi32, #tpu.memory_space<vmem>> -> memref<640xi32, #tpu.memory_space<vmem>>
        %dma_wait3A_183 = tpu.memref_slice %arg2[%mul3A_175] : memref<2000000xi32, #tpu.memory_space<hbm>> -> memref<640xi32, #tpu.memory_space<hbm>>
        tpu.wait_dma2 semaphore(%arg10 : memref<!tpu.dma_semaphore, #tpu.memory_space<semaphore_mem>>) src(%dma_wait3A_183 : memref<640xi32, #tpu.memory_space<hbm>>) dst(%dma_wait3A_182 : memref<640xi32, #tpu.memory_space<vmem>>)
      } else {
      }
      %add3A_118 = arith.constant 2 : i32
      %add3A_119 = arith.addi %mul3A_50, %add3A_118 : i32
      %mul3A_120 = arith.constant 32 : i32
      %mul3A_121 = arith.muli %add3A_119, %mul3A_120 : i32
      %add3A_122 = arith.addi %add3A, %mul3A_121 : i32
      %lt3A_123 = arith.constant 3125 : i32
      %lt3A_124 = arith.cmpi slt, %add3A_122, %lt3A_123 : i32
      %convert_element_type3A_125 = arith.extui %lt3A_124 : i1 to i32
      %cond3A_126 = arith.constant 0 : i32
      %cond3A_127 = arith.cmpi ne, %convert_element_type3A_125, %cond3A_126 : i32
      scf.if %cond3A_127 {
        %dma_start3A = arith.constant 0 : i32
        %dma_start3A_171 = arith.constant 0 : i32
        %dma_start3A_172 = arith.constant 0 : i32
        %dma_start3A_173 = arith.constant 0 : i32
        %dma_start3A_174 = tpu.memref_slice %arg8[%dma_start3A_171, %dma_start3A_172, %dma_start3A_173] : memref<2x640x32xf32, #tpu.memory_space<vmem>> -> memref<1x640x32xf32, #tpu.memory_space<vmem>>
        %dma_start3A_175 = tpu.memref_squeeze %dma_start3A_174 : memref<1x640x32xf32, #tpu.memory_space<vmem>> -> memref<640x32xf32, #tpu.memory_space<vmem>>
        %dma_start3A_176 = arith.constant 0 : i32
        %dma_start3A_177 = tpu.memref_slice %arg6[%dma_start3A, %dma_start3A_176] : memref<2x640xi32, #tpu.memory_space<vmem>> -> memref<1x640xi32, #tpu.memory_space<vmem>>
        %dma_start3A_178 = tpu.memref_squeeze %dma_start3A_177 : memref<1x640xi32, #tpu.memory_space<vmem>> -> memref<640xi32, #tpu.memory_space<vmem>>
        %dma_start3A_179 = arith.constant 0 : i32
        %dma_start3A_180 = arith.constant 0 : i32
        %dma_start3A_181 = tpu.memref_slice %arg4[%dma_start3A_179, %dma_start3A_180] : memref<100000x32xf32, #tpu.memory_space<hbm>> -> memref<100000x32xf32, #tpu.memory_space<hbm>>
        tpu.enqueue_indirect_dma source(%dma_start3A_181 : memref<100000x32xf32, #tpu.memory_space<hbm>>) target(%dma_start3A_175 : memref<640x32xf32, #tpu.memory_space<vmem>>) offsets(%dma_start3A_178 : memref<640xi32, #tpu.memory_space<vmem>>) semaphore(%arg12 : memref<!tpu.dma_semaphore, #tpu.memory_space<semaphore_mem>>)
        %mul3A_182 = arith.constant 32 : i32
        %mul3A_183 = arith.muli %add3A_119, %mul3A_182 : i32
        %add3A_184 = arith.addi %add3A, %mul3A_183 : i32
        %mul3A_185 = arith.constant 32 : i32
        %mul3A_186 = arith.muli %add3A_184, %mul3A_185 : i32
        %mul3A_187 = arith.constant 32 : i32
        %mul3A_188 = arith.muli %mul3A_186, %mul3A_187 : i32
        %dma_start3A_189 = arith.constant 0 : i32
        %dma_start3A_190 = arith.constant 0 : i32
        %dma_start3A_191 = tpu.memref_slice %arg7[%dma_start3A_189, %dma_start3A_190] : memref<2x1024xf32, #tpu.memory_space<vmem>> -> memref<1x1024xf32, #tpu.memory_space<vmem>>
        %dma_start3A_192 = tpu.memref_squeeze %dma_start3A_191 : memref<1x1024xf32, #tpu.memory_space<vmem>> -> memref<1024xf32, #tpu.memory_space<vmem>>
        %dma_start3A_193 = tpu.memref_slice %arg3[%mul3A_188] : memref<3200000xf32, #tpu.memory_space<hbm>> -> memref<1024xf32, #tpu.memory_space<hbm>>
        %dma_start3A_194 = arith.constant 0 : i32
        %dma_start3A_195 = tpu.memref_slice %arg7[%dma_start3A_189, %dma_start3A_194] : memref<2x1024xf32, #tpu.memory_space<vmem>> -> memref<1x1024xf32, #tpu.memory_space<vmem>>
        %dma_start3A_196 = tpu.memref_squeeze %dma_start3A_195 : memref<1x1024xf32, #tpu.memory_space<vmem>> -> memref<1024xf32, #tpu.memory_space<vmem>>
        %dma_start3A_197 = tpu.memref_slice %arg3[%mul3A_188] : memref<3200000xf32, #tpu.memory_space<hbm>> -> memref<1024xf32, #tpu.memory_space<hbm>>
        tpu.enqueue_dma source(%dma_start3A_197 : memref<1024xf32, #tpu.memory_space<hbm>>) target(%dma_start3A_196 : memref<1024xf32, #tpu.memory_space<vmem>>) target_semaphore(%arg14 : memref<!tpu.dma_semaphore, #tpu.memory_space<semaphore_mem>>)
      } else {
      }
      %add3A_128 = arith.constant 1 : i32
      %add3A_129 = arith.addi %mul3A_50, %add3A_128 : i32
      %mul3A_130 = arith.constant 32 : i32
      %mul3A_131 = arith.muli %add3A_129, %mul3A_130 : i32
      %add3A_132 = arith.addi %add3A, %mul3A_131 : i32
      %lt3A_133 = arith.constant 3125 : i32
      %lt3A_134 = arith.cmpi slt, %add3A_132, %lt3A_133 : i32
      %convert_element_type3A_135 = arith.extui %lt3A_134 : i1 to i32
      %cond3A_136 = arith.constant 0 : i32
      %cond3A_137 = arith.cmpi ne, %convert_element_type3A_135, %cond3A_136 : i32
      scf.if %cond3A_137 {
        %dma_wait3A = arith.constant 1 : i32
        %dma_wait3A_171 = arith.constant 1 : i32
        %dma_wait3A_172 = arith.constant 0 : i32
        %dma_wait3A_173 = arith.constant 0 : i32
        %dma_wait3A_174 = tpu.memref_slice %arg8[%dma_wait3A_171, %dma_wait3A_172, %dma_wait3A_173] : memref<2x640x32xf32, #tpu.memory_space<vmem>> -> memref<1x640x32xf32, #tpu.memory_space<vmem>>
        %dma_wait3A_175 = tpu.memref_squeeze %dma_wait3A_174 : memref<1x640x32xf32, #tpu.memory_space<vmem>> -> memref<640x32xf32, #tpu.memory_space<vmem>>
        %dma_wait3A_176 = arith.constant 0 : i32
        %dma_wait3A_177 = tpu.memref_slice %arg6[%dma_wait3A, %dma_wait3A_176] : memref<2x640xi32, #tpu.memory_space<vmem>> -> memref<1x640xi32, #tpu.memory_space<vmem>>
        %dma_wait3A_178 = tpu.memref_squeeze %dma_wait3A_177 : memref<1x640xi32, #tpu.memory_space<vmem>> -> memref<640xi32, #tpu.memory_space<vmem>>
        %dma_wait3A_179 = arith.constant 0 : i32
        %dma_wait3A_180 = arith.constant 0 : i32
        %dma_wait3A_181 = tpu.memref_slice %arg4[%dma_wait3A_179, %dma_wait3A_180] : memref<100000x32xf32, #tpu.memory_space<hbm>> -> memref<100000x32xf32, #tpu.memory_space<hbm>>
        tpu.wait_indirect_dma semaphore(%arg13 : memref<!tpu.dma_semaphore, #tpu.memory_space<semaphore_mem>>) src(%dma_wait3A_181 : memref<100000x32xf32, #tpu.memory_space<hbm>>) dst(%dma_wait3A_175 : memref<640x32xf32, #tpu.memory_space<vmem>>)
        %mul3A_182 = arith.constant 32 : i32
        %mul3A_183 = arith.muli %add3A_129, %mul3A_182 : i32
        %add3A_184 = arith.addi %add3A, %mul3A_183 : i32
        %mul3A_185 = arith.constant 32 : i32
        %mul3A_186 = arith.muli %add3A_184, %mul3A_185 : i32
        %mul3A_187 = arith.constant 32 : i32
        %mul3A_188 = arith.muli %mul3A_186, %mul3A_187 : i32
        %dma_wait3A_189 = arith.constant 1 : i32
        %dma_wait3A_190 = arith.constant 0 : i32
        %dma_wait3A_191 = tpu.memref_slice %arg7[%dma_wait3A_189, %dma_wait3A_190] : memref<2x1024xf32, #tpu.memory_space<vmem>> -> memref<1x1024xf32, #tpu.memory_space<vmem>>
        %dma_wait3A_192 = tpu.memref_squeeze %dma_wait3A_191 : memref<1x1024xf32, #tpu.memory_space<vmem>> -> memref<1024xf32, #tpu.memory_space<vmem>>
        %dma_wait3A_193 = tpu.memref_slice %arg3[%mul3A_188] : memref<3200000xf32, #tpu.memory_space<hbm>> -> memref<1024xf32, #tpu.memory_space<hbm>>
        %dma_wait3A_194 = arith.constant 0 : i32
        %dma_wait3A_195 = tpu.memref_slice %arg7[%dma_wait3A_189, %dma_wait3A_194] : memref<2x1024xf32, #tpu.memory_space<vmem>> -> memref<1x1024xf32, #tpu.memory_space<vmem>>
        %dma_wait3A_196 = tpu.memref_squeeze %dma_wait3A_195 : memref<1x1024xf32, #tpu.memory_space<vmem>> -> memref<1024xf32, #tpu.memory_space<vmem>>
        %dma_wait3A_197 = tpu.memref_slice %arg3[%mul3A_188] : memref<3200000xf32, #tpu.memory_space<hbm>> -> memref<1024xf32, #tpu.memory_space<hbm>>
        tpu.wait_dma2 semaphore(%arg15 : memref<!tpu.dma_semaphore, #tpu.memory_space<semaphore_mem>>) src(%dma_wait3A_197 : memref<1024xf32, #tpu.memory_space<hbm>>) dst(%dma_wait3A_196 : memref<1024xf32, #tpu.memory_space<vmem>>)
      } else {
      }
      %add3A_138 = arith.constant 3 : i32
      %add3A_139 = arith.addi %mul3A_50, %add3A_138 : i32
      %mul3A_140 = arith.constant 32 : i32
      %mul3A_141 = arith.muli %add3A_139, %mul3A_140 : i32
      %add3A_142 = arith.addi %add3A, %mul3A_141 : i32
      %lt3A_143 = arith.constant 3125 : i32
      %lt3A_144 = arith.cmpi slt, %add3A_142, %lt3A_143 : i32
      %convert_element_type3A_145 = arith.extui %lt3A_144 : i1 to i32
      %cond3A_146 = arith.constant 0 : i32
      %cond3A_147 = arith.cmpi ne, %convert_element_type3A_145, %cond3A_146 : i32
      scf.if %cond3A_147 {
        %mul3A_171 = arith.constant 32 : i32
        %mul3A_172 = arith.muli %add3A_139, %mul3A_171 : i32
        %add3A_173 = arith.addi %add3A, %mul3A_172 : i32
        %mul3A_174 = arith.constant 640 : i32
        %mul3A_175 = arith.muli %add3A_173, %mul3A_174 : i32
        %dma_start3A = arith.constant 1 : i32
        %dma_start3A_176 = arith.constant 0 : i32
        %dma_start3A_177 = tpu.memref_slice %arg6[%dma_start3A, %dma_start3A_176] : memref<2x640xi32, #tpu.memory_space<vmem>> -> memref<1x640xi32, #tpu.memory_space<vmem>>
        %dma_start3A_178 = tpu.memref_squeeze %dma_start3A_177 : memref<1x640xi32, #tpu.memory_space<vmem>> -> memref<640xi32, #tpu.memory_space<vmem>>
        %dma_start3A_179 = tpu.memref_slice %arg2[%mul3A_175] : memref<2000000xi32, #tpu.memory_space<hbm>> -> memref<640xi32, #tpu.memory_space<hbm>>
        %dma_start3A_180 = arith.constant 0 : i32
        %dma_start3A_181 = tpu.memref_slice %arg6[%dma_start3A, %dma_start3A_180] : memref<2x640xi32, #tpu.memory_space<vmem>> -> memref<1x640xi32, #tpu.memory_space<vmem>>
        %dma_start3A_182 = tpu.memref_squeeze %dma_start3A_181 : memref<1x640xi32, #tpu.memory_space<vmem>> -> memref<640xi32, #tpu.memory_space<vmem>>
        %dma_start3A_183 = tpu.memref_slice %arg2[%mul3A_175] : memref<2000000xi32, #tpu.memory_space<hbm>> -> memref<640xi32, #tpu.memory_space<hbm>>
        tpu.enqueue_dma source(%dma_start3A_183 : memref<640xi32, #tpu.memory_space<hbm>>) target(%dma_start3A_182 : memref<640xi32, #tpu.memory_space<vmem>>) target_semaphore(%arg11 : memref<!tpu.dma_semaphore, #tpu.memory_space<semaphore_mem>>)
      } else {
      }
      %sub3A_148 = arith.constant 1 : i32
      %sub3A_149 = arith.subi %mul3A_50, %sub3A_148 : i32
      %mul3A_150 = arith.constant 32 : i32
      %mul3A_151 = arith.muli %sub3A_149, %mul3A_150 : i32
      %add3A_152 = arith.addi %add3A, %mul3A_151 : i32
      %ge3A_153 = arith.constant 0 : i32
      %ge3A_154 = arith.cmpi sge, %sub3A_149, %ge3A_153 : i32
      %lt3A_155 = arith.constant 3125 : i32
      %lt3A_156 = arith.cmpi slt, %add3A_152, %lt3A_155 : i32
      %and3A_157 = arith.andi %ge3A_154, %lt3A_156 : i1
      %convert_element_type3A_158 = arith.extui %and3A_157 : i1 to i32
      %cond3A_159 = arith.constant 0 : i32
      %cond3A_160 = arith.cmpi ne, %convert_element_type3A_158, %cond3A_159 : i32
      scf.if %cond3A_160 {
        %mul3A_171 = arith.constant 32 : i32
        %mul3A_172 = arith.muli %sub3A_149, %mul3A_171 : i32
        %add3A_173 = arith.addi %add3A, %mul3A_172 : i32
        %mul3A_174 = arith.constant 32 : i32
        %mul3A_175 = arith.muli %add3A_173, %mul3A_174 : i32
        %dma_wait3A = arith.constant 1 : i32
        %dma_wait3A_176 = arith.constant 0 : i32
        %dma_wait3A_177 = arith.constant 0 : i32
        %dma_wait3A_178 = tpu.memref_slice %arg9[%dma_wait3A, %dma_wait3A_176, %dma_wait3A_177] : memref<2x32x32xf32, #tpu.memory_space<vmem>> -> memref<1x32x32xf32, #tpu.memory_space<vmem>>
        %dma_wait3A_179 = tpu.memref_squeeze %dma_wait3A_178 : memref<1x32x32xf32, #tpu.memory_space<vmem>> -> memref<32x32xf32, #tpu.memory_space<vmem>>
        %dma_wait3A_180 = arith.constant 0 : i32
        %dma_wait3A_181 = tpu.memref_slice %arg5[%mul3A_175, %dma_wait3A_180] : memref<100000x32xf32, #tpu.memory_space<hbm>> -> memref<32x32xf32, #tpu.memory_space<hbm>>
        %dma_wait3A_182 = arith.constant 0 : i32
        %dma_wait3A_183 = tpu.memref_slice %arg5[%mul3A_175, %dma_wait3A_182] : memref<100000x32xf32, #tpu.memory_space<hbm>> -> memref<32x32xf32, #tpu.memory_space<hbm>>
        %dma_wait3A_184 = arith.constant 0 : i32
        %dma_wait3A_185 = arith.constant 0 : i32
        %dma_wait3A_186 = tpu.memref_slice %arg9[%dma_wait3A, %dma_wait3A_184, %dma_wait3A_185] : memref<2x32x32xf32, #tpu.memory_space<vmem>> -> memref<1x32x32xf32, #tpu.memory_space<vmem>>
        %dma_wait3A_187 = tpu.memref_squeeze %dma_wait3A_186 : memref<1x32x32xf32, #tpu.memory_space<vmem>> -> memref<32x32xf32, #tpu.memory_space<vmem>>
        tpu.wait_dma2 semaphore(%arg17 : memref<!tpu.dma_semaphore, #tpu.memory_space<semaphore_mem>>) src(%dma_wait3A_187 : memref<32x32xf32, #tpu.memory_space<vmem>>) dst(%dma_wait3A_183 : memref<32x32xf32, #tpu.memory_space<hbm>>)
      } else {
      }
      %add3A_161 = arith.constant 1 : i32
      %add3A_162 = arith.addi %mul3A_50, %add3A_161 : i32
      %mul3A_163 = arith.constant 32 : i32
      %mul3A_164 = arith.muli %add3A_162, %mul3A_163 : i32
      %add3A_165 = arith.addi %add3A, %mul3A_164 : i32
      %lt3A_166 = arith.constant 3125 : i32
      %lt3A_167 = arith.cmpi slt, %add3A_165, %lt3A_166 : i32
      %convert_element_type3A_168 = arith.extui %lt3A_167 : i1 to i32
      %cond3A_169 = arith.constant 0 : i32
      %cond3A_170 = arith.cmpi ne, %convert_element_type3A_168, %cond3A_169 : i32
      scf.if %cond3A_170 {
        %scan3A_171 = arith.constant 0 : i32
        %scan3A_172 = arith.constant 0 : i32
        %scan3A_173 = arith.constant 32 : i32
        %scan3A_174 = arith.addi %scan3A_172, %scan3A_173 : i32
        %scan3A_175 = arith.constant 4 : i32
        scf.for %scan3A_194 = %scan3A_172 to %scan3A_174 step %scan3A_175  : i32 {
          %mul3A_195 = arith.constant 20 : i32
          %mul3A_196 = arith.muli %scan3A_194, %mul3A_195 : i32
          %mul3A_197 = arith.constant 32 : i32
          %mul3A_198 = arith.muli %scan3A_194, %mul3A_197 : i32
          %get3A = arith.constant 1 : i32
          %get3A_199 = arith.index_cast %get3A : i32 to index
          %get3A_200 = arith.index_cast %mul3A_198 : i32 to index
          %get3A_201 = tpu.vector_load %arg7[%get3A_199, %get3A_200] {strides = array<i32>} : memref<2x1024xf32, #tpu.memory_space<vmem>>, vector<1x16xf32>,
          %get3A_202 = vector.shape_cast %get3A_201 : vector<1x16xf32> to vector<16xf32>
          %mul3A_203 = arith.constant 32 : i32
          %mul3A_204 = arith.muli %scan3A_194, %mul3A_203 : i32
          %add3A_205 = arith.constant 16 : i32
          %add3A_206 = arith.addi %mul3A_204, %add3A_205 : i32
          %get3A_207 = arith.constant 1 : i32
          %get3A_208 = arith.index_cast %get3A_207 : i32 to index
          %get3A_209 = arith.index_cast %add3A_206 : i32 to index
          %get3A_210 = tpu.vector_load %arg7[%get3A_208, %get3A_209] {strides = array<i32>} : memref<2x1024xf32, #tpu.memory_space<vmem>>, vector<1x16xf32>,
          %get3A_211 = vector.shape_cast %get3A_210 : vector<1x16xf32> to vector<16xf32>
          %slice3A = vector.extract_strided_slice %get3A_202 {offsets = [0], sizes = [1], strides = [1]} : vector<16xf32> to vector<1xf32>
          %squeeze3A = vector.extract %slice3A[0] : f32 from vector<1xf32>
          %get3A_212 = arith.constant 1 : i32
          %get3A_213 = arith.index_cast %get3A_212 : i32 to index
          %get3A_214 = arith.index_cast %mul3A_196 : i32 to index
          %get3A_215 = arith.constant 0 : index
          %get3A_216 = tpu.vector_load %arg8[%get3A_213, %get3A_214, %get3A_215] {strides = array<i32>} : memref<2x640x32xf32, #tpu.memory_space<vmem>>, vector<1x1x16xf32>,
          %get3A_217 = vector.shape_cast %get3A_216 : vector<1x1x16xf32> to vector<16xf32>
          %mul3A_218 = vector.broadcast %squeeze3A : f32 to vector<16xf32>
          %mul3A_219 = arith.mulf %mul3A_218, %get3A_217 : vector<16xf32>
          %get3A_220 = arith.constant 1 : i32
          %get3A_221 = arith.index_cast %get3A_220 : i32 to index
          %get3A_222 = arith.index_cast %mul3A_196 : i32 to index
          %get3A_223 = arith.constant 16 : index
          %get3A_224 = tpu.vector_load %arg8[%get3A_221, %get3A_222, %get3A_223] {strides = array<i32>} : memref<2x640x32xf32, #tpu.memory_space<vmem>>, vector<1x1x16xf32>,
          %get3A_225 = vector.shape_cast %get3A_224 : vector<1x1x16xf32> to vector<16xf32>
          %mul3A_226 = vector.broadcast %squeeze3A : f32 to vector<16xf32>
          %mul3A_227 = arith.mulf %mul3A_226, %get3A_225 : vector<16xf32>
          %slice3A_228 = vector.extract_strided_slice %get3A_202 {offsets = [1], sizes = [1], strides = [1]} : vector<16xf32> to vector<1xf32>
          %squeeze3A_229 = vector.extract %slice3A_228[0] : f32 from vector<1xf32>
          %add3A_230 = arith.constant 1 : i32
          %add3A_231 = arith.addi %mul3A_196, %add3A_230 : i32
          %get3A_232 = arith.constant 1 : i32
          %get3A_233 = arith.index_cast %get3A_232 : i32 to index
          %get3A_234 = arith.index_cast %add3A_231 : i32 to index
          %get3A_235 = arith.constant 0 : index
          %get3A_236 = tpu.vector_load %arg8[%get3A_233, %get3A_234, %get3A_235] {strides = array<i32>} : memref<2x640x32xf32, #tpu.memory_space<vmem>>, vector<1x1x16xf32>,
          %get3A_237 = vector.shape_cast %get3A_236 : vector<1x1x16xf32> to vector<16xf32>
          %mul3A_238 = vector.broadcast %squeeze3A_229 : f32 to vector<16xf32>
          %mul3A_239 = arith.mulf %mul3A_238, %get3A_237 : vector<16xf32>
          %add3A_240 = arith.addf %mul3A_219, %mul3A_239 : vector<16xf32>
          %add3A_241 = arith.constant 1 : i32
          %add3A_242 = arith.addi %mul3A_196, %add3A_241 : i32
          %get3A_243 = arith.constant 1 : i32
          %get3A_244 = arith.index_cast %get3A_243 : i32 to index
          %get3A_245 = arith.index_cast %add3A_242 : i32 to index
          %get3A_246 = arith.constant 16 : index
          %get3A_247 = tpu.vector_load %arg8[%get3A_244, %get3A_245, %get3A_246] {strides = array<i32>} : memref<2x640x32xf32, #tpu.memory_space<vmem>>, vector<1x1x16xf32>,
          %get3A_248 = vector.shape_cast %get3A_247 : vector<1x1x16xf32> to vector<16xf32>
          %mul3A_249 = vector.broadcast %squeeze3A_229 : f32 to vector<16xf32>
          %mul3A_250 = arith.mulf %mul3A_249, %get3A_248 : vector<16xf32>
          %add3A_251 = arith.addf %mul3A_227, %mul3A_250 : vector<16xf32>
          %slice3A_252 = vector.extract_strided_slice %get3A_202 {offsets = [2], sizes = [1], strides = [1]} : vector<16xf32> to vector<1xf32>
          %squeeze3A_253 = vector.extract %slice3A_252[0] : f32 from vector<1xf32>
          %add3A_254 = arith.constant 2 : i32
          %add3A_255 = arith.addi %mul3A_196, %add3A_254 : i32
          %get3A_256 = arith.constant 1 : i32
          %get3A_257 = arith.index_cast %get3A_256 : i32 to index
          %get3A_258 = arith.index_cast %add3A_255 : i32 to index
          %get3A_259 = arith.constant 0 : index
          %get3A_260 = tpu.vector_load %arg8[%get3A_257, %get3A_258, %get3A_259] {strides = array<i32>} : memref<2x640x32xf32, #tpu.memory_space<vmem>>, vector<1x1x16xf32>,
          %get3A_261 = vector.shape_cast %get3A_260 : vector<1x1x16xf32> to vector<16xf32>
          %mul3A_262 = vector.broadcast %squeeze3A_253 : f32 to vector<16xf32>
          %mul3A_263 = arith.mulf %mul3A_262, %get3A_261 : vector<16xf32>
          %add3A_264 = arith.addf %add3A_240, %mul3A_263 : vector<16xf32>
          %add3A_265 = arith.constant 2 : i32
          %add3A_266 = arith.addi %mul3A_196, %add3A_265 : i32
          %get3A_267 = arith.constant 1 : i32
          %get3A_268 = arith.index_cast %get3A_267 : i32 to index
          %get3A_269 = arith.index_cast %add3A_266 : i32 to index
          %get3A_270 = arith.constant 16 : index
          %get3A_271 = tpu.vector_load %arg8[%get3A_268, %get3A_269, %get3A_270] {strides = array<i32>} : memref<2x640x32xf32, #tpu.memory_space<vmem>>, vector<1x1x16xf32>,
          %get3A_272 = vector.shape_cast %get3A_271 : vector<1x1x16xf32> to vector<16xf32>
          %mul3A_273 = vector.broadcast %squeeze3A_253 : f32 to vector<16xf32>
          %mul3A_274 = arith.mulf %mul3A_273, %get3A_272 : vector<16xf32>
          %add3A_275 = arith.addf %add3A_251, %mul3A_274 : vector<16xf32>
          %slice3A_276 = vector.extract_strided_slice %get3A_202 {offsets = [3], sizes = [1], strides = [1]} : vector<16xf32> to vector<1xf32>
          %squeeze3A_277 = vector.extract %slice3A_276[0] : f32 from vector<1xf32>
          %add3A_278 = arith.constant 3 : i32
          %add3A_279 = arith.addi %mul3A_196, %add3A_278 : i32
          %get3A_280 = arith.constant 1 : i32
          %get3A_281 = arith.index_cast %get3A_280 : i32 to index
          %get3A_282 = arith.index_cast %add3A_279 : i32 to index
          %get3A_283 = arith.constant 0 : index
          %get3A_284 = tpu.vector_load %arg8[%get3A_281, %get3A_282, %get3A_283] {strides = array<i32>} : memref<2x640x32xf32, #tpu.memory_space<vmem>>, vector<1x1x16xf32>,
          %get3A_285 = vector.shape_cast %get3A_284 : vector<1x1x16xf32> to vector<16xf32>
          %mul3A_286 = vector.broadcast %squeeze3A_277 : f32 to vector<16xf32>
          %mul3A_287 = arith.mulf %mul3A_286, %get3A_285 : vector<16xf32>
          %add3A_288 = arith.addf %add3A_264, %mul3A_287 : vector<16xf32>
          %add3A_289 = arith.constant 3 : i32
          %add3A_290 = arith.addi %mul3A_196, %add3A_289 : i32
          %get3A_291 = arith.constant 1 : i32
          %get3A_292 = arith.index_cast %get3A_291 : i32 to index
          %get3A_293 = arith.index_cast %add3A_290 : i32 to index
          %get3A_294 = arith.constant 16 : index
          %get3A_295 = tpu.vector_load %arg8[%get3A_292, %get3A_293, %get3A_294] {strides = array<i32>} : memref<2x640x32xf32, #tpu.memory_space<vmem>>, vector<1x1x16xf32>,
          %get3A_296 = vector.shape_cast %get3A_295 : vector<1x1x16xf32> to vector<16xf32>
          %mul3A_297 = vector.broadcast %squeeze3A_277 : f32 to vector<16xf32>
          %mul3A_298 = arith.mulf %mul3A_297, %get3A_296 : vector<16xf32>
          %add3A_299 = arith.addf %add3A_275, %mul3A_298 : vector<16xf32>
          %slice3A_300 = vector.extract_strided_slice %get3A_202 {offsets = [4], sizes = [1], strides = [1]} : vector<16xf32> to vector<1xf32>
          %squeeze3A_301 = vector.extract %slice3A_300[0] : f32 from vector<1xf32>
          %add3A_302 = arith.constant 4 : i32
          %add3A_303 = arith.addi %mul3A_196, %add3A_302 : i32
          %get3A_304 = arith.constant 1 : i32
          %get3A_305 = arith.index_cast %get3A_304 : i32 to index
          %get3A_306 = arith.index_cast %add3A_303 : i32 to index
          %get3A_307 = arith.constant 0 : index
          %get3A_308 = tpu.vector_load %arg8[%get3A_305, %get3A_306, %get3A_307] {strides = array<i32>} : memref<2x640x32xf32, #tpu.memory_space<vmem>>, vector<1x1x16xf32>,
          %get3A_309 = vector.shape_cast %get3A_308 : vector<1x1x16xf32> to vector<16xf32>
          %mul3A_310 = vector.broadcast %squeeze3A_301 : f32 to vector<16xf32>
          %mul3A_311 = arith.mulf %mul3A_310, %get3A_309 : vector<16xf32>
          %add3A_312 = arith.addf %add3A_288, %mul3A_311 : vector<16xf32>
          %add3A_313 = arith.constant 4 : i32
          %add3A_314 = arith.addi %mul3A_196, %add3A_313 : i32
          %get3A_315 = arith.constant 1 : i32
          %get3A_316 = arith.index_cast %get3A_315 : i32 to index
          %get3A_317 = arith.index_cast %add3A_314 : i32 to index
          %get3A_318 = arith.constant 16 : index
          %get3A_319 = tpu.vector_load %arg8[%get3A_316, %get3A_317, %get3A_318] {strides = array<i32>} : memref<2x640x32xf32, #tpu.memory_space<vmem>>, vector<1x1x16xf32>,
          %get3A_320 = vector.shape_cast %get3A_319 : vector<1x1x16xf32> to vector<16xf32>
          %mul3A_321 = vector.broadcast %squeeze3A_301 : f32 to vector<16xf32>
          %mul3A_322 = arith.mulf %mul3A_321, %get3A_320 : vector<16xf32>
          %add3A_323 = arith.addf %add3A_299, %mul3A_322 : vector<16xf32>
          %slice3A_324 = vector.extract_strided_slice %get3A_202 {offsets = [5], sizes = [1], strides = [1]} : vector<16xf32> to vector<1xf32>
          %squeeze3A_325 = vector.extract %slice3A_324[0] : f32 from vector<1xf32>
          %add3A_326 = arith.constant 5 : i32
          %add3A_327 = arith.addi %mul3A_196, %add3A_326 : i32
          %get3A_328 = arith.constant 1 : i32
          %get3A_329 = arith.index_cast %get3A_328 : i32 to index
          %get3A_330 = arith.index_cast %add3A_327 : i32 to index
          %get3A_331 = arith.constant 0 : index
          %get3A_332 = tpu.vector_load %arg8[%get3A_329, %get3A_330, %get3A_331] {strides = array<i32>} : memref<2x640x32xf32, #tpu.memory_space<vmem>>, vector<1x1x16xf32>,
          %get3A_333 = vector.shape_cast %get3A_332 : vector<1x1x16xf32> to vector<16xf32>
          %mul3A_334 = vector.broadcast %squeeze3A_325 : f32 to vector<16xf32>
          %mul3A_335 = arith.mulf %mul3A_334, %get3A_333 : vector<16xf32>
          %add3A_336 = arith.addf %add3A_312, %mul3A_335 : vector<16xf32>
          %add3A_337 = arith.constant 5 : i32
          %add3A_338 = arith.addi %mul3A_196, %add3A_337 : i32
          %get3A_339 = arith.constant 1 : i32
          %get3A_340 = arith.index_cast %get3A_339 : i32 to index
          %get3A_341 = arith.index_cast %add3A_338 : i32 to index
          %get3A_342 = arith.constant 16 : index
          %get3A_343 = tpu.vector_load %arg8[%get3A_340, %get3A_341, %get3A_342] {strides = array<i32>} : memref<2x640x32xf32, #tpu.memory_space<vmem>>, vector<1x1x16xf32>,
          %get3A_344 = vector.shape_cast %get3A_343 : vector<1x1x16xf32> to vector<16xf32>
          %mul3A_345 = vector.broadcast %squeeze3A_325 : f32 to vector<16xf32>
          %mul3A_346 = arith.mulf %mul3A_345, %get3A_344 : vector<16xf32>
          %add3A_347 = arith.addf %add3A_323, %mul3A_346 : vector<16xf32>
          %slice3A_348 = vector.extract_strided_slice %get3A_202 {offsets = [6], sizes = [1], strides = [1]} : vector<16xf32> to vector<1xf32>
          %squeeze3A_349 = vector.extract %slice3A_348[0] : f32 from vector<1xf32>
          %add3A_350 = arith.constant 6 : i32
          %add3A_351 = arith.addi %mul3A_196, %add3A_350 : i32
          %get3A_352 = arith.constant 1 : i32
          %get3A_353 = arith.index_cast %get3A_352 : i32 to index
          %get3A_354 = arith.index_cast %add3A_351 : i32 to index
          %get3A_355 = arith.constant 0 : index
          %get3A_356 = tpu.vector_load %arg8[%get3A_353, %get3A_354, %get3A_355] {strides = array<i32>} : memref<2x640x32xf32, #tpu.memory_space<vmem>>, vector<1x1x16xf32>,
          %get3A_357 = vector.shape_cast %get3A_356 : vector<1x1x16xf32> to vector<16xf32>
          %mul3A_358 = vector.broadcast %squeeze3A_349 : f32 to vector<16xf32>
          %mul3A_359 = arith.mulf %mul3A_358, %get3A_357 : vector<16xf32>
          %add3A_360 = arith.addf %add3A_336, %mul3A_359 : vector<16xf32>
          %add3A_361 = arith.constant 6 : i32
          %add3A_362 = arith.addi %mul3A_196, %add3A_361 : i32
          %get3A_363 = arith.constant 1 : i32
          %get3A_364 = arith.index_cast %get3A_363 : i32 to index
          %get3A_365 = arith.index_cast %add3A_362 : i32 to index
          %get3A_366 = arith.constant 16 : index
          %get3A_367 = tpu.vector_load %arg8[%get3A_364, %get3A_365, %get3A_366] {strides = array<i32>} : memref<2x640x32xf32, #tpu.memory_space<vmem>>, vector<1x1x16xf32>,
          %get3A_368 = vector.shape_cast %get3A_367 : vector<1x1x16xf32> to vector<16xf32>
          %mul3A_369 = vector.broadcast %squeeze3A_349 : f32 to vector<16xf32>
          %mul3A_370 = arith.mulf %mul3A_369, %get3A_368 : vector<16xf32>
          %add3A_371 = arith.addf %add3A_347, %mul3A_370 : vector<16xf32>
          %slice3A_372 = vector.extract_strided_slice %get3A_202 {offsets = [7], sizes = [1], strides = [1]} : vector<16xf32> to vector<1xf32>
          %squeeze3A_373 = vector.extract %slice3A_372[0] : f32 from vector<1xf32>
          %add3A_374 = arith.constant 7 : i32
          %add3A_375 = arith.addi %mul3A_196, %add3A_374 : i32
          %get3A_376 = arith.constant 1 : i32
          %get3A_377 = arith.index_cast %get3A_376 : i32 to index
          %get3A_378 = arith.index_cast %add3A_375 : i32 to index
          %get3A_379 = arith.constant 0 : index
          %get3A_380 = tpu.vector_load %arg8[%get3A_377, %get3A_378, %get3A_379] {strides = array<i32>} : memref<2x640x32xf32, #tpu.memory_space<vmem>>, vector<1x1x16xf32>,
          %get3A_381 = vector.shape_cast %get3A_380 : vector<1x1x16xf32> to vector<16xf32>
          %mul3A_382 = vector.broadcast %squeeze3A_373 : f32 to vector<16xf32>
          %mul3A_383 = arith.mulf %mul3A_382, %get3A_381 : vector<16xf32>
          %add3A_384 = arith.addf %add3A_360, %mul3A_383 : vector<16xf32>
          %add3A_385 = arith.constant 7 : i32
          %add3A_386 = arith.addi %mul3A_196, %add3A_385 : i32
          %get3A_387 = arith.constant 1 : i32
          %get3A_388 = arith.index_cast %get3A_387 : i32 to index
          %get3A_389 = arith.index_cast %add3A_386 : i32 to index
          %get3A_390 = arith.constant 16 : index
          %get3A_391 = tpu.vector_load %arg8[%get3A_388, %get3A_389, %get3A_390] {strides = array<i32>} : memref<2x640x32xf32, #tpu.memory_space<vmem>>, vector<1x1x16xf32>,
          %get3A_392 = vector.shape_cast %get3A_391 : vector<1x1x16xf32> to vector<16xf32>
          %mul3A_393 = vector.broadcast %squeeze3A_373 : f32 to vector<16xf32>
          %mul3A_394 = arith.mulf %mul3A_393, %get3A_392 : vector<16xf32>
          %add3A_395 = arith.addf %add3A_371, %mul3A_394 : vector<16xf32>
          %slice3A_396 = vector.extract_strided_slice %get3A_202 {offsets = [8], sizes = [1], strides = [1]} : vector<16xf32> to vector<1xf32>
          %squeeze3A_397 = vector.extract %slice3A_396[0] : f32 from vector<1xf32>
          %add3A_398 = arith.constant 8 : i32
          %add3A_399 = arith.addi %mul3A_196, %add3A_398 : i32
          %get3A_400 = arith.constant 1 : i32
          %get3A_401 = arith.index_cast %get3A_400 : i32 to index
          %get3A_402 = arith.index_cast %add3A_399 : i32 to index
          %get3A_403 = arith.constant 0 : index
          %get3A_404 = tpu.vector_load %arg8[%get3A_401, %get3A_402, %get3A_403] {strides = array<i32>} : memref<2x640x32xf32, #tpu.memory_space<vmem>>, vector<1x1x16xf32>,
          %get3A_405 = vector.shape_cast %get3A_404 : vector<1x1x16xf32> to vector<16xf32>
          %mul3A_406 = vector.broadcast %squeeze3A_397 : f32 to vector<16xf32>
          %mul3A_407 = arith.mulf %mul3A_406, %get3A_405 : vector<16xf32>
          %add3A_408 = arith.addf %add3A_384, %mul3A_407 : vector<16xf32>
          %add3A_409 = arith.constant 8 : i32
          %add3A_410 = arith.addi %mul3A_196, %add3A_409 : i32
          %get3A_411 = arith.constant 1 : i32
          %get3A_412 = arith.index_cast %get3A_411 : i32 to index
          %get3A_413 = arith.index_cast %add3A_410 : i32 to index
          %get3A_414 = arith.constant 16 : index
          %get3A_415 = tpu.vector_load %arg8[%get3A_412, %get3A_413, %get3A_414] {strides = array<i32>} : memref<2x640x32xf32, #tpu.memory_space<vmem>>, vector<1x1x16xf32>,
          %get3A_416 = vector.shape_cast %get3A_415 : vector<1x1x16xf32> to vector<16xf32>
          %mul3A_417 = vector.broadcast %squeeze3A_397 : f32 to vector<16xf32>
          %mul3A_418 = arith.mulf %mul3A_417, %get3A_416 : vector<16xf32>
          %add3A_419 = arith.addf %add3A_395, %mul3A_418 : vector<16xf32>
          %slice3A_420 = vector.extract_strided_slice %get3A_202 {offsets = [9], sizes = [1], strides = [1]} : vector<16xf32> to vector<1xf32>
          %squeeze3A_421 = vector.extract %slice3A_420[0] : f32 from vector<1xf32>
          %add3A_422 = arith.constant 9 : i32
          %add3A_423 = arith.addi %mul3A_196, %add3A_422 : i32
          %get3A_424 = arith.constant 1 : i32
          %get3A_425 = arith.index_cast %get3A_424 : i32 to index
          %get3A_426 = arith.index_cast %add3A_423 : i32 to index
          %get3A_427 = arith.constant 0 : index
          %get3A_428 = tpu.vector_load %arg8[%get3A_425, %get3A_426, %get3A_427] {strides = array<i32>} : memref<2x640x32xf32, #tpu.memory_space<vmem>>, vector<1x1x16xf32>,
          %get3A_429 = vector.shape_cast %get3A_428 : vector<1x1x16xf32> to vector<16xf32>
          %mul3A_430 = vector.broadcast %squeeze3A_421 : f32 to vector<16xf32>
          %mul3A_431 = arith.mulf %mul3A_430, %get3A_429 : vector<16xf32>
          %add3A_432 = arith.addf %add3A_408, %mul3A_431 : vector<16xf32>
          %add3A_433 = arith.constant 9 : i32
          %add3A_434 = arith.addi %mul3A_196, %add3A_433 : i32
          %get3A_435 = arith.constant 1 : i32
          %get3A_436 = arith.index_cast %get3A_435 : i32 to index
          %get3A_437 = arith.index_cast %add3A_434 : i32 to index
          %get3A_438 = arith.constant 16 : index
          %get3A_439 = tpu.vector_load %arg8[%get3A_436, %get3A_437, %get3A_438] {strides = array<i32>} : memref<2x640x32xf32, #tpu.memory_space<vmem>>, vector<1x1x16xf32>,
          %get3A_440 = vector.shape_cast %get3A_439 : vector<1x1x16xf32> to vector<16xf32>
          %mul3A_441 = vector.broadcast %squeeze3A_421 : f32 to vector<16xf32>
          %mul3A_442 = arith.mulf %mul3A_441, %get3A_440 : vector<16xf32>
          %add3A_443 = arith.addf %add3A_419, %mul3A_442 : vector<16xf32>
          %slice3A_444 = vector.extract_strided_slice %get3A_202 {offsets = [10], sizes = [1], strides = [1]} : vector<16xf32> to vector<1xf32>
          %squeeze3A_445 = vector.extract %slice3A_444[0] : f32 from vector<1xf32>
          %add3A_446 = arith.constant 10 : i32
          %add3A_447 = arith.addi %mul3A_196, %add3A_446 : i32
          %get3A_448 = arith.constant 1 : i32
          %get3A_449 = arith.index_cast %get3A_448 : i32 to index
          %get3A_450 = arith.index_cast %add3A_447 : i32 to index
          %get3A_451 = arith.constant 0 : index
          %get3A_452 = tpu.vector_load %arg8[%get3A_449, %get3A_450, %get3A_451] {strides = array<i32>} : memref<2x640x32xf32, #tpu.memory_space<vmem>>, vector<1x1x16xf32>,
          %get3A_453 = vector.shape_cast %get3A_452 : vector<1x1x16xf32> to vector<16xf32>
          %mul3A_454 = vector.broadcast %squeeze3A_445 : f32 to vector<16xf32>
          %mul3A_455 = arith.mulf %mul3A_454, %get3A_453 : vector<16xf32>
          %add3A_456 = arith.addf %add3A_432, %mul3A_455 : vector<16xf32>
          %add3A_457 = arith.constant 10 : i32
          %add3A_458 = arith.addi %mul3A_196, %add3A_457 : i32
          %get3A_459 = arith.constant 1 : i32
          %get3A_460 = arith.index_cast %get3A_459 : i32 to index
          %get3A_461 = arith.index_cast %add3A_458 : i32 to index
          %get3A_462 = arith.constant 16 : index
          %get3A_463 = tpu.vector_load %arg8[%get3A_460, %get3A_461, %get3A_462] {strides = array<i32>} : memref<2x640x32xf32, #tpu.memory_space<vmem>>, vector<1x1x16xf32>,
          %get3A_464 = vector.shape_cast %get3A_463 : vector<1x1x16xf32> to vector<16xf32>
          %mul3A_465 = vector.broadcast %squeeze3A_445 : f32 to vector<16xf32>
          %mul3A_466 = arith.mulf %mul3A_465, %get3A_464 : vector<16xf32>
          %add3A_467 = arith.addf %add3A_443, %mul3A_466 : vector<16xf32>
          %slice3A_468 = vector.extract_strided_slice %get3A_202 {offsets = [11], sizes = [1], strides = [1]} : vector<16xf32> to vector<1xf32>
          %squeeze3A_469 = vector.extract %slice3A_468[0] : f32 from vector<1xf32>
          %add3A_470 = arith.constant 11 : i32
          %add3A_471 = arith.addi %mul3A_196, %add3A_470 : i32
          %get3A_472 = arith.constant 1 : i32
          %get3A_473 = arith.index_cast %get3A_472 : i32 to index
          %get3A_474 = arith.index_cast %add3A_471 : i32 to index
          %get3A_475 = arith.constant 0 : index
          %get3A_476 = tpu.vector_load %arg8[%get3A_473, %get3A_474, %get3A_475] {strides = array<i32>} : memref<2x640x32xf32, #tpu.memory_space<vmem>>, vector<1x1x16xf32>,
          %get3A_477 = vector.shape_cast %get3A_476 : vector<1x1x16xf32> to vector<16xf32>
          %mul3A_478 = vector.broadcast %squeeze3A_469 : f32 to vector<16xf32>
          %mul3A_479 = arith.mulf %mul3A_478, %get3A_477 : vector<16xf32>
          %add3A_480 = arith.addf %add3A_456, %mul3A_479 : vector<16xf32>
          %add3A_481 = arith.constant 11 : i32
          %add3A_482 = arith.addi %mul3A_196, %add3A_481 : i32
          %get3A_483 = arith.constant 1 : i32
          %get3A_484 = arith.index_cast %get3A_483 : i32 to index
          %get3A_485 = arith.index_cast %add3A_482 : i32 to index
          %get3A_486 = arith.constant 16 : index
          %get3A_487 = tpu.vector_load %arg8[%get3A_484, %get3A_485, %get3A_486] {strides = array<i32>} : memref<2x640x32xf32, #tpu.memory_space<vmem>>, vector<1x1x16xf32>,
          %get3A_488 = vector.shape_cast %get3A_487 : vector<1x1x16xf32> to vector<16xf32>
          %mul3A_489 = vector.broadcast %squeeze3A_469 : f32 to vector<16xf32>
          %mul3A_490 = arith.mulf %mul3A_489, %get3A_488 : vector<16xf32>
          %add3A_491 = arith.addf %add3A_467, %mul3A_490 : vector<16xf32>
          %slice3A_492 = vector.extract_strided_slice %get3A_202 {offsets = [12], sizes = [1], strides = [1]} : vector<16xf32> to vector<1xf32>
          %squeeze3A_493 = vector.extract %slice3A_492[0] : f32 from vector<1xf32>
          %add3A_494 = arith.constant 12 : i32
          %add3A_495 = arith.addi %mul3A_196, %add3A_494 : i32
          %get3A_496 = arith.constant 1 : i32
          %get3A_497 = arith.index_cast %get3A_496 : i32 to index
          %get3A_498 = arith.index_cast %add3A_495 : i32 to index
          %get3A_499 = arith.constant 0 : index
          %get3A_500 = tpu.vector_load %arg8[%get3A_497, %get3A_498, %get3A_499] {strides = array<i32>} : memref<2x640x32xf32, #tpu.memory_space<vmem>>, vector<1x1x16xf32>,
          %get3A_501 = vector.shape_cast %get3A_500 : vector<1x1x16xf32> to vector<16xf32>
          %mul3A_502 = vector.broadcast %squeeze3A_493 : f32 to vector<16xf32>
          %mul3A_503 = arith.mulf %mul3A_502, %get3A_501 : vector<16xf32>
          %add3A_504 = arith.addf %add3A_480, %mul3A_503 : vector<16xf32>
          %add3A_505 = arith.constant 12 : i32
          %add3A_506 = arith.addi %mul3A_196, %add3A_505 : i32
          %get3A_507 = arith.constant 1 : i32
          %get3A_508 = arith.index_cast %get3A_507 : i32 to index
          %get3A_509 = arith.index_cast %add3A_506 : i32 to index
          %get3A_510 = arith.constant 16 : index
          %get3A_511 = tpu.vector_load %arg8[%get3A_508, %get3A_509, %get3A_510] {strides = array<i32>} : memref<2x640x32xf32, #tpu.memory_space<vmem>>, vector<1x1x16xf32>,
          %get3A_512 = vector.shape_cast %get3A_511 : vector<1x1x16xf32> to vector<16xf32>
          %mul3A_513 = vector.broadcast %squeeze3A_493 : f32 to vector<16xf32>
          %mul3A_514 = arith.mulf %mul3A_513, %get3A_512 : vector<16xf32>
          %add3A_515 = arith.addf %add3A_491, %mul3A_514 : vector<16xf32>
          %slice3A_516 = vector.extract_strided_slice %get3A_202 {offsets = [13], sizes = [1], strides = [1]} : vector<16xf32> to vector<1xf32>
          %squeeze3A_517 = vector.extract %slice3A_516[0] : f32 from vector<1xf32>
          %add3A_518 = arith.constant 13 : i32
          %add3A_519 = arith.addi %mul3A_196, %add3A_518 : i32
          %get3A_520 = arith.constant 1 : i32
          %get3A_521 = arith.index_cast %get3A_520 : i32 to index
          %get3A_522 = arith.index_cast %add3A_519 : i32 to index
          %get3A_523 = arith.constant 0 : index
          %get3A_524 = tpu.vector_load %arg8[%get3A_521, %get3A_522, %get3A_523] {strides = array<i32>} : memref<2x640x32xf32, #tpu.memory_space<vmem>>, vector<1x1x16xf32>,
          %get3A_525 = vector.shape_cast %get3A_524 : vector<1x1x16xf32> to vector<16xf32>
          %mul3A_526 = vector.broadcast %squeeze3A_517 : f32 to vector<16xf32>
          %mul3A_527 = arith.mulf %mul3A_526, %get3A_525 : vector<16xf32>
          %add3A_528 = arith.addf %add3A_504, %mul3A_527 : vector<16xf32>
          %add3A_529 = arith.constant 13 : i32
          %add3A_530 = arith.addi %mul3A_196, %add3A_529 : i32
          %get3A_531 = arith.constant 1 : i32
          %get3A_532 = arith.index_cast %get3A_531 : i32 to index
          %get3A_533 = arith.index_cast %add3A_530 : i32 to index
          %get3A_534 = arith.constant 16 : index
          %get3A_535 = tpu.vector_load %arg8[%get3A_532, %get3A_533, %get3A_534] {strides = array<i32>} : memref<2x640x32xf32, #tpu.memory_space<vmem>>, vector<1x1x16xf32>,
          %get3A_536 = vector.shape_cast %get3A_535 : vector<1x1x16xf32> to vector<16xf32>
          %mul3A_537 = vector.broadcast %squeeze3A_517 : f32 to vector<16xf32>
          %mul3A_538 = arith.mulf %mul3A_537, %get3A_536 : vector<16xf32>
          %add3A_539 = arith.addf %add3A_515, %mul3A_538 : vector<16xf32>
          %slice3A_540 = vector.extract_strided_slice %get3A_202 {offsets = [14], sizes = [1], strides = [1]} : vector<16xf32> to vector<1xf32>
          %squeeze3A_541 = vector.extract %slice3A_540[0] : f32 from vector<1xf32>
          %add3A_542 = arith.constant 14 : i32
          %add3A_543 = arith.addi %mul3A_196, %add3A_542 : i32
          %get3A_544 = arith.constant 1 : i32
          %get3A_545 = arith.index_cast %get3A_544 : i32 to index
          %get3A_546 = arith.index_cast %add3A_543 : i32 to index
          %get3A_547 = arith.constant 0 : index
          %get3A_548 = tpu.vector_load %arg8[%get3A_545, %get3A_546, %get3A_547] {strides = array<i32>} : memref<2x640x32xf32, #tpu.memory_space<vmem>>, vector<1x1x16xf32>,
          %get3A_549 = vector.shape_cast %get3A_548 : vector<1x1x16xf32> to vector<16xf32>
          %mul3A_550 = vector.broadcast %squeeze3A_541 : f32 to vector<16xf32>
          %mul3A_551 = arith.mulf %mul3A_550, %get3A_549 : vector<16xf32>
          %add3A_552 = arith.addf %add3A_528, %mul3A_551 : vector<16xf32>
          %add3A_553 = arith.constant 14 : i32
          %add3A_554 = arith.addi %mul3A_196, %add3A_553 : i32
          %get3A_555 = arith.constant 1 : i32
          %get3A_556 = arith.index_cast %get3A_555 : i32 to index
          %get3A_557 = arith.index_cast %add3A_554 : i32 to index
          %get3A_558 = arith.constant 16 : index
          %get3A_559 = tpu.vector_load %arg8[%get3A_556, %get3A_557, %get3A_558] {strides = array<i32>} : memref<2x640x32xf32, #tpu.memory_space<vmem>>, vector<1x1x16xf32>,
          %get3A_560 = vector.shape_cast %get3A_559 : vector<1x1x16xf32> to vector<16xf32>
          %mul3A_561 = vector.broadcast %squeeze3A_541 : f32 to vector<16xf32>
          %mul3A_562 = arith.mulf %mul3A_561, %get3A_560 : vector<16xf32>
          %add3A_563 = arith.addf %add3A_539, %mul3A_562 : vector<16xf32>
          %slice3A_564 = vector.extract_strided_slice %get3A_202 {offsets = [15], sizes = [1], strides = [1]} : vector<16xf32> to vector<1xf32>
          %squeeze3A_565 = vector.extract %slice3A_564[0] : f32 from vector<1xf32>
          %add3A_566 = arith.constant 15 : i32
          %add3A_567 = arith.addi %mul3A_196, %add3A_566 : i32
          %get3A_568 = arith.constant 1 : i32
          %get3A_569 = arith.index_cast %get3A_568 : i32 to index
          %get3A_570 = arith.index_cast %add3A_567 : i32 to index
          %get3A_571 = arith.constant 0 : index
          %get3A_572 = tpu.vector_load %arg8[%get3A_569, %get3A_570, %get3A_571] {strides = array<i32>} : memref<2x640x32xf32, #tpu.memory_space<vmem>>, vector<1x1x16xf32>,
          %get3A_573 = vector.shape_cast %get3A_572 : vector<1x1x16xf32> to vector<16xf32>
          %mul3A_574 = vector.broadcast %squeeze3A_565 : f32 to vector<16xf32>
          %mul3A_575 = arith.mulf %mul3A_574, %get3A_573 : vector<16xf32>
          %add3A_576 = arith.addf %add3A_552, %mul3A_575 : vector<16xf32>
          %add3A_577 = arith.constant 15 : i32
          %add3A_578 = arith.addi %mul3A_196, %add3A_577 : i32
          %get3A_579 = arith.constant 1 : i32
          %get3A_580 = arith.index_cast %get3A_579 : i32 to index
          %get3A_581 = arith.index_cast %add3A_578 : i32 to index
          %get3A_582 = arith.constant 16 : index
          %get3A_583 = tpu.vector_load %arg8[%get3A_580, %get3A_581, %get3A_582] {strides = array<i32>} : memref<2x640x32xf32, #tpu.memory_space<vmem>>, vector<1x1x16xf32>,
          %get3A_584 = vector.shape_cast %get3A_583 : vector<1x1x16xf32> to vector<16xf32>
          %mul3A_585 = vector.broadcast %squeeze3A_565 : f32 to vector<16xf32>
          %mul3A_586 = arith.mulf %mul3A_585, %get3A_584 : vector<16xf32>
          %add3A_587 = arith.addf %add3A_563, %mul3A_586 : vector<16xf32>
          %slice3A_588 = vector.extract_strided_slice %get3A_211 {offsets = [0], sizes = [1], strides = [1]} : vector<16xf32> to vector<1xf32>
          %squeeze3A_589 = vector.extract %slice3A_588[0] : f32 from vector<1xf32>
          %add3A_590 = arith.constant 16 : i32
          %add3A_591 = arith.addi %mul3A_196, %add3A_590 : i32
          %get3A_592 = arith.constant 1 : i32
          %get3A_593 = arith.index_cast %get3A_592 : i32 to index
          %get3A_594 = arith.index_cast %add3A_591 : i32 to index
          %get3A_595 = arith.constant 0 : index
          %get3A_596 = tpu.vector_load %arg8[%get3A_593, %get3A_594, %get3A_595] {strides = array<i32>} : memref<2x640x32xf32, #tpu.memory_space<vmem>>, vector<1x1x16xf32>,
          %get3A_597 = vector.shape_cast %get3A_596 : vector<1x1x16xf32> to vector<16xf32>
          %mul3A_598 = vector.broadcast %squeeze3A_589 : f32 to vector<16xf32>
          %mul3A_599 = arith.mulf %mul3A_598, %get3A_597 : vector<16xf32>
          %add3A_600 = arith.addf %add3A_576, %mul3A_599 : vector<16xf32>
          %add3A_601 = arith.constant 16 : i32
          %add3A_602 = arith.addi %mul3A_196, %add3A_601 : i32
          %get3A_603 = arith.constant 1 : i32
          %get3A_604 = arith.index_cast %get3A_603 : i32 to index
          %get3A_605 = arith.index_cast %add3A_602 : i32 to index
          %get3A_606 = arith.constant 16 : index
          %get3A_607 = tpu.vector_load %arg8[%get3A_604, %get3A_605, %get3A_606] {strides = array<i32>} : memref<2x640x32xf32, #tpu.memory_space<vmem>>, vector<1x1x16xf32>,
          %get3A_608 = vector.shape_cast %get3A_607 : vector<1x1x16xf32> to vector<16xf32>
          %mul3A_609 = vector.broadcast %squeeze3A_589 : f32 to vector<16xf32>
          %mul3A_610 = arith.mulf %mul3A_609, %get3A_608 : vector<16xf32>
          %add3A_611 = arith.addf %add3A_587, %mul3A_610 : vector<16xf32>
          %slice3A_612 = vector.extract_strided_slice %get3A_211 {offsets = [1], sizes = [1], strides = [1]} : vector<16xf32> to vector<1xf32>
          %squeeze3A_613 = vector.extract %slice3A_612[0] : f32 from vector<1xf32>
          %add3A_614 = arith.constant 17 : i32
          %add3A_615 = arith.addi %mul3A_196, %add3A_614 : i32
          %get3A_616 = arith.constant 1 : i32
          %get3A_617 = arith.index_cast %get3A_616 : i32 to index
          %get3A_618 = arith.index_cast %add3A_615 : i32 to index
          %get3A_619 = arith.constant 0 : index
          %get3A_620 = tpu.vector_load %arg8[%get3A_617, %get3A_618, %get3A_619] {strides = array<i32>} : memref<2x640x32xf32, #tpu.memory_space<vmem>>, vector<1x1x16xf32>,
          %get3A_621 = vector.shape_cast %get3A_620 : vector<1x1x16xf32> to vector<16xf32>
          %mul3A_622 = vector.broadcast %squeeze3A_613 : f32 to vector<16xf32>
          %mul3A_623 = arith.mulf %mul3A_622, %get3A_621 : vector<16xf32>
          %add3A_624 = arith.addf %add3A_600, %mul3A_623 : vector<16xf32>
          %add3A_625 = arith.constant 17 : i32
          %add3A_626 = arith.addi %mul3A_196, %add3A_625 : i32
          %get3A_627 = arith.constant 1 : i32
          %get3A_628 = arith.index_cast %get3A_627 : i32 to index
          %get3A_629 = arith.index_cast %add3A_626 : i32 to index
          %get3A_630 = arith.constant 16 : index
          %get3A_631 = tpu.vector_load %arg8[%get3A_628, %get3A_629, %get3A_630] {strides = array<i32>} : memref<2x640x32xf32, #tpu.memory_space<vmem>>, vector<1x1x16xf32>,
          %get3A_632 = vector.shape_cast %get3A_631 : vector<1x1x16xf32> to vector<16xf32>
          %mul3A_633 = vector.broadcast %squeeze3A_613 : f32 to vector<16xf32>
          %mul3A_634 = arith.mulf %mul3A_633, %get3A_632 : vector<16xf32>
          %add3A_635 = arith.addf %add3A_611, %mul3A_634 : vector<16xf32>
          %slice3A_636 = vector.extract_strided_slice %get3A_211 {offsets = [2], sizes = [1], strides = [1]} : vector<16xf32> to vector<1xf32>
          %squeeze3A_637 = vector.extract %slice3A_636[0] : f32 from vector<1xf32>
          %add3A_638 = arith.constant 18 : i32
          %add3A_639 = arith.addi %mul3A_196, %add3A_638 : i32
          %get3A_640 = arith.constant 1 : i32
          %get3A_641 = arith.index_cast %get3A_640 : i32 to index
          %get3A_642 = arith.index_cast %add3A_639 : i32 to index
          %get3A_643 = arith.constant 0 : index
          %get3A_644 = tpu.vector_load %arg8[%get3A_641, %get3A_642, %get3A_643] {strides = array<i32>} : memref<2x640x32xf32, #tpu.memory_space<vmem>>, vector<1x1x16xf32>,
          %get3A_645 = vector.shape_cast %get3A_644 : vector<1x1x16xf32> to vector<16xf32>
          %mul3A_646 = vector.broadcast %squeeze3A_637 : f32 to vector<16xf32>
          %mul3A_647 = arith.mulf %mul3A_646, %get3A_645 : vector<16xf32>
          %add3A_648 = arith.addf %add3A_624, %mul3A_647 : vector<16xf32>
          %add3A_649 = arith.constant 18 : i32
          %add3A_650 = arith.addi %mul3A_196, %add3A_649 : i32
          %get3A_651 = arith.constant 1 : i32
          %get3A_652 = arith.index_cast %get3A_651 : i32 to index
          %get3A_653 = arith.index_cast %add3A_650 : i32 to index
          %get3A_654 = arith.constant 16 : index
          %get3A_655 = tpu.vector_load %arg8[%get3A_652, %get3A_653, %get3A_654] {strides = array<i32>} : memref<2x640x32xf32, #tpu.memory_space<vmem>>, vector<1x1x16xf32>,
          %get3A_656 = vector.shape_cast %get3A_655 : vector<1x1x16xf32> to vector<16xf32>
          %mul3A_657 = vector.broadcast %squeeze3A_637 : f32 to vector<16xf32>
          %mul3A_658 = arith.mulf %mul3A_657, %get3A_656 : vector<16xf32>
          %add3A_659 = arith.addf %add3A_635, %mul3A_658 : vector<16xf32>
          %slice3A_660 = vector.extract_strided_slice %get3A_211 {offsets = [3], sizes = [1], strides = [1]} : vector<16xf32> to vector<1xf32>
          %squeeze3A_661 = vector.extract %slice3A_660[0] : f32 from vector<1xf32>
          %add3A_662 = arith.constant 19 : i32
          %add3A_663 = arith.addi %mul3A_196, %add3A_662 : i32
          %get3A_664 = arith.constant 1 : i32
          %get3A_665 = arith.index_cast %get3A_664 : i32 to index
          %get3A_666 = arith.index_cast %add3A_663 : i32 to index
          %get3A_667 = arith.constant 0 : index
          %get3A_668 = tpu.vector_load %arg8[%get3A_665, %get3A_666, %get3A_667] {strides = array<i32>} : memref<2x640x32xf32, #tpu.memory_space<vmem>>, vector<1x1x16xf32>,
          %get3A_669 = vector.shape_cast %get3A_668 : vector<1x1x16xf32> to vector<16xf32>
          %mul3A_670 = vector.broadcast %squeeze3A_661 : f32 to vector<16xf32>
          %mul3A_671 = arith.mulf %mul3A_670, %get3A_669 : vector<16xf32>
          %add3A_672 = arith.addf %add3A_648, %mul3A_671 : vector<16xf32>
          %add3A_673 = arith.constant 19 : i32
          %add3A_674 = arith.addi %mul3A_196, %add3A_673 : i32
          %get3A_675 = arith.constant 1 : i32
          %get3A_676 = arith.index_cast %get3A_675 : i32 to index
          %get3A_677 = arith.index_cast %add3A_674 : i32 to index
          %get3A_678 = arith.constant 16 : index
          %get3A_679 = tpu.vector_load %arg8[%get3A_676, %get3A_677, %get3A_678] {strides = array<i32>} : memref<2x640x32xf32, #tpu.memory_space<vmem>>, vector<1x1x16xf32>,
          %get3A_680 = vector.shape_cast %get3A_679 : vector<1x1x16xf32> to vector<16xf32>
          %mul3A_681 = vector.broadcast %squeeze3A_661 : f32 to vector<16xf32>
          %mul3A_682 = arith.mulf %mul3A_681, %get3A_680 : vector<16xf32>
          %add3A_683 = arith.addf %add3A_659, %mul3A_682 : vector<16xf32>
          %swap3A = arith.constant 1 : i32
          %swap3A_684 = arith.index_cast %swap3A : i32 to index
          %swap3A_685 = arith.index_cast %scan3A_194 : i32 to index
          %swap3A_686 = arith.constant 0 : index
          %swap3A_687 = tpu.vector_load %arg9[%swap3A_684, %swap3A_685, %swap3A_686] {strides = array<i32>} : memref<2x32x32xf32, #tpu.memory_space<vmem>>, vector<1x1x16xf32>,
          %swap3A_688 = vector.shape_cast %swap3A_687 : vector<1x1x16xf32> to vector<16xf32>
          %swap3A_689 = vector.shape_cast %add3A_672 : vector<16xf32> to vector<1x1x16xf32>
          tpu.vector_store %arg9[%swap3A_684, %swap3A_685, %swap3A_686], %swap3A_689 {strides = array<i32>} : memref<2x32x32xf32, #tpu.memory_space<vmem>>, vector<1x1x16xf32>,
          %swap3A_690 = arith.constant 1 : i32
          %swap3A_691 = arith.index_cast %swap3A_690 : i32 to index
          %swap3A_692 = arith.index_cast %scan3A_194 : i32 to index
          %swap3A_693 = arith.constant 16 : index
          %swap3A_694 = tpu.vector_load %arg9[%swap3A_691, %swap3A_692, %swap3A_693] {strides = array<i32>} : memref<2x32x32xf32, #tpu.memory_space<vmem>>, vector<1x1x16xf32>,
          %swap3A_695 = vector.shape_cast %swap3A_694 : vector<1x1x16xf32> to vector<16xf32>
          %swap3A_696 = vector.shape_cast %add3A_683 : vector<16xf32> to vector<1x1x16xf32>
          tpu.vector_store %arg9[%swap3A_691, %swap3A_692, %swap3A_693], %swap3A_696 {strides = array<i32>} : memref<2x32x32xf32, #tpu.memory_space<vmem>>, vector<1x1x16xf32>,
          %scan3A_697 = arith.constant 1 : i32
          %scan3A_698 = arith.addi %scan3A_194, %scan3A_697 : i32
          %mul3A_699 = arith.constant 20 : i32
          %mul3A_700 = arith.muli %scan3A_698, %mul3A_699 : i32
          %mul3A_701 = arith.constant 32 : i32
          %mul3A_702 = arith.muli %scan3A_698, %mul3A_701 : i32
          %get3A_703 = arith.constant 1 : i32
          %get3A_704 = arith.index_cast %get3A_703 : i32 to index
          %get3A_705 = arith.index_cast %mul3A_702 : i32 to index
          %get3A_706 = tpu.vector_load %arg7[%get3A_704, %get3A_705] {strides = array<i32>} : memref<2x1024xf32, #tpu.memory_space<vmem>>, vector<1x16xf32>,
          %get3A_707 = vector.shape_cast %get3A_706 : vector<1x16xf32> to vector<16xf32>
          %mul3A_708 = arith.constant 32 : i32
          %mul3A_709 = arith.muli %scan3A_698, %mul3A_708 : i32
          %add3A_710 = arith.constant 16 : i32
          %add3A_711 = arith.addi %mul3A_709, %add3A_710 : i32
          %get3A_712 = arith.constant 1 : i32
          %get3A_713 = arith.index_cast %get3A_712 : i32 to index
          %get3A_714 = arith.index_cast %add3A_711 : i32 to index
          %get3A_715 = tpu.vector_load %arg7[%get3A_713, %get3A_714] {strides = array<i32>} : memref<2x1024xf32, #tpu.memory_space<vmem>>, vector<1x16xf32>,
          %get3A_716 = vector.shape_cast %get3A_715 : vector<1x16xf32> to vector<16xf32>
          %slice3A_717 = vector.extract_strided_slice %get3A_707 {offsets = [0], sizes = [1], strides = [1]} : vector<16xf32> to vector<1xf32>
          %squeeze3A_718 = vector.extract %slice3A_717[0] : f32 from vector<1xf32>
          %get3A_719 = arith.constant 1 : i32
          %get3A_720 = arith.index_cast %get3A_719 : i32 to index
          %get3A_721 = arith.index_cast %mul3A_700 : i32 to index
          %get3A_722 = arith.constant 0 : index
          %get3A_723 = tpu.vector_load %arg8[%get3A_720, %get3A_721, %get3A_722] {strides = array<i32>} : memref<2x640x32xf32, #tpu.memory_space<vmem>>, vector<1x1x16xf32>,
          %get3A_724 = vector.shape_cast %get3A_723 : vector<1x1x16xf32> to vector<16xf32>
          %mul3A_725 = vector.broadcast %squeeze3A_718 : f32 to vector<16xf32>
          %mul3A_726 = arith.mulf %mul3A_725, %get3A_724 : vector<16xf32>
          %get3A_727 = arith.constant 1 : i32
          %get3A_728 = arith.index_cast %get3A_727 : i32 to index
          %get3A_729 = arith.index_cast %mul3A_700 : i32 to index
          %get3A_730 = arith.constant 16 : index
          %get3A_731 = tpu.vector_load %arg8[%get3A_728, %get3A_729, %get3A_730] {strides = array<i32>} : memref<2x640x32xf32, #tpu.memory_space<vmem>>, vector<1x1x16xf32>,
          %get3A_732 = vector.shape_cast %get3A_731 : vector<1x1x16xf32> to vector<16xf32>
          %mul3A_733 = vector.broadcast %squeeze3A_718 : f32 to vector<16xf32>
          %mul3A_734 = arith.mulf %mul3A_733, %get3A_732 : vector<16xf32>
          %slice3A_735 = vector.extract_strided_slice %get3A_707 {offsets = [1], sizes = [1], strides = [1]} : vector<16xf32> to vector<1xf32>
          %squeeze3A_736 = vector.extract %slice3A_735[0] : f32 from vector<1xf32>
          %add3A_737 = arith.constant 1 : i32
          %add3A_738 = arith.addi %mul3A_700, %add3A_737 : i32
          %get3A_739 = arith.constant 1 : i32
          %get3A_740 = arith.index_cast %get3A_739 : i32 to index
          %get3A_741 = arith.index_cast %add3A_738 : i32 to index
          %get3A_742 = arith.constant 0 : index
          %get3A_743 = tpu.vector_load %arg8[%get3A_740, %get3A_741, %get3A_742] {strides = array<i32>} : memref<2x640x32xf32, #tpu.memory_space<vmem>>, vector<1x1x16xf32>,
          %get3A_744 = vector.shape_cast %get3A_743 : vector<1x1x16xf32> to vector<16xf32>
          %mul3A_745 = vector.broadcast %squeeze3A_736 : f32 to vector<16xf32>
          %mul3A_746 = arith.mulf %mul3A_745, %get3A_744 : vector<16xf32>
          %add3A_747 = arith.addf %mul3A_726, %mul3A_746 : vector<16xf32>
          %add3A_748 = arith.constant 1 : i32
          %add3A_749 = arith.addi %mul3A_700, %add3A_748 : i32
          %get3A_750 = arith.constant 1 : i32
          %get3A_751 = arith.index_cast %get3A_750 : i32 to index
          %get3A_752 = arith.index_cast %add3A_749 : i32 to index
          %get3A_753 = arith.constant 16 : index
          %get3A_754 = tpu.vector_load %arg8[%get3A_751, %get3A_752, %get3A_753] {strides = array<i32>} : memref<2x640x32xf32, #tpu.memory_space<vmem>>, vector<1x1x16xf32>,
          %get3A_755 = vector.shape_cast %get3A_754 : vector<1x1x16xf32> to vector<16xf32>
          %mul3A_756 = vector.broadcast %squeeze3A_736 : f32 to vector<16xf32>
          %mul3A_757 = arith.mulf %mul3A_756, %get3A_755 : vector<16xf32>
          %add3A_758 = arith.addf %mul3A_734, %mul3A_757 : vector<16xf32>
          %slice3A_759 = vector.extract_strided_slice %get3A_707 {offsets = [2], sizes = [1], strides = [1]} : vector<16xf32> to vector<1xf32>
          %squeeze3A_760 = vector.extract %slice3A_759[0] : f32 from vector<1xf32>
          %add3A_761 = arith.constant 2 : i32
          %add3A_762 = arith.addi %mul3A_700, %add3A_761 : i32
          %get3A_763 = arith.constant 1 : i32
          %get3A_764 = arith.index_cast %get3A_763 : i32 to index
          %get3A_765 = arith.index_cast %add3A_762 : i32 to index
          %get3A_766 = arith.constant 0 : index
          %get3A_767 = tpu.vector_load %arg8[%get3A_764, %get3A_765, %get3A_766] {strides = array<i32>} : memref<2x640x32xf32, #tpu.memory_space<vmem>>, vector<1x1x16xf32>,
          %get3A_768 = vector.shape_cast %get3A_767 : vector<1x1x16xf32> to vector<16xf32>
          %mul3A_769 = vector.broadcast %squeeze3A_760 : f32 to vector<16xf32>
          %mul3A_770 = arith.mulf %mul3A_769, %get3A_768 : vector<16xf32>
          %add3A_771 = arith.addf %add3A_747, %mul3A_770 : vector<16xf32>
          %add3A_772 = arith.constant 2 : i32
          %add3A_773 = arith.addi %mul3A_700, %add3A_772 : i32
          %get3A_774 = arith.constant 1 : i32
          %get3A_775 = arith.index_cast %get3A_774 : i32 to index
          %get3A_776 = arith.index_cast %add3A_773 : i32 to index
          %get3A_777 = arith.constant 16 : index
          %get3A_778 = tpu.vector_load %arg8[%get3A_775, %get3A_776, %get3A_777] {strides = array<i32>} : memref<2x640x32xf32, #tpu.memory_space<vmem>>, vector<1x1x16xf32>,
          %get3A_779 = vector.shape_cast %get3A_778 : vector<1x1x16xf32> to vector<16xf32>
          %mul3A_780 = vector.broadcast %squeeze3A_760 : f32 to vector<16xf32>
          %mul3A_781 = arith.mulf %mul3A_780, %get3A_779 : vector<16xf32>
          %add3A_782 = arith.addf %add3A_758, %mul3A_781 : vector<16xf32>
          %slice3A_783 = vector.extract_strided_slice %get3A_707 {offsets = [3], sizes = [1], strides = [1]} : vector<16xf32> to vector<1xf32>
          %squeeze3A_784 = vector.extract %slice3A_783[0] : f32 from vector<1xf32>
          %add3A_785 = arith.constant 3 : i32
          %add3A_786 = arith.addi %mul3A_700, %add3A_785 : i32
          %get3A_787 = arith.constant 1 : i32
          %get3A_788 = arith.index_cast %get3A_787 : i32 to index
          %get3A_789 = arith.index_cast %add3A_786 : i32 to index
          %get3A_790 = arith.constant 0 : index
          %get3A_791 = tpu.vector_load %arg8[%get3A_788, %get3A_789, %get3A_790] {strides = array<i32>} : memref<2x640x32xf32, #tpu.memory_space<vmem>>, vector<1x1x16xf32>,
          %get3A_792 = vector.shape_cast %get3A_791 : vector<1x1x16xf32> to vector<16xf32>
          %mul3A_793 = vector.broadcast %squeeze3A_784 : f32 to vector<16xf32>
          %mul3A_794 = arith.mulf %mul3A_793, %get3A_792 : vector<16xf32>
          %add3A_795 = arith.addf %add3A_771, %mul3A_794 : vector<16xf32>
          %add3A_796 = arith.constant 3 : i32
          %add3A_797 = arith.addi %mul3A_700, %add3A_796 : i32
          %get3A_798 = arith.constant 1 : i32
          %get3A_799 = arith.index_cast %get3A_798 : i32 to index
          %get3A_800 = arith.index_cast %add3A_797 : i32 to index
          %get3A_801 = arith.constant 16 : index
          %get3A_802 = tpu.vector_load %arg8[%get3A_799, %get3A_800, %get3A_801] {strides = array<i32>} : memref<2x640x32xf32, #tpu.memory_space<vmem>>, vector<1x1x16xf32>,
          %get3A_803 = vector.shape_cast %get3A_802 : vector<1x1x16xf32> to vector<16xf32>
          %mul3A_804 = vector.broadcast %squeeze3A_784 : f32 to vector<16xf32>
          %mul3A_805 = arith.mulf %mul3A_804, %get3A_803 : vector<16xf32>
          %add3A_806 = arith.addf %add3A_782, %mul3A_805 : vector<16xf32>
          %slice3A_807 = vector.extract_strided_slice %get3A_707 {offsets = [4], sizes = [1], strides = [1]} : vector<16xf32> to vector<1xf32>
          %squeeze3A_808 = vector.extract %slice3A_807[0] : f32 from vector<1xf32>
          %add3A_809 = arith.constant 4 : i32
          %add3A_810 = arith.addi %mul3A_700, %add3A_809 : i32
          %get3A_811 = arith.constant 1 : i32
          %get3A_812 = arith.index_cast %get3A_811 : i32 to index
          %get3A_813 = arith.index_cast %add3A_810 : i32 to index
          %get3A_814 = arith.constant 0 : index
          %get3A_815 = tpu.vector_load %arg8[%get3A_812, %get3A_813, %get3A_814] {strides = array<i32>} : memref<2x640x32xf32, #tpu.memory_space<vmem>>, vector<1x1x16xf32>,
          %get3A_816 = vector.shape_cast %get3A_815 : vector<1x1x16xf32> to vector<16xf32>
          %mul3A_817 = vector.broadcast %squeeze3A_808 : f32 to vector<16xf32>
          %mul3A_818 = arith.mulf %mul3A_817, %get3A_816 : vector<16xf32>
          %add3A_819 = arith.addf %add3A_795, %mul3A_818 : vector<16xf32>
          %add3A_820 = arith.constant 4 : i32
          %add3A_821 = arith.addi %mul3A_700, %add3A_820 : i32
          %get3A_822 = arith.constant 1 : i32
          %get3A_823 = arith.index_cast %get3A_822 : i32 to index
          %get3A_824 = arith.index_cast %add3A_821 : i32 to index
          %get3A_825 = arith.constant 16 : index
          %get3A_826 = tpu.vector_load %arg8[%get3A_823, %get3A_824, %get3A_825] {strides = array<i32>} : memref<2x640x32xf32, #tpu.memory_space<vmem>>, vector<1x1x16xf32>,
          %get3A_827 = vector.shape_cast %get3A_826 : vector<1x1x16xf32> to vector<16xf32>
          %mul3A_828 = vector.broadcast %squeeze3A_808 : f32 to vector<16xf32>
          %mul3A_829 = arith.mulf %mul3A_828, %get3A_827 : vector<16xf32>
          %add3A_830 = arith.addf %add3A_806, %mul3A_829 : vector<16xf32>
          %slice3A_831 = vector.extract_strided_slice %get3A_707 {offsets = [5], sizes = [1], strides = [1]} : vector<16xf32> to vector<1xf32>
          %squeeze3A_832 = vector.extract %slice3A_831[0] : f32 from vector<1xf32>
          %add3A_833 = arith.constant 5 : i32
          %add3A_834 = arith.addi %mul3A_700, %add3A_833 : i32
          %get3A_835 = arith.constant 1 : i32
          %get3A_836 = arith.index_cast %get3A_835 : i32 to index
          %get3A_837 = arith.index_cast %add3A_834 : i32 to index
          %get3A_838 = arith.constant 0 : index
          %get3A_839 = tpu.vector_load %arg8[%get3A_836, %get3A_837, %get3A_838] {strides = array<i32>} : memref<2x640x32xf32, #tpu.memory_space<vmem>>, vector<1x1x16xf32>,
          %get3A_840 = vector.shape_cast %get3A_839 : vector<1x1x16xf32> to vector<16xf32>
          %mul3A_841 = vector.broadcast %squeeze3A_832 : f32 to vector<16xf32>
          %mul3A_842 = arith.mulf %mul3A_841, %get3A_840 : vector<16xf32>
          %add3A_843 = arith.addf %add3A_819, %mul3A_842 : vector<16xf32>
          %add3A_844 = arith.constant 5 : i32
          %add3A_845 = arith.addi %mul3A_700, %add3A_844 : i32
          %get3A_846 = arith.constant 1 : i32
          %get3A_847 = arith.index_cast %get3A_846 : i32 to index
          %get3A_848 = arith.index_cast %add3A_845 : i32 to index
          %get3A_849 = arith.constant 16 : index
          %get3A_850 = tpu.vector_load %arg8[%get3A_847, %get3A_848, %get3A_849] {strides = array<i32>} : memref<2x640x32xf32, #tpu.memory_space<vmem>>, vector<1x1x16xf32>,
          %get3A_851 = vector.shape_cast %get3A_850 : vector<1x1x16xf32> to vector<16xf32>
          %mul3A_852 = vector.broadcast %squeeze3A_832 : f32 to vector<16xf32>
          %mul3A_853 = arith.mulf %mul3A_852, %get3A_851 : vector<16xf32>
          %add3A_854 = arith.addf %add3A_830, %mul3A_853 : vector<16xf32>
          %slice3A_855 = vector.extract_strided_slice %get3A_707 {offsets = [6], sizes = [1], strides = [1]} : vector<16xf32> to vector<1xf32>
          %squeeze3A_856 = vector.extract %slice3A_855[0] : f32 from vector<1xf32>
          %add3A_857 = arith.constant 6 : i32
          %add3A_858 = arith.addi %mul3A_700, %add3A_857 : i32
          %get3A_859 = arith.constant 1 : i32
          %get3A_860 = arith.index_cast %get3A_859 : i32 to index
          %get3A_861 = arith.index_cast %add3A_858 : i32 to index
          %get3A_862 = arith.constant 0 : index
          %get3A_863 = tpu.vector_load %arg8[%get3A_860, %get3A_861, %get3A_862] {strides = array<i32>} : memref<2x640x32xf32, #tpu.memory_space<vmem>>, vector<1x1x16xf32>,
          %get3A_864 = vector.shape_cast %get3A_863 : vector<1x1x16xf32> to vector<16xf32>
          %mul3A_865 = vector.broadcast %squeeze3A_856 : f32 to vector<16xf32>
          %mul3A_866 = arith.mulf %mul3A_865, %get3A_864 : vector<16xf32>
          %add3A_867 = arith.addf %add3A_843, %mul3A_866 : vector<16xf32>
          %add3A_868 = arith.constant 6 : i32
          %add3A_869 = arith.addi %mul3A_700, %add3A_868 : i32
          %get3A_870 = arith.constant 1 : i32
          %get3A_871 = arith.index_cast %get3A_870 : i32 to index
          %get3A_872 = arith.index_cast %add3A_869 : i32 to index
          %get3A_873 = arith.constant 16 : index
          %get3A_874 = tpu.vector_load %arg8[%get3A_871, %get3A_872, %get3A_873] {strides = array<i32>} : memref<2x640x32xf32, #tpu.memory_space<vmem>>, vector<1x1x16xf32>,
          %get3A_875 = vector.shape_cast %get3A_874 : vector<1x1x16xf32> to vector<16xf32>
          %mul3A_876 = vector.broadcast %squeeze3A_856 : f32 to vector<16xf32>
          %mul3A_877 = arith.mulf %mul3A_876, %get3A_875 : vector<16xf32>
          %add3A_878 = arith.addf %add3A_854, %mul3A_877 : vector<16xf32>
          %slice3A_879 = vector.extract_strided_slice %get3A_707 {offsets = [7], sizes = [1], strides = [1]} : vector<16xf32> to vector<1xf32>
          %squeeze3A_880 = vector.extract %slice3A_879[0] : f32 from vector<1xf32>
          %add3A_881 = arith.constant 7 : i32
          %add3A_882 = arith.addi %mul3A_700, %add3A_881 : i32
          %get3A_883 = arith.constant 1 : i32
          %get3A_884 = arith.index_cast %get3A_883 : i32 to index
          %get3A_885 = arith.index_cast %add3A_882 : i32 to index
          %get3A_886 = arith.constant 0 : index
          %get3A_887 = tpu.vector_load %arg8[%get3A_884, %get3A_885, %get3A_886] {strides = array<i32>} : memref<2x640x32xf32, #tpu.memory_space<vmem>>, vector<1x1x16xf32>,
          %get3A_888 = vector.shape_cast %get3A_887 : vector<1x1x16xf32> to vector<16xf32>
          %mul3A_889 = vector.broadcast %squeeze3A_880 : f32 to vector<16xf32>
          %mul3A_890 = arith.mulf %mul3A_889, %get3A_888 : vector<16xf32>
          %add3A_891 = arith.addf %add3A_867, %mul3A_890 : vector<16xf32>
          %add3A_892 = arith.constant 7 : i32
          %add3A_893 = arith.addi %mul3A_700, %add3A_892 : i32
          %get3A_894 = arith.constant 1 : i32
          %get3A_895 = arith.index_cast %get3A_894 : i32 to index
          %get3A_896 = arith.index_cast %add3A_893 : i32 to index
          %get3A_897 = arith.constant 16 : index
          %get3A_898 = tpu.vector_load %arg8[%get3A_895, %get3A_896, %get3A_897] {strides = array<i32>} : memref<2x640x32xf32, #tpu.memory_space<vmem>>, vector<1x1x16xf32>,
          %get3A_899 = vector.shape_cast %get3A_898 : vector<1x1x16xf32> to vector<16xf32>
          %mul3A_900 = vector.broadcast %squeeze3A_880 : f32 to vector<16xf32>
          %mul3A_901 = arith.mulf %mul3A_900, %get3A_899 : vector<16xf32>
          %add3A_902 = arith.addf %add3A_878, %mul3A_901 : vector<16xf32>
          %slice3A_903 = vector.extract_strided_slice %get3A_707 {offsets = [8], sizes = [1], strides = [1]} : vector<16xf32> to vector<1xf32>
          %squeeze3A_904 = vector.extract %slice3A_903[0] : f32 from vector<1xf32>
          %add3A_905 = arith.constant 8 : i32
          %add3A_906 = arith.addi %mul3A_700, %add3A_905 : i32
          %get3A_907 = arith.constant 1 : i32
          %get3A_908 = arith.index_cast %get3A_907 : i32 to index
          %get3A_909 = arith.index_cast %add3A_906 : i32 to index
          %get3A_910 = arith.constant 0 : index
          %get3A_911 = tpu.vector_load %arg8[%get3A_908, %get3A_909, %get3A_910] {strides = array<i32>} : memref<2x640x32xf32, #tpu.memory_space<vmem>>, vector<1x1x16xf32>,
          %get3A_912 = vector.shape_cast %get3A_911 : vector<1x1x16xf32> to vector<16xf32>
          %mul3A_913 = vector.broadcast %squeeze3A_904 : f32 to vector<16xf32>
          %mul3A_914 = arith.mulf %mul3A_913, %get3A_912 : vector<16xf32>
          %add3A_915 = arith.addf %add3A_891, %mul3A_914 : vector<16xf32>
          %add3A_916 = arith.constant 8 : i32
          %add3A_917 = arith.addi %mul3A_700, %add3A_916 : i32
          %get3A_918 = arith.constant 1 : i32
          %get3A_919 = arith.index_cast %get3A_918 : i32 to index
          %get3A_920 = arith.index_cast %add3A_917 : i32 to index
          %get3A_921 = arith.constant 16 : index
          %get3A_922 = tpu.vector_load %arg8[%get3A_919, %get3A_920, %get3A_921] {strides = array<i32>} : memref<2x640x32xf32, #tpu.memory_space<vmem>>, vector<1x1x16xf32>,
          %get3A_923 = vector.shape_cast %get3A_922 : vector<1x1x16xf32> to vector<16xf32>
          %mul3A_924 = vector.broadcast %squeeze3A_904 : f32 to vector<16xf32>
          %mul3A_925 = arith.mulf %mul3A_924, %get3A_923 : vector<16xf32>
          %add3A_926 = arith.addf %add3A_902, %mul3A_925 : vector<16xf32>
          %slice3A_927 = vector.extract_strided_slice %get3A_707 {offsets = [9], sizes = [1], strides = [1]} : vector<16xf32> to vector<1xf32>
          %squeeze3A_928 = vector.extract %slice3A_927[0] : f32 from vector<1xf32>
          %add3A_929 = arith.constant 9 : i32
          %add3A_930 = arith.addi %mul3A_700, %add3A_929 : i32
          %get3A_931 = arith.constant 1 : i32
          %get3A_932 = arith.index_cast %get3A_931 : i32 to index
          %get3A_933 = arith.index_cast %add3A_930 : i32 to index
          %get3A_934 = arith.constant 0 : index
          %get3A_935 = tpu.vector_load %arg8[%get3A_932, %get3A_933, %get3A_934] {strides = array<i32>} : memref<2x640x32xf32, #tpu.memory_space<vmem>>, vector<1x1x16xf32>,
          %get3A_936 = vector.shape_cast %get3A_935 : vector<1x1x16xf32> to vector<16xf32>
          %mul3A_937 = vector.broadcast %squeeze3A_928 : f32 to vector<16xf32>
          %mul3A_938 = arith.mulf %mul3A_937, %get3A_936 : vector<16xf32>
          %add3A_939 = arith.addf %add3A_915, %mul3A_938 : vector<16xf32>
          %add3A_940 = arith.constant 9 : i32
          %add3A_941 = arith.addi %mul3A_700, %add3A_940 : i32
          %get3A_942 = arith.constant 1 : i32
          %get3A_943 = arith.index_cast %get3A_942 : i32 to index
          %get3A_944 = arith.index_cast %add3A_941 : i32 to index
          %get3A_945 = arith.constant 16 : index
          %get3A_946 = tpu.vector_load %arg8[%get3A_943, %get3A_944, %get3A_945] {strides = array<i32>} : memref<2x640x32xf32, #tpu.memory_space<vmem>>, vector<1x1x16xf32>,
          %get3A_947 = vector.shape_cast %get3A_946 : vector<1x1x16xf32> to vector<16xf32>
          %mul3A_948 = vector.broadcast %squeeze3A_928 : f32 to vector<16xf32>
          %mul3A_949 = arith.mulf %mul3A_948, %get3A_947 : vector<16xf32>
          %add3A_950 = arith.addf %add3A_926, %mul3A_949 : vector<16xf32>
          %slice3A_951 = vector.extract_strided_slice %get3A_707 {offsets = [10], sizes = [1], strides = [1]} : vector<16xf32> to vector<1xf32>
          %squeeze3A_952 = vector.extract %slice3A_951[0] : f32 from vector<1xf32>
          %add3A_953 = arith.constant 10 : i32
          %add3A_954 = arith.addi %mul3A_700, %add3A_953 : i32
          %get3A_955 = arith.constant 1 : i32
          %get3A_956 = arith.index_cast %get3A_955 : i32 to index
          %get3A_957 = arith.index_cast %add3A_954 : i32 to index
          %get3A_958 = arith.constant 0 : index
          %get3A_959 = tpu.vector_load %arg8[%get3A_956, %get3A_957, %get3A_958] {strides = array<i32>} : memref<2x640x32xf32, #tpu.memory_space<vmem>>, vector<1x1x16xf32>,
          %get3A_960 = vector.shape_cast %get3A_959 : vector<1x1x16xf32> to vector<16xf32>
          %mul3A_961 = vector.broadcast %squeeze3A_952 : f32 to vector<16xf32>
          %mul3A_962 = arith.mulf %mul3A_961, %get3A_960 : vector<16xf32>
          %add3A_963 = arith.addf %add3A_939, %mul3A_962 : vector<16xf32>
          %add3A_964 = arith.constant 10 : i32
          %add3A_965 = arith.addi %mul3A_700, %add3A_964 : i32
          %get3A_966 = arith.constant 1 : i32
          %get3A_967 = arith.index_cast %get3A_966 : i32 to index
          %get3A_968 = arith.index_cast %add3A_965 : i32 to index
          %get3A_969 = arith.constant 16 : index
          %get3A_970 = tpu.vector_load %arg8[%get3A_967, %get3A_968, %get3A_969] {strides = array<i32>} : memref<2x640x32xf32, #tpu.memory_space<vmem>>, vector<1x1x16xf32>,
          %get3A_971 = vector.shape_cast %get3A_970 : vector<1x1x16xf32> to vector<16xf32>
          %mul3A_972 = vector.broadcast %squeeze3A_952 : f32 to vector<16xf32>
          %mul3A_973 = arith.mulf %mul3A_972, %get3A_971 : vector<16xf32>
          %add3A_974 = arith.addf %add3A_950, %mul3A_973 : vector<16xf32>
          %slice3A_975 = vector.extract_strided_slice %get3A_707 {offsets = [11], sizes = [1], strides = [1]} : vector<16xf32> to vector<1xf32>
          %squeeze3A_976 = vector.extract %slice3A_975[0] : f32 from vector<1xf32>
          %add3A_977 = arith.constant 11 : i32
          %add3A_978 = arith.addi %mul3A_700, %add3A_977 : i32
          %get3A_979 = arith.constant 1 : i32
          %get3A_980 = arith.index_cast %get3A_979 : i32 to index
          %get3A_981 = arith.index_cast %add3A_978 : i32 to index
          %get3A_982 = arith.constant 0 : index
          %get3A_983 = tpu.vector_load %arg8[%get3A_980, %get3A_981, %get3A_982] {strides = array<i32>} : memref<2x640x32xf32, #tpu.memory_space<vmem>>, vector<1x1x16xf32>,
          %get3A_984 = vector.shape_cast %get3A_983 : vector<1x1x16xf32> to vector<16xf32>
          %mul3A_985 = vector.broadcast %squeeze3A_976 : f32 to vector<16xf32>
          %mul3A_986 = arith.mulf %mul3A_985, %get3A_984 : vector<16xf32>
          %add3A_987 = arith.addf %add3A_963, %mul3A_986 : vector<16xf32>
          %add3A_988 = arith.constant 11 : i32
          %add3A_989 = arith.addi %mul3A_700, %add3A_988 : i32
          %get3A_990 = arith.constant 1 : i32
          %get3A_991 = arith.index_cast %get3A_990 : i32 to index
          %get3A_992 = arith.index_cast %add3A_989 : i32 to index
          %get3A_993 = arith.constant 16 : index
          %get3A_994 = tpu.vector_load %arg8[%get3A_991, %get3A_992, %get3A_993] {strides = array<i32>} : memref<2x640x32xf32, #tpu.memory_space<vmem>>, vector<1x1x16xf32>,
          %get3A_995 = vector.shape_cast %get3A_994 : vector<1x1x16xf32> to vector<16xf32>
          %mul3A_996 = vector.broadcast %squeeze3A_976 : f32 to vector<16xf32>
          %mul3A_997 = arith.mulf %mul3A_996, %get3A_995 : vector<16xf32>
          %add3A_998 = arith.addf %add3A_974, %mul3A_997 : vector<16xf32>
          %slice3A_999 = vector.extract_strided_slice %get3A_707 {offsets = [12], sizes = [1], strides = [1]} : vector<16xf32> to vector<1xf32>
          %squeeze3A_1000 = vector.extract %slice3A_999[0] : f32 from vector<1xf32>
          %add3A_1001 = arith.constant 12 : i32
          %add3A_1002 = arith.addi %mul3A_700, %add3A_1001 : i32
          %get3A_1003 = arith.constant 1 : i32
          %get3A_1004 = arith.index_cast %get3A_1003 : i32 to index
          %get3A_1005 = arith.index_cast %add3A_1002 : i32 to index
          %get3A_1006 = arith.constant 0 : index
          %get3A_1007 = tpu.vector_load %arg8[%get3A_1004, %get3A_1005, %get3A_1006] {strides = array<i32>} : memref<2x640x32xf32, #tpu.memory_space<vmem>>, vector<1x1x16xf32>,
          %get3A_1008 = vector.shape_cast %get3A_1007 : vector<1x1x16xf32> to vector<16xf32>
          %mul3A_1009 = vector.broadcast %squeeze3A_1000 : f32 to vector<16xf32>
          %mul3A_1010 = arith.mulf %mul3A_1009, %get3A_1008 : vector<16xf32>
          %add3A_1011 = arith.addf %add3A_987, %mul3A_1010 : vector<16xf32>
          %add3A_1012 = arith.constant 12 : i32
          %add3A_1013 = arith.addi %mul3A_700, %add3A_1012 : i32
          %get3A_1014 = arith.constant 1 : i32
          %get3A_1015 = arith.index_cast %get3A_1014 : i32 to index
          %get3A_1016 = arith.index_cast %add3A_1013 : i32 to index
          %get3A_1017 = arith.constant 16 : index
          %get3A_1018 = tpu.vector_load %arg8[%get3A_1015, %get3A_1016, %get3A_1017] {strides = array<i32>} : memref<2x640x32xf32, #tpu.memory_space<vmem>>, vector<1x1x16xf32>,
          %get3A_1019 = vector.shape_cast %get3A_1018 : vector<1x1x16xf32> to vector<16xf32>
          %mul3A_1020 = vector.broadcast %squeeze3A_1000 : f32 to vector<16xf32>
          %mul3A_1021 = arith.mulf %mul3A_1020, %get3A_1019 : vector<16xf32>
          %add3A_1022 = arith.addf %add3A_998, %mul3A_1021 : vector<16xf32>
          %slice3A_1023 = vector.extract_strided_slice %get3A_707 {offsets = [13], sizes = [1], strides = [1]} : vector<16xf32> to vector<1xf32>
          %squeeze3A_1024 = vector.extract %slice3A_1023[0] : f32 from vector<1xf32>
          %add3A_1025 = arith.constant 13 : i32
          %add3A_1026 = arith.addi %mul3A_700, %add3A_1025 : i32
          %get3A_1027 = arith.constant 1 : i32
          %get3A_1028 = arith.index_cast %get3A_1027 : i32 to index
          %get3A_1029 = arith.index_cast %add3A_1026 : i32 to index
          %get3A_1030 = arith.constant 0 : index
          %get3A_1031 = tpu.vector_load %arg8[%get3A_1028, %get3A_1029, %get3A_1030] {strides = array<i32>} : memref<2x640x32xf32, #tpu.memory_space<vmem>>, vector<1x1x16xf32>,
          %get3A_1032 = vector.shape_cast %get3A_1031 : vector<1x1x16xf32> to vector<16xf32>
          %mul3A_1033 = vector.broadcast %squeeze3A_1024 : f32 to vector<16xf32>
          %mul3A_1034 = arith.mulf %mul3A_1033, %get3A_1032 : vector<16xf32>
          %add3A_1035 = arith.addf %add3A_1011, %mul3A_1034 : vector<16xf32>
          %add3A_1036 = arith.constant 13 : i32
          %add3A_1037 = arith.addi %mul3A_700, %add3A_1036 : i32
          %get3A_1038 = arith.constant 1 : i32
          %get3A_1039 = arith.index_cast %get3A_1038 : i32 to index
          %get3A_1040 = arith.index_cast %add3A_1037 : i32 to index
          %get3A_1041 = arith.constant 16 : index
          %get3A_1042 = tpu.vector_load %arg8[%get3A_1039, %get3A_1040, %get3A_1041] {strides = array<i32>} : memref<2x640x32xf32, #tpu.memory_space<vmem>>, vector<1x1x16xf32>,
          %get3A_1043 = vector.shape_cast %get3A_1042 : vector<1x1x16xf32> to vector<16xf32>
          %mul3A_1044 = vector.broadcast %squeeze3A_1024 : f32 to vector<16xf32>
          %mul3A_1045 = arith.mulf %mul3A_1044, %get3A_1043 : vector<16xf32>
          %add3A_1046 = arith.addf %add3A_1022, %mul3A_1045 : vector<16xf32>
          %slice3A_1047 = vector.extract_strided_slice %get3A_707 {offsets = [14], sizes = [1], strides = [1]} : vector<16xf32> to vector<1xf32>
          %squeeze3A_1048 = vector.extract %slice3A_1047[0] : f32 from vector<1xf32>
          %add3A_1049 = arith.constant 14 : i32
          %add3A_1050 = arith.addi %mul3A_700, %add3A_1049 : i32
          %get3A_1051 = arith.constant 1 : i32
          %get3A_1052 = arith.index_cast %get3A_1051 : i32 to index
          %get3A_1053 = arith.index_cast %add3A_1050 : i32 to index
          %get3A_1054 = arith.constant 0 : index
          %get3A_1055 = tpu.vector_load %arg8[%get3A_1052, %get3A_1053, %get3A_1054] {strides = array<i32>} : memref<2x640x32xf32, #tpu.memory_space<vmem>>, vector<1x1x16xf32>,
          %get3A_1056 = vector.shape_cast %get3A_1055 : vector<1x1x16xf32> to vector<16xf32>
          %mul3A_1057 = vector.broadcast %squeeze3A_1048 : f32 to vector<16xf32>
          %mul3A_1058 = arith.mulf %mul3A_1057, %get3A_1056 : vector<16xf32>
          %add3A_1059 = arith.addf %add3A_1035, %mul3A_1058 : vector<16xf32>
          %add3A_1060 = arith.constant 14 : i32
          %add3A_1061 = arith.addi %mul3A_700, %add3A_1060 : i32
          %get3A_1062 = arith.constant 1 : i32
          %get3A_1063 = arith.index_cast %get3A_1062 : i32 to index
          %get3A_1064 = arith.index_cast %add3A_1061 : i32 to index
          %get3A_1065 = arith.constant 16 : index
          %get3A_1066 = tpu.vector_load %arg8[%get3A_1063, %get3A_1064, %get3A_1065] {strides = array<i32>} : memref<2x640x32xf32, #tpu.memory_space<vmem>>, vector<1x1x16xf32>,
          %get3A_1067 = vector.shape_cast %get3A_1066 : vector<1x1x16xf32> to vector<16xf32>
          %mul3A_1068 = vector.broadcast %squeeze3A_1048 : f32 to vector<16xf32>
          %mul3A_1069 = arith.mulf %mul3A_1068, %get3A_1067 : vector<16xf32>
          %add3A_1070 = arith.addf %add3A_1046, %mul3A_1069 : vector<16xf32>
          %slice3A_1071 = vector.extract_strided_slice %get3A_707 {offsets = [15], sizes = [1], strides = [1]} : vector<16xf32> to vector<1xf32>
          %squeeze3A_1072 = vector.extract %slice3A_1071[0] : f32 from vector<1xf32>
          %add3A_1073 = arith.constant 15 : i32
          %add3A_1074 = arith.addi %mul3A_700, %add3A_1073 : i32
          %get3A_1075 = arith.constant 1 : i32
          %get3A_1076 = arith.index_cast %get3A_1075 : i32 to index
          %get3A_1077 = arith.index_cast %add3A_1074 : i32 to index
          %get3A_1078 = arith.constant 0 : index
          %get3A_1079 = tpu.vector_load %arg8[%get3A_1076, %get3A_1077, %get3A_1078] {strides = array<i32>} : memref<2x640x32xf32, #tpu.memory_space<vmem>>, vector<1x1x16xf32>,
          %get3A_1080 = vector.shape_cast %get3A_1079 : vector<1x1x16xf32> to vector<16xf32>
          %mul3A_1081 = vector.broadcast %squeeze3A_1072 : f32 to vector<16xf32>
          %mul3A_1082 = arith.mulf %mul3A_1081, %get3A_1080 : vector<16xf32>
          %add3A_1083 = arith.addf %add3A_1059, %mul3A_1082 : vector<16xf32>
          %add3A_1084 = arith.constant 15 : i32
          %add3A_1085 = arith.addi %mul3A_700, %add3A_1084 : i32
          %get3A_1086 = arith.constant 1 : i32
          %get3A_1087 = arith.index_cast %get3A_1086 : i32 to index
          %get3A_1088 = arith.index_cast %add3A_1085 : i32 to index
          %get3A_1089 = arith.constant 16 : index
          %get3A_1090 = tpu.vector_load %arg8[%get3A_1087, %get3A_1088, %get3A_1089] {strides = array<i32>} : memref<2x640x32xf32, #tpu.memory_space<vmem>>, vector<1x1x16xf32>,
          %get3A_1091 = vector.shape_cast %get3A_1090 : vector<1x1x16xf32> to vector<16xf32>
          %mul3A_1092 = vector.broadcast %squeeze3A_1072 : f32 to vector<16xf32>
          %mul3A_1093 = arith.mulf %mul3A_1092, %get3A_1091 : vector<16xf32>
          %add3A_1094 = arith.addf %add3A_1070, %mul3A_1093 : vector<16xf32>
          %slice3A_1095 = vector.extract_strided_slice %get3A_716 {offsets = [0], sizes = [1], strides = [1]} : vector<16xf32> to vector<1xf32>
          %squeeze3A_1096 = vector.extract %slice3A_1095[0] : f32 from vector<1xf32>
          %add3A_1097 = arith.constant 16 : i32
          %add3A_1098 = arith.addi %mul3A_700, %add3A_1097 : i32
          %get3A_1099 = arith.constant 1 : i32
          %get3A_1100 = arith.index_cast %get3A_1099 : i32 to index
          %get3A_1101 = arith.index_cast %add3A_1098 : i32 to index
          %get3A_1102 = arith.constant 0 : index
          %get3A_1103 = tpu.vector_load %arg8[%get3A_1100, %get3A_1101, %get3A_1102] {strides = array<i32>} : memref<2x640x32xf32, #tpu.memory_space<vmem>>, vector<1x1x16xf32>,
          %get3A_1104 = vector.shape_cast %get3A_1103 : vector<1x1x16xf32> to vector<16xf32>
          %mul3A_1105 = vector.broadcast %squeeze3A_1096 : f32 to vector<16xf32>
          %mul3A_1106 = arith.mulf %mul3A_1105, %get3A_1104 : vector<16xf32>
          %add3A_1107 = arith.addf %add3A_1083, %mul3A_1106 : vector<16xf32>
          %add3A_1108 = arith.constant 16 : i32
          %add3A_1109 = arith.addi %mul3A_700, %add3A_1108 : i32
          %get3A_1110 = arith.constant 1 : i32
          %get3A_1111 = arith.index_cast %get3A_1110 : i32 to index
          %get3A_1112 = arith.index_cast %add3A_1109 : i32 to index
          %get3A_1113 = arith.constant 16 : index
          %get3A_1114 = tpu.vector_load %arg8[%get3A_1111, %get3A_1112, %get3A_1113] {strides = array<i32>} : memref<2x640x32xf32, #tpu.memory_space<vmem>>, vector<1x1x16xf32>,
          %get3A_1115 = vector.shape_cast %get3A_1114 : vector<1x1x16xf32> to vector<16xf32>
          %mul3A_1116 = vector.broadcast %squeeze3A_1096 : f32 to vector<16xf32>
          %mul3A_1117 = arith.mulf %mul3A_1116, %get3A_1115 : vector<16xf32>
          %add3A_1118 = arith.addf %add3A_1094, %mul3A_1117 : vector<16xf32>
          %slice3A_1119 = vector.extract_strided_slice %get3A_716 {offsets = [1], sizes = [1], strides = [1]} : vector<16xf32> to vector<1xf32>
          %squeeze3A_1120 = vector.extract %slice3A_1119[0] : f32 from vector<1xf32>
          %add3A_1121 = arith.constant 17 : i32
          %add3A_1122 = arith.addi %mul3A_700, %add3A_1121 : i32
          %get3A_1123 = arith.constant 1 : i32
          %get3A_1124 = arith.index_cast %get3A_1123 : i32 to index
          %get3A_1125 = arith.index_cast %add3A_1122 : i32 to index
          %get3A_1126 = arith.constant 0 : index
          %get3A_1127 = tpu.vector_load %arg8[%get3A_1124, %get3A_1125, %get3A_1126] {strides = array<i32>} : memref<2x640x32xf32, #tpu.memory_space<vmem>>, vector<1x1x16xf32>,
          %get3A_1128 = vector.shape_cast %get3A_1127 : vector<1x1x16xf32> to vector<16xf32>
          %mul3A_1129 = vector.broadcast %squeeze3A_1120 : f32 to vector<16xf32>
          %mul3A_1130 = arith.mulf %mul3A_1129, %get3A_1128 : vector<16xf32>
          %add3A_1131 = arith.addf %add3A_1107, %mul3A_1130 : vector<16xf32>
          %add3A_1132 = arith.constant 17 : i32
          %add3A_1133 = arith.addi %mul3A_700, %add3A_1132 : i32
          %get3A_1134 = arith.constant 1 : i32
          %get3A_1135 = arith.index_cast %get3A_1134 : i32 to index
          %get3A_1136 = arith.index_cast %add3A_1133 : i32 to index
          %get3A_1137 = arith.constant 16 : index
          %get3A_1138 = tpu.vector_load %arg8[%get3A_1135, %get3A_1136, %get3A_1137] {strides = array<i32>} : memref<2x640x32xf32, #tpu.memory_space<vmem>>, vector<1x1x16xf32>,
          %get3A_1139 = vector.shape_cast %get3A_1138 : vector<1x1x16xf32> to vector<16xf32>
          %mul3A_1140 = vector.broadcast %squeeze3A_1120 : f32 to vector<16xf32>
          %mul3A_1141 = arith.mulf %mul3A_1140, %get3A_1139 : vector<16xf32>
          %add3A_1142 = arith.addf %add3A_1118, %mul3A_1141 : vector<16xf32>
          %slice3A_1143 = vector.extract_strided_slice %get3A_716 {offsets = [2], sizes = [1], strides = [1]} : vector<16xf32> to vector<1xf32>
          %squeeze3A_1144 = vector.extract %slice3A_1143[0] : f32 from vector<1xf32>
          %add3A_1145 = arith.constant 18 : i32
          %add3A_1146 = arith.addi %mul3A_700, %add3A_1145 : i32
          %get3A_1147 = arith.constant 1 : i32
          %get3A_1148 = arith.index_cast %get3A_1147 : i32 to index
          %get3A_1149 = arith.index_cast %add3A_1146 : i32 to index
          %get3A_1150 = arith.constant 0 : index
          %get3A_1151 = tpu.vector_load %arg8[%get3A_1148, %get3A_1149, %get3A_1150] {strides = array<i32>} : memref<2x640x32xf32, #tpu.memory_space<vmem>>, vector<1x1x16xf32>,
          %get3A_1152 = vector.shape_cast %get3A_1151 : vector<1x1x16xf32> to vector<16xf32>
          %mul3A_1153 = vector.broadcast %squeeze3A_1144 : f32 to vector<16xf32>
          %mul3A_1154 = arith.mulf %mul3A_1153, %get3A_1152 : vector<16xf32>
          %add3A_1155 = arith.addf %add3A_1131, %mul3A_1154 : vector<16xf32>
          %add3A_1156 = arith.constant 18 : i32
          %add3A_1157 = arith.addi %mul3A_700, %add3A_1156 : i32
          %get3A_1158 = arith.constant 1 : i32
          %get3A_1159 = arith.index_cast %get3A_1158 : i32 to index
          %get3A_1160 = arith.index_cast %add3A_1157 : i32 to index
          %get3A_1161 = arith.constant 16 : index
          %get3A_1162 = tpu.vector_load %arg8[%get3A_1159, %get3A_1160, %get3A_1161] {strides = array<i32>} : memref<2x640x32xf32, #tpu.memory_space<vmem>>, vector<1x1x16xf32>,
          %get3A_1163 = vector.shape_cast %get3A_1162 : vector<1x1x16xf32> to vector<16xf32>
          %mul3A_1164 = vector.broadcast %squeeze3A_1144 : f32 to vector<16xf32>
          %mul3A_1165 = arith.mulf %mul3A_1164, %get3A_1163 : vector<16xf32>
          %add3A_1166 = arith.addf %add3A_1142, %mul3A_1165 : vector<16xf32>
          %slice3A_1167 = vector.extract_strided_slice %get3A_716 {offsets = [3], sizes = [1], strides = [1]} : vector<16xf32> to vector<1xf32>
          %squeeze3A_1168 = vector.extract %slice3A_1167[0] : f32 from vector<1xf32>
          %add3A_1169 = arith.constant 19 : i32
          %add3A_1170 = arith.addi %mul3A_700, %add3A_1169 : i32
          %get3A_1171 = arith.constant 1 : i32
          %get3A_1172 = arith.index_cast %get3A_1171 : i32 to index
          %get3A_1173 = arith.index_cast %add3A_1170 : i32 to index
          %get3A_1174 = arith.constant 0 : index
          %get3A_1175 = tpu.vector_load %arg8[%get3A_1172, %get3A_1173, %get3A_1174] {strides = array<i32>} : memref<2x640x32xf32, #tpu.memory_space<vmem>>, vector<1x1x16xf32>,
          %get3A_1176 = vector.shape_cast %get3A_1175 : vector<1x1x16xf32> to vector<16xf32>
          %mul3A_1177 = vector.broadcast %squeeze3A_1168 : f32 to vector<16xf32>
          %mul3A_1178 = arith.mulf %mul3A_1177, %get3A_1176 : vector<16xf32>
          %add3A_1179 = arith.addf %add3A_1155, %mul3A_1178 : vector<16xf32>
          %add3A_1180 = arith.constant 19 : i32
          %add3A_1181 = arith.addi %mul3A_700, %add3A_1180 : i32
          %get3A_1182 = arith.constant 1 : i32
          %get3A_1183 = arith.index_cast %get3A_1182 : i32 to index
          %get3A_1184 = arith.index_cast %add3A_1181 : i32 to index
          %get3A_1185 = arith.constant 16 : index
          %get3A_1186 = tpu.vector_load %arg8[%get3A_1183, %get3A_1184, %get3A_1185] {strides = array<i32>} : memref<2x640x32xf32, #tpu.memory_space<vmem>>, vector<1x1x16xf32>,
          %get3A_1187 = vector.shape_cast %get3A_1186 : vector<1x1x16xf32> to vector<16xf32>
          %mul3A_1188 = vector.broadcast %squeeze3A_1168 : f32 to vector<16xf32>
          %mul3A_1189 = arith.mulf %mul3A_1188, %get3A_1187 : vector<16xf32>
          %add3A_1190 = arith.addf %add3A_1166, %mul3A_1189 : vector<16xf32>
          %swap3A_1191 = arith.constant 1 : i32
          %swap3A_1192 = arith.index_cast %swap3A_1191 : i32 to index
          %swap3A_1193 = arith.index_cast %scan3A_698 : i32 to index
          %swap3A_1194 = arith.constant 0 : index
          %swap3A_1195 = tpu.vector_load %arg9[%swap3A_1192, %swap3A_1193, %swap3A_1194] {strides = array<i32>} : memref<2x32x32xf32, #tpu.memory_space<vmem>>, vector<1x1x16xf32>,
          %swap3A_1196 = vector.shape_cast %swap3A_1195 : vector<1x1x16xf32> to vector<16xf32>
          %swap3A_1197 = vector.shape_cast %add3A_1179 : vector<16xf32> to vector<1x1x16xf32>
          tpu.vector_store %arg9[%swap3A_1192, %swap3A_1193, %swap3A_1194], %swap3A_1197 {strides = array<i32>} : memref<2x32x32xf32, #tpu.memory_space<vmem>>, vector<1x1x16xf32>,
          %swap3A_1198 = arith.constant 1 : i32
          %swap3A_1199 = arith.index_cast %swap3A_1198 : i32 to index
          %swap3A_1200 = arith.index_cast %scan3A_698 : i32 to index
          %swap3A_1201 = arith.constant 16 : index
          %swap3A_1202 = tpu.vector_load %arg9[%swap3A_1199, %swap3A_1200, %swap3A_1201] {strides = array<i32>} : memref<2x32x32xf32, #tpu.memory_space<vmem>>, vector<1x1x16xf32>,
          %swap3A_1203 = vector.shape_cast %swap3A_1202 : vector<1x1x16xf32> to vector<16xf32>
          %swap3A_1204 = vector.shape_cast %add3A_1190 : vector<16xf32> to vector<1x1x16xf32>
          tpu.vector_store %arg9[%swap3A_1199, %swap3A_1200, %swap3A_1201], %swap3A_1204 {strides = array<i32>} : memref<2x32x32xf32, #tpu.memory_space<vmem>>, vector<1x1x16xf32>,
          %scan3A_1205 = arith.constant 2 : i32
          %scan3A_1206 = arith.addi %scan3A_194, %scan3A_1205 : i32
          %mul3A_1207 = arith.constant 20 : i32
          %mul3A_1208 = arith.muli %scan3A_1206, %mul3A_1207 : i32
          %mul3A_1209 = arith.constant 32 : i32
          %mul3A_1210 = arith.muli %scan3A_1206, %mul3A_1209 : i32
          %get3A_1211 = arith.constant 1 : i32
          %get3A_1212 = arith.index_cast %get3A_1211 : i32 to index
          %get3A_1213 = arith.index_cast %mul3A_1210 : i32 to index
          %get3A_1214 = tpu.vector_load %arg7[%get3A_1212, %get3A_1213] {strides = array<i32>} : memref<2x1024xf32, #tpu.memory_space<vmem>>, vector<1x16xf32>,
          %get3A_1215 = vector.shape_cast %get3A_1214 : vector<1x16xf32> to vector<16xf32>
          %mul3A_1216 = arith.constant 32 : i32
          %mul3A_1217 = arith.muli %scan3A_1206, %mul3A_1216 : i32
          %add3A_1218 = arith.constant 16 : i32
          %add3A_1219 = arith.addi %mul3A_1217, %add3A_1218 : i32
          %get3A_1220 = arith.constant 1 : i32
          %get3A_1221 = arith.index_cast %get3A_1220 : i32 to index
          %get3A_1222 = arith.index_cast %add3A_1219 : i32 to index
          %get3A_1223 = tpu.vector_load %arg7[%get3A_1221, %get3A_1222] {strides = array<i32>} : memref<2x1024xf32, #tpu.memory_space<vmem>>, vector<1x16xf32>,
          %get3A_1224 = vector.shape_cast %get3A_1223 : vector<1x16xf32> to vector<16xf32>
          %slice3A_1225 = vector.extract_strided_slice %get3A_1215 {offsets = [0], sizes = [1], strides = [1]} : vector<16xf32> to vector<1xf32>
          %squeeze3A_1226 = vector.extract %slice3A_1225[0] : f32 from vector<1xf32>
          %get3A_1227 = arith.constant 1 : i32
          %get3A_1228 = arith.index_cast %get3A_1227 : i32 to index
          %get3A_1229 = arith.index_cast %mul3A_1208 : i32 to index
          %get3A_1230 = arith.constant 0 : index
          %get3A_1231 = tpu.vector_load %arg8[%get3A_1228, %get3A_1229, %get3A_1230] {strides = array<i32>} : memref<2x640x32xf32, #tpu.memory_space<vmem>>, vector<1x1x16xf32>,
          %get3A_1232 = vector.shape_cast %get3A_1231 : vector<1x1x16xf32> to vector<16xf32>
          %mul3A_1233 = vector.broadcast %squeeze3A_1226 : f32 to vector<16xf32>
          %mul3A_1234 = arith.mulf %mul3A_1233, %get3A_1232 : vector<16xf32>
          %get3A_1235 = arith.constant 1 : i32
          %get3A_1236 = arith.index_cast %get3A_1235 : i32 to index
          %get3A_1237 = arith.index_cast %mul3A_1208 : i32 to index
          %get3A_1238 = arith.constant 16 : index
          %get3A_1239 = tpu.vector_load %arg8[%get3A_1236, %get3A_1237, %get3A_1238] {strides = array<i32>} : memref<2x640x32xf32, #tpu.memory_space<vmem>>, vector<1x1x16xf32>,
          %get3A_1240 = vector.shape_cast %get3A_1239 : vector<1x1x16xf32> to vector<16xf32>
          %mul3A_1241 = vector.broadcast %squeeze3A_1226 : f32 to vector<16xf32>
          %mul3A_1242 = arith.mulf %mul3A_1241, %get3A_1240 : vector<16xf32>
          %slice3A_1243 = vector.extract_strided_slice %get3A_1215 {offsets = [1], sizes = [1], strides = [1]} : vector<16xf32> to vector<1xf32>
          %squeeze3A_1244 = vector.extract %slice3A_1243[0] : f32 from vector<1xf32>
          %add3A_1245 = arith.constant 1 : i32
          %add3A_1246 = arith.addi %mul3A_1208, %add3A_1245 : i32
          %get3A_1247 = arith.constant 1 : i32
          %get3A_1248 = arith.index_cast %get3A_1247 : i32 to index
          %get3A_1249 = arith.index_cast %add3A_1246 : i32 to index
          %get3A_1250 = arith.constant 0 : index
          %get3A_1251 = tpu.vector_load %arg8[%get3A_1248, %get3A_1249, %get3A_1250] {strides = array<i32>} : memref<2x640x32xf32, #tpu.memory_space<vmem>>, vector<1x1x16xf32>,
          %get3A_1252 = vector.shape_cast %get3A_1251 : vector<1x1x16xf32> to vector<16xf32>
          %mul3A_1253 = vector.broadcast %squeeze3A_1244 : f32 to vector<16xf32>
          %mul3A_1254 = arith.mulf %mul3A_1253, %get3A_1252 : vector<16xf32>
          %add3A_1255 = arith.addf %mul3A_1234, %mul3A_1254 : vector<16xf32>
          %add3A_1256 = arith.constant 1 : i32
          %add3A_1257 = arith.addi %mul3A_1208, %add3A_1256 : i32
          %get3A_1258 = arith.constant 1 : i32
          %get3A_1259 = arith.index_cast %get3A_1258 : i32 to index
          %get3A_1260 = arith.index_cast %add3A_1257 : i32 to index
          %get3A_1261 = arith.constant 16 : index
          %get3A_1262 = tpu.vector_load %arg8[%get3A_1259, %get3A_1260, %get3A_1261] {strides = array<i32>} : memref<2x640x32xf32, #tpu.memory_space<vmem>>, vector<1x1x16xf32>,
          %get3A_1263 = vector.shape_cast %get3A_1262 : vector<1x1x16xf32> to vector<16xf32>
          %mul3A_1264 = vector.broadcast %squeeze3A_1244 : f32 to vector<16xf32>
          %mul3A_1265 = arith.mulf %mul3A_1264, %get3A_1263 : vector<16xf32>
          %add3A_1266 = arith.addf %mul3A_1242, %mul3A_1265 : vector<16xf32>
          %slice3A_1267 = vector.extract_strided_slice %get3A_1215 {offsets = [2], sizes = [1], strides = [1]} : vector<16xf32> to vector<1xf32>
          %squeeze3A_1268 = vector.extract %slice3A_1267[0] : f32 from vector<1xf32>
          %add3A_1269 = arith.constant 2 : i32
          %add3A_1270 = arith.addi %mul3A_1208, %add3A_1269 : i32
          %get3A_1271 = arith.constant 1 : i32
          %get3A_1272 = arith.index_cast %get3A_1271 : i32 to index
          %get3A_1273 = arith.index_cast %add3A_1270 : i32 to index
          %get3A_1274 = arith.constant 0 : index
          %get3A_1275 = tpu.vector_load %arg8[%get3A_1272, %get3A_1273, %get3A_1274] {strides = array<i32>} : memref<2x640x32xf32, #tpu.memory_space<vmem>>, vector<1x1x16xf32>,
          %get3A_1276 = vector.shape_cast %get3A_1275 : vector<1x1x16xf32> to vector<16xf32>
          %mul3A_1277 = vector.broadcast %squeeze3A_1268 : f32 to vector<16xf32>
          %mul3A_1278 = arith.mulf %mul3A_1277, %get3A_1276 : vector<16xf32>
          %add3A_1279 = arith.addf %add3A_1255, %mul3A_1278 : vector<16xf32>
          %add3A_1280 = arith.constant 2 : i32
          %add3A_1281 = arith.addi %mul3A_1208, %add3A_1280 : i32
          %get3A_1282 = arith.constant 1 : i32
          %get3A_1283 = arith.index_cast %get3A_1282 : i32 to index
          %get3A_1284 = arith.index_cast %add3A_1281 : i32 to index
          %get3A_1285 = arith.constant 16 : index
          %get3A_1286 = tpu.vector_load %arg8[%get3A_1283, %get3A_1284, %get3A_1285] {strides = array<i32>} : memref<2x640x32xf32, #tpu.memory_space<vmem>>, vector<1x1x16xf32>,
          %get3A_1287 = vector.shape_cast %get3A_1286 : vector<1x1x16xf32> to vector<16xf32>
          %mul3A_1288 = vector.broadcast %squeeze3A_1268 : f32 to vector<16xf32>
          %mul3A_1289 = arith.mulf %mul3A_1288, %get3A_1287 : vector<16xf32>
          %add3A_1290 = arith.addf %add3A_1266, %mul3A_1289 : vector<16xf32>
          %slice3A_1291 = vector.extract_strided_slice %get3A_1215 {offsets = [3], sizes = [1], strides = [1]} : vector<16xf32> to vector<1xf32>
          %squeeze3A_1292 = vector.extract %slice3A_1291[0] : f32 from vector<1xf32>
          %add3A_1293 = arith.constant 3 : i32
          %add3A_1294 = arith.addi %mul3A_1208, %add3A_1293 : i32
          %get3A_1295 = arith.constant 1 : i32
          %get3A_1296 = arith.index_cast %get3A_1295 : i32 to index
          %get3A_1297 = arith.index_cast %add3A_1294 : i32 to index
          %get3A_1298 = arith.constant 0 : index
          %get3A_1299 = tpu.vector_load %arg8[%get3A_1296, %get3A_1297, %get3A_1298] {strides = array<i32>} : memref<2x640x32xf32, #tpu.memory_space<vmem>>, vector<1x1x16xf32>,
          %get3A_1300 = vector.shape_cast %get3A_1299 : vector<1x1x16xf32> to vector<16xf32>
          %mul3A_1301 = vector.broadcast %squeeze3A_1292 : f32 to vector<16xf32>
          %mul3A_1302 = arith.mulf %mul3A_1301, %get3A_1300 : vector<16xf32>
          %add3A_1303 = arith.addf %add3A_1279, %mul3A_1302 : vector<16xf32>
          %add3A_1304 = arith.constant 3 : i32
          %add3A_1305 = arith.addi %mul3A_1208, %add3A_1304 : i32
          %get3A_1306 = arith.constant 1 : i32
          %get3A_1307 = arith.index_cast %get3A_1306 : i32 to index
          %get3A_1308 = arith.index_cast %add3A_1305 : i32 to index
          %get3A_1309 = arith.constant 16 : index
          %get3A_1310 = tpu.vector_load %arg8[%get3A_1307, %get3A_1308, %get3A_1309] {strides = array<i32>} : memref<2x640x32xf32, #tpu.memory_space<vmem>>, vector<1x1x16xf32>,
          %get3A_1311 = vector.shape_cast %get3A_1310 : vector<1x1x16xf32> to vector<16xf32>
          %mul3A_1312 = vector.broadcast %squeeze3A_1292 : f32 to vector<16xf32>
          %mul3A_1313 = arith.mulf %mul3A_1312, %get3A_1311 : vector<16xf32>
          %add3A_1314 = arith.addf %add3A_1290, %mul3A_1313 : vector<16xf32>
          %slice3A_1315 = vector.extract_strided_slice %get3A_1215 {offsets = [4], sizes = [1], strides = [1]} : vector<16xf32> to vector<1xf32>
          %squeeze3A_1316 = vector.extract %slice3A_1315[0] : f32 from vector<1xf32>
          %add3A_1317 = arith.constant 4 : i32
          %add3A_1318 = arith.addi %mul3A_1208, %add3A_1317 : i32
          %get3A_1319 = arith.constant 1 : i32
          %get3A_1320 = arith.index_cast %get3A_1319 : i32 to index
          %get3A_1321 = arith.index_cast %add3A_1318 : i32 to index
          %get3A_1322 = arith.constant 0 : index
          %get3A_1323 = tpu.vector_load %arg8[%get3A_1320, %get3A_1321, %get3A_1322] {strides = array<i32>} : memref<2x640x32xf32, #tpu.memory_space<vmem>>, vector<1x1x16xf32>,
          %get3A_1324 = vector.shape_cast %get3A_1323 : vector<1x1x16xf32> to vector<16xf32>
          %mul3A_1325 = vector.broadcast %squeeze3A_1316 : f32 to vector<16xf32>
          %mul3A_1326 = arith.mulf %mul3A_1325, %get3A_1324 : vector<16xf32>
          %add3A_1327 = arith.addf %add3A_1303, %mul3A_1326 : vector<16xf32>
          %add3A_1328 = arith.constant 4 : i32
          %add3A_1329 = arith.addi %mul3A_1208, %add3A_1328 : i32
          %get3A_1330 = arith.constant 1 : i32
          %get3A_1331 = arith.index_cast %get3A_1330 : i32 to index
          %get3A_1332 = arith.index_cast %add3A_1329 : i32 to index
          %get3A_1333 = arith.constant 16 : index
          %get3A_1334 = tpu.vector_load %arg8[%get3A_1331, %get3A_1332, %get3A_1333] {strides = array<i32>} : memref<2x640x32xf32, #tpu.memory_space<vmem>>, vector<1x1x16xf32>,
          %get3A_1335 = vector.shape_cast %get3A_1334 : vector<1x1x16xf32> to vector<16xf32>
          %mul3A_1336 = vector.broadcast %squeeze3A_1316 : f32 to vector<16xf32>
          %mul3A_1337 = arith.mulf %mul3A_1336, %get3A_1335 : vector<16xf32>
          %add3A_1338 = arith.addf %add3A_1314, %mul3A_1337 : vector<16xf32>
          %slice3A_1339 = vector.extract_strided_slice %get3A_1215 {offsets = [5], sizes = [1], strides = [1]} : vector<16xf32> to vector<1xf32>
          %squeeze3A_1340 = vector.extract %slice3A_1339[0] : f32 from vector<1xf32>
          %add3A_1341 = arith.constant 5 : i32
          %add3A_1342 = arith.addi %mul3A_1208, %add3A_1341 : i32
          %get3A_1343 = arith.constant 1 : i32
          %get3A_1344 = arith.index_cast %get3A_1343 : i32 to index
          %get3A_1345 = arith.index_cast %add3A_1342 : i32 to index
          %get3A_1346 = arith.constant 0 : index
          %get3A_1347 = tpu.vector_load %arg8[%get3A_1344, %get3A_1345, %get3A_1346] {strides = array<i32>} : memref<2x640x32xf32, #tpu.memory_space<vmem>>, vector<1x1x16xf32>,
          %get3A_1348 = vector.shape_cast %get3A_1347 : vector<1x1x16xf32> to vector<16xf32>
          %mul3A_1349 = vector.broadcast %squeeze3A_1340 : f32 to vector<16xf32>
          %mul3A_1350 = arith.mulf %mul3A_1349, %get3A_1348 : vector<16xf32>
          %add3A_1351 = arith.addf %add3A_1327, %mul3A_1350 : vector<16xf32>
          %add3A_1352 = arith.constant 5 : i32
          %add3A_1353 = arith.addi %mul3A_1208, %add3A_1352 : i32
          %get3A_1354 = arith.constant 1 : i32
          %get3A_1355 = arith.index_cast %get3A_1354 : i32 to index
          %get3A_1356 = arith.index_cast %add3A_1353 : i32 to index
          %get3A_1357 = arith.constant 16 : index
          %get3A_1358 = tpu.vector_load %arg8[%get3A_1355, %get3A_1356, %get3A_1357] {strides = array<i32>} : memref<2x640x32xf32, #tpu.memory_space<vmem>>, vector<1x1x16xf32>,
          %get3A_1359 = vector.shape_cast %get3A_1358 : vector<1x1x16xf32> to vector<16xf32>
          %mul3A_1360 = vector.broadcast %squeeze3A_1340 : f32 to vector<16xf32>
          %mul3A_1361 = arith.mulf %mul3A_1360, %get3A_1359 : vector<16xf32>
          %add3A_1362 = arith.addf %add3A_1338, %mul3A_1361 : vector<16xf32>
          %slice3A_1363 = vector.extract_strided_slice %get3A_1215 {offsets = [6], sizes = [1], strides = [1]} : vector<16xf32> to vector<1xf32>
          %squeeze3A_1364 = vector.extract %slice3A_1363[0] : f32 from vector<1xf32>
          %add3A_1365 = arith.constant 6 : i32
          %add3A_1366 = arith.addi %mul3A_1208, %add3A_1365 : i32
          %get3A_1367 = arith.constant 1 : i32
          %get3A_1368 = arith.index_cast %get3A_1367 : i32 to index
          %get3A_1369 = arith.index_cast %add3A_1366 : i32 to index
          %get3A_1370 = arith.constant 0 : index
          %get3A_1371 = tpu.vector_load %arg8[%get3A_1368, %get3A_1369, %get3A_1370] {strides = array<i32>} : memref<2x640x32xf32, #tpu.memory_space<vmem>>, vector<1x1x16xf32>,
          %get3A_1372 = vector.shape_cast %get3A_1371 : vector<1x1x16xf32> to vector<16xf32>
          %mul3A_1373 = vector.broadcast %squeeze3A_1364 : f32 to vector<16xf32>
          %mul3A_1374 = arith.mulf %mul3A_1373, %get3A_1372 : vector<16xf32>
          %add3A_1375 = arith.addf %add3A_1351, %mul3A_1374 : vector<16xf32>
          %add3A_1376 = arith.constant 6 : i32
          %add3A_1377 = arith.addi %mul3A_1208, %add3A_1376 : i32
          %get3A_1378 = arith.constant 1 : i32
          %get3A_1379 = arith.index_cast %get3A_1378 : i32 to index
          %get3A_1380 = arith.index_cast %add3A_1377 : i32 to index
          %get3A_1381 = arith.constant 16 : index
          %get3A_1382 = tpu.vector_load %arg8[%get3A_1379, %get3A_1380, %get3A_1381] {strides = array<i32>} : memref<2x640x32xf32, #tpu.memory_space<vmem>>, vector<1x1x16xf32>,
          %get3A_1383 = vector.shape_cast %get3A_1382 : vector<1x1x16xf32> to vector<16xf32>
          %mul3A_1384 = vector.broadcast %squeeze3A_1364 : f32 to vector<16xf32>
          %mul3A_1385 = arith.mulf %mul3A_1384, %get3A_1383 : vector<16xf32>
          %add3A_1386 = arith.addf %add3A_1362, %mul3A_1385 : vector<16xf32>
          %slice3A_1387 = vector.extract_strided_slice %get3A_1215 {offsets = [7], sizes = [1], strides = [1]} : vector<16xf32> to vector<1xf32>
          %squeeze3A_1388 = vector.extract %slice3A_1387[0] : f32 from vector<1xf32>
          %add3A_1389 = arith.constant 7 : i32
          %add3A_1390 = arith.addi %mul3A_1208, %add3A_1389 : i32
          %get3A_1391 = arith.constant 1 : i32
          %get3A_1392 = arith.index_cast %get3A_1391 : i32 to index
          %get3A_1393 = arith.index_cast %add3A_1390 : i32 to index
          %get3A_1394 = arith.constant 0 : index
          %get3A_1395 = tpu.vector_load %arg8[%get3A_1392, %get3A_1393, %get3A_1394] {strides = array<i32>} : memref<2x640x32xf32, #tpu.memory_space<vmem>>, vector<1x1x16xf32>,
          %get3A_1396 = vector.shape_cast %get3A_1395 : vector<1x1x16xf32> to vector<16xf32>
          %mul3A_1397 = vector.broadcast %squeeze3A_1388 : f32 to vector<16xf32>
          %mul3A_1398 = arith.mulf %mul3A_1397, %get3A_1396 : vector<16xf32>
          %add3A_1399 = arith.addf %add3A_1375, %mul3A_1398 : vector<16xf32>
          %add3A_1400 = arith.constant 7 : i32
          %add3A_1401 = arith.addi %mul3A_1208, %add3A_1400 : i32
          %get3A_1402 = arith.constant 1 : i32
          %get3A_1403 = arith.index_cast %get3A_1402 : i32 to index
          %get3A_1404 = arith.index_cast %add3A_1401 : i32 to index
          %get3A_1405 = arith.constant 16 : index
          %get3A_1406 = tpu.vector_load %arg8[%get3A_1403, %get3A_1404, %get3A_1405] {strides = array<i32>} : memref<2x640x32xf32, #tpu.memory_space<vmem>>, vector<1x1x16xf32>,
          %get3A_1407 = vector.shape_cast %get3A_1406 : vector<1x1x16xf32> to vector<16xf32>
          %mul3A_1408 = vector.broadcast %squeeze3A_1388 : f32 to vector<16xf32>
          %mul3A_1409 = arith.mulf %mul3A_1408, %get3A_1407 : vector<16xf32>
          %add3A_1410 = arith.addf %add3A_1386, %mul3A_1409 : vector<16xf32>
          %slice3A_1411 = vector.extract_strided_slice %get3A_1215 {offsets = [8], sizes = [1], strides = [1]} : vector<16xf32> to vector<1xf32>
          %squeeze3A_1412 = vector.extract %slice3A_1411[0] : f32 from vector<1xf32>
          %add3A_1413 = arith.constant 8 : i32
          %add3A_1414 = arith.addi %mul3A_1208, %add3A_1413 : i32
          %get3A_1415 = arith.constant 1 : i32
          %get3A_1416 = arith.index_cast %get3A_1415 : i32 to index
          %get3A_1417 = arith.index_cast %add3A_1414 : i32 to index
          %get3A_1418 = arith.constant 0 : index
          %get3A_1419 = tpu.vector_load %arg8[%get3A_1416, %get3A_1417, %get3A_1418] {strides = array<i32>} : memref<2x640x32xf32, #tpu.memory_space<vmem>>, vector<1x1x16xf32>,
          %get3A_1420 = vector.shape_cast %get3A_1419 : vector<1x1x16xf32> to vector<16xf32>
          %mul3A_1421 = vector.broadcast %squeeze3A_1412 : f32 to vector<16xf32>
          %mul3A_1422 = arith.mulf %mul3A_1421, %get3A_1420 : vector<16xf32>
          %add3A_1423 = arith.addf %add3A_1399, %mul3A_1422 : vector<16xf32>
          %add3A_1424 = arith.constant 8 : i32
          %add3A_1425 = arith.addi %mul3A_1208, %add3A_1424 : i32
          %get3A_1426 = arith.constant 1 : i32
          %get3A_1427 = arith.index_cast %get3A_1426 : i32 to index
          %get3A_1428 = arith.index_cast %add3A_1425 : i32 to index
          %get3A_1429 = arith.constant 16 : index
          %get3A_1430 = tpu.vector_load %arg8[%get3A_1427, %get3A_1428, %get3A_1429] {strides = array<i32>} : memref<2x640x32xf32, #tpu.memory_space<vmem>>, vector<1x1x16xf32>,
          %get3A_1431 = vector.shape_cast %get3A_1430 : vector<1x1x16xf32> to vector<16xf32>
          %mul3A_1432 = vector.broadcast %squeeze3A_1412 : f32 to vector<16xf32>
          %mul3A_1433 = arith.mulf %mul3A_1432, %get3A_1431 : vector<16xf32>
          %add3A_1434 = arith.addf %add3A_1410, %mul3A_1433 : vector<16xf32>
          %slice3A_1435 = vector.extract_strided_slice %get3A_1215 {offsets = [9], sizes = [1], strides = [1]} : vector<16xf32> to vector<1xf32>
          %squeeze3A_1436 = vector.extract %slice3A_1435[0] : f32 from vector<1xf32>
          %add3A_1437 = arith.constant 9 : i32
          %add3A_1438 = arith.addi %mul3A_1208, %add3A_1437 : i32
          %get3A_1439 = arith.constant 1 : i32
          %get3A_1440 = arith.index_cast %get3A_1439 : i32 to index
          %get3A_1441 = arith.index_cast %add3A_1438 : i32 to index
          %get3A_1442 = arith.constant 0 : index
          %get3A_1443 = tpu.vector_load %arg8[%get3A_1440, %get3A_1441, %get3A_1442] {strides = array<i32>} : memref<2x640x32xf32, #tpu.memory_space<vmem>>, vector<1x1x16xf32>,
          %get3A_1444 = vector.shape_cast %get3A_1443 : vector<1x1x16xf32> to vector<16xf32>
          %mul3A_1445 = vector.broadcast %squeeze3A_1436 : f32 to vector<16xf32>
          %mul3A_1446 = arith.mulf %mul3A_1445, %get3A_1444 : vector<16xf32>
          %add3A_1447 = arith.addf %add3A_1423, %mul3A_1446 : vector<16xf32>
          %add3A_1448 = arith.constant 9 : i32
          %add3A_1449 = arith.addi %mul3A_1208, %add3A_1448 : i32
          %get3A_1450 = arith.constant 1 : i32
          %get3A_1451 = arith.index_cast %get3A_1450 : i32 to index
          %get3A_1452 = arith.index_cast %add3A_1449 : i32 to index
          %get3A_1453 = arith.constant 16 : index
          %get3A_1454 = tpu.vector_load %arg8[%get3A_1451, %get3A_1452, %get3A_1453] {strides = array<i32>} : memref<2x640x32xf32, #tpu.memory_space<vmem>>, vector<1x1x16xf32>,
          %get3A_1455 = vector.shape_cast %get3A_1454 : vector<1x1x16xf32> to vector<16xf32>
          %mul3A_1456 = vector.broadcast %squeeze3A_1436 : f32 to vector<16xf32>
          %mul3A_1457 = arith.mulf %mul3A_1456, %get3A_1455 : vector<16xf32>
          %add3A_1458 = arith.addf %add3A_1434, %mul3A_1457 : vector<16xf32>
          %slice3A_1459 = vector.extract_strided_slice %get3A_1215 {offsets = [10], sizes = [1], strides = [1]} : vector<16xf32> to vector<1xf32>
          %squeeze3A_1460 = vector.extract %slice3A_1459[0] : f32 from vector<1xf32>
          %add3A_1461 = arith.constant 10 : i32
          %add3A_1462 = arith.addi %mul3A_1208, %add3A_1461 : i32
          %get3A_1463 = arith.constant 1 : i32
          %get3A_1464 = arith.index_cast %get3A_1463 : i32 to index
          %get3A_1465 = arith.index_cast %add3A_1462 : i32 to index
          %get3A_1466 = arith.constant 0 : index
          %get3A_1467 = tpu.vector_load %arg8[%get3A_1464, %get3A_1465, %get3A_1466] {strides = array<i32>} : memref<2x640x32xf32, #tpu.memory_space<vmem>>, vector<1x1x16xf32>,
          %get3A_1468 = vector.shape_cast %get3A_1467 : vector<1x1x16xf32> to vector<16xf32>
          %mul3A_1469 = vector.broadcast %squeeze3A_1460 : f32 to vector<16xf32>
          %mul3A_1470 = arith.mulf %mul3A_1469, %get3A_1468 : vector<16xf32>
          %add3A_1471 = arith.addf %add3A_1447, %mul3A_1470 : vector<16xf32>
          %add3A_1472 = arith.constant 10 : i32
          %add3A_1473 = arith.addi %mul3A_1208, %add3A_1472 : i32
          %get3A_1474 = arith.constant 1 : i32
          %get3A_1475 = arith.index_cast %get3A_1474 : i32 to index
          %get3A_1476 = arith.index_cast %add3A_1473 : i32 to index
          %get3A_1477 = arith.constant 16 : index
          %get3A_1478 = tpu.vector_load %arg8[%get3A_1475, %get3A_1476, %get3A_1477] {strides = array<i32>} : memref<2x640x32xf32, #tpu.memory_space<vmem>>, vector<1x1x16xf32>,
          %get3A_1479 = vector.shape_cast %get3A_1478 : vector<1x1x16xf32> to vector<16xf32>
          %mul3A_1480 = vector.broadcast %squeeze3A_1460 : f32 to vector<16xf32>
          %mul3A_1481 = arith.mulf %mul3A_1480, %get3A_1479 : vector<16xf32>
          %add3A_1482 = arith.addf %add3A_1458, %mul3A_1481 : vector<16xf32>
          %slice3A_1483 = vector.extract_strided_slice %get3A_1215 {offsets = [11], sizes = [1], strides = [1]} : vector<16xf32> to vector<1xf32>
          %squeeze3A_1484 = vector.extract %slice3A_1483[0] : f32 from vector<1xf32>
          %add3A_1485 = arith.constant 11 : i32
          %add3A_1486 = arith.addi %mul3A_1208, %add3A_1485 : i32
          %get3A_1487 = arith.constant 1 : i32
          %get3A_1488 = arith.index_cast %get3A_1487 : i32 to index
          %get3A_1489 = arith.index_cast %add3A_1486 : i32 to index
          %get3A_1490 = arith.constant 0 : index
          %get3A_1491 = tpu.vector_load %arg8[%get3A_1488, %get3A_1489, %get3A_1490] {strides = array<i32>} : memref<2x640x32xf32, #tpu.memory_space<vmem>>, vector<1x1x16xf32>,
          %get3A_1492 = vector.shape_cast %get3A_1491 : vector<1x1x16xf32> to vector<16xf32>
          %mul3A_1493 = vector.broadcast %squeeze3A_1484 : f32 to vector<16xf32>
          %mul3A_1494 = arith.mulf %mul3A_1493, %get3A_1492 : vector<16xf32>
          %add3A_1495 = arith.addf %add3A_1471, %mul3A_1494 : vector<16xf32>
          %add3A_1496 = arith.constant 11 : i32
          %add3A_1497 = arith.addi %mul3A_1208, %add3A_1496 : i32
          %get3A_1498 = arith.constant 1 : i32
          %get3A_1499 = arith.index_cast %get3A_1498 : i32 to index
          %get3A_1500 = arith.index_cast %add3A_1497 : i32 to index
          %get3A_1501 = arith.constant 16 : index
          %get3A_1502 = tpu.vector_load %arg8[%get3A_1499, %get3A_1500, %get3A_1501] {strides = array<i32>} : memref<2x640x32xf32, #tpu.memory_space<vmem>>, vector<1x1x16xf32>,
          %get3A_1503 = vector.shape_cast %get3A_1502 : vector<1x1x16xf32> to vector<16xf32>
          %mul3A_1504 = vector.broadcast %squeeze3A_1484 : f32 to vector<16xf32>
          %mul3A_1505 = arith.mulf %mul3A_1504, %get3A_1503 : vector<16xf32>
          %add3A_1506 = arith.addf %add3A_1482, %mul3A_1505 : vector<16xf32>
          %slice3A_1507 = vector.extract_strided_slice %get3A_1215 {offsets = [12], sizes = [1], strides = [1]} : vector<16xf32> to vector<1xf32>
          %squeeze3A_1508 = vector.extract %slice3A_1507[0] : f32 from vector<1xf32>
          %add3A_1509 = arith.constant 12 : i32
          %add3A_1510 = arith.addi %mul3A_1208, %add3A_1509 : i32
          %get3A_1511 = arith.constant 1 : i32
          %get3A_1512 = arith.index_cast %get3A_1511 : i32 to index
          %get3A_1513 = arith.index_cast %add3A_1510 : i32 to index
          %get3A_1514 = arith.constant 0 : index
          %get3A_1515 = tpu.vector_load %arg8[%get3A_1512, %get3A_1513, %get3A_1514] {strides = array<i32>} : memref<2x640x32xf32, #tpu.memory_space<vmem>>, vector<1x1x16xf32>,
          %get3A_1516 = vector.shape_cast %get3A_1515 : vector<1x1x16xf32> to vector<16xf32>
          %mul3A_1517 = vector.broadcast %squeeze3A_1508 : f32 to vector<16xf32>
          %mul3A_1518 = arith.mulf %mul3A_1517, %get3A_1516 : vector<16xf32>
          %add3A_1519 = arith.addf %add3A_1495, %mul3A_1518 : vector<16xf32>
          %add3A_1520 = arith.constant 12 : i32
          %add3A_1521 = arith.addi %mul3A_1208, %add3A_1520 : i32
          %get3A_1522 = arith.constant 1 : i32
          %get3A_1523 = arith.index_cast %get3A_1522 : i32 to index
          %get3A_1524 = arith.index_cast %add3A_1521 : i32 to index
          %get3A_1525 = arith.constant 16 : index
          %get3A_1526 = tpu.vector_load %arg8[%get3A_1523, %get3A_1524, %get3A_1525] {strides = array<i32>} : memref<2x640x32xf32, #tpu.memory_space<vmem>>, vector<1x1x16xf32>,
          %get3A_1527 = vector.shape_cast %get3A_1526 : vector<1x1x16xf32> to vector<16xf32>
          %mul3A_1528 = vector.broadcast %squeeze3A_1508 : f32 to vector<16xf32>
          %mul3A_1529 = arith.mulf %mul3A_1528, %get3A_1527 : vector<16xf32>
          %add3A_1530 = arith.addf %add3A_1506, %mul3A_1529 : vector<16xf32>
          %slice3A_1531 = vector.extract_strided_slice %get3A_1215 {offsets = [13], sizes = [1], strides = [1]} : vector<16xf32> to vector<1xf32>
          %squeeze3A_1532 = vector.extract %slice3A_1531[0] : f32 from vector<1xf32>
          %add3A_1533 = arith.constant 13 : i32
          %add3A_1534 = arith.addi %mul3A_1208, %add3A_1533 : i32
          %get3A_1535 = arith.constant 1 : i32
          %get3A_1536 = arith.index_cast %get3A_1535 : i32 to index
          %get3A_1537 = arith.index_cast %add3A_1534 : i32 to index
          %get3A_1538 = arith.constant 0 : index
          %get3A_1539 = tpu.vector_load %arg8[%get3A_1536, %get3A_1537, %get3A_1538] {strides = array<i32>} : memref<2x640x32xf32, #tpu.memory_space<vmem>>, vector<1x1x16xf32>,
          %get3A_1540 = vector.shape_cast %get3A_1539 : vector<1x1x16xf32> to vector<16xf32>
          %mul3A_1541 = vector.broadcast %squeeze3A_1532 : f32 to vector<16xf32>
          %mul3A_1542 = arith.mulf %mul3A_1541, %get3A_1540 : vector<16xf32>
          %add3A_1543 = arith.addf %add3A_1519, %mul3A_1542 : vector<16xf32>
          %add3A_1544 = arith.constant 13 : i32
          %add3A_1545 = arith.addi %mul3A_1208, %add3A_1544 : i32
          %get3A_1546 = arith.constant 1 : i32
          %get3A_1547 = arith.index_cast %get3A_1546 : i32 to index
          %get3A_1548 = arith.index_cast %add3A_1545 : i32 to index
          %get3A_1549 = arith.constant 16 : index
          %get3A_1550 = tpu.vector_load %arg8[%get3A_1547, %get3A_1548, %get3A_1549] {strides = array<i32>} : memref<2x640x32xf32, #tpu.memory_space<vmem>>, vector<1x1x16xf32>,
          %get3A_1551 = vector.shape_cast %get3A_1550 : vector<1x1x16xf32> to vector<16xf32>
          %mul3A_1552 = vector.broadcast %squeeze3A_1532 : f32 to vector<16xf32>
          %mul3A_1553 = arith.mulf %mul3A_1552, %get3A_1551 : vector<16xf32>
          %add3A_1554 = arith.addf %add3A_1530, %mul3A_1553 : vector<16xf32>
          %slice3A_1555 = vector.extract_strided_slice %get3A_1215 {offsets = [14], sizes = [1], strides = [1]} : vector<16xf32> to vector<1xf32>
          %squeeze3A_1556 = vector.extract %slice3A_1555[0] : f32 from vector<1xf32>
          %add3A_1557 = arith.constant 14 : i32
          %add3A_1558 = arith.addi %mul3A_1208, %add3A_1557 : i32
          %get3A_1559 = arith.constant 1 : i32
          %get3A_1560 = arith.index_cast %get3A_1559 : i32 to index
          %get3A_1561 = arith.index_cast %add3A_1558 : i32 to index
          %get3A_1562 = arith.constant 0 : index
          %get3A_1563 = tpu.vector_load %arg8[%get3A_1560, %get3A_1561, %get3A_1562] {strides = array<i32>} : memref<2x640x32xf32, #tpu.memory_space<vmem>>, vector<1x1x16xf32>,
          %get3A_1564 = vector.shape_cast %get3A_1563 : vector<1x1x16xf32> to vector<16xf32>
          %mul3A_1565 = vector.broadcast %squeeze3A_1556 : f32 to vector<16xf32>
          %mul3A_1566 = arith.mulf %mul3A_1565, %get3A_1564 : vector<16xf32>
          %add3A_1567 = arith.addf %add3A_1543, %mul3A_1566 : vector<16xf32>
          %add3A_1568 = arith.constant 14 : i32
          %add3A_1569 = arith.addi %mul3A_1208, %add3A_1568 : i32
          %get3A_1570 = arith.constant 1 : i32
          %get3A_1571 = arith.index_cast %get3A_1570 : i32 to index
          %get3A_1572 = arith.index_cast %add3A_1569 : i32 to index
          %get3A_1573 = arith.constant 16 : index
          %get3A_1574 = tpu.vector_load %arg8[%get3A_1571, %get3A_1572, %get3A_1573] {strides = array<i32>} : memref<2x640x32xf32, #tpu.memory_space<vmem>>, vector<1x1x16xf32>,
          %get3A_1575 = vector.shape_cast %get3A_1574 : vector<1x1x16xf32> to vector<16xf32>
          %mul3A_1576 = vector.broadcast %squeeze3A_1556 : f32 to vector<16xf32>
          %mul3A_1577 = arith.mulf %mul3A_1576, %get3A_1575 : vector<16xf32>
          %add3A_1578 = arith.addf %add3A_1554, %mul3A_1577 : vector<16xf32>
          %slice3A_1579 = vector.extract_strided_slice %get3A_1215 {offsets = [15], sizes = [1], strides = [1]} : vector<16xf32> to vector<1xf32>
          %squeeze3A_1580 = vector.extract %slice3A_1579[0] : f32 from vector<1xf32>
          %add3A_1581 = arith.constant 15 : i32
          %add3A_1582 = arith.addi %mul3A_1208, %add3A_1581 : i32
          %get3A_1583 = arith.constant 1 : i32
          %get3A_1584 = arith.index_cast %get3A_1583 : i32 to index
          %get3A_1585 = arith.index_cast %add3A_1582 : i32 to index
          %get3A_1586 = arith.constant 0 : index
          %get3A_1587 = tpu.vector_load %arg8[%get3A_1584, %get3A_1585, %get3A_1586] {strides = array<i32>} : memref<2x640x32xf32, #tpu.memory_space<vmem>>, vector<1x1x16xf32>,
          %get3A_1588 = vector.shape_cast %get3A_1587 : vector<1x1x16xf32> to vector<16xf32>
          %mul3A_1589 = vector.broadcast %squeeze3A_1580 : f32 to vector<16xf32>
          %mul3A_1590 = arith.mulf %mul3A_1589, %get3A_1588 : vector<16xf32>
          %add3A_1591 = arith.addf %add3A_1567, %mul3A_1590 : vector<16xf32>
          %add3A_1592 = arith.constant 15 : i32
          %add3A_1593 = arith.addi %mul3A_1208, %add3A_1592 : i32
          %get3A_1594 = arith.constant 1 : i32
          %get3A_1595 = arith.index_cast %get3A_1594 : i32 to index
          %get3A_1596 = arith.index_cast %add3A_1593 : i32 to index
          %get3A_1597 = arith.constant 16 : index
          %get3A_1598 = tpu.vector_load %arg8[%get3A_1595, %get3A_1596, %get3A_1597] {strides = array<i32>} : memref<2x640x32xf32, #tpu.memory_space<vmem>>, vector<1x1x16xf32>,
          %get3A_1599 = vector.shape_cast %get3A_1598 : vector<1x1x16xf32> to vector<16xf32>
          %mul3A_1600 = vector.broadcast %squeeze3A_1580 : f32 to vector<16xf32>
          %mul3A_1601 = arith.mulf %mul3A_1600, %get3A_1599 : vector<16xf32>
          %add3A_1602 = arith.addf %add3A_1578, %mul3A_1601 : vector<16xf32>
          %slice3A_1603 = vector.extract_strided_slice %get3A_1224 {offsets = [0], sizes = [1], strides = [1]} : vector<16xf32> to vector<1xf32>
          %squeeze3A_1604 = vector.extract %slice3A_1603[0] : f32 from vector<1xf32>
          %add3A_1605 = arith.constant 16 : i32
          %add3A_1606 = arith.addi %mul3A_1208, %add3A_1605 : i32
          %get3A_1607 = arith.constant 1 : i32
          %get3A_1608 = arith.index_cast %get3A_1607 : i32 to index
          %get3A_1609 = arith.index_cast %add3A_1606 : i32 to index
          %get3A_1610 = arith.constant 0 : index
          %get3A_1611 = tpu.vector_load %arg8[%get3A_1608, %get3A_1609, %get3A_1610] {strides = array<i32>} : memref<2x640x32xf32, #tpu.memory_space<vmem>>, vector<1x1x16xf32>,
          %get3A_1612 = vector.shape_cast %get3A_1611 : vector<1x1x16xf32> to vector<16xf32>
          %mul3A_1613 = vector.broadcast %squeeze3A_1604 : f32 to vector<16xf32>
          %mul3A_1614 = arith.mulf %mul3A_1613, %get3A_1612 : vector<16xf32>
          %add3A_1615 = arith.addf %add3A_1591, %mul3A_1614 : vector<16xf32>
          %add3A_1616 = arith.constant 16 : i32
          %add3A_1617 = arith.addi %mul3A_1208, %add3A_1616 : i32
          %get3A_1618 = arith.constant 1 : i32
          %get3A_1619 = arith.index_cast %get3A_1618 : i32 to index
          %get3A_1620 = arith.index_cast %add3A_1617 : i32 to index
          %get3A_1621 = arith.constant 16 : index
          %get3A_1622 = tpu.vector_load %arg8[%get3A_1619, %get3A_1620, %get3A_1621] {strides = array<i32>} : memref<2x640x32xf32, #tpu.memory_space<vmem>>, vector<1x1x16xf32>,
          %get3A_1623 = vector.shape_cast %get3A_1622 : vector<1x1x16xf32> to vector<16xf32>
          %mul3A_1624 = vector.broadcast %squeeze3A_1604 : f32 to vector<16xf32>
          %mul3A_1625 = arith.mulf %mul3A_1624, %get3A_1623 : vector<16xf32>
          %add3A_1626 = arith.addf %add3A_1602, %mul3A_1625 : vector<16xf32>
          %slice3A_1627 = vector.extract_strided_slice %get3A_1224 {offsets = [1], sizes = [1], strides = [1]} : vector<16xf32> to vector<1xf32>
          %squeeze3A_1628 = vector.extract %slice3A_1627[0] : f32 from vector<1xf32>
          %add3A_1629 = arith.constant 17 : i32
          %add3A_1630 = arith.addi %mul3A_1208, %add3A_1629 : i32
          %get3A_1631 = arith.constant 1 : i32
          %get3A_1632 = arith.index_cast %get3A_1631 : i32 to index
          %get3A_1633 = arith.index_cast %add3A_1630 : i32 to index
          %get3A_1634 = arith.constant 0 : index
          %get3A_1635 = tpu.vector_load %arg8[%get3A_1632, %get3A_1633, %get3A_1634] {strides = array<i32>} : memref<2x640x32xf32, #tpu.memory_space<vmem>>, vector<1x1x16xf32>,
          %get3A_1636 = vector.shape_cast %get3A_1635 : vector<1x1x16xf32> to vector<16xf32>
          %mul3A_1637 = vector.broadcast %squeeze3A_1628 : f32 to vector<16xf32>
          %mul3A_1638 = arith.mulf %mul3A_1637, %get3A_1636 : vector<16xf32>
          %add3A_1639 = arith.addf %add3A_1615, %mul3A_1638 : vector<16xf32>
          %add3A_1640 = arith.constant 17 : i32
          %add3A_1641 = arith.addi %mul3A_1208, %add3A_1640 : i32
          %get3A_1642 = arith.constant 1 : i32
          %get3A_1643 = arith.index_cast %get3A_1642 : i32 to index
          %get3A_1644 = arith.index_cast %add3A_1641 : i32 to index
          %get3A_1645 = arith.constant 16 : index
          %get3A_1646 = tpu.vector_load %arg8[%get3A_1643, %get3A_1644, %get3A_1645] {strides = array<i32>} : memref<2x640x32xf32, #tpu.memory_space<vmem>>, vector<1x1x16xf32>,
          %get3A_1647 = vector.shape_cast %get3A_1646 : vector<1x1x16xf32> to vector<16xf32>
          %mul3A_1648 = vector.broadcast %squeeze3A_1628 : f32 to vector<16xf32>
          %mul3A_1649 = arith.mulf %mul3A_1648, %get3A_1647 : vector<16xf32>
          %add3A_1650 = arith.addf %add3A_1626, %mul3A_1649 : vector<16xf32>
          %slice3A_1651 = vector.extract_strided_slice %get3A_1224 {offsets = [2], sizes = [1], strides = [1]} : vector<16xf32> to vector<1xf32>
          %squeeze3A_1652 = vector.extract %slice3A_1651[0] : f32 from vector<1xf32>
          %add3A_1653 = arith.constant 18 : i32
          %add3A_1654 = arith.addi %mul3A_1208, %add3A_1653 : i32
          %get3A_1655 = arith.constant 1 : i32
          %get3A_1656 = arith.index_cast %get3A_1655 : i32 to index
          %get3A_1657 = arith.index_cast %add3A_1654 : i32 to index
          %get3A_1658 = arith.constant 0 : index
          %get3A_1659 = tpu.vector_load %arg8[%get3A_1656, %get3A_1657, %get3A_1658] {strides = array<i32>} : memref<2x640x32xf32, #tpu.memory_space<vmem>>, vector<1x1x16xf32>,
          %get3A_1660 = vector.shape_cast %get3A_1659 : vector<1x1x16xf32> to vector<16xf32>
          %mul3A_1661 = vector.broadcast %squeeze3A_1652 : f32 to vector<16xf32>
          %mul3A_1662 = arith.mulf %mul3A_1661, %get3A_1660 : vector<16xf32>
          %add3A_1663 = arith.addf %add3A_1639, %mul3A_1662 : vector<16xf32>
          %add3A_1664 = arith.constant 18 : i32
          %add3A_1665 = arith.addi %mul3A_1208, %add3A_1664 : i32
          %get3A_1666 = arith.constant 1 : i32
          %get3A_1667 = arith.index_cast %get3A_1666 : i32 to index
          %get3A_1668 = arith.index_cast %add3A_1665 : i32 to index
          %get3A_1669 = arith.constant 16 : index
          %get3A_1670 = tpu.vector_load %arg8[%get3A_1667, %get3A_1668, %get3A_1669] {strides = array<i32>} : memref<2x640x32xf32, #tpu.memory_space<vmem>>, vector<1x1x16xf32>,
          %get3A_1671 = vector.shape_cast %get3A_1670 : vector<1x1x16xf32> to vector<16xf32>
          %mul3A_1672 = vector.broadcast %squeeze3A_1652 : f32 to vector<16xf32>
          %mul3A_1673 = arith.mulf %mul3A_1672, %get3A_1671 : vector<16xf32>
          %add3A_1674 = arith.addf %add3A_1650, %mul3A_1673 : vector<16xf32>
          %slice3A_1675 = vector.extract_strided_slice %get3A_1224 {offsets = [3], sizes = [1], strides = [1]} : vector<16xf32> to vector<1xf32>
          %squeeze3A_1676 = vector.extract %slice3A_1675[0] : f32 from vector<1xf32>
          %add3A_1677 = arith.constant 19 : i32
          %add3A_1678 = arith.addi %mul3A_1208, %add3A_1677 : i32
          %get3A_1679 = arith.constant 1 : i32
          %get3A_1680 = arith.index_cast %get3A_1679 : i32 to index
          %get3A_1681 = arith.index_cast %add3A_1678 : i32 to index
          %get3A_1682 = arith.constant 0 : index
          %get3A_1683 = tpu.vector_load %arg8[%get3A_1680, %get3A_1681, %get3A_1682] {strides = array<i32>} : memref<2x640x32xf32, #tpu.memory_space<vmem>>, vector<1x1x16xf32>,
          %get3A_1684 = vector.shape_cast %get3A_1683 : vector<1x1x16xf32> to vector<16xf32>
          %mul3A_1685 = vector.broadcast %squeeze3A_1676 : f32 to vector<16xf32>
          %mul3A_1686 = arith.mulf %mul3A_1685, %get3A_1684 : vector<16xf32>
          %add3A_1687 = arith.addf %add3A_1663, %mul3A_1686 : vector<16xf32>
          %add3A_1688 = arith.constant 19 : i32
          %add3A_1689 = arith.addi %mul3A_1208, %add3A_1688 : i32
          %get3A_1690 = arith.constant 1 : i32
          %get3A_1691 = arith.index_cast %get3A_1690 : i32 to index
          %get3A_1692 = arith.index_cast %add3A_1689 : i32 to index
          %get3A_1693 = arith.constant 16 : index
          %get3A_1694 = tpu.vector_load %arg8[%get3A_1691, %get3A_1692, %get3A_1693] {strides = array<i32>} : memref<2x640x32xf32, #tpu.memory_space<vmem>>, vector<1x1x16xf32>,
          %get3A_1695 = vector.shape_cast %get3A_1694 : vector<1x1x16xf32> to vector<16xf32>
          %mul3A_1696 = vector.broadcast %squeeze3A_1676 : f32 to vector<16xf32>
          %mul3A_1697 = arith.mulf %mul3A_1696, %get3A_1695 : vector<16xf32>
          %add3A_1698 = arith.addf %add3A_1674, %mul3A_1697 : vector<16xf32>
          %swap3A_1699 = arith.constant 1 : i32
          %swap3A_1700 = arith.index_cast %swap3A_1699 : i32 to index
          %swap3A_1701 = arith.index_cast %scan3A_1206 : i32 to index
          %swap3A_1702 = arith.constant 0 : index
          %swap3A_1703 = tpu.vector_load %arg9[%swap3A_1700, %swap3A_1701, %swap3A_1702] {strides = array<i32>} : memref<2x32x32xf32, #tpu.memory_space<vmem>>, vector<1x1x16xf32>,
          %swap3A_1704 = vector.shape_cast %swap3A_1703 : vector<1x1x16xf32> to vector<16xf32>
          %swap3A_1705 = vector.shape_cast %add3A_1687 : vector<16xf32> to vector<1x1x16xf32>
          tpu.vector_store %arg9[%swap3A_1700, %swap3A_1701, %swap3A_1702], %swap3A_1705 {strides = array<i32>} : memref<2x32x32xf32, #tpu.memory_space<vmem>>, vector<1x1x16xf32>,
          %swap3A_1706 = arith.constant 1 : i32
          %swap3A_1707 = arith.index_cast %swap3A_1706 : i32 to index
          %swap3A_1708 = arith.index_cast %scan3A_1206 : i32 to index
          %swap3A_1709 = arith.constant 16 : index
          %swap3A_1710 = tpu.vector_load %arg9[%swap3A_1707, %swap3A_1708, %swap3A_1709] {strides = array<i32>} : memref<2x32x32xf32, #tpu.memory_space<vmem>>, vector<1x1x16xf32>,
          %swap3A_1711 = vector.shape_cast %swap3A_1710 : vector<1x1x16xf32> to vector<16xf32>
          %swap3A_1712 = vector.shape_cast %add3A_1698 : vector<16xf32> to vector<1x1x16xf32>
          tpu.vector_store %arg9[%swap3A_1707, %swap3A_1708, %swap3A_1709], %swap3A_1712 {strides = array<i32>} : memref<2x32x32xf32, #tpu.memory_space<vmem>>, vector<1x1x16xf32>,
          %scan3A_1713 = arith.constant 3 : i32
          %scan3A_1714 = arith.addi %scan3A_194, %scan3A_1713 : i32
          %mul3A_1715 = arith.constant 20 : i32
          %mul3A_1716 = arith.muli %scan3A_1714, %mul3A_1715 : i32
          %mul3A_1717 = arith.constant 32 : i32
          %mul3A_1718 = arith.muli %scan3A_1714, %mul3A_1717 : i32
          %get3A_1719 = arith.constant 1 : i32
          %get3A_1720 = arith.index_cast %get3A_1719 : i32 to index
          %get3A_1721 = arith.index_cast %mul3A_1718 : i32 to index
          %get3A_1722 = tpu.vector_load %arg7[%get3A_1720, %get3A_1721] {strides = array<i32>} : memref<2x1024xf32, #tpu.memory_space<vmem>>, vector<1x16xf32>,
          %get3A_1723 = vector.shape_cast %get3A_1722 : vector<1x16xf32> to vector<16xf32>
          %mul3A_1724 = arith.constant 32 : i32
          %mul3A_1725 = arith.muli %scan3A_1714, %mul3A_1724 : i32
          %add3A_1726 = arith.constant 16 : i32
          %add3A_1727 = arith.addi %mul3A_1725, %add3A_1726 : i32
          %get3A_1728 = arith.constant 1 : i32
          %get3A_1729 = arith.index_cast %get3A_1728 : i32 to index
          %get3A_1730 = arith.index_cast %add3A_1727 : i32 to index
          %get3A_1731 = tpu.vector_load %arg7[%get3A_1729, %get3A_1730] {strides = array<i32>} : memref<2x1024xf32, #tpu.memory_space<vmem>>, vector<1x16xf32>,
          %get3A_1732 = vector.shape_cast %get3A_1731 : vector<1x16xf32> to vector<16xf32>
          %slice3A_1733 = vector.extract_strided_slice %get3A_1723 {offsets = [0], sizes = [1], strides = [1]} : vector<16xf32> to vector<1xf32>
          %squeeze3A_1734 = vector.extract %slice3A_1733[0] : f32 from vector<1xf32>
          %get3A_1735 = arith.constant 1 : i32
          %get3A_1736 = arith.index_cast %get3A_1735 : i32 to index
          %get3A_1737 = arith.index_cast %mul3A_1716 : i32 to index
          %get3A_1738 = arith.constant 0 : index
          %get3A_1739 = tpu.vector_load %arg8[%get3A_1736, %get3A_1737, %get3A_1738] {strides = array<i32>} : memref<2x640x32xf32, #tpu.memory_space<vmem>>, vector<1x1x16xf32>,
          %get3A_1740 = vector.shape_cast %get3A_1739 : vector<1x1x16xf32> to vector<16xf32>
          %mul3A_1741 = vector.broadcast %squeeze3A_1734 : f32 to vector<16xf32>
          %mul3A_1742 = arith.mulf %mul3A_1741, %get3A_1740 : vector<16xf32>
          %get3A_1743 = arith.constant 1 : i32
          %get3A_1744 = arith.index_cast %get3A_1743 : i32 to index
          %get3A_1745 = arith.index_cast %mul3A_1716 : i32 to index
          %get3A_1746 = arith.constant 16 : index
          %get3A_1747 = tpu.vector_load %arg8[%get3A_1744, %get3A_1745, %get3A_1746] {strides = array<i32>} : memref<2x640x32xf32, #tpu.memory_space<vmem>>, vector<1x1x16xf32>,
          %get3A_1748 = vector.shape_cast %get3A_1747 : vector<1x1x16xf32> to vector<16xf32>
          %mul3A_1749 = vector.broadcast %squeeze3A_1734 : f32 to vector<16xf32>
          %mul3A_1750 = arith.mulf %mul3A_1749, %get3A_1748 : vector<16xf32>
          %slice3A_1751 = vector.extract_strided_slice %get3A_1723 {offsets = [1], sizes = [1], strides = [1]} : vector<16xf32> to vector<1xf32>
          %squeeze3A_1752 = vector.extract %slice3A_1751[0] : f32 from vector<1xf32>
          %add3A_1753 = arith.constant 1 : i32
          %add3A_1754 = arith.addi %mul3A_1716, %add3A_1753 : i32
          %get3A_1755 = arith.constant 1 : i32
          %get3A_1756 = arith.index_cast %get3A_1755 : i32 to index
          %get3A_1757 = arith.index_cast %add3A_1754 : i32 to index
          %get3A_1758 = arith.constant 0 : index
          %get3A_1759 = tpu.vector_load %arg8[%get3A_1756, %get3A_1757, %get3A_1758] {strides = array<i32>} : memref<2x640x32xf32, #tpu.memory_space<vmem>>, vector<1x1x16xf32>,
          %get3A_1760 = vector.shape_cast %get3A_1759 : vector<1x1x16xf32> to vector<16xf32>
          %mul3A_1761 = vector.broadcast %squeeze3A_1752 : f32 to vector<16xf32>
          %mul3A_1762 = arith.mulf %mul3A_1761, %get3A_1760 : vector<16xf32>
          %add3A_1763 = arith.addf %mul3A_1742, %mul3A_1762 : vector<16xf32>
          %add3A_1764 = arith.constant 1 : i32
          %add3A_1765 = arith.addi %mul3A_1716, %add3A_1764 : i32
          %get3A_1766 = arith.constant 1 : i32
          %get3A_1767 = arith.index_cast %get3A_1766 : i32 to index
          %get3A_1768 = arith.index_cast %add3A_1765 : i32 to index
          %get3A_1769 = arith.constant 16 : index
          %get3A_1770 = tpu.vector_load %arg8[%get3A_1767, %get3A_1768, %get3A_1769] {strides = array<i32>} : memref<2x640x32xf32, #tpu.memory_space<vmem>>, vector<1x1x16xf32>,
          %get3A_1771 = vector.shape_cast %get3A_1770 : vector<1x1x16xf32> to vector<16xf32>
          %mul3A_1772 = vector.broadcast %squeeze3A_1752 : f32 to vector<16xf32>
          %mul3A_1773 = arith.mulf %mul3A_1772, %get3A_1771 : vector<16xf32>
          %add3A_1774 = arith.addf %mul3A_1750, %mul3A_1773 : vector<16xf32>
          %slice3A_1775 = vector.extract_strided_slice %get3A_1723 {offsets = [2], sizes = [1], strides = [1]} : vector<16xf32> to vector<1xf32>
          %squeeze3A_1776 = vector.extract %slice3A_1775[0] : f32 from vector<1xf32>
          %add3A_1777 = arith.constant 2 : i32
          %add3A_1778 = arith.addi %mul3A_1716, %add3A_1777 : i32
          %get3A_1779 = arith.constant 1 : i32
          %get3A_1780 = arith.index_cast %get3A_1779 : i32 to index
          %get3A_1781 = arith.index_cast %add3A_1778 : i32 to index
          %get3A_1782 = arith.constant 0 : index
          %get3A_1783 = tpu.vector_load %arg8[%get3A_1780, %get3A_1781, %get3A_1782] {strides = array<i32>} : memref<2x640x32xf32, #tpu.memory_space<vmem>>, vector<1x1x16xf32>,
          %get3A_1784 = vector.shape_cast %get3A_1783 : vector<1x1x16xf32> to vector<16xf32>
          %mul3A_1785 = vector.broadcast %squeeze3A_1776 : f32 to vector<16xf32>
          %mul3A_1786 = arith.mulf %mul3A_1785, %get3A_1784 : vector<16xf32>
          %add3A_1787 = arith.addf %add3A_1763, %mul3A_1786 : vector<16xf32>
          %add3A_1788 = arith.constant 2 : i32
          %add3A_1789 = arith.addi %mul3A_1716, %add3A_1788 : i32
          %get3A_1790 = arith.constant 1 : i32
          %get3A_1791 = arith.index_cast %get3A_1790 : i32 to index
          %get3A_1792 = arith.index_cast %add3A_1789 : i32 to index
          %get3A_1793 = arith.constant 16 : index
          %get3A_1794 = tpu.vector_load %arg8[%get3A_1791, %get3A_1792, %get3A_1793] {strides = array<i32>} : memref<2x640x32xf32, #tpu.memory_space<vmem>>, vector<1x1x16xf32>,
          %get3A_1795 = vector.shape_cast %get3A_1794 : vector<1x1x16xf32> to vector<16xf32>
          %mul3A_1796 = vector.broadcast %squeeze3A_1776 : f32 to vector<16xf32>
          %mul3A_1797 = arith.mulf %mul3A_1796, %get3A_1795 : vector<16xf32>
          %add3A_1798 = arith.addf %add3A_1774, %mul3A_1797 : vector<16xf32>
          %slice3A_1799 = vector.extract_strided_slice %get3A_1723 {offsets = [3], sizes = [1], strides = [1]} : vector<16xf32> to vector<1xf32>
          %squeeze3A_1800 = vector.extract %slice3A_1799[0] : f32 from vector<1xf32>
          %add3A_1801 = arith.constant 3 : i32
          %add3A_1802 = arith.addi %mul3A_1716, %add3A_1801 : i32
          %get3A_1803 = arith.constant 1 : i32
          %get3A_1804 = arith.index_cast %get3A_1803 : i32 to index
          %get3A_1805 = arith.index_cast %add3A_1802 : i32 to index
          %get3A_1806 = arith.constant 0 : index
          %get3A_1807 = tpu.vector_load %arg8[%get3A_1804, %get3A_1805, %get3A_1806] {strides = array<i32>} : memref<2x640x32xf32, #tpu.memory_space<vmem>>, vector<1x1x16xf32>,
          %get3A_1808 = vector.shape_cast %get3A_1807 : vector<1x1x16xf32> to vector<16xf32>
          %mul3A_1809 = vector.broadcast %squeeze3A_1800 : f32 to vector<16xf32>
          %mul3A_1810 = arith.mulf %mul3A_1809, %get3A_1808 : vector<16xf32>
          %add3A_1811 = arith.addf %add3A_1787, %mul3A_1810 : vector<16xf32>
          %add3A_1812 = arith.constant 3 : i32
          %add3A_1813 = arith.addi %mul3A_1716, %add3A_1812 : i32
          %get3A_1814 = arith.constant 1 : i32
          %get3A_1815 = arith.index_cast %get3A_1814 : i32 to index
          %get3A_1816 = arith.index_cast %add3A_1813 : i32 to index
          %get3A_1817 = arith.constant 16 : index
          %get3A_1818 = tpu.vector_load %arg8[%get3A_1815, %get3A_1816, %get3A_1817] {strides = array<i32>} : memref<2x640x32xf32, #tpu.memory_space<vmem>>, vector<1x1x16xf32>,
          %get3A_1819 = vector.shape_cast %get3A_1818 : vector<1x1x16xf32> to vector<16xf32>
          %mul3A_1820 = vector.broadcast %squeeze3A_1800 : f32 to vector<16xf32>
          %mul3A_1821 = arith.mulf %mul3A_1820, %get3A_1819 : vector<16xf32>
          %add3A_1822 = arith.addf %add3A_1798, %mul3A_1821 : vector<16xf32>
          %slice3A_1823 = vector.extract_strided_slice %get3A_1723 {offsets = [4], sizes = [1], strides = [1]} : vector<16xf32> to vector<1xf32>
          %squeeze3A_1824 = vector.extract %slice3A_1823[0] : f32 from vector<1xf32>
          %add3A_1825 = arith.constant 4 : i32
          %add3A_1826 = arith.addi %mul3A_1716, %add3A_1825 : i32
          %get3A_1827 = arith.constant 1 : i32
          %get3A_1828 = arith.index_cast %get3A_1827 : i32 to index
          %get3A_1829 = arith.index_cast %add3A_1826 : i32 to index
          %get3A_1830 = arith.constant 0 : index
          %get3A_1831 = tpu.vector_load %arg8[%get3A_1828, %get3A_1829, %get3A_1830] {strides = array<i32>} : memref<2x640x32xf32, #tpu.memory_space<vmem>>, vector<1x1x16xf32>,
          %get3A_1832 = vector.shape_cast %get3A_1831 : vector<1x1x16xf32> to vector<16xf32>
          %mul3A_1833 = vector.broadcast %squeeze3A_1824 : f32 to vector<16xf32>
          %mul3A_1834 = arith.mulf %mul3A_1833, %get3A_1832 : vector<16xf32>
          %add3A_1835 = arith.addf %add3A_1811, %mul3A_1834 : vector<16xf32>
          %add3A_1836 = arith.constant 4 : i32
          %add3A_1837 = arith.addi %mul3A_1716, %add3A_1836 : i32
          %get3A_1838 = arith.constant 1 : i32
          %get3A_1839 = arith.index_cast %get3A_1838 : i32 to index
          %get3A_1840 = arith.index_cast %add3A_1837 : i32 to index
          %get3A_1841 = arith.constant 16 : index
          %get3A_1842 = tpu.vector_load %arg8[%get3A_1839, %get3A_1840, %get3A_1841] {strides = array<i32>} : memref<2x640x32xf32, #tpu.memory_space<vmem>>, vector<1x1x16xf32>,
          %get3A_1843 = vector.shape_cast %get3A_1842 : vector<1x1x16xf32> to vector<16xf32>
          %mul3A_1844 = vector.broadcast %squeeze3A_1824 : f32 to vector<16xf32>
          %mul3A_1845 = arith.mulf %mul3A_1844, %get3A_1843 : vector<16xf32>
          %add3A_1846 = arith.addf %add3A_1822, %mul3A_1845 : vector<16xf32>
          %slice3A_1847 = vector.extract_strided_slice %get3A_1723 {offsets = [5], sizes = [1], strides = [1]} : vector<16xf32> to vector<1xf32>
          %squeeze3A_1848 = vector.extract %slice3A_1847[0] : f32 from vector<1xf32>
          %add3A_1849 = arith.constant 5 : i32
          %add3A_1850 = arith.addi %mul3A_1716, %add3A_1849 : i32
          %get3A_1851 = arith.constant 1 : i32
          %get3A_1852 = arith.index_cast %get3A_1851 : i32 to index
          %get3A_1853 = arith.index_cast %add3A_1850 : i32 to index
          %get3A_1854 = arith.constant 0 : index
          %get3A_1855 = tpu.vector_load %arg8[%get3A_1852, %get3A_1853, %get3A_1854] {strides = array<i32>} : memref<2x640x32xf32, #tpu.memory_space<vmem>>, vector<1x1x16xf32>,
          %get3A_1856 = vector.shape_cast %get3A_1855 : vector<1x1x16xf32> to vector<16xf32>
          %mul3A_1857 = vector.broadcast %squeeze3A_1848 : f32 to vector<16xf32>
          %mul3A_1858 = arith.mulf %mul3A_1857, %get3A_1856 : vector<16xf32>
          %add3A_1859 = arith.addf %add3A_1835, %mul3A_1858 : vector<16xf32>
          %add3A_1860 = arith.constant 5 : i32
          %add3A_1861 = arith.addi %mul3A_1716, %add3A_1860 : i32
          %get3A_1862 = arith.constant 1 : i32
          %get3A_1863 = arith.index_cast %get3A_1862 : i32 to index
          %get3A_1864 = arith.index_cast %add3A_1861 : i32 to index
          %get3A_1865 = arith.constant 16 : index
          %get3A_1866 = tpu.vector_load %arg8[%get3A_1863, %get3A_1864, %get3A_1865] {strides = array<i32>} : memref<2x640x32xf32, #tpu.memory_space<vmem>>, vector<1x1x16xf32>,
          %get3A_1867 = vector.shape_cast %get3A_1866 : vector<1x1x16xf32> to vector<16xf32>
          %mul3A_1868 = vector.broadcast %squeeze3A_1848 : f32 to vector<16xf32>
          %mul3A_1869 = arith.mulf %mul3A_1868, %get3A_1867 : vector<16xf32>
          %add3A_1870 = arith.addf %add3A_1846, %mul3A_1869 : vector<16xf32>
          %slice3A_1871 = vector.extract_strided_slice %get3A_1723 {offsets = [6], sizes = [1], strides = [1]} : vector<16xf32> to vector<1xf32>
          %squeeze3A_1872 = vector.extract %slice3A_1871[0] : f32 from vector<1xf32>
          %add3A_1873 = arith.constant 6 : i32
          %add3A_1874 = arith.addi %mul3A_1716, %add3A_1873 : i32
          %get3A_1875 = arith.constant 1 : i32
          %get3A_1876 = arith.index_cast %get3A_1875 : i32 to index
          %get3A_1877 = arith.index_cast %add3A_1874 : i32 to index
          %get3A_1878 = arith.constant 0 : index
          %get3A_1879 = tpu.vector_load %arg8[%get3A_1876, %get3A_1877, %get3A_1878] {strides = array<i32>} : memref<2x640x32xf32, #tpu.memory_space<vmem>>, vector<1x1x16xf32>,
          %get3A_1880 = vector.shape_cast %get3A_1879 : vector<1x1x16xf32> to vector<16xf32>
          %mul3A_1881 = vector.broadcast %squeeze3A_1872 : f32 to vector<16xf32>
          %mul3A_1882 = arith.mulf %mul3A_1881, %get3A_1880 : vector<16xf32>
          %add3A_1883 = arith.addf %add3A_1859, %mul3A_1882 : vector<16xf32>
          %add3A_1884 = arith.constant 6 : i32
          %add3A_1885 = arith.addi %mul3A_1716, %add3A_1884 : i32
          %get3A_1886 = arith.constant 1 : i32
          %get3A_1887 = arith.index_cast %get3A_1886 : i32 to index
          %get3A_1888 = arith.index_cast %add3A_1885 : i32 to index
          %get3A_1889 = arith.constant 16 : index
          %get3A_1890 = tpu.vector_load %arg8[%get3A_1887, %get3A_1888, %get3A_1889] {strides = array<i32>} : memref<2x640x32xf32, #tpu.memory_space<vmem>>, vector<1x1x16xf32>,
          %get3A_1891 = vector.shape_cast %get3A_1890 : vector<1x1x16xf32> to vector<16xf32>
          %mul3A_1892 = vector.broadcast %squeeze3A_1872 : f32 to vector<16xf32>
          %mul3A_1893 = arith.mulf %mul3A_1892, %get3A_1891 : vector<16xf32>
          %add3A_1894 = arith.addf %add3A_1870, %mul3A_1893 : vector<16xf32>
          %slice3A_1895 = vector.extract_strided_slice %get3A_1723 {offsets = [7], sizes = [1], strides = [1]} : vector<16xf32> to vector<1xf32>
          %squeeze3A_1896 = vector.extract %slice3A_1895[0] : f32 from vector<1xf32>
          %add3A_1897 = arith.constant 7 : i32
          %add3A_1898 = arith.addi %mul3A_1716, %add3A_1897 : i32
          %get3A_1899 = arith.constant 1 : i32
          %get3A_1900 = arith.index_cast %get3A_1899 : i32 to index
          %get3A_1901 = arith.index_cast %add3A_1898 : i32 to index
          %get3A_1902 = arith.constant 0 : index
          %get3A_1903 = tpu.vector_load %arg8[%get3A_1900, %get3A_1901, %get3A_1902] {strides = array<i32>} : memref<2x640x32xf32, #tpu.memory_space<vmem>>, vector<1x1x16xf32>,
          %get3A_1904 = vector.shape_cast %get3A_1903 : vector<1x1x16xf32> to vector<16xf32>
          %mul3A_1905 = vector.broadcast %squeeze3A_1896 : f32 to vector<16xf32>
          %mul3A_1906 = arith.mulf %mul3A_1905, %get3A_1904 : vector<16xf32>
          %add3A_1907 = arith.addf %add3A_1883, %mul3A_1906 : vector<16xf32>
          %add3A_1908 = arith.constant 7 : i32
          %add3A_1909 = arith.addi %mul3A_1716, %add3A_1908 : i32
          %get3A_1910 = arith.constant 1 : i32
          %get3A_1911 = arith.index_cast %get3A_1910 : i32 to index
          %get3A_1912 = arith.index_cast %add3A_1909 : i32 to index
          %get3A_1913 = arith.constant 16 : index
          %get3A_1914 = tpu.vector_load %arg8[%get3A_1911, %get3A_1912, %get3A_1913] {strides = array<i32>} : memref<2x640x32xf32, #tpu.memory_space<vmem>>, vector<1x1x16xf32>,
          %get3A_1915 = vector.shape_cast %get3A_1914 : vector<1x1x16xf32> to vector<16xf32>
          %mul3A_1916 = vector.broadcast %squeeze3A_1896 : f32 to vector<16xf32>
          %mul3A_1917 = arith.mulf %mul3A_1916, %get3A_1915 : vector<16xf32>
          %add3A_1918 = arith.addf %add3A_1894, %mul3A_1917 : vector<16xf32>
          %slice3A_1919 = vector.extract_strided_slice %get3A_1723 {offsets = [8], sizes = [1], strides = [1]} : vector<16xf32> to vector<1xf32>
          %squeeze3A_1920 = vector.extract %slice3A_1919[0] : f32 from vector<1xf32>
          %add3A_1921 = arith.constant 8 : i32
          %add3A_1922 = arith.addi %mul3A_1716, %add3A_1921 : i32
          %get3A_1923 = arith.constant 1 : i32
          %get3A_1924 = arith.index_cast %get3A_1923 : i32 to index
          %get3A_1925 = arith.index_cast %add3A_1922 : i32 to index
          %get3A_1926 = arith.constant 0 : index
          %get3A_1927 = tpu.vector_load %arg8[%get3A_1924, %get3A_1925, %get3A_1926] {strides = array<i32>} : memref<2x640x32xf32, #tpu.memory_space<vmem>>, vector<1x1x16xf32>,
          %get3A_1928 = vector.shape_cast %get3A_1927 : vector<1x1x16xf32> to vector<16xf32>
          %mul3A_1929 = vector.broadcast %squeeze3A_1920 : f32 to vector<16xf32>
          %mul3A_1930 = arith.mulf %mul3A_1929, %get3A_1928 : vector<16xf32>
          %add3A_1931 = arith.addf %add3A_1907, %mul3A_1930 : vector<16xf32>
          %add3A_1932 = arith.constant 8 : i32
          %add3A_1933 = arith.addi %mul3A_1716, %add3A_1932 : i32
          %get3A_1934 = arith.constant 1 : i32
          %get3A_1935 = arith.index_cast %get3A_1934 : i32 to index
          %get3A_1936 = arith.index_cast %add3A_1933 : i32 to index
          %get3A_1937 = arith.constant 16 : index
          %get3A_1938 = tpu.vector_load %arg8[%get3A_1935, %get3A_1936, %get3A_1937] {strides = array<i32>} : memref<2x640x32xf32, #tpu.memory_space<vmem>>, vector<1x1x16xf32>,
          %get3A_1939 = vector.shape_cast %get3A_1938 : vector<1x1x16xf32> to vector<16xf32>
          %mul3A_1940 = vector.broadcast %squeeze3A_1920 : f32 to vector<16xf32>
          %mul3A_1941 = arith.mulf %mul3A_1940, %get3A_1939 : vector<16xf32>
          %add3A_1942 = arith.addf %add3A_1918, %mul3A_1941 : vector<16xf32>
          %slice3A_1943 = vector.extract_strided_slice %get3A_1723 {offsets = [9], sizes = [1], strides = [1]} : vector<16xf32> to vector<1xf32>
          %squeeze3A_1944 = vector.extract %slice3A_1943[0] : f32 from vector<1xf32>
          %add3A_1945 = arith.constant 9 : i32
          %add3A_1946 = arith.addi %mul3A_1716, %add3A_1945 : i32
          %get3A_1947 = arith.constant 1 : i32
          %get3A_1948 = arith.index_cast %get3A_1947 : i32 to index
          %get3A_1949 = arith.index_cast %add3A_1946 : i32 to index
          %get3A_1950 = arith.constant 0 : index
          %get3A_1951 = tpu.vector_load %arg8[%get3A_1948, %get3A_1949, %get3A_1950] {strides = array<i32>} : memref<2x640x32xf32, #tpu.memory_space<vmem>>, vector<1x1x16xf32>,
          %get3A_1952 = vector.shape_cast %get3A_1951 : vector<1x1x16xf32> to vector<16xf32>
          %mul3A_1953 = vector.broadcast %squeeze3A_1944 : f32 to vector<16xf32>
          %mul3A_1954 = arith.mulf %mul3A_1953, %get3A_1952 : vector<16xf32>
          %add3A_1955 = arith.addf %add3A_1931, %mul3A_1954 : vector<16xf32>
          %add3A_1956 = arith.constant 9 : i32
          %add3A_1957 = arith.addi %mul3A_1716, %add3A_1956 : i32
          %get3A_1958 = arith.constant 1 : i32
          %get3A_1959 = arith.index_cast %get3A_1958 : i32 to index
          %get3A_1960 = arith.index_cast %add3A_1957 : i32 to index
          %get3A_1961 = arith.constant 16 : index
          %get3A_1962 = tpu.vector_load %arg8[%get3A_1959, %get3A_1960, %get3A_1961] {strides = array<i32>} : memref<2x640x32xf32, #tpu.memory_space<vmem>>, vector<1x1x16xf32>,
          %get3A_1963 = vector.shape_cast %get3A_1962 : vector<1x1x16xf32> to vector<16xf32>
          %mul3A_1964 = vector.broadcast %squeeze3A_1944 : f32 to vector<16xf32>
          %mul3A_1965 = arith.mulf %mul3A_1964, %get3A_1963 : vector<16xf32>
          %add3A_1966 = arith.addf %add3A_1942, %mul3A_1965 : vector<16xf32>
          %slice3A_1967 = vector.extract_strided_slice %get3A_1723 {offsets = [10], sizes = [1], strides = [1]} : vector<16xf32> to vector<1xf32>
          %squeeze3A_1968 = vector.extract %slice3A_1967[0] : f32 from vector<1xf32>
          %add3A_1969 = arith.constant 10 : i32
          %add3A_1970 = arith.addi %mul3A_1716, %add3A_1969 : i32
          %get3A_1971 = arith.constant 1 : i32
          %get3A_1972 = arith.index_cast %get3A_1971 : i32 to index
          %get3A_1973 = arith.index_cast %add3A_1970 : i32 to index
          %get3A_1974 = arith.constant 0 : index
          %get3A_1975 = tpu.vector_load %arg8[%get3A_1972, %get3A_1973, %get3A_1974] {strides = array<i32>} : memref<2x640x32xf32, #tpu.memory_space<vmem>>, vector<1x1x16xf32>,
          %get3A_1976 = vector.shape_cast %get3A_1975 : vector<1x1x16xf32> to vector<16xf32>
          %mul3A_1977 = vector.broadcast %squeeze3A_1968 : f32 to vector<16xf32>
          %mul3A_1978 = arith.mulf %mul3A_1977, %get3A_1976 : vector<16xf32>
          %add3A_1979 = arith.addf %add3A_1955, %mul3A_1978 : vector<16xf32>
          %add3A_1980 = arith.constant 10 : i32
          %add3A_1981 = arith.addi %mul3A_1716, %add3A_1980 : i32
          %get3A_1982 = arith.constant 1 : i32
          %get3A_1983 = arith.index_cast %get3A_1982 : i32 to index
          %get3A_1984 = arith.index_cast %add3A_1981 : i32 to index
          %get3A_1985 = arith.constant 16 : index
          %get3A_1986 = tpu.vector_load %arg8[%get3A_1983, %get3A_1984, %get3A_1985] {strides = array<i32>} : memref<2x640x32xf32, #tpu.memory_space<vmem>>, vector<1x1x16xf32>,
          %get3A_1987 = vector.shape_cast %get3A_1986 : vector<1x1x16xf32> to vector<16xf32>
          %mul3A_1988 = vector.broadcast %squeeze3A_1968 : f32 to vector<16xf32>
          %mul3A_1989 = arith.mulf %mul3A_1988, %get3A_1987 : vector<16xf32>
          %add3A_1990 = arith.addf %add3A_1966, %mul3A_1989 : vector<16xf32>
          %slice3A_1991 = vector.extract_strided_slice %get3A_1723 {offsets = [11], sizes = [1], strides = [1]} : vector<16xf32> to vector<1xf32>
          %squeeze3A_1992 = vector.extract %slice3A_1991[0] : f32 from vector<1xf32>
          %add3A_1993 = arith.constant 11 : i32
          %add3A_1994 = arith.addi %mul3A_1716, %add3A_1993 : i32
          %get3A_1995 = arith.constant 1 : i32
          %get3A_1996 = arith.index_cast %get3A_1995 : i32 to index
          %get3A_1997 = arith.index_cast %add3A_1994 : i32 to index
          %get3A_1998 = arith.constant 0 : index
          %get3A_1999 = tpu.vector_load %arg8[%get3A_1996, %get3A_1997, %get3A_1998] {strides = array<i32>} : memref<2x640x32xf32, #tpu.memory_space<vmem>>, vector<1x1x16xf32>,
          %get3A_2000 = vector.shape_cast %get3A_1999 : vector<1x1x16xf32> to vector<16xf32>
          %mul3A_2001 = vector.broadcast %squeeze3A_1992 : f32 to vector<16xf32>
          %mul3A_2002 = arith.mulf %mul3A_2001, %get3A_2000 : vector<16xf32>
          %add3A_2003 = arith.addf %add3A_1979, %mul3A_2002 : vector<16xf32>
          %add3A_2004 = arith.constant 11 : i32
          %add3A_2005 = arith.addi %mul3A_1716, %add3A_2004 : i32
          %get3A_2006 = arith.constant 1 : i32
          %get3A_2007 = arith.index_cast %get3A_2006 : i32 to index
          %get3A_2008 = arith.index_cast %add3A_2005 : i32 to index
          %get3A_2009 = arith.constant 16 : index
          %get3A_2010 = tpu.vector_load %arg8[%get3A_2007, %get3A_2008, %get3A_2009] {strides = array<i32>} : memref<2x640x32xf32, #tpu.memory_space<vmem>>, vector<1x1x16xf32>,
          %get3A_2011 = vector.shape_cast %get3A_2010 : vector<1x1x16xf32> to vector<16xf32>
          %mul3A_2012 = vector.broadcast %squeeze3A_1992 : f32 to vector<16xf32>
          %mul3A_2013 = arith.mulf %mul3A_2012, %get3A_2011 : vector<16xf32>
          %add3A_2014 = arith.addf %add3A_1990, %mul3A_2013 : vector<16xf32>
          %slice3A_2015 = vector.extract_strided_slice %get3A_1723 {offsets = [12], sizes = [1], strides = [1]} : vector<16xf32> to vector<1xf32>
          %squeeze3A_2016 = vector.extract %slice3A_2015[0] : f32 from vector<1xf32>
          %add3A_2017 = arith.constant 12 : i32
          %add3A_2018 = arith.addi %mul3A_1716, %add3A_2017 : i32
          %get3A_2019 = arith.constant 1 : i32
          %get3A_2020 = arith.index_cast %get3A_2019 : i32 to index
          %get3A_2021 = arith.index_cast %add3A_2018 : i32 to index
          %get3A_2022 = arith.constant 0 : index
          %get3A_2023 = tpu.vector_load %arg8[%get3A_2020, %get3A_2021, %get3A_2022] {strides = array<i32>} : memref<2x640x32xf32, #tpu.memory_space<vmem>>, vector<1x1x16xf32>,
          %get3A_2024 = vector.shape_cast %get3A_2023 : vector<1x1x16xf32> to vector<16xf32>
          %mul3A_2025 = vector.broadcast %squeeze3A_2016 : f32 to vector<16xf32>
          %mul3A_2026 = arith.mulf %mul3A_2025, %get3A_2024 : vector<16xf32>
          %add3A_2027 = arith.addf %add3A_2003, %mul3A_2026 : vector<16xf32>
          %add3A_2028 = arith.constant 12 : i32
          %add3A_2029 = arith.addi %mul3A_1716, %add3A_2028 : i32
          %get3A_2030 = arith.constant 1 : i32
          %get3A_2031 = arith.index_cast %get3A_2030 : i32 to index
          %get3A_2032 = arith.index_cast %add3A_2029 : i32 to index
          %get3A_2033 = arith.constant 16 : index
          %get3A_2034 = tpu.vector_load %arg8[%get3A_2031, %get3A_2032, %get3A_2033] {strides = array<i32>} : memref<2x640x32xf32, #tpu.memory_space<vmem>>, vector<1x1x16xf32>,
          %get3A_2035 = vector.shape_cast %get3A_2034 : vector<1x1x16xf32> to vector<16xf32>
          %mul3A_2036 = vector.broadcast %squeeze3A_2016 : f32 to vector<16xf32>
          %mul3A_2037 = arith.mulf %mul3A_2036, %get3A_2035 : vector<16xf32>
          %add3A_2038 = arith.addf %add3A_2014, %mul3A_2037 : vector<16xf32>
          %slice3A_2039 = vector.extract_strided_slice %get3A_1723 {offsets = [13], sizes = [1], strides = [1]} : vector<16xf32> to vector<1xf32>
          %squeeze3A_2040 = vector.extract %slice3A_2039[0] : f32 from vector<1xf32>
          %add3A_2041 = arith.constant 13 : i32
          %add3A_2042 = arith.addi %mul3A_1716, %add3A_2041 : i32
          %get3A_2043 = arith.constant 1 : i32
          %get3A_2044 = arith.index_cast %get3A_2043 : i32 to index
          %get3A_2045 = arith.index_cast %add3A_2042 : i32 to index
          %get3A_2046 = arith.constant 0 : index
          %get3A_2047 = tpu.vector_load %arg8[%get3A_2044, %get3A_2045, %get3A_2046] {strides = array<i32>} : memref<2x640x32xf32, #tpu.memory_space<vmem>>, vector<1x1x16xf32>,
          %get3A_2048 = vector.shape_cast %get3A_2047 : vector<1x1x16xf32> to vector<16xf32>
          %mul3A_2049 = vector.broadcast %squeeze3A_2040 : f32 to vector<16xf32>
          %mul3A_2050 = arith.mulf %mul3A_2049, %get3A_2048 : vector<16xf32>
          %add3A_2051 = arith.addf %add3A_2027, %mul3A_2050 : vector<16xf32>
          %add3A_2052 = arith.constant 13 : i32
          %add3A_2053 = arith.addi %mul3A_1716, %add3A_2052 : i32
          %get3A_2054 = arith.constant 1 : i32
          %get3A_2055 = arith.index_cast %get3A_2054 : i32 to index
          %get3A_2056 = arith.index_cast %add3A_2053 : i32 to index
          %get3A_2057 = arith.constant 16 : index
          %get3A_2058 = tpu.vector_load %arg8[%get3A_2055, %get3A_2056, %get3A_2057] {strides = array<i32>} : memref<2x640x32xf32, #tpu.memory_space<vmem>>, vector<1x1x16xf32>,
          %get3A_2059 = vector.shape_cast %get3A_2058 : vector<1x1x16xf32> to vector<16xf32>
          %mul3A_2060 = vector.broadcast %squeeze3A_2040 : f32 to vector<16xf32>
          %mul3A_2061 = arith.mulf %mul3A_2060, %get3A_2059 : vector<16xf32>
          %add3A_2062 = arith.addf %add3A_2038, %mul3A_2061 : vector<16xf32>
          %slice3A_2063 = vector.extract_strided_slice %get3A_1723 {offsets = [14], sizes = [1], strides = [1]} : vector<16xf32> to vector<1xf32>
          %squeeze3A_2064 = vector.extract %slice3A_2063[0] : f32 from vector<1xf32>
          %add3A_2065 = arith.constant 14 : i32
          %add3A_2066 = arith.addi %mul3A_1716, %add3A_2065 : i32
          %get3A_2067 = arith.constant 1 : i32
          %get3A_2068 = arith.index_cast %get3A_2067 : i32 to index
          %get3A_2069 = arith.index_cast %add3A_2066 : i32 to index
          %get3A_2070 = arith.constant 0 : index
          %get3A_2071 = tpu.vector_load %arg8[%get3A_2068, %get3A_2069, %get3A_2070] {strides = array<i32>} : memref<2x640x32xf32, #tpu.memory_space<vmem>>, vector<1x1x16xf32>,
          %get3A_2072 = vector.shape_cast %get3A_2071 : vector<1x1x16xf32> to vector<16xf32>
          %mul3A_2073 = vector.broadcast %squeeze3A_2064 : f32 to vector<16xf32>
          %mul3A_2074 = arith.mulf %mul3A_2073, %get3A_2072 : vector<16xf32>
          %add3A_2075 = arith.addf %add3A_2051, %mul3A_2074 : vector<16xf32>
          %add3A_2076 = arith.constant 14 : i32
          %add3A_2077 = arith.addi %mul3A_1716, %add3A_2076 : i32
          %get3A_2078 = arith.constant 1 : i32
          %get3A_2079 = arith.index_cast %get3A_2078 : i32 to index
          %get3A_2080 = arith.index_cast %add3A_2077 : i32 to index
          %get3A_2081 = arith.constant 16 : index
          %get3A_2082 = tpu.vector_load %arg8[%get3A_2079, %get3A_2080, %get3A_2081] {strides = array<i32>} : memref<2x640x32xf32, #tpu.memory_space<vmem>>, vector<1x1x16xf32>,
          %get3A_2083 = vector.shape_cast %get3A_2082 : vector<1x1x16xf32> to vector<16xf32>
          %mul3A_2084 = vector.broadcast %squeeze3A_2064 : f32 to vector<16xf32>
          %mul3A_2085 = arith.mulf %mul3A_2084, %get3A_2083 : vector<16xf32>
          %add3A_2086 = arith.addf %add3A_2062, %mul3A_2085 : vector<16xf32>
          %slice3A_2087 = vector.extract_strided_slice %get3A_1723 {offsets = [15], sizes = [1], strides = [1]} : vector<16xf32> to vector<1xf32>
          %squeeze3A_2088 = vector.extract %slice3A_2087[0] : f32 from vector<1xf32>
          %add3A_2089 = arith.constant 15 : i32
          %add3A_2090 = arith.addi %mul3A_1716, %add3A_2089 : i32
          %get3A_2091 = arith.constant 1 : i32
          %get3A_2092 = arith.index_cast %get3A_2091 : i32 to index
          %get3A_2093 = arith.index_cast %add3A_2090 : i32 to index
          %get3A_2094 = arith.constant 0 : index
          %get3A_2095 = tpu.vector_load %arg8[%get3A_2092, %get3A_2093, %get3A_2094] {strides = array<i32>} : memref<2x640x32xf32, #tpu.memory_space<vmem>>, vector<1x1x16xf32>,
          %get3A_2096 = vector.shape_cast %get3A_2095 : vector<1x1x16xf32> to vector<16xf32>
          %mul3A_2097 = vector.broadcast %squeeze3A_2088 : f32 to vector<16xf32>
          %mul3A_2098 = arith.mulf %mul3A_2097, %get3A_2096 : vector<16xf32>
          %add3A_2099 = arith.addf %add3A_2075, %mul3A_2098 : vector<16xf32>
          %add3A_2100 = arith.constant 15 : i32
          %add3A_2101 = arith.addi %mul3A_1716, %add3A_2100 : i32
          %get3A_2102 = arith.constant 1 : i32
          %get3A_2103 = arith.index_cast %get3A_2102 : i32 to index
          %get3A_2104 = arith.index_cast %add3A_2101 : i32 to index
          %get3A_2105 = arith.constant 16 : index
          %get3A_2106 = tpu.vector_load %arg8[%get3A_2103, %get3A_2104, %get3A_2105] {strides = array<i32>} : memref<2x640x32xf32, #tpu.memory_space<vmem>>, vector<1x1x16xf32>,
          %get3A_2107 = vector.shape_cast %get3A_2106 : vector<1x1x16xf32> to vector<16xf32>
          %mul3A_2108 = vector.broadcast %squeeze3A_2088 : f32 to vector<16xf32>
          %mul3A_2109 = arith.mulf %mul3A_2108, %get3A_2107 : vector<16xf32>
          %add3A_2110 = arith.addf %add3A_2086, %mul3A_2109 : vector<16xf32>
          %slice3A_2111 = vector.extract_strided_slice %get3A_1732 {offsets = [0], sizes = [1], strides = [1]} : vector<16xf32> to vector<1xf32>
          %squeeze3A_2112 = vector.extract %slice3A_2111[0] : f32 from vector<1xf32>
          %add3A_2113 = arith.constant 16 : i32
          %add3A_2114 = arith.addi %mul3A_1716, %add3A_2113 : i32
          %get3A_2115 = arith.constant 1 : i32
          %get3A_2116 = arith.index_cast %get3A_2115 : i32 to index
          %get3A_2117 = arith.index_cast %add3A_2114 : i32 to index
          %get3A_2118 = arith.constant 0 : index
          %get3A_2119 = tpu.vector_load %arg8[%get3A_2116, %get3A_2117, %get3A_2118] {strides = array<i32>} : memref<2x640x32xf32, #tpu.memory_space<vmem>>, vector<1x1x16xf32>,
          %get3A_2120 = vector.shape_cast %get3A_2119 : vector<1x1x16xf32> to vector<16xf32>
          %mul3A_2121 = vector.broadcast %squeeze3A_2112 : f32 to vector<16xf32>
          %mul3A_2122 = arith.mulf %mul3A_2121, %get3A_2120 : vector<16xf32>
          %add3A_2123 = arith.addf %add3A_2099, %mul3A_2122 : vector<16xf32>
          %add3A_2124 = arith.constant 16 : i32
          %add3A_2125 = arith.addi %mul3A_1716, %add3A_2124 : i32
          %get3A_2126 = arith.constant 1 : i32
          %get3A_2127 = arith.index_cast %get3A_2126 : i32 to index
          %get3A_2128 = arith.index_cast %add3A_2125 : i32 to index
          %get3A_2129 = arith.constant 16 : index
          %get3A_2130 = tpu.vector_load %arg8[%get3A_2127, %get3A_2128, %get3A_2129] {strides = array<i32>} : memref<2x640x32xf32, #tpu.memory_space<vmem>>, vector<1x1x16xf32>,
          %get3A_2131 = vector.shape_cast %get3A_2130 : vector<1x1x16xf32> to vector<16xf32>
          %mul3A_2132 = vector.broadcast %squeeze3A_2112 : f32 to vector<16xf32>
          %mul3A_2133 = arith.mulf %mul3A_2132, %get3A_2131 : vector<16xf32>
          %add3A_2134 = arith.addf %add3A_2110, %mul3A_2133 : vector<16xf32>
          %slice3A_2135 = vector.extract_strided_slice %get3A_1732 {offsets = [1], sizes = [1], strides = [1]} : vector<16xf32> to vector<1xf32>
          %squeeze3A_2136 = vector.extract %slice3A_2135[0] : f32 from vector<1xf32>
          %add3A_2137 = arith.constant 17 : i32
          %add3A_2138 = arith.addi %mul3A_1716, %add3A_2137 : i32
          %get3A_2139 = arith.constant 1 : i32
          %get3A_2140 = arith.index_cast %get3A_2139 : i32 to index
          %get3A_2141 = arith.index_cast %add3A_2138 : i32 to index
          %get3A_2142 = arith.constant 0 : index
          %get3A_2143 = tpu.vector_load %arg8[%get3A_2140, %get3A_2141, %get3A_2142] {strides = array<i32>} : memref<2x640x32xf32, #tpu.memory_space<vmem>>, vector<1x1x16xf32>,
          %get3A_2144 = vector.shape_cast %get3A_2143 : vector<1x1x16xf32> to vector<16xf32>
          %mul3A_2145 = vector.broadcast %squeeze3A_2136 : f32 to vector<16xf32>
          %mul3A_2146 = arith.mulf %mul3A_2145, %get3A_2144 : vector<16xf32>
          %add3A_2147 = arith.addf %add3A_2123, %mul3A_2146 : vector<16xf32>
          %add3A_2148 = arith.constant 17 : i32
          %add3A_2149 = arith.addi %mul3A_1716, %add3A_2148 : i32
          %get3A_2150 = arith.constant 1 : i32
          %get3A_2151 = arith.index_cast %get3A_2150 : i32 to index
          %get3A_2152 = arith.index_cast %add3A_2149 : i32 to index
          %get3A_2153 = arith.constant 16 : index
          %get3A_2154 = tpu.vector_load %arg8[%get3A_2151, %get3A_2152, %get3A_2153] {strides = array<i32>} : memref<2x640x32xf32, #tpu.memory_space<vmem>>, vector<1x1x16xf32>,
          %get3A_2155 = vector.shape_cast %get3A_2154 : vector<1x1x16xf32> to vector<16xf32>
          %mul3A_2156 = vector.broadcast %squeeze3A_2136 : f32 to vector<16xf32>
          %mul3A_2157 = arith.mulf %mul3A_2156, %get3A_2155 : vector<16xf32>
          %add3A_2158 = arith.addf %add3A_2134, %mul3A_2157 : vector<16xf32>
          %slice3A_2159 = vector.extract_strided_slice %get3A_1732 {offsets = [2], sizes = [1], strides = [1]} : vector<16xf32> to vector<1xf32>
          %squeeze3A_2160 = vector.extract %slice3A_2159[0] : f32 from vector<1xf32>
          %add3A_2161 = arith.constant 18 : i32
          %add3A_2162 = arith.addi %mul3A_1716, %add3A_2161 : i32
          %get3A_2163 = arith.constant 1 : i32
          %get3A_2164 = arith.index_cast %get3A_2163 : i32 to index
          %get3A_2165 = arith.index_cast %add3A_2162 : i32 to index
          %get3A_2166 = arith.constant 0 : index
          %get3A_2167 = tpu.vector_load %arg8[%get3A_2164, %get3A_2165, %get3A_2166] {strides = array<i32>} : memref<2x640x32xf32, #tpu.memory_space<vmem>>, vector<1x1x16xf32>,
          %get3A_2168 = vector.shape_cast %get3A_2167 : vector<1x1x16xf32> to vector<16xf32>
          %mul3A_2169 = vector.broadcast %squeeze3A_2160 : f32 to vector<16xf32>
          %mul3A_2170 = arith.mulf %mul3A_2169, %get3A_2168 : vector<16xf32>
          %add3A_2171 = arith.addf %add3A_2147, %mul3A_2170 : vector<16xf32>
          %add3A_2172 = arith.constant 18 : i32
          %add3A_2173 = arith.addi %mul3A_1716, %add3A_2172 : i32
          %get3A_2174 = arith.constant 1 : i32
          %get3A_2175 = arith.index_cast %get3A_2174 : i32 to index
          %get3A_2176 = arith.index_cast %add3A_2173 : i32 to index
          %get3A_2177 = arith.constant 16 : index
          %get3A_2178 = tpu.vector_load %arg8[%get3A_2175, %get3A_2176, %get3A_2177] {strides = array<i32>} : memref<2x640x32xf32, #tpu.memory_space<vmem>>, vector<1x1x16xf32>,
          %get3A_2179 = vector.shape_cast %get3A_2178 : vector<1x1x16xf32> to vector<16xf32>
          %mul3A_2180 = vector.broadcast %squeeze3A_2160 : f32 to vector<16xf32>
          %mul3A_2181 = arith.mulf %mul3A_2180, %get3A_2179 : vector<16xf32>
          %add3A_2182 = arith.addf %add3A_2158, %mul3A_2181 : vector<16xf32>
          %slice3A_2183 = vector.extract_strided_slice %get3A_1732 {offsets = [3], sizes = [1], strides = [1]} : vector<16xf32> to vector<1xf32>
          %squeeze3A_2184 = vector.extract %slice3A_2183[0] : f32 from vector<1xf32>
          %add3A_2185 = arith.constant 19 : i32
          %add3A_2186 = arith.addi %mul3A_1716, %add3A_2185 : i32
          %get3A_2187 = arith.constant 1 : i32
          %get3A_2188 = arith.index_cast %get3A_2187 : i32 to index
          %get3A_2189 = arith.index_cast %add3A_2186 : i32 to index
          %get3A_2190 = arith.constant 0 : index
          %get3A_2191 = tpu.vector_load %arg8[%get3A_2188, %get3A_2189, %get3A_2190] {strides = array<i32>} : memref<2x640x32xf32, #tpu.memory_space<vmem>>, vector<1x1x16xf32>,
          %get3A_2192 = vector.shape_cast %get3A_2191 : vector<1x1x16xf32> to vector<16xf32>
          %mul3A_2193 = vector.broadcast %squeeze3A_2184 : f32 to vector<16xf32>
          %mul3A_2194 = arith.mulf %mul3A_2193, %get3A_2192 : vector<16xf32>
          %add3A_2195 = arith.addf %add3A_2171, %mul3A_2194 : vector<16xf32>
          %add3A_2196 = arith.constant 19 : i32
          %add3A_2197 = arith.addi %mul3A_1716, %add3A_2196 : i32
          %get3A_2198 = arith.constant 1 : i32
          %get3A_2199 = arith.index_cast %get3A_2198 : i32 to index
          %get3A_2200 = arith.index_cast %add3A_2197 : i32 to index
          %get3A_2201 = arith.constant 16 : index
          %get3A_2202 = tpu.vector_load %arg8[%get3A_2199, %get3A_2200, %get3A_2201] {strides = array<i32>} : memref<2x640x32xf32, #tpu.memory_space<vmem>>, vector<1x1x16xf32>,
          %get3A_2203 = vector.shape_cast %get3A_2202 : vector<1x1x16xf32> to vector<16xf32>
          %mul3A_2204 = vector.broadcast %squeeze3A_2184 : f32 to vector<16xf32>
          %mul3A_2205 = arith.mulf %mul3A_2204, %get3A_2203 : vector<16xf32>
          %add3A_2206 = arith.addf %add3A_2182, %mul3A_2205 : vector<16xf32>
          %swap3A_2207 = arith.constant 1 : i32
          %swap3A_2208 = arith.index_cast %swap3A_2207 : i32 to index
          %swap3A_2209 = arith.index_cast %scan3A_1714 : i32 to index
          %swap3A_2210 = arith.constant 0 : index
          %swap3A_2211 = tpu.vector_load %arg9[%swap3A_2208, %swap3A_2209, %swap3A_2210] {strides = array<i32>} : memref<2x32x32xf32, #tpu.memory_space<vmem>>, vector<1x1x16xf32>,
          %swap3A_2212 = vector.shape_cast %swap3A_2211 : vector<1x1x16xf32> to vector<16xf32>
          %swap3A_2213 = vector.shape_cast %add3A_2195 : vector<16xf32> to vector<1x1x16xf32>
          tpu.vector_store %arg9[%swap3A_2208, %swap3A_2209, %swap3A_2210], %swap3A_2213 {strides = array<i32>} : memref<2x32x32xf32, #tpu.memory_space<vmem>>, vector<1x1x16xf32>,
          %swap3A_2214 = arith.constant 1 : i32
          %swap3A_2215 = arith.index_cast %swap3A_2214 : i32 to index
          %swap3A_2216 = arith.index_cast %scan3A_1714 : i32 to index
          %swap3A_2217 = arith.constant 16 : index
          %swap3A_2218 = tpu.vector_load %arg9[%swap3A_2215, %swap3A_2216, %swap3A_2217] {strides = array<i32>} : memref<2x32x32xf32, #tpu.memory_space<vmem>>, vector<1x1x16xf32>,
          %swap3A_2219 = vector.shape_cast %swap3A_2218 : vector<1x1x16xf32> to vector<16xf32>
          %swap3A_2220 = vector.shape_cast %add3A_2206 : vector<16xf32> to vector<1x1x16xf32>
          tpu.vector_store %arg9[%swap3A_2215, %swap3A_2216, %swap3A_2217], %swap3A_2220 {strides = array<i32>} : memref<2x32x32xf32, #tpu.memory_space<vmem>>, vector<1x1x16xf32>,
        }
        %scan3A_176 = arith.constant 32 : i32
        %mul3A_177 = arith.constant 32 : i32
        %mul3A_178 = arith.muli %add3A_162, %mul3A_177 : i32
        %add3A_179 = arith.addi %add3A, %mul3A_178 : i32
        %mul3A_180 = arith.constant 32 : i32
        %mul3A_181 = arith.muli %add3A_179, %mul3A_180 : i32
        %dma_start3A = arith.constant 1 : i32
        %dma_start3A_182 = arith.constant 0 : i32
        %dma_start3A_183 = arith.constant 0 : i32
        %dma_start3A_184 = tpu.memref_slice %arg9[%dma_start3A, %dma_start3A_182, %dma_start3A_183] : memref<2x32x32xf32, #tpu.memory_space<vmem>> -> memref<1x32x32xf32, #tpu.memory_space<vmem>>
        %dma_start3A_185 = tpu.memref_squeeze %dma_start3A_184 : memref<1x32x32xf32, #tpu.memory_space<vmem>> -> memref<32x32xf32, #tpu.memory_space<vmem>>
        %dma_start3A_186 = arith.constant 0 : i32
        %dma_start3A_187 = tpu.memref_slice %arg5[%mul3A_181, %dma_start3A_186] : memref<100000x32xf32, #tpu.memory_space<hbm>> -> memref<32x32xf32, #tpu.memory_space<hbm>>
        %dma_start3A_188 = arith.constant 0 : i32
        %dma_start3A_189 = tpu.memref_slice %arg5[%mul3A_181, %dma_start3A_188] : memref<100000x32xf32, #tpu.memory_space<hbm>> -> memref<32x32xf32, #tpu.memory_space<hbm>>
        %dma_start3A_190 = arith.constant 0 : i32
        %dma_start3A_191 = arith.constant 0 : i32
        %dma_start3A_192 = tpu.memref_slice %arg9[%dma_start3A, %dma_start3A_190, %dma_start3A_191] : memref<2x32x32xf32, #tpu.memory_space<vmem>> -> memref<1x32x32xf32, #tpu.memory_space<vmem>>
        %dma_start3A_193 = tpu.memref_squeeze %dma_start3A_192 : memref<1x32x32xf32, #tpu.memory_space<vmem>> -> memref<32x32xf32, #tpu.memory_space<vmem>>
        tpu.enqueue_dma source(%dma_start3A_193 : memref<32x32xf32, #tpu.memory_space<vmem>>) target(%dma_start3A_189 : memref<32x32xf32, #tpu.memory_space<hbm>>) target_semaphore(%arg17 : memref<!tpu.dma_semaphore, #tpu.memory_space<semaphore_mem>>)
      } else {
      }
    }
    %scan3A_30 = arith.constant 49 : i32
    %add3A_31 = arith.constant 3072 : i32
    %add3A_32 = arith.addi %add3A, %add3A_31 : i32
    %lt3A_33 = arith.constant 3125 : i32
    %lt3A_34 = arith.cmpi slt, %add3A_32, %lt3A_33 : i32
    %and3A = arith.constant true
    %and3A_35 = arith.andi %and3A, %lt3A_34 : i1
    %convert_element_type3A_36 = arith.extui %and3A_35 : i1 to i32
    %cond3A_37 = arith.constant 0 : i32
    %cond3A_38 = arith.cmpi ne, %convert_element_type3A_36, %cond3A_37 : i32
    scf.if %cond3A_38 {
      %add3A_48 = arith.constant 3072 : i32
      %add3A_49 = arith.addi %add3A, %add3A_48 : i32
      %mul3A_50 = arith.constant 32 : i32
      %mul3A_51 = arith.muli %add3A_49, %mul3A_50 : i32
      %dma_wait3A = arith.constant 0 : i32
      %dma_wait3A_52 = arith.constant 0 : i32
      %dma_wait3A_53 = arith.constant 0 : i32
      %dma_wait3A_54 = tpu.memref_slice %arg9[%dma_wait3A, %dma_wait3A_52, %dma_wait3A_53] : memref<2x32x32xf32, #tpu.memory_space<vmem>> -> memref<1x32x32xf32, #tpu.memory_space<vmem>>
      %dma_wait3A_55 = tpu.memref_squeeze %dma_wait3A_54 : memref<1x32x32xf32, #tpu.memory_space<vmem>> -> memref<32x32xf32, #tpu.memory_space<vmem>>
      %dma_wait3A_56 = arith.constant 0 : i32
      %dma_wait3A_57 = tpu.memref_slice %arg5[%mul3A_51, %dma_wait3A_56] : memref<100000x32xf32, #tpu.memory_space<hbm>> -> memref<32x32xf32, #tpu.memory_space<hbm>>
      %dma_wait3A_58 = arith.constant 0 : i32
      %dma_wait3A_59 = tpu.memref_slice %arg5[%mul3A_51, %dma_wait3A_58] : memref<100000x32xf32, #tpu.memory_space<hbm>> -> memref<32x32xf32, #tpu.memory_space<hbm>>
      %dma_wait3A_60 = arith.constant 0 : i32
      %dma_wait3A_61 = arith.constant 0 : i32
      %dma_wait3A_62 = tpu.memref_slice %arg9[%dma_wait3A, %dma_wait3A_60, %dma_wait3A_61] : memref<2x32x32xf32, #tpu.memory_space<vmem>> -> memref<1x32x32xf32, #tpu.memory_space<vmem>>
      %dma_wait3A_63 = tpu.memref_squeeze %dma_wait3A_62 : memref<1x32x32xf32, #tpu.memory_space<vmem>> -> memref<32x32xf32, #tpu.memory_space<vmem>>
      tpu.wait_dma2 semaphore(%arg16 : memref<!tpu.dma_semaphore, #tpu.memory_space<semaphore_mem>>) src(%dma_wait3A_63 : memref<32x32xf32, #tpu.memory_space<vmem>>) dst(%dma_wait3A_59 : memref<32x32xf32, #tpu.memory_space<hbm>>)
    } else {
    }
    %add3A_39 = arith.constant 3104 : i32
    %add3A_40 = arith.addi %add3A, %add3A_39 : i32
    %lt3A_41 = arith.constant 3125 : i32
    %lt3A_42 = arith.cmpi slt, %add3A_40, %lt3A_41 : i32
    %and3A_43 = arith.constant true
    %and3A_44 = arith.andi %and3A_43, %lt3A_42 : i1
    %convert_element_type3A_45 = arith.extui %and3A_44 : i1 to i32
    %cond3A_46 = arith.constant 0 : i32
    %cond3A_47 = arith.cmpi ne, %convert_element_type3A_45, %cond3A_46 : i32
    scf.if %cond3A_47 {
      %add3A_48 = arith.constant 3104 : i32
      %add3A_49 = arith.addi %add3A, %add3A_48 : i32
      %mul3A_50 = arith.constant 32 : i32
      %mul3A_51 = arith.muli %add3A_49, %mul3A_50 : i32
      %dma_wait3A = arith.constant 1 : i32
      %dma_wait3A_52 = arith.constant 0 : i32
      %dma_wait3A_53 = arith.constant 0 : i32
      %dma_wait3A_54 = tpu.memref_slice %arg9[%dma_wait3A, %dma_wait3A_52, %dma_wait3A_53] : memref<2x32x32xf32, #tpu.memory_space<vmem>> -> memref<1x32x32xf32, #tpu.memory_space<vmem>>
      %dma_wait3A_55 = tpu.memref_squeeze %dma_wait3A_54 : memref<1x32x32xf32, #tpu.memory_space<vmem>> -> memref<32x32xf32, #tpu.memory_space<vmem>>
      %dma_wait3A_56 = arith.constant 0 : i32
      %dma_wait3A_57 = tpu.memref_slice %arg5[%mul3A_51, %dma_wait3A_56] : memref<100000x32xf32, #tpu.memory_space<hbm>> -> memref<32x32xf32, #tpu.memory_space<hbm>>
      %dma_wait3A_58 = arith.constant 0 : i32
      %dma_wait3A_59 = tpu.memref_slice %arg5[%mul3A_51, %dma_wait3A_58] : memref<100000x32xf32, #tpu.memory_space<hbm>> -> memref<32x32xf32, #tpu.memory_space<hbm>>
      %dma_wait3A_60 = arith.constant 0 : i32
      %dma_wait3A_61 = arith.constant 0 : i32
      %dma_wait3A_62 = tpu.memref_slice %arg9[%dma_wait3A, %dma_wait3A_60, %dma_wait3A_61] : memref<2x32x32xf32, #tpu.memory_space<vmem>> -> memref<1x32x32xf32, #tpu.memory_space<vmem>>
      %dma_wait3A_63 = tpu.memref_squeeze %dma_wait3A_62 : memref<1x32x32xf32, #tpu.memory_space<vmem>> -> memref<32x32xf32, #tpu.memory_space<vmem>>
      tpu.wait_dma2 semaphore(%arg17 : memref<!tpu.dma_semaphore, #tpu.memory_space<semaphore_mem>>) src(%dma_wait3A_63 : memref<32x32xf32, #tpu.memory_space<vmem>>) dst(%dma_wait3A_59 : memref<32x32xf32, #tpu.memory_space<hbm>>)
    } else {
    }
    return
  }
}

</mosaic_0001>

<sc_bundles>
// kernel: _pprgo.3.cloned.1.call-start
scs
__scs_entry_jumppad:
0x0: {  	(pc) =	sbr.rel $0x88, $3  }
0x1: {  	(tag) =	ssettag $0x0;
	lr =	simm.s32 $0x1  }
0x2: {  	[smem:$0x3F9E] =	sst lr;
	_ =	strace $0xD0000000  }
0x3: {  	_ = 	snop  }
0x4: {  	_ = 	snop  }
0x5: {  	_ = 	snop  }
0x6: {  	_ = 	snop  }
0x7: {  	_ = 	snop  }
__scs_overlays_trampoline_lowered:
0x8: {  	[smem:$0x3FAD] =	sst s0  }
0x9: {  	[smem:$0x3FAE] =	sst s1  }
0xa: {  	[smem:$0x3FAF] =	sst s2  }
0xb: {  	[smem:$0x3FB0] =	sst s3  }
0xc: {  	[smem:$0x3FB1] =	sst s4  }
0xd: {  	[smem:$0x3FB2] =	sst s5  }
0xe: {  	[smem:$0x3FB3] =	sst s6  }
0xf: {  	[smem:$0x3FB4] =	sst s7  }
0x10: {  	[smem:$0x3FB5] =	sst s8  }
0x11: {  	[smem:$0x3FB6] =	sst s9;
	s0 =	simm.s32 @!p0 $0x0  }
0x12: {  	s1 =	sld [smem:$0x3F9C];
	s0 =	simm.s32 @p0 $0x1  }
0x13: {  	[smem:$0x3FB7] =	sst s0;
	s0 =	simm.s32 @!p1 $0x0  }
0x14: {  	s2 =	sld [smem:$0x3F9B];
	s0 =	simm.s32 @p1 $0x1  }
0x15: {  	[smem:$0x3FB8] =	sst s0;
	s0 =	simm.s32 @!p2 $0x0  }
0x16: {  	s3 =	sld [smem:$0x3FDB];
	s0 =	simm.s32 @p2 $0x1  }
0x17: {  	s4 =	simm.s32 $0x1BF5;
	[smem:$0x3FBA] =	sst s0  }
0x18: {  	s0 =	sld [smem:$0x3F9D];
	_ =	swait.ge [sflag:s4], $0x0  }
0x19: {  	s7 =	sld [smem:$0x3F9E]  }
0x1a: {  	s8 =	sadd.s32 $0xFFFFE003, lr  }
0x1b: {  	s9 =	sadd.s32 $0xFFFFFEF7, lr;
	s5 =	simm.s32 $0xFFFFFFFF;
	p2 =	slt.u32 s8, $0xFFFFF086  }
0x1c: {  	p1 =	slt.u32 s9, $0xF7A;
	s5 =	simm.s32 @!p2 $0x0  }
0x1d: {  	s5 =	simm.s32 @p1 $0x1;
	p0 =	seq.s32 s7, s2  }
0x1e: {  	s7 =	smul.u32 @!p0 $0xF7A, s2;
	p2 =	seq.s32 @!p0 s5, $0x0  }
0x1f: {  	s9 =	smul.u32 $0xF7A, s1;
	s8 =	simm.s32 @!p0 $0x1BF5;
	p2 =	por !p2, p0  }
0x20: {  	[sflag:s8] =	ssyncset.s32 @!p0 $0xFFFFF086;
	s6 =	sadd.s32 @!p0 s3, s7;
	s7 =	simm.s32 @!p0 $0x108  }
0x21: {  	s3 =	sadd.s32 s3, s9;
	s6 =	sadd.s32 @!p0 $0x88, s6;
	s7 =	simm.s32 @p2 $0x1082  }
0x22: {  	[simem:s7], [sflag:s8] =	dma.local @!p0 [hbm:s6], $0xF7A  }
0x23: {  	s9 =	sor.u32 $0xD0000000, s2;
	s6 =	simm.s32 $0x108;
	_ =	swait.ge @!p0 [sflag:s8], $0x0  }
0x24: {  	s3 =	sadd.s32 $0x88, s3;
	s6 =	simm.s32 @!p1 $0x1082;
	[sflag:s4] =	ssyncset.s32 $0xFFFFF086  }
0x25: {  	[simem:s6], [sflag:s4] =	dma.local [hbm:s3], $0xF7A  }
0x26: {  	[smem:$0x3F9E] =	sst s1;
	(tag) =	ssettag s2;
	_ =	strace s9  }
0x27: {  	s1 =	sld [smem:$0x3FAE]  }
0x28: {  	s2 =	sld [smem:$0x3FAF]  }
0x29: {  	s4 =	sld [smem:$0x3FB1]  }
0x2a: {  	p0 =	seq.s32 s5, $0x0;
	s5 =	sld [smem:$0x3FB2]  }
0x2b: {  	s6 =	sld [smem:$0x3FB3]  }
0x2c: {  	s7 =	sld [smem:$0x3FB4]  }
0x2d: {  	s3 =	simm.s32 $0x108;
	s8 =	sld [smem:$0x3FB5]  }
0x2e: {  	s3 =	simm.s32 @!p0 $0x1082;
	s9 =	sld [smem:$0x3FB6]  }
0x2f: {  	lr =	sadd.s32 s0, s3;
	s0 =	sld [smem:$0x3FAD]  }
0x30: {  	s3 =	sld [smem:$0x3FB0]  }
0x31: {  	[smem:$0x3FB9] =	sst s10  }
0x32: {  	s10 =	sld [smem:$0x3FB7];
	_ =	sdelay $0x3  }
0x33: {  	p0 =	seq.s32 s10, $0x1;
	s10 =	sld [smem:$0x3FB9];
	_ =	sdelay $0x3  }
0x34: {  	[smem:$0x3FB9] =	sst s10  }
0x35: {  	s10 =	sld [smem:$0x3FB8];
	_ =	sdelay $0x3  }
0x36: {  	p1 =	seq.s32 s10, $0x1;
	s10 =	sld [smem:$0x3FB9];
	_ =	sdelay $0x3  }
0x37: {  	[smem:$0x3FB9] =	sst s10  }
0x38: {  	s10 =	sld [smem:$0x3FBA]  }
0x39: {  	_ = 	snop;
	(pc) =	sbr.ind lr, $3  }
0x3a: {  	_ = 	snop  }
0x3b: {  	_ = 	snop  }
0x3c: {  	p2 =	seq.s32 s10, $0x1;
	s10 =	sld [smem:$0x3FB9]  }
0x3d: {  	_ =	shalt  }
0x3e: {  	_ =	shalt  }
0x3f: {  	_ =	shalt  }
0x40: {  	_ =	shalt  }
0x41: {  	_ =	shalt  }
0x42: {  	_ =	shalt  }
0x43: {  	_ =	shalt  }
0x44: {  	_ =	shalt  }
0x45: {  	_ =	shalt  }
0x46: {  	_ =	shalt  }
0x47: {  	_ =	shalt  }
0x48: {  	_ =	shalt  }
0x49: {  	_ =	shalt  }
0x4a: {  	_ =	shalt  }
0x4b: {  	_ =	shalt  }
0x4c: {  	_ =	shalt  }
0x4d: {  	_ =	shalt  }
0x4e: {  	_ =	shalt  }
0x4f: {  	_ =	shalt  }
0x50: {  	_ =	shalt  }
0x51: {  	_ =	shalt  }
0x52: {  	_ =	shalt  }
0x53: {  	_ =	shalt  }
0x54: {  	_ =	shalt  }
0x55: {  	_ =	shalt  }
0x56: {  	_ =	shalt  }
0x57: {  	_ =	shalt  }
0x58: {  	_ =	shalt  }
0x59: {  	_ =	shalt  }
0x5a: {  	_ =	shalt  }
0x5b: {  	_ =	shalt  }
0x5c: {  	_ =	shalt  }
0x5d: {  	_ =	shalt  }
0x5e: {  	_ =	shalt  }
0x5f: {  	_ =	shalt  }
0x60: {  	_ =	shalt  }
0x61: {  	_ =	shalt  }
0x62: {  	_ =	shalt  }
0x63: {  	_ =	shalt  }
0x64: {  	_ =	shalt  }
0x65: {  	_ =	shalt  }
0x66: {  	_ =	shalt  }
0x67: {  	_ =	shalt  }
0x68: {  	_ =	shalt  }
0x69: {  	_ =	shalt  }
0x6a: {  	_ =	shalt  }
0x6b: {  	_ =	shalt  }
0x6c: {  	_ =	shalt  }
0x6d: {  	_ =	shalt  }
0x6e: {  	_ =	shalt  }
0x6f: {  	_ =	shalt  }
0x70: {  	_ =	shalt  }
0x71: {  	_ =	shalt  }
0x72: {  	_ =	shalt  }
0x73: {  	_ =	shalt  }
0x74: {  	_ =	shalt  }
0x75: {  	_ =	shalt  }
0x76: {  	_ =	shalt  }
0x77: {  	_ =	shalt  }
0x78: {  	_ =	shalt  }
0x79: {  	_ =	shalt  }
0x7a: {  	_ =	shalt  }
0x7b: {  	_ =	shalt  }
0x7c: {  	_ =	shalt  }
0x7d: {  	_ =	shalt  }
0x7e: {  	_ =	shalt  }
0x7f: {  	_ =	shalt  }
0x80: {  	_ =	shalt  }
0x81: {  	_ =	shalt  }
0x82: {  	_ =	shalt  }
0x83: {  	_ =	shalt  }
0x84: {  	_ =	shalt  }
0x85: {  	_ =	shalt  }
0x86: {  	_ =	shalt  }
0x87: {  	_ =	shalt  }
.Lfunc_end0:
.L_simem_size_0:
called_computation_lowered:
.L_overlay_start_0:
0x88: {  	s2 =	sld [smem:$0x3FD9]  }
0x89: {  	s3 =	sld [smem:$0x3FFE];
	_ =	sdelay $0x1  }
0x8a: {  	s1 =	srdreg.scid  }
0x8b: {  	s0 =	sand.u32 $0x1, s1  }
0x8c: {  	s17 =	sshll.u32 s0, $0xA;
	s2 =	sadd.s32 s3, s2  }
0x8d: {  	s2 =	sadd.s32 s2, s17  }
0x8e: {  	[smem:$0x3FC5] =	sst s2  }
0x8f: {  	_ = 	snop  }
0x90: {  	s2 =	sld [smem:$0x3FC9]  }
0x91: {  	s18 =	sld [smem:$0x3FC8]  }
0x92: {  	s4 =	sld [smem:$0x3FD0];
	(tm) =	ssettm $0x1  }
0x93: {  	s5 =	sld [smem:$0x3FFB];
	_ =	sdelay $0x3  }
0x94: {  	_ =	strace s5  }
0x95: {  	s5 =	sld [smem:$0x3FFC];
	_ =	sdelay $0x3  }
0x96: {  	_ =	strace s5  }
0x97: {  	s5 =	sld [smem:$0x3FFD];
	_ =	sdelay $0x3  }
0x98: {  	_ =	strace s5  }
0x99: {  	_ =	strace $0x8FFFFFFF  }
0x9a: {  	s19 =	sld [smem:$0x3FDB];
	_ =	sdelay $0x1  }
0x9b: {  	s6 =	simm.s32 $_scs_section_size  }
0x9c: {  	s7 =	simm.s32 $_size__tile_overlayer_lowered;
	s8 =	simm.s32 $_tile_overlayer_lowered  }
0x9d: {  	s22 =	simm.s32 $0x1BFF;
	s21 =	sshll.u32 s8, $0x1;
	s5 =	sadd.s32 s6, s19  }
0x9e: {  	s9 =	simm.s32 $0x0;
	s20 =	sshll.u32 s7, $0x1;
	s7 =	sadd.s32 s21, s5  }
0x9f: {  	[timem:s9], [sflag:s22] =	dma.local [hbm:s7], s20  }
0xa0: {  	_ =	swait.ge [sflag:s22], s20  }
0xa1: {  	s6 =	ssub.s32 $0x0, s20;
	[sflag:s22] =	ssyncset.done $0x0  }
0xa2: {  	[sflag:s22] =	ssyncadd.s32 s6;
	_ =	sdelay $0x1  }
0xa3: {  	s23 =	simm.s32 $0x1B8B  }
0xa4: {  	_ =	swait.ge [sflag:s23], $0x1  }
0xa5: {  	[sflag:s23] =	ssyncset.done $0x0  }
0xa6: {  	s25 =	simm.s32 $0x1B8E;
	s24 =	sld [smem:$0x3FFE];
	[sflag:s23] =	ssyncadd.s32 $0xFFFFFFFF  }
0xa7: {  	s26 =	simm.s32 $execute0_lowered;
	[smem:$0x3FD2] =	sst s25  }
0xa8: {  	s7 =	sshll.u32 s26, $0x1;
	_ =	strace $0x80000046;
	[dreg:$0x1] =	wrdreg $0xFFFFFFFF  }
0xa9: {  	s28 =	simm.s32 $_size_execute0_lowered;
	s5 =	sadd.s32 s5, s7;
	[dreg:$0x0] =	wrdreg $0x0  }
0xaa: {  	s7 =	sshll.u32 s28, $0x1;
	[dreg:$0x2] =	wrdreg s5  }
0xab: {  	[dreg:$0x3] =	wrdreg s7  }
0xac: {  	[dreg:$0x4] =	wrdreg $0xC0  }
0xad: {  	_ =	task [dreg:s9], $0x5FFFF  }
0xae: {  	[dreg:$0x1] =	wrdreg $0xFFFFFFFF  }
0xaf: {  	[dreg:$0x0] =	wrdreg $0x60  }
0xb0: {  	[dreg:$0x2] =	wrdreg s2  }
0xb1: {  	[dreg:$0x3] =	wrdreg s18  }
0xb2: {  	[dreg:$0x4] =	wrdreg s4  }
0xb3: {  	[dreg:$0x5] =	wrdreg s24  }
0xb4: {  	[dreg:$0x6] =	wrdreg $0x9  }
0xb5: {  	_ =	task.clear_ibuf [dreg:s9], $0x7FFFF;
	_ =	strace $0x90000046  }
0xb6: {  	s29 =	simm.s32 $0x9;
	_ =	strace $0x80000048  }
0xb7: {  	_ =	swait.ge [sflag:s29], $0x1  }
0xb8: {  	[sflag:s29] =	ssyncadd.s32 $0xFFFFFFFF  }
0xb9: {  	_ =	strace $0x90000048  }
0xba: {  	_ =	sfence  }
0xbb: {  	s30 =	sld [smem:$0x0];
	_ =	sdelay $0x2  }
0xbc: {  	s31 =	sshll.u32 s1, $0xD;
	s1 =	sshrl.u32 s1, $0x2  }
0xbd: {  	s3 =	sand.u32 $0x4000, s31;
	s1 =	sadd.s32 s1, s30  }
0xbe: {  	s0 =	sor.u32 s3, s0;
	s1 =	sshll.u32 s1, $0x11  }
0xbf: {  	s0 =	sor.u32 s1, s0  }
0xc0: {  	s0 =	sadd.s32 $0x8F2B, s0  }
0xc1: {  	[sflag:s0] =	ssyncadd.remote.s32 $0x1  }
0xc2: {  	_ =	sfence.sel $0xFFFF  }
0xc3: {  	[dreg:$0x0] =	wrdreg $0xFFFFFFFF;
	(pc) =	sbr.abs _section_cstart, $3  }
0xc4: {  	[dreg:$0x1] =	wrdreg $0xFFFFFFFF  }
0xc5: {  	_ =	task.clear_ibuf [dreg:s9], $0x2FFFF;
	_ =	strace $0x9FFFFFFF  }
0xc6: {  	(tm) =	ssettm $0x7FFFFFFF  }
0xc7: {  	_ =	shalt  }
tec
execute0_lowered:
.L_overlay_start_1:
0x0: {  	(tag) =	ssettag $0x1  }
0x1: {  	s1 =	rddreg [dreg:$0x0]  }
0x2: {  	s2 =	rddreg [dreg:$0x1]  }
0x3: {  	s4 =	rddreg [dreg:$0x2];
	s0 =	srdreg.scid  }
0x4: {  	s5 =	stileid.u32;
	s3 =	rddreg [dreg:$0x3]  }
0x5: {  	s14 =	simm.s32 $0x280;
	s15 =	simm.s32 $0x1;
	s16 =	simm.s32 $0xD00  }
0x6: {  	s17 =	simm.s32 $0x500;
	s18 =	simm.s32 $0x3;
	s19 =	simm.s32 $0x5  }
0x7: {  	s20 =	simm.s32 $0xAD00;
	s0 =	sand.u32 $0x1, s0;
	s6 =	sshll.u32 s5, $0x1  }
0x8: {  	s21 =	simm.s32 $0xB100;
	s22 =	simm.s32 $0x7;
	s6 =	sor.u32 s0, s6  }
0x9: {  	s23 =	simm.s32 $0x0;
	s5 =	simm.s32 $0x0;
	s7 =	smul.u32 $0x280, s6  }
0xa: {  	[smem:$0x7FF] =	sst s5;
	s0 =	ssub.s32 $0x2, s0;
	s9 =	smul.u32 $0x50, s6  }
.Ltmp0:
0xb: {  	_ =	strace $0x80000047;
	s8 =	sshrl.u32 s0, $0x1;
	(pc) =	sbr.rel .LBB2_1-.Ltmp0, $4  }
0xc: {  	s31 =	sshll.u32 s6, $0x7;
	s11 =	sor.u32 $0x40, s6;
	s12 =	sor.u32 $0x60, s6  }
0xd: {  	p0 =	sgt.u32 s6, $0x14;
	s0 =	ssub.s32 s0, s8;
	s10 =	sshrl.u32 s7, $0x3  }
0xe: {  	s7 =	sadd.s32 $0x400, s3;
	s8 =	sadd.s32 s1, s9;
	s30 =	sadd.s32 s1, s10  }
0xf: {  	s13 =	smax.u32 s0, $0x1;
	s10 =	sadd.s32 s2, s31;
	s9 =	sadd.s32 $0xA00, s30  }
.LBB2_9:
0x10: {  	s23 =	sadd.s32 $0x1, s23  }
0x11: {  	_ =	swait.ge [sflag:s22], $0x400;
	p1 =	sne.s32 s23, s13  }
.Ltmp1:
0x12: {  	[sflag:s22] =	ssyncset.done $0x0;
	(pc) =	sbr.rel @!p1 .LBB2_10-.Ltmp1, $4  }
0x13: {  	s0 =	simm.s32 @!p0 $0x8;
	[sflag:s22] =	ssyncadd.s32 $0xFFFFFC00  }
0x14: {  	_ =	swait.ge @!p0 [sflag:s0], $0x400  }
0x15: {  	[sflag:s0] =	ssyncset.done @!p0 $0x0  }
0x16: {  	[sflag:s0] =	ssyncadd.s32 @!p0 $0xFFFFFC00  }
.LBB2_1:
0x17: {  	[tilespmem:s5], [sflag:$0x1] =	stream.linear.gather [hbm4b:s8+s5], $0x280, $0x38;
	[tilespmem:$0xB500] =	vst v63  }
0x18: {  	_ = 	snop  }
0x19: {  	[tilespmem:s14], [sflag:$0x2] =	stream.linear.gather [hbm4b:s9+s5], $0x280, $0x38;
	[tilespmem:$0xB500] =	vst v63  }
0x1a: {  	_ =	swait.ge [sflag:s15], $0x280  }
.Ltmp2:
0x1b: {  	[sflag:s15] =	ssyncset.done $0x0;
	(pc) =	sbr.rel .LBB2_2-.Ltmp2, $4  }
0x1c: {  	[sflag:s15] =	ssyncadd.s32 $0xFFFFFD80  }
0x1d: {  	[tilespmem:s16], [sflag:$0x3] =	stream.indirect.gather [hbm4b:s4+s14], $0x20, s5, s14, $0xb8;
	[tilespmem:$0xB500] =	vst v63  }
0x1e: {  	s24 =	simm.s32 $0x0  }
0x1f: {  	[tilespmem:s17], [sflag:$0x5] =	stream.linear.gather [hbm4b:s10+s5], $0x400, $0x38;
	[tilespmem:$0xB500] =	vst v63  }
.LBB2_8:
0x20: {  	s24 =	sadd.s32 $0x1, s24  }
0x21: {  	p1 =	sne.s32 s24, $0x31  }
.Ltmp3:
0x22: {  	_ = 	snop;
	(pc) =	sbr.rel @!p1 .LBB2_9-.Ltmp3, $1  }
0x23: {  	_ =	sdelay $0x3  }
.LBB2_2:
0x24: {  	s26 =	sshll.u32 s24, $0x6  }
0x25: {  	s28 =	sor.u32 s26, s6  }
0x26: {  	s25 =	sor.u32 $0x20, s28  }
0x27: {  	p1 =	sgt.u32 s25, $0xC34  }
0x28: {  	s0 =	simm.s32 @!p1 $0x2  }
0x29: {  	_ =	swait.ge @!p1 [sflag:s0], $0x280  }
0x2a: {  	[sflag:s0] =	ssyncset.done @!p1 $0x0  }
0x2b: {  	s3 =	simm.s32 @!p1 $0x5D00;
	[sflag:s0] =	ssyncadd.s32 @!p1 $0xFFFFFD80;
	s0 =	simm.s32 @!p1 $0x280  }
0x2c: {  	[tilespmem:s3], [sflag:$0x4] =	stream.indirect.gather @!p1 [hbm4b:s4+s0], $0x20, s0, s0, $0xb8;
	[tilespmem:$0xB500] =	vst v63  }
0x2d: {  	s0 =	sshll.u32 @!p1 s25, $0x7  }
0x2e: {  	s29 =	simm.s32 @!p1 $0x900;
	s3 =	simm.s32 @!p1 $0x0;
	s0 =	sadd.s32 @!p1 s2, s0  }
0x2f: {  	[tilespmem:s29], [sflag:$0x6] =	stream.linear.gather @!p1 [hbm4b:s0+s3], $0x400, $0x38;
	[tilespmem:$0xB500] =	vst v63  }
0x30: {  	_ =	swait.ge [sflag:s18], $0x5000  }
0x31: {  	s29 =	sadd.s32 s11, s26;
	[sflag:s18] =	ssyncset.done $0x0  }
0x32: {  	p3 =	sgt.u32 s29, $0xC34;
	[sflag:s18] =	ssyncadd.s32 $0xFFFFB000  }
0x33: {  	s0 =	smul.u32 @!p3 $0x50, s29;
	_ =	swait.ge [sflag:s19], $0x400  }
0x34: {  	p2 =	seq.s32 s24, $0x0;
	[sflag:s19] =	ssyncset.done $0x0  }
0x35: {  	s3 =	simm.s32 @!p3 $0x0;
	s0 =	sadd.s32 @!p3 s1, s0;
	[sflag:s19] =	ssyncadd.s32 $0xFFFFFC00  }
0x36: {  	[tilespmem:s3], [sflag:$0x1] =	stream.linear.gather @!p3 [hbm4b:s0+s3], $0x280, $0x38;
	[tilespmem:$0xB500] =	vst v63  }
0x37: {  	s0 =	simm.s32 @!p2 $0x7  }
0x38: {  	_ =	swait.ge @!p2 [sflag:s0], $0x400  }
0x39: {  	s30 =	simm.s32 $0xFFFFFFFC;
	s31 =	simm.s32 $0xAD40;
	[sflag:s0] =	ssyncset.done @!p2 $0x0  }
0x3a: {  	s3 =	simm.s32 $0x540;
	[sflag:s0] =	ssyncadd.s32 @!p2 $0xFFFFFC00;
	s0 =	simm.s32 $0x1200  }
.LBB2_3:
0x3b: {  	v1 =	vld [tilespmem:s3+$0xFFFFFFC0]  }
0x3c: {  	v0 =	vld [tilespmem:s3+$0xFFFFFFD0]  }
0x3d: {  	v2 =	vld [tilespmem:s0+$0xFFFFFB00]  }
0x3e: {  	v3 =	vld [tilespmem:s0+$0xFFFFFB10]  }
0x3f: {  	v4 =	vld [tilespmem:s0+$0xFFFFFB20]  }
0x40: {  	v5 =	vld [tilespmem:s0+$0xFFFFFB30]  }
0x41: {  	v7 =	vld [tilespmem:s0+$0xFFFFFB40]  }
0x42: {  	v9 =	vld [tilespmem:s0+$0xFFFFFB50];
	v6 =	vbroadcast v1, $0x0;
	v8 =	vbroadcast v1, $0x1  }
0x43: {  	v10 =	vld [tilespmem:s0+$0xFFFFFB60];
	v11 =	vbroadcast v1, $0x2  }
0x44: {  	v12 =	vld [tilespmem:s0+$0xFFFFFB70];
	v2 =	vmul.f32 v2, v6;
	v4 =	vmul.f32 v4, v8  }
0x45: {  	v56 =	vld [tilespmem:s0+$0xFFFFFB80];
	v3 =	vmul.f32 v3, v6;
	v5 =	vmul.f32 v5, v8  }
0x46: {  	v59 =	vld [tilespmem:s0+$0xFFFFFB90];
	v58 =	vbroadcast v1, $0x3;
	v57 =	vmul.f32 v7, v11;
	v2 =	vadd.f32 v4, v2  }
0x47: {  	v61 =	vld [tilespmem:s0+$0xFFFFFBA0];
	v60 =	vmul.f32 v9, v11;
	v3 =	vadd.f32 v5, v3  }
0x48: {  	v16 =	vld [tilespmem:s0+$0xFFFFFBB0];
	v63 =	vbroadcast v1, $0x4;
	v62 =	vmul.f32 v10, v58;
	v2 =	vadd.f32 v57, v2  }
0x49: {  	v18 =	vld [tilespmem:s0+$0xFFFFFBC0];
	v17 =	vmul.f32 v12, v58;
	v3 =	vadd.f32 v60, v3  }
0x4a: {  	v21 =	vld [tilespmem:s0+$0xFFFFFBD0];
	v20 =	vbroadcast v1, $0x5;
	v19 =	vmul.f32 v56, v63;
	v2 =	vadd.f32 v62, v2  }
0x4b: {  	v23 =	vld [tilespmem:s0+$0xFFFFFBE0];
	v22 =	vmul.f32 v59, v63;
	v3 =	vadd.f32 v17, v3  }
0x4c: {  	v26 =	vld [tilespmem:s0+$0xFFFFFBF0];
	v25 =	vbroadcast v1, $0x6;
	v24 =	vmul.f32 v61, v20;
	v2 =	vadd.f32 v19, v2  }
0x4d: {  	v28 =	vld [tilespmem:s0+$0xFFFFFC00];
	v27 =	vmul.f32 v16, v20;
	v3 =	vadd.f32 v22, v3  }
0x4e: {  	v31 =	vld [tilespmem:s0+$0xFFFFFC10];
	v30 =	vbroadcast v1, $0x7;
	v29 =	vmul.f32 v18, v25;
	v2 =	vadd.f32 v24, v2  }
0x4f: {  	v33 =	vld [tilespmem:s0+$0xFFFFFC20];
	v32 =	vmul.f32 v21, v25;
	v3 =	vadd.f32 v27, v3  }
0x50: {  	v36 =	vld [tilespmem:s0+$0xFFFFFC30];
	v35 =	vbroadcast v1, $0x8;
	v34 =	vmul.f32 v23, v30;
	v2 =	vadd.f32 v29, v2  }
0x51: {  	v38 =	vld [tilespmem:s0+$0xFFFFFC40];
	v37 =	vmul.f32 v26, v30;
	v3 =	vadd.f32 v32, v3  }
0x52: {  	v41 =	vld [tilespmem:s0+$0xFFFFFC50];
	v40 =	vbroadcast v1, $0x9;
	v39 =	vmul.f32 v28, v35;
	v2 =	vadd.f32 v34, v2  }
0x53: {  	v43 =	vld [tilespmem:s0+$0xFFFFFC60];
	v42 =	vmul.f32 v31, v35;
	v3 =	vadd.f32 v37, v3  }
0x54: {  	v46 =	vld [tilespmem:s0+$0xFFFFFC70];
	v45 =	vbroadcast v1, $0xA;
	v44 =	vmul.f32 v33, v40;
	v2 =	vadd.f32 v39, v2  }
0x55: {  	v48 =	vld [tilespmem:s0+$0xFFFFFC80];
	v47 =	vmul.f32 v36, v40;
	v3 =	vadd.f32 v42, v3  }
0x56: {  	v51 =	vld [tilespmem:s0+$0xFFFFFC90];
	v50 =	vbroadcast v1, $0xB;
	v49 =	vmul.f32 v38, v45;
	v2 =	vadd.f32 v44, v2  }
0x57: {  	v53 =	vld [tilespmem:s0+$0xFFFFFCA0];
	v52 =	vmul.f32 v41, v45;
	v3 =	vadd.f32 v47, v3  }
0x58: {  	v55 =	vbroadcast v1, $0xC;
	v54 =	vmul.f32 v43, v50;
	v56 =	vld [tilespmem:s0+$0xFFFFFCB0];
	v2 =	vadd.f32 v49, v2  }
0x59: {  	v58 =	vld [tilespmem:s0+$0xFFFFFCC0];
	v57 =	vmul.f32 v46, v50;
	v3 =	vadd.f32 v52, v3  }
0x5a: {  	v59 =	vmul.f32 v48, v55;
	v61 =	vld [tilespmem:s0+$0xFFFFFCD0];
	v60 =	vbroadcast v1, $0xD;
	v2 =	vadd.f32 v54, v2  }
0x5b: {  	v63 =	vld [tilespmem:s0+$0xFFFFFCE0];
	v62 =	vmul.f32 v51, v55;
	v3 =	vadd.f32 v57, v3  }
0x5c: {  	v18 =	vld [tilespmem:s0+$0xFFFFFCF0];
	v16 =	vmul.f32 v53, v60;
	v17 =	vbroadcast v1, $0xE;
	v2 =	vadd.f32 v59, v2  }
0x5d: {  	v20 =	vld [tilespmem:s0+$0xFFFFFD00];
	v19 =	vmul.f32 v56, v60;
	v3 =	vadd.f32 v62, v3  }
0x5e: {  	v1 =	vbroadcast v1, $0xF;
	v21 =	vmul.f32 v58, v17;
	v22 =	vld [tilespmem:s0+$0xFFFFFD10];
	v2 =	vadd.f32 v16, v2  }
0x5f: {  	v23 =	vmul.f32 v61, v17;
	v24 =	vld [tilespmem:s0+$0xFFFFFD20];
	v3 =	vadd.f32 v19, v3  }
0x60: {  	v26 =	vbroadcast v0, $0x0;
	v25 =	vmul.f32 v63, v1;
	v27 =	vld [tilespmem:s0+$0xFFFFFD30];
	v2 =	vadd.f32 v21, v2  }
0x61: {  	v28 =	vld [tilespmem:s0+$0xFFFFFD40];
	v1 =	vmul.f32 v18, v1;
	v3 =	vadd.f32 v23, v3  }
0x62: {  	v30 =	vbroadcast v0, $0x1;
	v31 =	vld [tilespmem:s0+$0xFFFFFD50];
	v29 =	vmul.f32 v20, v26;
	v2 =	vadd.f32 v25, v2  }
0x63: {  	v33 =	vld [tilespmem:s0+$0xFFFFFD60];
	v32 =	vmul.f32 v22, v26;
	v1 =	vadd.f32 v1, v3  }
0x64: {  	v35 =	vbroadcast v0, $0x2;
	v36 =	vld [tilespmem:s0+$0xFFFFFD70];
	v34 =	vmul.f32 v24, v30;
	v2 =	vadd.f32 v29, v2  }
0x65: {  	v37 =	vmul.f32 v27, v30;
	v1 =	vadd.f32 v32, v1  }
0x66: {  	v0 =	vbroadcast v0, $0x3;
	v38 =	vmul.f32 v28, v35;
	v2 =	vadd.f32 v34, v2  }
0x67: {  	v39 =	vmul.f32 v31, v35;
	v1 =	vadd.f32 v37, v1  }
0x68: {  	v40 =	vmul.f32 v33, v0;
	v2 =	vadd.f32 v38, v2  }
0x69: {  	v0 =	vmul.f32 v36, v0;
	v1 =	vadd.f32 v39, v1  }
0x6a: {  	v2 =	vadd.f32 v40, v2  }
0x6b: {  	v0 =	vadd.f32 v0, v1  }
0x6c: {  	[tilespmem:s31+$0xFFFFFFC0] =	vst v2  }
0x6d: {  	[tilespmem:s31+$0xFFFFFFD0] =	vst v0  }
0x6e: {  	v1 =	vld [tilespmem:s3+$0xFFFFFFE0]  }
0x6f: {  	v0 =	vld [tilespmem:s3+$0xFFFFFFF0]  }
0x70: {  	v2 =	vld [tilespmem:s0+$0xFFFFFD80]  }
0x71: {  	v41 =	vld [tilespmem:s0+$0xFFFFFD90]  }
0x72: {  	v42 =	vld [tilespmem:s0+$0xFFFFFDA0]  }
0x73: {  	v43 =	vld [tilespmem:s0+$0xFFFFFDB0]  }
0x74: {  	v45 =	vld [tilespmem:s0+$0xFFFFFDC0]  }
0x75: {  	v47 =	vld [tilespmem:s0+$0xFFFFFDD0];
	v44 =	vbroadcast v1, $0x0;
	v46 =	vbroadcast v1, $0x1  }
0x76: {  	v48 =	vld [tilespmem:s0+$0xFFFFFDE0];
	v49 =	vbroadcast v1, $0x2  }
0x77: {  	v50 =	vld [tilespmem:s0+$0xFFFFFDF0];
	v2 =	vmul.f32 v2, v44;
	v4 =	vmul.f32 v42, v46  }
0x78: {  	v51 =	vld [tilespmem:s0+$0xFFFFFE00];
	v3 =	vmul.f32 v41, v44;
	v5 =	vmul.f32 v43, v46  }
0x79: {  	v54 =	vld [tilespmem:s0+$0xFFFFFE10];
	v53 =	vbroadcast v1, $0x3;
	v52 =	vmul.f32 v45, v49;
	v2 =	vadd.f32 v4, v2  }
0x7a: {  	v56 =	vld [tilespmem:s0+$0xFFFFFE20];
	v55 =	vmul.f32 v47, v49;
	v3 =	vadd.f32 v5, v3  }
0x7b: {  	v59 =	vld [tilespmem:s0+$0xFFFFFE30];
	v58 =	vbroadcast v1, $0x4;
	v57 =	vmul.f32 v48, v53;
	v2 =	vadd.f32 v52, v2  }
0x7c: {  	v61 =	vld [tilespmem:s0+$0xFFFFFE40];
	v60 =	vmul.f32 v50, v53;
	v3 =	vadd.f32 v55, v3  }
0x7d: {  	v16 =	vld [tilespmem:s0+$0xFFFFFE50];
	v63 =	vbroadcast v1, $0x5;
	v62 =	vmul.f32 v51, v58;
	v2 =	vadd.f32 v57, v2  }
0x7e: {  	v18 =	vld [tilespmem:s0+$0xFFFFFE60];
	v17 =	vmul.f32 v54, v58;
	v3 =	vadd.f32 v60, v3  }
0x7f: {  	v21 =	vld [tilespmem:s0+$0xFFFFFE70];
	v20 =	vbroadcast v1, $0x6;
	v19 =	vmul.f32 v56, v63;
	v2 =	vadd.f32 v62, v2  }
0x80: {  	v23 =	vld [tilespmem:s0+$0xFFFFFE80];
	v22 =	vmul.f32 v59, v63;
	v3 =	vadd.f32 v17, v3  }
0x81: {  	v26 =	vld [tilespmem:s0+$0xFFFFFE90];
	v25 =	vbroadcast v1, $0x7;
	v24 =	vmul.f32 v61, v20;
	v2 =	vadd.f32 v19, v2  }
0x82: {  	v28 =	vld [tilespmem:s0+$0xFFFFFEA0];
	v27 =	vmul.f32 v16, v20;
	v3 =	vadd.f32 v22, v3  }
0x83: {  	v31 =	vld [tilespmem:s0+$0xFFFFFEB0];
	v30 =	vbroadcast v1, $0x8;
	v29 =	vmul.f32 v18, v25;
	v2 =	vadd.f32 v24, v2  }
0x84: {  	v33 =	vld [tilespmem:s0+$0xFFFFFEC0];
	v32 =	vmul.f32 v21, v25;
	v3 =	vadd.f32 v27, v3  }
0x85: {  	v36 =	vld [tilespmem:s0+$0xFFFFFED0];
	v35 =	vbroadcast v1, $0x9;
	v34 =	vmul.f32 v23, v30;
	v2 =	vadd.f32 v29, v2  }
0x86: {  	v38 =	vld [tilespmem:s0+$0xFFFFFEE0];
	v37 =	vmul.f32 v26, v30;
	v3 =	vadd.f32 v32, v3  }
0x87: {  	v40 =	vbroadcast v1, $0xA;
	v39 =	vmul.f32 v28, v35;
	v41 =	vld [tilespmem:s0+$0xFFFFFEF0];
	v2 =	vadd.f32 v34, v2  }
0x88: {  	v42 =	vmul.f32 v31, v35;
	v43 =	vld [tilespmem:s0+$0xFFFFFF00];
	v3 =	vadd.f32 v37, v3  }
0x89: {  	v44 =	vmul.f32 v33, v40;
	v45 =	vbroadcast v1, $0xB;
	v46 =	vld [tilespmem:s0+$0xFFFFFF10];
	v2 =	vadd.f32 v39, v2  }
0x8a: {  	v47 =	vmul.f32 v36, v40;
	v48 =	vld [tilespmem:s0+$0xFFFFFF20];
	v3 =	vadd.f32 v42, v3  }
0x8b: {  	v50 =	vbroadcast v1, $0xC;
	v51 =	vld [tilespmem:s0+$0xFFFFFF30];
	v49 =	vmul.f32 v38, v45;
	v2 =	vadd.f32 v44, v2  }
0x8c: {  	v53 =	vld [tilespmem:s0+$0xFFFFFF40];
	v52 =	vmul.f32 v41, v45;
	v3 =	vadd.f32 v47, v3  }
0x8d: {  	v56 =	vld [tilespmem:s0+$0xFFFFFF50];
	v55 =	vbroadcast v1, $0xD;
	v54 =	vmul.f32 v43, v50;
	v2 =	vadd.f32 v49, v2  }
0x8e: {  	v58 =	vld [tilespmem:s0+$0xFFFFFF60];
	v57 =	vmul.f32 v46, v50;
	v3 =	vadd.f32 v52, v3  }
0x8f: {  	v61 =	vld [tilespmem:s0+$0xFFFFFF70];
	v59 =	vmul.f32 v48, v55;
	v60 =	vbroadcast v1, $0xE;
	v2 =	vadd.f32 v54, v2  }
0x90: {  	v63 =	vld [tilespmem:s0+$0xFFFFFF80];
	v62 =	vmul.f32 v51, v55;
	v3 =	vadd.f32 v57, v3  }
0x91: {  	v14 =	vld [tilespmem:s0+$0xFFFFFF90];
	v1 =	vbroadcast v1, $0xF;
	v13 =	vmul.f32 v53, v60;
	v2 =	vadd.f32 v59, v2  }
0x92: {  	v16 =	vld [tilespmem:s0+$0xFFFFFFA0];
	v15 =	vmul.f32 v56, v60;
	v3 =	vadd.f32 v62, v3  }
0x93: {  	v18 =	vbroadcast v0, $0x0;
	v17 =	vmul.f32 v58, v1;
	v19 =	vld [tilespmem:s0+$0xFFFFFFB0];
	v2 =	vadd.f32 v13, v2  }
0x94: {  	v20 =	vld [tilespmem:s0+$0xFFFFFFC0];
	v1 =	vmul.f32 v61, v1;
	v3 =	vadd.f32 v15, v3  }
0x95: {  	v23 =	vld [tilespmem:s0+$0xFFFFFFD0];
	v21 =	vmul.f32 v63, v18;
	v22 =	vbroadcast v0, $0x1;
	v2 =	vadd.f32 v17, v2  }
0x96: {  	v25 =	vld [tilespmem:s0+$0xFFFFFFE0];
	v24 =	vmul.f32 v14, v18;
	v1 =	vadd.f32 v1, v3  }
0x97: {  	v28 =	vld [tilespmem:s0+$0xFFFFFFF0];
	v26 =	vmul.f32 v16, v22;
	v27 =	vbroadcast v0, $0x2;
	v2 =	vadd.f32 v21, v2  }
0x98: {  	v29 =	vmul.f32 v19, v22;
	v1 =	vadd.f32 v24, v1  }
0x99: {  	v0 =	vbroadcast v0, $0x3;
	v30 =	vmul.f32 v20, v27;
	v2 =	vadd.f32 v26, v2  }
0x9a: {  	v31 =	vmul.f32 v23, v27;
	v1 =	vadd.f32 v29, v1  }
0x9b: {  	v32 =	vmul.f32 v25, v0;
	v2 =	vadd.f32 v30, v2  }
0x9c: {  	v0 =	vmul.f32 v28, v0;
	v1 =	vadd.f32 v31, v1  }
0x9d: {  	v2 =	vadd.f32 v32, v2  }
0x9e: {  	v0 =	vadd.f32 v0, v1  }
0x9f: {  	[tilespmem:s31+$0xFFFFFFE0] =	vst v2  }
0xa0: {  	[tilespmem:s31+$0xFFFFFFF0] =	vst v0  }
0xa1: {  	v1 =	vld [tilespmem:s3+$0x0]  }
0xa2: {  	v0 =	vld [tilespmem:s3+$0x10]  }
0xa3: {  	v2 =	vld [tilespmem:s0+$0x0]  }
0xa4: {  	v33 =	vld [tilespmem:s0+$0x10]  }
0xa5: {  	v34 =	vld [tilespmem:s0+$0x20]  }
0xa6: {  	v35 =	vld [tilespmem:s0+$0x30]  }
0xa7: {  	v37 =	vld [tilespmem:s0+$0x40]  }
0xa8: {  	v39 =	vld [tilespmem:s0+$0x50];
	v36 =	vbroadcast v1, $0x0;
	v38 =	vbroadcast v1, $0x1  }
0xa9: {  	v40 =	vld [tilespmem:s0+$0x60];
	v41 =	vbroadcast v1, $0x2  }
0xaa: {  	v42 =	vld [tilespmem:s0+$0x70];
	v2 =	vmul.f32 v2, v36;
	v4 =	vmul.f32 v34, v38  }
0xab: {  	v43 =	vld [tilespmem:s0+$0x80];
	v3 =	vmul.f32 v33, v36;
	v5 =	vmul.f32 v35, v38  }
0xac: {  	v46 =	vld [tilespmem:s0+$0x90];
	v45 =	vbroadcast v1, $0x3;
	v44 =	vmul.f32 v37, v41;
	v2 =	vadd.f32 v4, v2  }
0xad: {  	v48 =	vld [tilespmem:s0+$0xA0];
	v47 =	vmul.f32 v39, v41;
	v3 =	vadd.f32 v5, v3  }
0xae: {  	v51 =	vld [tilespmem:s0+$0xB0];
	v50 =	vbroadcast v1, $0x4;
	v49 =	vmul.f32 v40, v45;
	v2 =	vadd.f32 v44, v2  }
0xaf: {  	v53 =	vld [tilespmem:s0+$0xC0];
	v52 =	vmul.f32 v42, v45;
	v3 =	vadd.f32 v47, v3  }
0xb0: {  	v56 =	vld [tilespmem:s0+$0xD0];
	v55 =	vbroadcast v1, $0x5;
	v54 =	vmul.f32 v43, v50;
	v2 =	vadd.f32 v49, v2  }
0xb1: {  	v58 =	vld [tilespmem:s0+$0xE0];
	v57 =	vmul.f32 v46, v50;
	v3 =	vadd.f32 v52, v3  }
0xb2: {  	v61 =	vld [tilespmem:s0+$0xF0];
	v60 =	vbroadcast v1, $0x6;
	v59 =	vmul.f32 v48, v55;
	v2 =	vadd.f32 v54, v2  }
0xb3: {  	v63 =	vld [tilespmem:s0+$0x100];
	v62 =	vmul.f32 v51, v55;
	v3 =	vadd.f32 v57, v3  }
0xb4: {  	v18 =	vld [tilespmem:s0+$0x110];
	v17 =	vbroadcast v1, $0x7;
	v16 =	vmul.f32 v53, v60;
	v2 =	vadd.f32 v59, v2  }
0xb5: {  	v20 =	vld [tilespmem:s0+$0x120];
	v19 =	vmul.f32 v56, v60;
	v3 =	vadd.f32 v62, v3  }
0xb6: {  	v23 =	vld [tilespmem:s0+$0x130];
	v22 =	vbroadcast v1, $0x8;
	v21 =	vmul.f32 v58, v17;
	v2 =	vadd.f32 v16, v2  }
0xb7: {  	v25 =	vld [tilespmem:s0+$0x140];
	v24 =	vmul.f32 v61, v17;
	v3 =	vadd.f32 v19, v3  }
0xb8: {  	v28 =	vld [tilespmem:s0+$0x150];
	v27 =	vbroadcast v1, $0x9;
	v26 =	vmul.f32 v63, v22;
	v2 =	vadd.f32 v21, v2  }
0xb9: {  	v30 =	vld [tilespmem:s0+$0x160];
	v29 =	vmul.f32 v18, v22;
	v3 =	vadd.f32 v24, v3  }
0xba: {  	v32 =	vbroadcast v1, $0xA;
	v31 =	vmul.f32 v20, v27;
	v33 =	vld [tilespmem:s0+$0x170];
	v2 =	vadd.f32 v26, v2  }
0xbb: {  	v34 =	vmul.f32 v23, v27;
	v35 =	vld [tilespmem:s0+$0x180];
	v3 =	vadd.f32 v29, v3  }
0xbc: {  	v36 =	vmul.f32 v25, v32;
	v37 =	vbroadcast v1, $0xB;
	v38 =	vld [tilespmem:s0+$0x190];
	v2 =	vadd.f32 v31, v2  }
0xbd: {  	v39 =	vmul.f32 v28, v32;
	v40 =	vld [tilespmem:s0+$0x1A0];
	v3 =	vadd.f32 v34, v3  }
0xbe: {  	v42 =	vbroadcast v1, $0xC;
	v43 =	vld [tilespmem:s0+$0x1B0];
	v41 =	vmul.f32 v30, v37;
	v2 =	vadd.f32 v36, v2  }
0xbf: {  	v45 =	vld [tilespmem:s0+$0x1C0];
	v44 =	vmul.f32 v33, v37;
	v3 =	vadd.f32 v39, v3  }
0xc0: {  	v48 =	vld [tilespmem:s0+$0x1D0];
	v47 =	vbroadcast v1, $0xD;
	v46 =	vmul.f32 v35, v42;
	v2 =	vadd.f32 v41, v2  }
0xc1: {  	v50 =	vld [tilespmem:s0+$0x1E0];
	v49 =	vmul.f32 v38, v42;
	v3 =	vadd.f32 v44, v3  }
0xc2: {  	v53 =	vld [tilespmem:s0+$0x1F0];
	v51 =	vmul.f32 v40, v47;
	v52 =	vbroadcast v1, $0xE;
	v2 =	vadd.f32 v46, v2  }
0xc3: {  	v55 =	vld [tilespmem:s0+$0x200];
	v54 =	vmul.f32 v43, v47;
	v3 =	vadd.f32 v49, v3  }
0xc4: {  	v1 =	vbroadcast v1, $0xF;
	v56 =	vmul.f32 v45, v52;
	v57 =	vld [tilespmem:s0+$0x210];
	v2 =	vadd.f32 v51, v2  }
0xc5: {  	v58 =	vmul.f32 v48, v52;
	v59 =	vld [tilespmem:s0+$0x220];
	v3 =	vadd.f32 v54, v3  }
0xc6: {  	v61 =	vbroadcast v0, $0x0;
	v60 =	vmul.f32 v50, v1;
	v62 =	vld [tilespmem:s0+$0x230];
	v2 =	vadd.f32 v56, v2  }
0xc7: {  	v63 =	vld [tilespmem:s0+$0x240];
	v1 =	vmul.f32 v53, v1;
	v3 =	vadd.f32 v58, v3  }
0xc8: {  	v14 =	vld [tilespmem:s0+$0x250];
	v13 =	vbroadcast v0, $0x1;
	v12 =	vmul.f32 v55, v61;
	v2 =	vadd.f32 v60, v2  }
0xc9: {  	v16 =	vld [tilespmem:s0+$0x260];
	v15 =	vmul.f32 v57, v61;
	v1 =	vadd.f32 v1, v3  }
0xca: {  	v18 =	vbroadcast v0, $0x2;
	v19 =	vld [tilespmem:s0+$0x270];
	v17 =	vmul.f32 v59, v13;
	v2 =	vadd.f32 v12, v2  }
0xcb: {  	v20 =	vmul.f32 v62, v13;
	v1 =	vadd.f32 v15, v1  }
0xcc: {  	v0 =	vbroadcast v0, $0x3;
	v21 =	vmul.f32 v63, v18;
	v2 =	vadd.f32 v17, v2  }
0xcd: {  	v22 =	vmul.f32 v14, v18;
	v1 =	vadd.f32 v20, v1  }
0xce: {  	v23 =	vmul.f32 v16, v0;
	v2 =	vadd.f32 v21, v2  }
0xcf: {  	v0 =	vmul.f32 v19, v0;
	v1 =	vadd.f32 v22, v1  }
0xd0: {  	v2 =	vadd.f32 v23, v2  }
0xd1: {  	v0 =	vadd.f32 v0, v1  }
0xd2: {  	[tilespmem:s31+$0x0] =	vst v2  }
0xd3: {  	[tilespmem:s31+$0x10] =	vst v0  }
0xd4: {  	v1 =	vld [tilespmem:s3+$0x20]  }
0xd5: {  	v0 =	vld [tilespmem:s3+$0x30]  }
0xd6: {  	v2 =	vld [tilespmem:s0+$0x280]  }
0xd7: {  	v24 =	vld [tilespmem:s0+$0x290]  }
0xd8: {  	v25 =	vld [tilespmem:s0+$0x2A0]  }
0xd9: {  	v26 =	vld [tilespmem:s0+$0x2B0]  }
0xda: {  	v28 =	vld [tilespmem:s0+$0x2C0]  }
0xdb: {  	v30 =	vld [tilespmem:s0+$0x2D0];
	v27 =	vbroadcast v1, $0x0;
	v29 =	vbroadcast v1, $0x1  }
0xdc: {  	v31 =	vld [tilespmem:s0+$0x2E0];
	v32 =	vbroadcast v1, $0x2  }
0xdd: {  	v33 =	vld [tilespmem:s0+$0x2F0];
	v2 =	vmul.f32 v2, v27;
	v4 =	vmul.f32 v25, v29  }
0xde: {  	v34 =	vld [tilespmem:s0+$0x300];
	v3 =	vmul.f32 v24, v27;
	v5 =	vmul.f32 v26, v29  }
0xdf: {  	v37 =	vld [tilespmem:s0+$0x310];
	v36 =	vbroadcast v1, $0x3;
	v35 =	vmul.f32 v28, v32;
	v2 =	vadd.f32 v4, v2  }
0xe0: {  	v39 =	vld [tilespmem:s0+$0x320];
	v38 =	vmul.f32 v30, v32;
	v3 =	vadd.f32 v5, v3  }
0xe1: {  	v42 =	vld [tilespmem:s0+$0x330];
	v41 =	vbroadcast v1, $0x4;
	v40 =	vmul.f32 v31, v36;
	v2 =	vadd.f32 v35, v2  }
0xe2: {  	v44 =	vld [tilespmem:s0+$0x340];
	v43 =	vmul.f32 v33, v36;
	v3 =	vadd.f32 v38, v3  }
0xe3: {  	v47 =	vld [tilespmem:s0+$0x350];
	v46 =	vbroadcast v1, $0x5;
	v45 =	vmul.f32 v34, v41;
	v2 =	vadd.f32 v40, v2  }
0xe4: {  	v49 =	vld [tilespmem:s0+$0x360];
	v48 =	vmul.f32 v37, v41;
	v3 =	vadd.f32 v43, v3  }
0xe5: {  	v52 =	vld [tilespmem:s0+$0x370];
	v51 =	vbroadcast v1, $0x6;
	v50 =	vmul.f32 v39, v46;
	v2 =	vadd.f32 v45, v2  }
0xe6: {  	v54 =	vld [tilespmem:s0+$0x380];
	v53 =	vmul.f32 v42, v46;
	v3 =	vadd.f32 v48, v3  }
0xe7: {  	v57 =	vld [tilespmem:s0+$0x390];
	v56 =	vbroadcast v1, $0x7;
	v55 =	vmul.f32 v44, v51;
	v2 =	vadd.f32 v50, v2  }
0xe8: {  	v59 =	vld [tilespmem:s0+$0x3A0];
	v58 =	vmul.f32 v47, v51;
	v3 =	vadd.f32 v53, v3  }
0xe9: {  	v62 =	vld [tilespmem:s0+$0x3B0];
	v61 =	vbroadcast v1, $0x8;
	v60 =	vmul.f32 v49, v56;
	v2 =	vadd.f32 v55, v2  }
0xea: {  	v13 =	vld [tilespmem:s0+$0x3C0];
	v63 =	vmul.f32 v52, v56;
	v3 =	vadd.f32 v58, v3  }
0xeb: {  	v16 =	vld [tilespmem:s0+$0x3D0];
	v15 =	vbroadcast v1, $0x9;
	v14 =	vmul.f32 v54, v61;
	v2 =	vadd.f32 v60, v2  }
0xec: {  	v18 =	vld [tilespmem:s0+$0x3E0];
	v17 =	vmul.f32 v57, v61;
	v3 =	vadd.f32 v63, v3  }
0xed: {  	v21 =	vld [tilespmem:s0+$0x3F0];
	v20 =	vbroadcast v1, $0xA;
	v19 =	vmul.f32 v59, v15;
	v2 =	vadd.f32 v14, v2  }
0xee: {  	v23 =	vld [tilespmem:s0+$0x400];
	v22 =	vmul.f32 v62, v15;
	v3 =	vadd.f32 v17, v3  }
0xef: {  	v24 =	vmul.f32 v13, v20;
	v25 =	vbroadcast v1, $0xB;
	v26 =	vld [tilespmem:s0+$0x410];
	v2 =	vadd.f32 v19, v2  }
0xf0: {  	v27 =	vmul.f32 v16, v20;
	v28 =	vld [tilespmem:s0+$0x420];
	v3 =	vadd.f32 v22, v3  }
0xf1: {  	v30 =	vbroadcast v1, $0xC;
	v31 =	vld [tilespmem:s0+$0x430];
	v29 =	vmul.f32 v18, v25;
	v2 =	vadd.f32 v24, v2  }
0xf2: {  	v33 =	vld [tilespmem:s0+$0x440];
	v32 =	vmul.f32 v21, v25;
	v3 =	vadd.f32 v27, v3  }
0xf3: {  	v36 =	vld [tilespmem:s0+$0x450];
	v34 =	vmul.f32 v23, v30;
	v35 =	vbroadcast v1, $0xD;
	v2 =	vadd.f32 v29, v2  }
0xf4: {  	v38 =	vld [tilespmem:s0+$0x460];
	v37 =	vmul.f32 v26, v30;
	v3 =	vadd.f32 v32, v3  }
0xf5: {  	v41 =	vld [tilespmem:s0+$0x470];
	v39 =	vmul.f32 v28, v35;
	v40 =	vbroadcast v1, $0xE;
	v2 =	vadd.f32 v34, v2  }
0xf6: {  	v42 =	vmul.f32 v31, v35;
	v43 =	vld [tilespmem:s0+$0x480];
	v3 =	vadd.f32 v37, v3  }
0xf7: {  	v1 =	vbroadcast v1, $0xF;
	v44 =	vmul.f32 v33, v40;
	v45 =	vld [tilespmem:s0+$0x490];
	v2 =	vadd.f32 v39, v2  }
0xf8: {  	v47 =	vld [tilespmem:s0+$0x4A0];
	v46 =	vmul.f32 v36, v40;
	v3 =	vadd.f32 v42, v3  }
0xf9: {  	v49 =	vbroadcast v0, $0x0;
	v48 =	vmul.f32 v38, v1;
	v50 =	vld [tilespmem:s0+$0x4B0];
	v2 =	vadd.f32 v44, v2  }
0xfa: {  	v51 =	vld [tilespmem:s0+$0x4C0];
	v1 =	vmul.f32 v41, v1;
	v3 =	vadd.f32 v46, v3  }
0xfb: {  	v54 =	vld [tilespmem:s0+$0x4D0];
	v53 =	vbroadcast v0, $0x1;
	v52 =	vmul.f32 v43, v49;
	v2 =	vadd.f32 v48, v2  }
0xfc: {  	v56 =	vld [tilespmem:s0+$0x4E0];
	v55 =	vmul.f32 v45, v49;
	v1 =	vadd.f32 v1, v3  }
0xfd: {  	v59 =	vld [tilespmem:s0+$0x4F0];
	v57 =	vmul.f32 v47, v53;
	v58 =	vbroadcast v0, $0x2;
	v2 =	vadd.f32 v52, v2  }
0xfe: {  	v60 =	vmul.f32 v50, v53;
	v1 =	vadd.f32 v55, v1  }
0xff: {  	v0 =	vbroadcast v0, $0x3;
	v61 =	vmul.f32 v51, v58;
	v2 =	vadd.f32 v57, v2  }
0x100: {  	s30 =	sadd.s32 $0x4, s30;
	v62 =	vmul.f32 v54, v58;
	v1 =	vadd.f32 v60, v1  }
0x101: {  	p4 =	slt.u32 s30, $0x1C;
	v63 =	vmul.f32 v56, v0;
	v2 =	vadd.f32 v61, v2  }
.Ltmp4:
0x102: {  	v0 =	vmul.f32 v59, v0;
	v1 =	vadd.f32 v62, v1;
	(pc) =	sbr.rel @p4 .LBB2_3-.Ltmp4, $4  }
0x103: {  	v2 =	vadd.f32 v63, v2  }
0x104: {  	v0 =	vadd.f32 v0, v1  }
0x105: {  	[tilespmem:s31+$0x20] =	vst v2  }
0x106: {  	s3 =	sadd.s32 $0x80, s3;
	s0 =	sadd.s32 $0xA00, s0;
	[tilespmem:s31+$0x30] =	vst v0;
	s31 =	sadd.s32 $0x80, s31  }
0x107: {  	s0 =	sshll.u32 s28, $0x7  }
0x108: {  	s0 =	sadd.s32 s7, s0  }
0x109: {  	[hbm4b:s0+s5] =	stream.linear.scatter [tilespmem:s20], [sflag:$0x7], $0x400, $0x38;
	[tilespmem:$0xB500] =	vst v63  }
0x10a: {  	s0 =	simm.s32 @!p3 $0x1  }
0x10b: {  	_ =	swait.ge @!p3 [sflag:s0], $0x280  }
0x10c: {  	s3 =	simm.s32 @!p3 $0x0;
	[sflag:s0] =	ssyncset.done @!p3 $0x0  }
0x10d: {  	s28 =	simm.s32 @!p3 $0xD00;
	[sflag:s0] =	ssyncadd.s32 @!p3 $0xFFFFFD80;
	s0 =	simm.s32 @!p3 $0x280  }
0x10e: {  	[tilespmem:s28], [sflag:$0x3] =	stream.indirect.gather @!p3 [hbm4b:s4+s0], $0x20, s3, s0, $0xb8;
	[tilespmem:$0xB500] =	vst v63  }
0x10f: {  	s0 =	sshll.u32 @!p3 s29, $0x7  }
0x110: {  	s28 =	simm.s32 @!p3 $0x500;
	s0 =	sadd.s32 @!p3 s2, s0  }
0x111: {  	[tilespmem:s28], [sflag:$0x5] =	stream.linear.gather @!p3 [hbm4b:s0+s3], $0x400, $0x38;
	[tilespmem:$0xB500] =	vst v63  }
0x112: {  	s0 =	simm.s32 @!p1 $0x4  }
0x113: {  	_ =	swait.ge @!p1 [sflag:s0], $0x5000  }
0x114: {  	s3 =	sadd.s32 s12, s26;
	[sflag:s0] =	ssyncset.done @!p1 $0x0  }
0x115: {  	p3 =	sgt.u32 s3, $0xC34;
	[sflag:s0] =	ssyncadd.s32 @!p1 $0xFFFFB000;
	s0 =	simm.s32 @!p1 $0x6  }
0x116: {  	s3 =	smul.u32 @!p3 $0x50, s3;
	_ =	swait.ge @!p1 [sflag:s0], $0x400  }
0x117: {  	s26 =	simm.s32 @!p3 $0x280;
	[sflag:s0] =	ssyncset.done @!p1 $0x0  }
0x118: {  	[sflag:s0] =	ssyncadd.s32 @!p1 $0xFFFFFC00;
	s0 =	sadd.s32 @!p3 s1, s3;
	s3 =	simm.s32 @!p3 $0x0  }
0x119: {  	[tilespmem:s26], [sflag:$0x2] =	stream.linear.gather @!p3 [hbm4b:s0+s3], $0x280, $0x38;
	[tilespmem:$0xB500] =	vst v63  }
.Ltmp5:
0x11a: {  	_ = 	snop;
	(pc) =	sbr.rel @p1 .LBB2_8-.Ltmp5, $4  }
0x11b: {  	s0 =	simm.s32 @!p2 $0x8  }
0x11c: {  	_ =	swait.ge @!p2 [sflag:s0], $0x400  }
0x11d: {  	[sflag:s0] =	ssyncset.done @!p2 $0x0  }
0x11e: {  	[sflag:s0] =	ssyncadd.s32 @!p2 $0xFFFFFC00  }
0x11f: {  	s26 =	simm.s32 $0xFFFFFFFC  }
0x120: {  	s28 =	simm.s32 $0x66F0;
	s3 =	simm.s32 $0xB170;
	s0 =	simm.s32 $0x970  }
.LBB2_6:
0x121: {  	v1 =	vld [tilespmem:s0+$0xFFFFFF90]  }
0x122: {  	v0 =	vld [tilespmem:s0+$0xFFFFFFA0]  }
0x123: {  	v2 =	vld [tilespmem:s28+$0xFFFFF610]  }
0x124: {  	v3 =	vld [tilespmem:s28+$0xFFFFF620]  }
0x125: {  	v4 =	vld [tilespmem:s28+$0xFFFFF630]  }
0x126: {  	v5 =	vld [tilespmem:s28+$0xFFFFF640]  }
0x127: {  	v7 =	vld [tilespmem:s28+$0xFFFFF650]  }
0x128: {  	v9 =	vld [tilespmem:s28+$0xFFFFF660];
	v6 =	vbroadcast v1, $0x0;
	v8 =	vbroadcast v1, $0x1  }
0x129: {  	v10 =	vld [tilespmem:s28+$0xFFFFF670];
	v11 =	vbroadcast v1, $0x2  }
0x12a: {  	v12 =	vld [tilespmem:s28+$0xFFFFF680];
	v2 =	vmul.f32 v2, v6;
	v4 =	vmul.f32 v4, v8  }
0x12b: {  	v56 =	vld [tilespmem:s28+$0xFFFFF690];
	v3 =	vmul.f32 v3, v6;
	v5 =	vmul.f32 v5, v8  }
0x12c: {  	v59 =	vld [tilespmem:s28+$0xFFFFF6A0];
	v58 =	vbroadcast v1, $0x3;
	v57 =	vmul.f32 v7, v11;
	v2 =	vadd.f32 v4, v2  }
0x12d: {  	v61 =	vld [tilespmem:s28+$0xFFFFF6B0];
	v60 =	vmul.f32 v9, v11;
	v3 =	vadd.f32 v5, v3  }
0x12e: {  	v16 =	vld [tilespmem:s28+$0xFFFFF6C0];
	v63 =	vbroadcast v1, $0x4;
	v62 =	vmul.f32 v10, v58;
	v2 =	vadd.f32 v57, v2  }
0x12f: {  	v18 =	vld [tilespmem:s28+$0xFFFFF6D0];
	v17 =	vmul.f32 v12, v58;
	v3 =	vadd.f32 v60, v3  }
0x130: {  	v21 =	vld [tilespmem:s28+$0xFFFFF6E0];
	v20 =	vbroadcast v1, $0x5;
	v19 =	vmul.f32 v56, v63;
	v2 =	vadd.f32 v62, v2  }
0x131: {  	v23 =	vld [tilespmem:s28+$0xFFFFF6F0];
	v22 =	vmul.f32 v59, v63;
	v3 =	vadd.f32 v17, v3  }
0x132: {  	v26 =	vld [tilespmem:s28+$0xFFFFF700];
	v25 =	vbroadcast v1, $0x6;
	v24 =	vmul.f32 v61, v20;
	v2 =	vadd.f32 v19, v2  }
0x133: {  	v28 =	vld [tilespmem:s28+$0xFFFFF710];
	v27 =	vmul.f32 v16, v20;
	v3 =	vadd.f32 v22, v3  }
0x134: {  	v31 =	vld [tilespmem:s28+$0xFFFFF720];
	v30 =	vbroadcast v1, $0x7;
	v29 =	vmul.f32 v18, v25;
	v2 =	vadd.f32 v24, v2  }
0x135: {  	v33 =	vld [tilespmem:s28+$0xFFFFF730];
	v32 =	vmul.f32 v21, v25;
	v3 =	vadd.f32 v27, v3  }
0x136: {  	v36 =	vld [tilespmem:s28+$0xFFFFF740];
	v35 =	vbroadcast v1, $0x8;
	v34 =	vmul.f32 v23, v30;
	v2 =	vadd.f32 v29, v2  }
0x137: {  	v38 =	vld [tilespmem:s28+$0xFFFFF750];
	v37 =	vmul.f32 v26, v30;
	v3 =	vadd.f32 v32, v3  }
0x138: {  	v41 =	vld [tilespmem:s28+$0xFFFFF760];
	v40 =	vbroadcast v1, $0x9;
	v39 =	vmul.f32 v28, v35;
	v2 =	vadd.f32 v34, v2  }
0x139: {  	v43 =	vld [tilespmem:s28+$0xFFFFF770];
	v42 =	vmul.f32 v31, v35;
	v3 =	vadd.f32 v37, v3  }
0x13a: {  	v46 =	vld [tilespmem:s28+$0xFFFFF780];
	v45 =	vbroadcast v1, $0xA;
	v44 =	vmul.f32 v33, v40;
	v2 =	vadd.f32 v39, v2  }
0x13b: {  	v48 =	vld [tilespmem:s28+$0xFFFFF790];
	v47 =	vmul.f32 v36, v40;
	v3 =	vadd.f32 v42, v3  }
0x13c: {  	v51 =	vld [tilespmem:s28+$0xFFFFF7A0];
	v50 =	vbroadcast v1, $0xB;
	v49 =	vmul.f32 v38, v45;
	v2 =	vadd.f32 v44, v2  }
0x13d: {  	v53 =	vld [tilespmem:s28+$0xFFFFF7B0];
	v52 =	vmul.f32 v41, v45;
	v3 =	vadd.f32 v47, v3  }
0x13e: {  	v55 =	vbroadcast v1, $0xC;
	v54 =	vmul.f32 v43, v50;
	v56 =	vld [tilespmem:s28+$0xFFFFF7C0];
	v2 =	vadd.f32 v49, v2  }
0x13f: {  	v58 =	vld [tilespmem:s28+$0xFFFFF7D0];
	v57 =	vmul.f32 v46, v50;
	v3 =	vadd.f32 v52, v3  }
0x140: {  	v59 =	vmul.f32 v48, v55;
	v61 =	vld [tilespmem:s28+$0xFFFFF7E0];
	v60 =	vbroadcast v1, $0xD;
	v2 =	vadd.f32 v54, v2  }
0x141: {  	v63 =	vld [tilespmem:s28+$0xFFFFF7F0];
	v62 =	vmul.f32 v51, v55;
	v3 =	vadd.f32 v57, v3  }
0x142: {  	v18 =	vld [tilespmem:s28+$0xFFFFF800];
	v16 =	vmul.f32 v53, v60;
	v17 =	vbroadcast v1, $0xE;
	v2 =	vadd.f32 v59, v2  }
0x143: {  	v20 =	vld [tilespmem:s28+$0xFFFFF810];
	v19 =	vmul.f32 v56, v60;
	v3 =	vadd.f32 v62, v3  }
0x144: {  	v1 =	vbroadcast v1, $0xF;
	v21 =	vmul.f32 v58, v17;
	v22 =	vld [tilespmem:s28+$0xFFFFF820];
	v2 =	vadd.f32 v16, v2  }
0x145: {  	v23 =	vmul.f32 v61, v17;
	v24 =	vld [tilespmem:s28+$0xFFFFF830];
	v3 =	vadd.f32 v19, v3  }
0x146: {  	v26 =	vbroadcast v0, $0x0;
	v25 =	vmul.f32 v63, v1;
	v27 =	vld [tilespmem:s28+$0xFFFFF840];
	v2 =	vadd.f32 v21, v2  }
0x147: {  	v28 =	vld [tilespmem:s28+$0xFFFFF850];
	v1 =	vmul.f32 v18, v1;
	v3 =	vadd.f32 v23, v3  }
0x148: {  	v30 =	vbroadcast v0, $0x1;
	v31 =	vld [tilespmem:s28+$0xFFFFF860];
	v29 =	vmul.f32 v20, v26;
	v2 =	vadd.f32 v25, v2  }
0x149: {  	v33 =	vld [tilespmem:s28+$0xFFFFF870];
	v32 =	vmul.f32 v22, v26;
	v1 =	vadd.f32 v1, v3  }
0x14a: {  	v35 =	vbroadcast v0, $0x2;
	v36 =	vld [tilespmem:s28+$0xFFFFF880];
	v34 =	vmul.f32 v24, v30;
	v2 =	vadd.f32 v29, v2  }
0x14b: {  	v37 =	vmul.f32 v27, v30;
	v1 =	vadd.f32 v32, v1  }
0x14c: {  	v0 =	vbroadcast v0, $0x3;
	v38 =	vmul.f32 v28, v35;
	v2 =	vadd.f32 v34, v2  }
0x14d: {  	v39 =	vmul.f32 v31, v35;
	v1 =	vadd.f32 v37, v1  }
0x14e: {  	v40 =	vmul.f32 v33, v0;
	v2 =	vadd.f32 v38, v2  }
0x14f: {  	v0 =	vmul.f32 v36, v0;
	v1 =	vadd.f32 v39, v1  }
0x150: {  	v2 =	vadd.f32 v40, v2  }
0x151: {  	v0 =	vadd.f32 v0, v1  }
0x152: {  	[tilespmem:s3+$0xFFFFFF90] =	vst v2  }
0x153: {  	[tilespmem:s3+$0xFFFFFFA0] =	vst v0  }
0x154: {  	v1 =	vld [tilespmem:s0+$0xFFFFFFB0]  }
0x155: {  	v0 =	vld [tilespmem:s0+$0xFFFFFFC0]  }
0x156: {  	v2 =	vld [tilespmem:s28+$0xFFFFF890]  }
0x157: {  	v41 =	vld [tilespmem:s28+$0xFFFFF8A0]  }
0x158: {  	v42 =	vld [tilespmem:s28+$0xFFFFF8B0]  }
0x159: {  	v43 =	vld [tilespmem:s28+$0xFFFFF8C0]  }
0x15a: {  	v45 =	vld [tilespmem:s28+$0xFFFFF8D0]  }
0x15b: {  	v47 =	vld [tilespmem:s28+$0xFFFFF8E0];
	v44 =	vbroadcast v1, $0x0;
	v46 =	vbroadcast v1, $0x1  }
0x15c: {  	v48 =	vld [tilespmem:s28+$0xFFFFF8F0];
	v49 =	vbroadcast v1, $0x2  }
0x15d: {  	v50 =	vld [tilespmem:s28+$0xFFFFF900];
	v2 =	vmul.f32 v2, v44;
	v4 =	vmul.f32 v42, v46  }
0x15e: {  	v51 =	vld [tilespmem:s28+$0xFFFFF910];
	v3 =	vmul.f32 v41, v44;
	v5 =	vmul.f32 v43, v46  }
0x15f: {  	v54 =	vld [tilespmem:s28+$0xFFFFF920];
	v53 =	vbroadcast v1, $0x3;
	v52 =	vmul.f32 v45, v49;
	v2 =	vadd.f32 v4, v2  }
0x160: {  	v56 =	vld [tilespmem:s28+$0xFFFFF930];
	v55 =	vmul.f32 v47, v49;
	v3 =	vadd.f32 v5, v3  }
0x161: {  	v59 =	vld [tilespmem:s28+$0xFFFFF940];
	v58 =	vbroadcast v1, $0x4;
	v57 =	vmul.f32 v48, v53;
	v2 =	vadd.f32 v52, v2  }
0x162: {  	v61 =	vld [tilespmem:s28+$0xFFFFF950];
	v60 =	vmul.f32 v50, v53;
	v3 =	vadd.f32 v55, v3  }
0x163: {  	v16 =	vld [tilespmem:s28+$0xFFFFF960];
	v63 =	vbroadcast v1, $0x5;
	v62 =	vmul.f32 v51, v58;
	v2 =	vadd.f32 v57, v2  }
0x164: {  	v18 =	vld [tilespmem:s28+$0xFFFFF970];
	v17 =	vmul.f32 v54, v58;
	v3 =	vadd.f32 v60, v3  }
0x165: {  	v21 =	vld [tilespmem:s28+$0xFFFFF980];
	v20 =	vbroadcast v1, $0x6;
	v19 =	vmul.f32 v56, v63;
	v2 =	vadd.f32 v62, v2  }
0x166: {  	v23 =	vld [tilespmem:s28+$0xFFFFF990];
	v22 =	vmul.f32 v59, v63;
	v3 =	vadd.f32 v17, v3  }
0x167: {  	v26 =	vld [tilespmem:s28+$0xFFFFF9A0];
	v25 =	vbroadcast v1, $0x7;
	v24 =	vmul.f32 v61, v20;
	v2 =	vadd.f32 v19, v2  }
0x168: {  	v28 =	vld [tilespmem:s28+$0xFFFFF9B0];
	v27 =	vmul.f32 v16, v20;
	v3 =	vadd.f32 v22, v3  }
0x169: {  	v31 =	vld [tilespmem:s28+$0xFFFFF9C0];
	v30 =	vbroadcast v1, $0x8;
	v29 =	vmul.f32 v18, v25;
	v2 =	vadd.f32 v24, v2  }
0x16a: {  	v33 =	vld [tilespmem:s28+$0xFFFFF9D0];
	v32 =	vmul.f32 v21, v25;
	v3 =	vadd.f32 v27, v3  }
0x16b: {  	v36 =	vld [tilespmem:s28+$0xFFFFF9E0];
	v35 =	vbroadcast v1, $0x9;
	v34 =	vmul.f32 v23, v30;
	v2 =	vadd.f32 v29, v2  }
0x16c: {  	v38 =	vld [tilespmem:s28+$0xFFFFF9F0];
	v37 =	vmul.f32 v26, v30;
	v3 =	vadd.f32 v32, v3  }
0x16d: {  	v40 =	vbroadcast v1, $0xA;
	v39 =	vmul.f32 v28, v35;
	v41 =	vld [tilespmem:s28+$0xFFFFFA00];
	v2 =	vadd.f32 v34, v2  }
0x16e: {  	v42 =	vmul.f32 v31, v35;
	v43 =	vld [tilespmem:s28+$0xFFFFFA10];
	v3 =	vadd.f32 v37, v3  }
0x16f: {  	v44 =	vmul.f32 v33, v40;
	v45 =	vbroadcast v1, $0xB;
	v46 =	vld [tilespmem:s28+$0xFFFFFA20];
	v2 =	vadd.f32 v39, v2  }
0x170: {  	v47 =	vmul.f32 v36, v40;
	v48 =	vld [tilespmem:s28+$0xFFFFFA30];
	v3 =	vadd.f32 v42, v3  }
0x171: {  	v50 =	vbroadcast v1, $0xC;
	v51 =	vld [tilespmem:s28+$0xFFFFFA40];
	v49 =	vmul.f32 v38, v45;
	v2 =	vadd.f32 v44, v2  }
0x172: {  	v53 =	vld [tilespmem:s28+$0xFFFFFA50];
	v52 =	vmul.f32 v41, v45;
	v3 =	vadd.f32 v47, v3  }
0x173: {  	v56 =	vld [tilespmem:s28+$0xFFFFFA60];
	v55 =	vbroadcast v1, $0xD;
	v54 =	vmul.f32 v43, v50;
	v2 =	vadd.f32 v49, v2  }
0x174: {  	v58 =	vld [tilespmem:s28+$0xFFFFFA70];
	v57 =	vmul.f32 v46, v50;
	v3 =	vadd.f32 v52, v3  }
0x175: {  	v61 =	vld [tilespmem:s28+$0xFFFFFA80];
	v59 =	vmul.f32 v48, v55;
	v60 =	vbroadcast v1, $0xE;
	v2 =	vadd.f32 v54, v2  }
0x176: {  	v63 =	vld [tilespmem:s28+$0xFFFFFA90];
	v62 =	vmul.f32 v51, v55;
	v3 =	vadd.f32 v57, v3  }
0x177: {  	v14 =	vld [tilespmem:s28+$0xFFFFFAA0];
	v1 =	vbroadcast v1, $0xF;
	v13 =	vmul.f32 v53, v60;
	v2 =	vadd.f32 v59, v2  }
0x178: {  	v16 =	vld [tilespmem:s28+$0xFFFFFAB0];
	v15 =	vmul.f32 v56, v60;
	v3 =	vadd.f32 v62, v3  }
0x179: {  	v18 =	vbroadcast v0, $0x0;
	v17 =	vmul.f32 v58, v1;
	v19 =	vld [tilespmem:s28+$0xFFFFFAC0];
	v2 =	vadd.f32 v13, v2  }
0x17a: {  	v20 =	vld [tilespmem:s28+$0xFFFFFAD0];
	v1 =	vmul.f32 v61, v1;
	v3 =	vadd.f32 v15, v3  }
0x17b: {  	v23 =	vld [tilespmem:s28+$0xFFFFFAE0];
	v21 =	vmul.f32 v63, v18;
	v22 =	vbroadcast v0, $0x1;
	v2 =	vadd.f32 v17, v2  }
0x17c: {  	v25 =	vld [tilespmem:s28+$0xFFFFFAF0];
	v24 =	vmul.f32 v14, v18;
	v1 =	vadd.f32 v1, v3  }
0x17d: {  	v28 =	vld [tilespmem:s28+$0xFFFFFB00];
	v26 =	vmul.f32 v16, v22;
	v27 =	vbroadcast v0, $0x2;
	v2 =	vadd.f32 v21, v2  }
0x17e: {  	v29 =	vmul.f32 v19, v22;
	v1 =	vadd.f32 v24, v1  }
0x17f: {  	v0 =	vbroadcast v0, $0x3;
	v30 =	vmul.f32 v20, v27;
	v2 =	vadd.f32 v26, v2  }
0x180: {  	v31 =	vmul.f32 v23, v27;
	v1 =	vadd.f32 v29, v1  }
0x181: {  	v32 =	vmul.f32 v25, v0;
	v2 =	vadd.f32 v30, v2  }
0x182: {  	v0 =	vmul.f32 v28, v0;
	v1 =	vadd.f32 v31, v1  }
0x183: {  	v2 =	vadd.f32 v32, v2  }
0x184: {  	v0 =	vadd.f32 v0, v1  }
0x185: {  	[tilespmem:s3+$0xFFFFFFB0] =	vst v2  }
0x186: {  	[tilespmem:s3+$0xFFFFFFC0] =	vst v0  }
0x187: {  	v1 =	vld [tilespmem:s0+$0xFFFFFFD0]  }
0x188: {  	v0 =	vld [tilespmem:s0+$0xFFFFFFE0]  }
0x189: {  	v2 =	vld [tilespmem:s28+$0xFFFFFB10]  }
0x18a: {  	v33 =	vld [tilespmem:s28+$0xFFFFFB20]  }
0x18b: {  	v34 =	vld [tilespmem:s28+$0xFFFFFB30]  }
0x18c: {  	v35 =	vld [tilespmem:s28+$0xFFFFFB40]  }
0x18d: {  	v37 =	vld [tilespmem:s28+$0xFFFFFB50]  }
0x18e: {  	v39 =	vld [tilespmem:s28+$0xFFFFFB60];
	v36 =	vbroadcast v1, $0x0;
	v38 =	vbroadcast v1, $0x1  }
0x18f: {  	v40 =	vld [tilespmem:s28+$0xFFFFFB70];
	v41 =	vbroadcast v1, $0x2  }
0x190: {  	v42 =	vld [tilespmem:s28+$0xFFFFFB80];
	v2 =	vmul.f32 v2, v36;
	v4 =	vmul.f32 v34, v38  }
0x191: {  	v43 =	vld [tilespmem:s28+$0xFFFFFB90];
	v3 =	vmul.f32 v33, v36;
	v5 =	vmul.f32 v35, v38  }
0x192: {  	v46 =	vld [tilespmem:s28+$0xFFFFFBA0];
	v45 =	vbroadcast v1, $0x3;
	v44 =	vmul.f32 v37, v41;
	v2 =	vadd.f32 v4, v2  }
0x193: {  	v48 =	vld [tilespmem:s28+$0xFFFFFBB0];
	v47 =	vmul.f32 v39, v41;
	v3 =	vadd.f32 v5, v3  }
0x194: {  	v51 =	vld [tilespmem:s28+$0xFFFFFBC0];
	v50 =	vbroadcast v1, $0x4;
	v49 =	vmul.f32 v40, v45;
	v2 =	vadd.f32 v44, v2  }
0x195: {  	v53 =	vld [tilespmem:s28+$0xFFFFFBD0];
	v52 =	vmul.f32 v42, v45;
	v3 =	vadd.f32 v47, v3  }
0x196: {  	v56 =	vld [tilespmem:s28+$0xFFFFFBE0];
	v55 =	vbroadcast v1, $0x5;
	v54 =	vmul.f32 v43, v50;
	v2 =	vadd.f32 v49, v2  }
0x197: {  	v58 =	vld [tilespmem:s28+$0xFFFFFBF0];
	v57 =	vmul.f32 v46, v50;
	v3 =	vadd.f32 v52, v3  }
0x198: {  	v61 =	vld [tilespmem:s28+$0xFFFFFC00];
	v60 =	vbroadcast v1, $0x6;
	v59 =	vmul.f32 v48, v55;
	v2 =	vadd.f32 v54, v2  }
0x199: {  	v63 =	vld [tilespmem:s28+$0xFFFFFC10];
	v62 =	vmul.f32 v51, v55;
	v3 =	vadd.f32 v57, v3  }
0x19a: {  	v18 =	vld [tilespmem:s28+$0xFFFFFC20];
	v17 =	vbroadcast v1, $0x7;
	v16 =	vmul.f32 v53, v60;
	v2 =	vadd.f32 v59, v2  }
0x19b: {  	v20 =	vld [tilespmem:s28+$0xFFFFFC30];
	v19 =	vmul.f32 v56, v60;
	v3 =	vadd.f32 v62, v3  }
0x19c: {  	v23 =	vld [tilespmem:s28+$0xFFFFFC40];
	v22 =	vbroadcast v1, $0x8;
	v21 =	vmul.f32 v58, v17;
	v2 =	vadd.f32 v16, v2  }
0x19d: {  	v25 =	vld [tilespmem:s28+$0xFFFFFC50];
	v24 =	vmul.f32 v61, v17;
	v3 =	vadd.f32 v19, v3  }
0x19e: {  	v28 =	vld [tilespmem:s28+$0xFFFFFC60];
	v27 =	vbroadcast v1, $0x9;
	v26 =	vmul.f32 v63, v22;
	v2 =	vadd.f32 v21, v2  }
0x19f: {  	v30 =	vld [tilespmem:s28+$0xFFFFFC70];
	v29 =	vmul.f32 v18, v22;
	v3 =	vadd.f32 v24, v3  }
0x1a0: {  	v32 =	vbroadcast v1, $0xA;
	v31 =	vmul.f32 v20, v27;
	v33 =	vld [tilespmem:s28+$0xFFFFFC80];
	v2 =	vadd.f32 v26, v2  }
0x1a1: {  	v34 =	vmul.f32 v23, v27;
	v35 =	vld [tilespmem:s28+$0xFFFFFC90];
	v3 =	vadd.f32 v29, v3  }
0x1a2: {  	v36 =	vmul.f32 v25, v32;
	v37 =	vbroadcast v1, $0xB;
	v38 =	vld [tilespmem:s28+$0xFFFFFCA0];
	v2 =	vadd.f32 v31, v2  }
0x1a3: {  	v39 =	vmul.f32 v28, v32;
	v40 =	vld [tilespmem:s28+$0xFFFFFCB0];
	v3 =	vadd.f32 v34, v3  }
0x1a4: {  	v42 =	vbroadcast v1, $0xC;
	v43 =	vld [tilespmem:s28+$0xFFFFFCC0];
	v41 =	vmul.f32 v30, v37;
	v2 =	vadd.f32 v36, v2  }
0x1a5: {  	v45 =	vld [tilespmem:s28+$0xFFFFFCD0];
	v44 =	vmul.f32 v33, v37;
	v3 =	vadd.f32 v39, v3  }
0x1a6: {  	v48 =	vld [tilespmem:s28+$0xFFFFFCE0];
	v47 =	vbroadcast v1, $0xD;
	v46 =	vmul.f32 v35, v42;
	v2 =	vadd.f32 v41, v2  }
0x1a7: {  	v50 =	vld [tilespmem:s28+$0xFFFFFCF0];
	v49 =	vmul.f32 v38, v42;
	v3 =	vadd.f32 v44, v3  }
0x1a8: {  	v53 =	vld [tilespmem:s28+$0xFFFFFD00];
	v51 =	vmul.f32 v40, v47;
	v52 =	vbroadcast v1, $0xE;
	v2 =	vadd.f32 v46, v2  }
0x1a9: {  	v55 =	vld [tilespmem:s28+$0xFFFFFD10];
	v54 =	vmul.f32 v43, v47;
	v3 =	vadd.f32 v49, v3  }
0x1aa: {  	v1 =	vbroadcast v1, $0xF;
	v56 =	vmul.f32 v45, v52;
	v57 =	vld [tilespmem:s28+$0xFFFFFD20];
	v2 =	vadd.f32 v51, v2  }
0x1ab: {  	v58 =	vmul.f32 v48, v52;
	v59 =	vld [tilespmem:s28+$0xFFFFFD30];
	v3 =	vadd.f32 v54, v3  }
0x1ac: {  	v61 =	vbroadcast v0, $0x0;
	v60 =	vmul.f32 v50, v1;
	v62 =	vld [tilespmem:s28+$0xFFFFFD40];
	v2 =	vadd.f32 v56, v2  }
0x1ad: {  	v63 =	vld [tilespmem:s28+$0xFFFFFD50];
	v1 =	vmul.f32 v53, v1;
	v3 =	vadd.f32 v58, v3  }
0x1ae: {  	v14 =	vld [tilespmem:s28+$0xFFFFFD60];
	v13 =	vbroadcast v0, $0x1;
	v12 =	vmul.f32 v55, v61;
	v2 =	vadd.f32 v60, v2  }
0x1af: {  	v16 =	vld [tilespmem:s28+$0xFFFFFD70];
	v15 =	vmul.f32 v57, v61;
	v1 =	vadd.f32 v1, v3  }
0x1b0: {  	v18 =	vbroadcast v0, $0x2;
	v19 =	vld [tilespmem:s28+$0xFFFFFD80];
	v17 =	vmul.f32 v59, v13;
	v2 =	vadd.f32 v12, v2  }
0x1b1: {  	v20 =	vmul.f32 v62, v13;
	v1 =	vadd.f32 v15, v1  }
0x1b2: {  	v0 =	vbroadcast v0, $0x3;
	v21 =	vmul.f32 v63, v18;
	v2 =	vadd.f32 v17, v2  }
0x1b3: {  	v22 =	vmul.f32 v14, v18;
	v1 =	vadd.f32 v20, v1  }
0x1b4: {  	v23 =	vmul.f32 v16, v0;
	v2 =	vadd.f32 v21, v2  }
0x1b5: {  	v0 =	vmul.f32 v19, v0;
	v1 =	vadd.f32 v22, v1  }
0x1b6: {  	v2 =	vadd.f32 v23, v2  }
0x1b7: {  	v0 =	vadd.f32 v0, v1  }
0x1b8: {  	[tilespmem:s3+$0xFFFFFFD0] =	vst v2  }
0x1b9: {  	[tilespmem:s3+$0xFFFFFFE0] =	vst v0  }
0x1ba: {  	v1 =	vld [tilespmem:s0+$0xFFFFFFF0]  }
0x1bb: {  	v0 =	vld [tilespmem:s0+$0x0]  }
0x1bc: {  	v2 =	vld [tilespmem:s28+$0xFFFFFD90]  }
0x1bd: {  	v24 =	vld [tilespmem:s28+$0xFFFFFDA0]  }
0x1be: {  	v25 =	vld [tilespmem:s28+$0xFFFFFDB0]  }
0x1bf: {  	v26 =	vld [tilespmem:s28+$0xFFFFFDC0]  }
0x1c0: {  	v28 =	vld [tilespmem:s28+$0xFFFFFDD0]  }
0x1c1: {  	v30 =	vld [tilespmem:s28+$0xFFFFFDE0];
	v27 =	vbroadcast v1, $0x0;
	v29 =	vbroadcast v1, $0x1  }
0x1c2: {  	v31 =	vld [tilespmem:s28+$0xFFFFFDF0];
	v32 =	vbroadcast v1, $0x2  }
0x1c3: {  	v33 =	vld [tilespmem:s28+$0xFFFFFE00];
	v2 =	vmul.f32 v2, v27;
	v4 =	vmul.f32 v25, v29  }
0x1c4: {  	v34 =	vld [tilespmem:s28+$0xFFFFFE10];
	v3 =	vmul.f32 v24, v27;
	v5 =	vmul.f32 v26, v29  }
0x1c5: {  	v37 =	vld [tilespmem:s28+$0xFFFFFE20];
	v36 =	vbroadcast v1, $0x3;
	v35 =	vmul.f32 v28, v32;
	v2 =	vadd.f32 v4, v2  }
0x1c6: {  	v39 =	vld [tilespmem:s28+$0xFFFFFE30];
	v38 =	vmul.f32 v30, v32;
	v3 =	vadd.f32 v5, v3  }
0x1c7: {  	v42 =	vld [tilespmem:s28+$0xFFFFFE40];
	v41 =	vbroadcast v1, $0x4;
	v40 =	vmul.f32 v31, v36;
	v2 =	vadd.f32 v35, v2  }
0x1c8: {  	v44 =	vld [tilespmem:s28+$0xFFFFFE50];
	v43 =	vmul.f32 v33, v36;
	v3 =	vadd.f32 v38, v3  }
0x1c9: {  	v47 =	vld [tilespmem:s28+$0xFFFFFE60];
	v46 =	vbroadcast v1, $0x5;
	v45 =	vmul.f32 v34, v41;
	v2 =	vadd.f32 v40, v2  }
0x1ca: {  	v49 =	vld [tilespmem:s28+$0xFFFFFE70];
	v48 =	vmul.f32 v37, v41;
	v3 =	vadd.f32 v43, v3  }
0x1cb: {  	v52 =	vld [tilespmem:s28+$0xFFFFFE80];
	v51 =	vbroadcast v1, $0x6;
	v50 =	vmul.f32 v39, v46;
	v2 =	vadd.f32 v45, v2  }
0x1cc: {  	v54 =	vld [tilespmem:s28+$0xFFFFFE90];
	v53 =	vmul.f32 v42, v46;
	v3 =	vadd.f32 v48, v3  }
0x1cd: {  	v57 =	vld [tilespmem:s28+$0xFFFFFEA0];
	v56 =	vbroadcast v1, $0x7;
	v55 =	vmul.f32 v44, v51;
	v2 =	vadd.f32 v50, v2  }
0x1ce: {  	v59 =	vld [tilespmem:s28+$0xFFFFFEB0];
	v58 =	vmul.f32 v47, v51;
	v3 =	vadd.f32 v53, v3  }
0x1cf: {  	v62 =	vld [tilespmem:s28+$0xFFFFFEC0];
	v61 =	vbroadcast v1, $0x8;
	v60 =	vmul.f32 v49, v56;
	v2 =	vadd.f32 v55, v2  }
0x1d0: {  	v13 =	vld [tilespmem:s28+$0xFFFFFED0];
	v63 =	vmul.f32 v52, v56;
	v3 =	vadd.f32 v58, v3  }
0x1d1: {  	v16 =	vld [tilespmem:s28+$0xFFFFFEE0];
	v15 =	vbroadcast v1, $0x9;
	v14 =	vmul.f32 v54, v61;
	v2 =	vadd.f32 v60, v2  }
0x1d2: {  	v18 =	vld [tilespmem:s28+$0xFFFFFEF0];
	v17 =	vmul.f32 v57, v61;
	v3 =	vadd.f32 v63, v3  }
0x1d3: {  	v21 =	vld [tilespmem:s28+$0xFFFFFF00];
	v20 =	vbroadcast v1, $0xA;
	v19 =	vmul.f32 v59, v15;
	v2 =	vadd.f32 v14, v2  }
0x1d4: {  	v23 =	vld [tilespmem:s28+$0xFFFFFF10];
	v22 =	vmul.f32 v62, v15;
	v3 =	vadd.f32 v17, v3  }
0x1d5: {  	v24 =	vmul.f32 v13, v20;
	v25 =	vbroadcast v1, $0xB;
	v26 =	vld [tilespmem:s28+$0xFFFFFF20];
	v2 =	vadd.f32 v19, v2  }
0x1d6: {  	v27 =	vmul.f32 v16, v20;
	v28 =	vld [tilespmem:s28+$0xFFFFFF30];
	v3 =	vadd.f32 v22, v3  }
0x1d7: {  	v30 =	vbroadcast v1, $0xC;
	v31 =	vld [tilespmem:s28+$0xFFFFFF40];
	v29 =	vmul.f32 v18, v25;
	v2 =	vadd.f32 v24, v2  }
0x1d8: {  	v33 =	vld [tilespmem:s28+$0xFFFFFF50];
	v32 =	vmul.f32 v21, v25;
	v3 =	vadd.f32 v27, v3  }
0x1d9: {  	v36 =	vld [tilespmem:s28+$0xFFFFFF60];
	v34 =	vmul.f32 v23, v30;
	v35 =	vbroadcast v1, $0xD;
	v2 =	vadd.f32 v29, v2  }
0x1da: {  	v38 =	vld [tilespmem:s28+$0xFFFFFF70];
	v37 =	vmul.f32 v26, v30;
	v3 =	vadd.f32 v32, v3  }
0x1db: {  	v41 =	vld [tilespmem:s28+$0xFFFFFF80];
	v39 =	vmul.f32 v28, v35;
	v40 =	vbroadcast v1, $0xE;
	v2 =	vadd.f32 v34, v2  }
0x1dc: {  	v42 =	vmul.f32 v31, v35;
	v43 =	vld [tilespmem:s28+$0xFFFFFF90];
	v3 =	vadd.f32 v37, v3  }
0x1dd: {  	v1 =	vbroadcast v1, $0xF;
	v44 =	vmul.f32 v33, v40;
	v45 =	vld [tilespmem:s28+$0xFFFFFFA0];
	v2 =	vadd.f32 v39, v2  }
0x1de: {  	v47 =	vld [tilespmem:s28+$0xFFFFFFB0];
	v46 =	vmul.f32 v36, v40;
	v3 =	vadd.f32 v42, v3  }
0x1df: {  	v49 =	vbroadcast v0, $0x0;
	v48 =	vmul.f32 v38, v1;
	v50 =	vld [tilespmem:s28+$0xFFFFFFC0];
	v2 =	vadd.f32 v44, v2  }
0x1e0: {  	v51 =	vld [tilespmem:s28+$0xFFFFFFD0];
	v1 =	vmul.f32 v41, v1;
	v3 =	vadd.f32 v46, v3  }
0x1e1: {  	v54 =	vld [tilespmem:s28+$0xFFFFFFE0];
	v53 =	vbroadcast v0, $0x1;
	v52 =	vmul.f32 v43, v49;
	v2 =	vadd.f32 v48, v2  }
0x1e2: {  	v56 =	vld [tilespmem:s28+$0xFFFFFFF0];
	v55 =	vmul.f32 v45, v49;
	v1 =	vadd.f32 v1, v3  }
0x1e3: {  	v59 =	vld [tilespmem:s28+$0x0];
	v57 =	vmul.f32 v47, v53;
	v58 =	vbroadcast v0, $0x2;
	v2 =	vadd.f32 v52, v2  }
0x1e4: {  	v60 =	vmul.f32 v50, v53;
	v1 =	vadd.f32 v55, v1  }
0x1e5: {  	v0 =	vbroadcast v0, $0x3;
	v61 =	vmul.f32 v51, v58;
	v2 =	vadd.f32 v57, v2  }
0x1e6: {  	s26 =	sadd.s32 $0x4, s26;
	v62 =	vmul.f32 v54, v58;
	v1 =	vadd.f32 v60, v1  }
0x1e7: {  	p1 =	slt.u32 s26, $0x1C;
	v63 =	vmul.f32 v56, v0;
	v2 =	vadd.f32 v61, v2  }
.Ltmp6:
0x1e8: {  	v0 =	vmul.f32 v59, v0;
	v1 =	vadd.f32 v62, v1;
	(pc) =	sbr.rel @p1 .LBB2_6-.Ltmp6, $4  }
0x1e9: {  	v2 =	vadd.f32 v63, v2  }
0x1ea: {  	v0 =	vadd.f32 v0, v1  }
0x1eb: {  	[tilespmem:s3+$0xFFFFFFF0] =	vst v2  }
0x1ec: {  	s0 =	sadd.s32 $0x80, s0;
	s28 =	sadd.s32 $0xA00, s28;
	[tilespmem:s3+$0x0] =	vst v0;
	s3 =	sadd.s32 $0x80, s3  }
.Ltmp7:
0x1ed: {  	(pc) =	sbr.rel .LBB2_8-.Ltmp7, $4  }
0x1ee: {  	_ = 	snop  }
0x1ef: {  	s0 =	sshll.u32 s25, $0x7  }
0x1f0: {  	s0 =	sadd.s32 s7, s0  }
0x1f1: {  	[hbm4b:s0+s5] =	stream.linear.scatter [tilespmem:s21], [sflag:$0x8], $0x400, $0x38;
	[tilespmem:$0xB500] =	vst v63  }
.LBB2_10:
0x1f2: {  	_ =	sfence.sel $0x180000  }
0x1f3: {  	[bflag:$0x0] =	sbarrier.arrive $0xFFFF  }
0x1f4: {  	_ =	strace $0x90000047  }
0x1f5: {  	s0 =	stileid.u32;
	[bflag:$0x2] =	sbarrier.arrive $0xFFFF  }
0x1f6: {  	p0 =	sne.s32 s0, $0x0;
	s0 =	rddreg [dreg:$0x4]  }
0x1f7: {  	s0 =	sadd.s32 @!p0 $0x100000, s0  }
0x1f8: {  	[sflag:s0] =	ssyncadd.tile.s32 @!p0 $0x1;
	_ =	shalt  }
.Lfunc_end2:
_tile_overlayer_lowered:
.L_overlay_start_2:
0x1f9: {  	(tag) =	ssettag $0x2  }
0x1fa: {  	s0 =	rddreg [dreg:$0x0];
	s2 =	stileid.u32  }
0x1fb: {  	s1 =	rddreg [dreg:$0x1];
	p0 =	sne.s32 s2, $0x0  }
0x1fc: {  	s3 =	rddreg [dreg:$0x2];
	[bflag:$0x3] =	sbarrier.arrive $0xFFFF;
	s2 =	simm.s32 @!p0 $0x1C09  }
0x1fd: {  	[timem:s3], [sflag:s2] =	dma.local @!p0 [hbm:s0], s1  }
0x1fe: {  	s0 =	simm.s32 @!p0 $0x9  }
0x1ff: {  	_ =	swait.ge @!p0 [sflag:s0], s1  }
0x200: {  	s1 =	ssub.s32 @!p0 $0x0, s1;
	[sflag:s0] =	ssyncset.done @!p0 $0x0  }
0x201: {  	[sflag:s0] =	ssyncadd.s32 @!p0 s1  }
0x202: {  	[bflag:$0x3] =	sbarrier.arrive $0xFFFF  }
0x203: {  	_ =	shalt  }

</sc_bundles>
